<compile_context>
chip_gen: v7x
topology: tpu7x:2x2x1
jax: 0.10.2.dev20260603
libtpu: 0.0.44.dev20260713+nightly
codegen_flags: <defaults>
</compile_context>

<pallas_src>
import functools

import jax
import jax.numpy as jnp
from jax import lax
from jax.experimental import pallas as pl
from jax.experimental.pallas import tpu as pltpu
from jax.experimental.pallas import tpu_sc as plsc

D = 32
NC = 2
NS = 16
NW = NC * NS
CHUNK = 1600
NBUF = 2
LANES = 16


@functools.cache
def _detile_call(V: int):
    n_full = V // 128
    rem = V - n_full * 128
    k_rr = n_full // NW
    n_tail = n_full - k_rr * NW
    mesh = plsc.VectorSubcoreMesh(core_axis_name="c", subcore_axis_name="s")

    BLK = D * 128

    @functools.partial(
        pl.kernel,
        mesh=mesh,
        out_type=jax.ShapeDtypeStruct((V * D,), jnp.float32),
        scratch_types=[
            [pltpu.VMEM((D, 128), jnp.float32)] * NBUF,
            [pltpu.VMEM((BLK,), jnp.float32)] * NBUF,
            pltpu.VMEM((max(rem, 1) * D,), jnp.float32),
            [pltpu.SemaphoreType.DMA] * NBUF,
            [pltpu.SemaphoreType.DMA] * NBUF,
        ],
        compiler_params=pltpu.CompilerParams(needs_layout_passes=False),
    )
    def detile(wt_hbm, tail_hbm, w2_hbm, in_vs, tr_vs, tail_v, isems, osems):
        wid = lax.axis_index("s") * NC + lax.axis_index("c")
        iota = lax.broadcasted_iota(jnp.int32, (LANES,), 0)
        iota_d = iota * D

        iota_dr = [iota_d + r for r in range(8)]

        def transpose_block(b):
            span = (LANES - 1) * D + 8

            @plsc.parallel_loop(0, D, 1, unroll=8)
            def _(d):
                base8 = pl.multiple_of((d // 8) * 8, 8)
                idxv = iota_d + (d % 8)
                for k in range(128 // LANES):
                    src = in_vs[b][d, pl.ds(k * LANES, LANES)]
                    plsc.store_scatter(
                        tr_vs[b].at[pl.ds(k * LANES * D + base8, span)],
                        [idxv], src)

        def start_in(b, c):
            pltpu.make_async_copy(
                wt_hbm.at[:, pl.ds(c * 128, 128)], in_vs[b], isems[b]).start()

        def wait_in(b):
            pltpu.make_async_copy(
                wt_hbm.at[:, pl.ds(0, 128)], in_vs[b], isems[b]).wait()

        def start_out(b, c):
            pltpu.make_async_copy(
                tr_vs[b], w2_hbm.at[pl.ds(c * BLK, BLK)], osems[b]).start()

        def wait_out(b):
            pltpu.make_async_copy(
                tr_vs[b], w2_hbm.at[pl.ds(0, BLK)], osems[b]).wait()

        def col(k):
            return wid + k * NW

        start_in(0, col(0))
        start_in(1, col(1))
        for b in range(NBUF):
            wait_in(b)
            transpose_block(b)
            start_in(b, col(b + NBUF))
            start_out(b, col(b))

        @pl.loop(0, (k_rr - NBUF) // NBUF)
        def _(i):
            for b in range(NBUF):
                k = NBUF + i * NBUF + b
                c = col(k)
                wait_out(b)
                wait_in(b)
                transpose_block(b)

                @pl.when(k + NBUF < k_rr)
                def _():
                    start_in(b, c + NBUF * NW)

                start_out(b, c)

        wait_out(0)
        wait_out(1)

        if n_tail:
            @pl.when(wid < n_tail)
            def _():
                c = k_rr * NW + wid
                pltpu.sync_copy(wt_hbm.at[:, pl.ds(c * 128, 128)], in_vs[0])
                transpose_block(0)
                pltpu.sync_copy(tr_vs[0], w2_hbm.at[pl.ds(c * BLK, BLK)])

        if rem:
            @pl.when(wid == n_tail)
            def _():
                pltpu.sync_copy(tail_hbm, tail_v)
                for j in range(rem):
                    jvec = jnp.full((LANES,), j, jnp.int32)
                    for half in range(D // LANES):
                        src = plsc.load_gather(
                            tail_v, [(half * LANES + iota) * rem + jvec])
                        tr_vs[1][pl.ds(D * j + half * LANES, LANES)] = src
                pltpu.sync_copy(
                    tr_vs[1].at[pl.ds(0, rem * D)],
                    w2_hbm.at[pl.ds(n_full * BLK, rem * D)])

    return detile


@functools.cache
def _gather_call(B: int, V: int):
    b_per_w = B // NW
    nchunks = b_per_w // CHUNK
    mesh = plsc.VectorSubcoreMesh(core_axis_name="c", subcore_axis_name="s")

    @functools.partial(
        pl.kernel,
        mesh=mesh,
        out_type=jax.ShapeDtypeStruct((B, D), jnp.float32),
        scratch_types=[
            [pltpu.VMEM((CHUNK,), jnp.int32)] * NBUF,
            [pltpu.VMEM((CHUNK, D), jnp.float32)] * NBUF,
            [pltpu.SemaphoreType.DMA] * NBUF,
            [pltpu.SemaphoreType.DMA] * NBUF,
        ],
        compiler_params=pltpu.CompilerParams(use_tc_tiling_on_sc=False),
    )
    def gather(idx_hbm, table_hbm, out_hbm, idx_vs, rows_vs, gsems, osems):
        wid = lax.axis_index("s") * NC + lax.axis_index("c")
        base = wid * b_per_w

        gcopy = {}
        ocopy = {}

        def start(g):
            b = g % NBUF
            off = base + g * CHUNK
            pltpu.sync_copy(idx_hbm.at[pl.ds(off, CHUNK)], idx_vs[b])
            c = pltpu.make_async_copy(
                table_hbm.at[idx_vs[b]], rows_vs[b], gsems[b])
            c.start()
            gcopy[g] = c

        def drain(g):
            b = g % NBUF
            off = base + g * CHUNK
            gcopy[g].wait()
            c = pltpu.make_async_copy(
                rows_vs[b], out_hbm.at[pl.ds(off, CHUNK)], osems[b])
            c.start()
            ocopy[g] = c

        for g in range(nchunks):
            if g >= NBUF:
                ocopy[g - NBUF].wait()
            start(g)
            if g >= 1:
                drain(g - 1)
        drain(nchunks - 1)
        ocopy[nchunks - 2].wait()
        ocopy[nchunks - 1].wait()

    return gather


def kernel(indices, weight):
    BT, T = indices.shape
    B = BT * T
    V = weight.shape[0]
    n_full = V // 128
    rem = V - n_full * 128
    tail = weight[n_full * 128:].T.reshape(-1) if rem else jnp.zeros(
        (D,), jnp.float32)
    w2 = _detile_call(V)(weight.T, tail)
    idx = indices.T.reshape(-1).astype(jnp.int32)
    out = _gather_call(B, V)(idx, w2.reshape(V, D))
    return out.reshape(T, BT, D).transpose(1, 0, 2)

# --- scband reference (transcript-rebuilt; emitter-appended) ---
"""Pipeline reference for scband-sparse-embedding-11235634446391 (READ-ONLY COPY).

The authoritative reference and input builder live on the scoring server;
editing this copy changes nothing except your own understanding.
"""

import jax, jax.numpy as jnp
import numpy as np

NUM_EMBEDDINGS = 1000000
EMBEDDING_DIM = 32
BATCH = 16384
HIST_LEN = 50


def setup_inputs(seed: int = 0) -> dict:
    key = jax.random.key(seed)
    k_idx, k_w = jax.random.split(key)
    indices = jax.random.randint(k_idx, (BATCH, HIST_LEN), 0, NUM_EMBEDDINGS, dtype=jnp.int64)
    # Learned parameter: embedding table, initialized like eqx.nn.Embedding / torch.nn.Embedding (normal)
    weight = jax.random.normal(k_w, (NUM_EMBEDDINGS, EMBEDDING_DIM), dtype=jnp.float32)
    return {"indices": indices, "weight": weight}


def reference(indices, weight):
    # SparseEmbedding.__call__: nested vmap of eqx.nn.Embedding over all index dims.
    # eqx.nn.Embedding(index) == weight[index]; nested vmap over ndims is equivalent
    # to an elementwise gather: weight[indices] with output shape indices.shape + (embedding_dim,).
    return jnp.take(weight, indices, axis=0)

if __name__ == "__main__":
    import jax
    _d = setup_inputs()
    print(jax.jit(kernel)(*tuple(_d.values())))

</pallas_src>

<mosaic_0001>
#map = affine_map<(d0, d1) -> (0, 0)>
#map1 = affine_map<(d0, d1) -> (0)>
module attributes {stable_mosaic.version = 14 : i64} {
  func.func @detile(%arg0: i32, %arg1: i32, %arg2: memref<32x1000000xf32, #tpu.memory_space<hbm>>, %arg3: memref<2048xf32, #tpu.memory_space<hbm>>, %arg4: memref<32000000xf32, #tpu.memory_space<hbm>>, %arg5: memref<32x128xf32, #tpu.memory_space<vmem>>, %arg6: memref<32x128xf32, #tpu.memory_space<vmem>>, %arg7: memref<4096xf32, #tpu.memory_space<vmem>>, %arg8: memref<4096xf32, #tpu.memory_space<vmem>>, %arg9: memref<2048xf32, #tpu.memory_space<vmem>>, %arg10: memref<!tpu.dma_semaphore, #tpu.memory_space<semaphore_mem>>, %arg11: memref<!tpu.dma_semaphore, #tpu.memory_space<semaphore_mem>>, %arg12: memref<!tpu.dma_semaphore, #tpu.memory_space<semaphore_mem>>, %arg13: memref<!tpu.dma_semaphore, #tpu.memory_space<semaphore_mem>>) attributes {dimension_semantics = [#tpu.dimension_semantics<core_parallel>, #tpu.dimension_semantics<subcore_parallel>], iteration_bounds = array<i64: 2, 16>, scalar_prefetch = 0 : i64, scratch_operands = 9 : i64, tpu.core_type = #tpu.core_type<sc_vector_subcore>, window_params = [{transform_indices = #map}, {transform_indices = #map1}, {transform_indices = #map1}]} {
    %mul3A = arith.constant 2 : i32
    %mul3A_0 = arith.muli %arg1, %mul3A : i32
    %add3A = arith.addi %mul3A_0, %arg0 : i32
    %iota3A = tpu.iota {dimensions = array<i32: 0>} : vector<16xi32>
    %mul3A_1 = arith.constant 32 : i32
    %mul3A_2 = vector.broadcast %mul3A_1 : i32 to vector<16xi32>
    %mul3A_3 = arith.muli %iota3A, %mul3A_2 : vector<16xi32>
    %add3A_4 = arith.constant 0 : i32
    %add3A_5 = vector.broadcast %add3A_4 : i32 to vector<16xi32>
    %add3A_6 = arith.addi %mul3A_3, %add3A_5 : vector<16xi32>
    %add3A_7 = arith.constant 1 : i32
    %add3A_8 = vector.broadcast %add3A_7 : i32 to vector<16xi32>
    %add3A_9 = arith.addi %mul3A_3, %add3A_8 : vector<16xi32>
    %add3A_10 = arith.constant 2 : i32
    %add3A_11 = vector.broadcast %add3A_10 : i32 to vector<16xi32>
    %add3A_12 = arith.addi %mul3A_3, %add3A_11 : vector<16xi32>
    %add3A_13 = arith.constant 3 : i32
    %add3A_14 = vector.broadcast %add3A_13 : i32 to vector<16xi32>
    %add3A_15 = arith.addi %mul3A_3, %add3A_14 : vector<16xi32>
    %add3A_16 = arith.constant 4 : i32
    %add3A_17 = vector.broadcast %add3A_16 : i32 to vector<16xi32>
    %add3A_18 = arith.addi %mul3A_3, %add3A_17 : vector<16xi32>
    %add3A_19 = arith.constant 5 : i32
    %add3A_20 = vector.broadcast %add3A_19 : i32 to vector<16xi32>
    %add3A_21 = arith.addi %mul3A_3, %add3A_20 : vector<16xi32>
    %add3A_22 = arith.constant 6 : i32
    %add3A_23 = vector.broadcast %add3A_22 : i32 to vector<16xi32>
    %add3A_24 = arith.addi %mul3A_3, %add3A_23 : vector<16xi32>
    %add3A_25 = arith.constant 7 : i32
    %add3A_26 = vector.broadcast %add3A_25 : i32 to vector<16xi32>
    %add3A_27 = arith.addi %mul3A_3, %add3A_26 : vector<16xi32>
    %add3A_28 = arith.constant 0 : i32
    %add3A_29 = arith.addi %add3A, %add3A_28 : i32
    %mul3A_30 = arith.constant 128 : i32
    %mul3A_31 = arith.muli %add3A_29, %mul3A_30 : i32
    %dma_start3A = arith.constant 0 : i32
    %dma_start3A_32 = tpu.memref_slice %arg2[%dma_start3A, %mul3A_31] : memref<32x1000000xf32, #tpu.memory_space<hbm>> -> memref<32x128xf32, #tpu.memory_space<hbm>>
    %dma_start3A_33 = arith.constant 0 : i32
    %dma_start3A_34 = tpu.memref_slice %arg2[%dma_start3A_33, %mul3A_31] : memref<32x1000000xf32, #tpu.memory_space<hbm>> -> memref<32x128xf32, #tpu.memory_space<hbm>>
    tpu.enqueue_dma source(%dma_start3A_34 : memref<32x128xf32, #tpu.memory_space<hbm>>) target(%arg5 : memref<32x128xf32, #tpu.memory_space<vmem>>) target_semaphore(%arg10 : memref<!tpu.dma_semaphore, #tpu.memory_space<semaphore_mem>>)
    %add3A_35 = arith.constant 32 : i32
    %add3A_36 = arith.addi %add3A, %add3A_35 : i32
    %mul3A_37 = arith.constant 128 : i32
    %mul3A_38 = arith.muli %add3A_36, %mul3A_37 : i32
    %dma_start3A_39 = arith.constant 0 : i32
    %dma_start3A_40 = tpu.memref_slice %arg2[%dma_start3A_39, %mul3A_38] : memref<32x1000000xf32, #tpu.memory_space<hbm>> -> memref<32x128xf32, #tpu.memory_space<hbm>>
    %dma_start3A_41 = arith.constant 0 : i32
    %dma_start3A_42 = tpu.memref_slice %arg2[%dma_start3A_41, %mul3A_38] : memref<32x1000000xf32, #tpu.memory_space<hbm>> -> memref<32x128xf32, #tpu.memory_space<hbm>>
    tpu.enqueue_dma source(%dma_start3A_42 : memref<32x128xf32, #tpu.memory_space<hbm>>) target(%arg6 : memref<32x128xf32, #tpu.memory_space<vmem>>) target_semaphore(%arg11 : memref<!tpu.dma_semaphore, #tpu.memory_space<semaphore_mem>>)
    %dma_wait3A = arith.constant 0 : i32
    %dma_wait3A_43 = arith.constant 0 : i32
    %dma_wait3A_44 = tpu.memref_slice %arg2[%dma_wait3A, %dma_wait3A_43] : memref<32x1000000xf32, #tpu.memory_space<hbm>> -> memref<32x128xf32, #tpu.memory_space<hbm>>
    %dma_wait3A_45 = arith.constant 0 : i32
    %dma_wait3A_46 = arith.constant 0 : i32
    %dma_wait3A_47 = tpu.memref_slice %arg2[%dma_wait3A_45, %dma_wait3A_46] : memref<32x1000000xf32, #tpu.memory_space<hbm>> -> memref<32x128xf32, #tpu.memory_space<hbm>>
    tpu.wait_dma2 semaphore(%arg10 : memref<!tpu.dma_semaphore, #tpu.memory_space<semaphore_mem>>) src(%dma_wait3A_47 : memref<32x128xf32, #tpu.memory_space<hbm>>) dst(%arg5 : memref<32x128xf32, #tpu.memory_space<vmem>>)
    %parallel_loop3A = arith.constant 0 : i32
    %parallel_loop3A_48 = arith.constant 32 : i32
    %parallel_loop3A_49 = arith.constant 1 : i32
    scf.for %parallel_loop3A_105 = %parallel_loop3A to %parallel_loop3A_48 step %parallel_loop3A_49  : i32 {
      %parallel_loop3A_106 = arith.constant 8 : i32
      %parallel_loop3A_107 = arith.divsi %parallel_loop3A_105, %parallel_loop3A_106 : i32
      %parallel_loop3A_108 = arith.constant 0 : i32
      %parallel_loop3A_109 = arith.cmpi sgt, %parallel_loop3A_105, %parallel_loop3A_108 : i32
      %parallel_loop3A_110 = arith.extui %parallel_loop3A_109 : i1 to i32
      %parallel_loop3A_111 = arith.constant 0 : i32
      %parallel_loop3A_112 = arith.cmpi slt, %parallel_loop3A_105, %parallel_loop3A_111 : i32
      %parallel_loop3A_113 = arith.extui %parallel_loop3A_112 : i1 to i32
      %parallel_loop3A_114 = arith.subi %parallel_loop3A_110, %parallel_loop3A_113 : i32
      %parallel_loop3A_115 = arith.constant 0 : i32
      %parallel_loop3A_116 = arith.cmpi sgt, %parallel_loop3A_106, %parallel_loop3A_115 : i32
      %parallel_loop3A_117 = arith.extui %parallel_loop3A_116 : i1 to i32
      %parallel_loop3A_118 = arith.constant 0 : i32
      %parallel_loop3A_119 = arith.cmpi slt, %parallel_loop3A_106, %parallel_loop3A_118 : i32
      %parallel_loop3A_120 = arith.extui %parallel_loop3A_119 : i1 to i32
      %parallel_loop3A_121 = arith.subi %parallel_loop3A_117, %parallel_loop3A_120 : i32
      %parallel_loop3A_122 = arith.cmpi ne, %parallel_loop3A_114, %parallel_loop3A_121 : i32
      %parallel_loop3A_123 = arith.remsi %parallel_loop3A_105, %parallel_loop3A_106 : i32
      %parallel_loop3A_124 = arith.constant 0 : i32
      %parallel_loop3A_125 = arith.cmpi ne, %parallel_loop3A_123, %parallel_loop3A_124 : i32
      %parallel_loop3A_126 = arith.andi %parallel_loop3A_122, %parallel_loop3A_125 : i1
      %parallel_loop3A_127 = arith.constant 1 : i32
      %parallel_loop3A_128 = arith.subi %parallel_loop3A_107, %parallel_loop3A_127 : i32
      %parallel_loop3A_129 = arith.select %parallel_loop3A_126, %parallel_loop3A_128, %parallel_loop3A_107 : i32
      %parallel_loop3A_130 = arith.constant 8 : i32
      %parallel_loop3A_131 = arith.muli %parallel_loop3A_129, %parallel_loop3A_130 : i32
      %parallel_loop3A_132 = tpu.assume_multiple %parallel_loop3A_131, 8 : i32
      %parallel_loop3A_133 = arith.constant 8 : i32
      %parallel_loop3A_134 = arith.constant 0 : i32
      %parallel_loop3A_135 = arith.cmpi eq, %parallel_loop3A_133, %parallel_loop3A_134 : i32
      %parallel_loop3A_136 = arith.constant 1 : i32
      %parallel_loop3A_137 = arith.select %parallel_loop3A_135, %parallel_loop3A_136, %parallel_loop3A_133 : i32
      %parallel_loop3A_138 = arith.remsi %parallel_loop3A_105, %parallel_loop3A_137 : i32
      %parallel_loop3A_139 = arith.constant 0 : i32
      %parallel_loop3A_140 = arith.cmpi ne, %parallel_loop3A_138, %parallel_loop3A_139 : i32
      %parallel_loop3A_141 = arith.constant 0 : i32
      %parallel_loop3A_142 = arith.cmpi slt, %parallel_loop3A_138, %parallel_loop3A_141 : i32
      %parallel_loop3A_143 = arith.constant 0 : i32
      %parallel_loop3A_144 = arith.cmpi slt, %parallel_loop3A_137, %parallel_loop3A_143 : i32
      %parallel_loop3A_145 = arith.xori %parallel_loop3A_142, %parallel_loop3A_144 : i1
      %parallel_loop3A_146 = arith.andi %parallel_loop3A_145, %parallel_loop3A_140 : i1
      %parallel_loop3A_147 = arith.addi %parallel_loop3A_138, %parallel_loop3A_137 : i32
      %parallel_loop3A_148 = arith.select %parallel_loop3A_146, %parallel_loop3A_147, %parallel_loop3A_138 : i32
      %parallel_loop3A_149 = vector.broadcast %parallel_loop3A_148 : i32 to vector<16xi32>
      %parallel_loop3A_150 = arith.addi %mul3A_3, %parallel_loop3A_149 : vector<16xi32>
      %parallel_loop3A_151 = arith.index_cast %parallel_loop3A_105 : i32 to index
      %parallel_loop3A_152 = arith.constant 0 : index
      %parallel_loop3A_153 = tpu.vector_load %arg5[%parallel_loop3A_151, %parallel_loop3A_152] {strides = array<i32>} : memref<32x128xf32, #tpu.memory_space<vmem>>, vector<16xf32>,
      %parallel_loop3A_154 = arith.constant 0 : i32
      %parallel_loop3A_155 = arith.addi %parallel_loop3A_154, %parallel_loop3A_132 : i32
      %parallel_loop3A_156 = tpu.memref_slice %arg7[%parallel_loop3A_155] : memref<4096xf32, #tpu.memory_space<vmem>> -> memref<488xf32, #tpu.memory_space<vmem>>
      tpu.vector_store_idx %parallel_loop3A_156[%parallel_loop3A_150], %parallel_loop3A_153 : memref<488xf32, #tpu.memory_space<vmem>>[vector<16xi32>], vector<16xf32>,
      %parallel_loop3A_157 = arith.index_cast %parallel_loop3A_105 : i32 to index
      %parallel_loop3A_158 = arith.constant 16 : index
      %parallel_loop3A_159 = tpu.vector_load %arg5[%parallel_loop3A_157, %parallel_loop3A_158] {strides = array<i32>} : memref<32x128xf32, #tpu.memory_space<vmem>>, vector<16xf32>,
      %parallel_loop3A_160 = arith.constant 512 : i32
      %parallel_loop3A_161 = arith.addi %parallel_loop3A_160, %parallel_loop3A_132 : i32
      %parallel_loop3A_162 = tpu.memref_slice %arg7[%parallel_loop3A_161] : memref<4096xf32, #tpu.memory_space<vmem>> -> memref<488xf32, #tpu.memory_space<vmem>>
      tpu.vector_store_idx %parallel_loop3A_162[%parallel_loop3A_150], %parallel_loop3A_159 : memref<488xf32, #tpu.memory_space<vmem>>[vector<16xi32>], vector<16xf32>,
      %parallel_loop3A_163 = arith.index_cast %parallel_loop3A_105 : i32 to index
      %parallel_loop3A_164 = arith.constant 32 : index
      %parallel_loop3A_165 = tpu.vector_load %arg5[%parallel_loop3A_163, %parallel_loop3A_164] {strides = array<i32>} : memref<32x128xf32, #tpu.memory_space<vmem>>, vector<16xf32>,
      %parallel_loop3A_166 = arith.constant 1024 : i32
      %parallel_loop3A_167 = arith.addi %parallel_loop3A_166, %parallel_loop3A_132 : i32
      %parallel_loop3A_168 = tpu.memref_slice %arg7[%parallel_loop3A_167] : memref<4096xf32, #tpu.memory_space<vmem>> -> memref<488xf32, #tpu.memory_space<vmem>>
      tpu.vector_store_idx %parallel_loop3A_168[%parallel_loop3A_150], %parallel_loop3A_165 : memref<488xf32, #tpu.memory_space<vmem>>[vector<16xi32>], vector<16xf32>,
      %parallel_loop3A_169 = arith.index_cast %parallel_loop3A_105 : i32 to index
      %parallel_loop3A_170 = arith.constant 48 : index
      %parallel_loop3A_171 = tpu.vector_load %arg5[%parallel_loop3A_169, %parallel_loop3A_170] {strides = array<i32>} : memref<32x128xf32, #tpu.memory_space<vmem>>, vector<16xf32>,
      %parallel_loop3A_172 = arith.constant 1536 : i32
      %parallel_loop3A_173 = arith.addi %parallel_loop3A_172, %parallel_loop3A_132 : i32
      %parallel_loop3A_174 = tpu.memref_slice %arg7[%parallel_loop3A_173] : memref<4096xf32, #tpu.memory_space<vmem>> -> memref<488xf32, #tpu.memory_space<vmem>>
      tpu.vector_store_idx %parallel_loop3A_174[%parallel_loop3A_150], %parallel_loop3A_171 : memref<488xf32, #tpu.memory_space<vmem>>[vector<16xi32>], vector<16xf32>,
      %parallel_loop3A_175 = arith.index_cast %parallel_loop3A_105 : i32 to index
      %parallel_loop3A_176 = arith.constant 64 : index
      %parallel_loop3A_177 = tpu.vector_load %arg5[%parallel_loop3A_175, %parallel_loop3A_176] {strides = array<i32>} : memref<32x128xf32, #tpu.memory_space<vmem>>, vector<16xf32>,
      %parallel_loop3A_178 = arith.constant 2048 : i32
      %parallel_loop3A_179 = arith.addi %parallel_loop3A_178, %parallel_loop3A_132 : i32
      %parallel_loop3A_180 = tpu.memref_slice %arg7[%parallel_loop3A_179] : memref<4096xf32, #tpu.memory_space<vmem>> -> memref<488xf32, #tpu.memory_space<vmem>>
      tpu.vector_store_idx %parallel_loop3A_180[%parallel_loop3A_150], %parallel_loop3A_177 : memref<488xf32, #tpu.memory_space<vmem>>[vector<16xi32>], vector<16xf32>,
      %parallel_loop3A_181 = arith.index_cast %parallel_loop3A_105 : i32 to index
      %parallel_loop3A_182 = arith.constant 80 : index
      %parallel_loop3A_183 = tpu.vector_load %arg5[%parallel_loop3A_181, %parallel_loop3A_182] {strides = array<i32>} : memref<32x128xf32, #tpu.memory_space<vmem>>, vector<16xf32>,
      %parallel_loop3A_184 = arith.constant 2560 : i32
      %parallel_loop3A_185 = arith.addi %parallel_loop3A_184, %parallel_loop3A_132 : i32
      %parallel_loop3A_186 = tpu.memref_slice %arg7[%parallel_loop3A_185] : memref<4096xf32, #tpu.memory_space<vmem>> -> memref<488xf32, #tpu.memory_space<vmem>>
      tpu.vector_store_idx %parallel_loop3A_186[%parallel_loop3A_150], %parallel_loop3A_183 : memref<488xf32, #tpu.memory_space<vmem>>[vector<16xi32>], vector<16xf32>,
      %parallel_loop3A_187 = arith.index_cast %parallel_loop3A_105 : i32 to index
      %parallel_loop3A_188 = arith.constant 96 : index
      %parallel_loop3A_189 = tpu.vector_load %arg5[%parallel_loop3A_187, %parallel_loop3A_188] {strides = array<i32>} : memref<32x128xf32, #tpu.memory_space<vmem>>, vector<16xf32>,
      %parallel_loop3A_190 = arith.constant 3072 : i32
      %parallel_loop3A_191 = arith.addi %parallel_loop3A_190, %parallel_loop3A_132 : i32
      %parallel_loop3A_192 = tpu.memref_slice %arg7[%parallel_loop3A_191] : memref<4096xf32, #tpu.memory_space<vmem>> -> memref<488xf32, #tpu.memory_space<vmem>>
      tpu.vector_store_idx %parallel_loop3A_192[%parallel_loop3A_150], %parallel_loop3A_189 : memref<488xf32, #tpu.memory_space<vmem>>[vector<16xi32>], vector<16xf32>,
      %parallel_loop3A_193 = arith.index_cast %parallel_loop3A_105 : i32 to index
      %parallel_loop3A_194 = arith.constant 112 : index
      %parallel_loop3A_195 = tpu.vector_load %arg5[%parallel_loop3A_193, %parallel_loop3A_194] {strides = array<i32>} : memref<32x128xf32, #tpu.memory_space<vmem>>, vector<16xf32>,
      %parallel_loop3A_196 = arith.constant 3584 : i32
      %parallel_loop3A_197 = arith.addi %parallel_loop3A_196, %parallel_loop3A_132 : i32
      %parallel_loop3A_198 = tpu.memref_slice %arg7[%parallel_loop3A_197] : memref<4096xf32, #tpu.memory_space<vmem>> -> memref<488xf32, #tpu.memory_space<vmem>>
      tpu.vector_store_idx %parallel_loop3A_198[%parallel_loop3A_150], %parallel_loop3A_195 : memref<488xf32, #tpu.memory_space<vmem>>[vector<16xi32>], vector<16xf32>,
    } {sc.loop_unroll_factor = 8 : i64, sc.parallel_access}
    %add3A_50 = arith.constant 64 : i32
    %add3A_51 = arith.addi %add3A, %add3A_50 : i32
    %mul3A_52 = arith.constant 128 : i32
    %mul3A_53 = arith.muli %add3A_51, %mul3A_52 : i32
    %dma_start3A_54 = arith.constant 0 : i32
    %dma_start3A_55 = tpu.memref_slice %arg2[%dma_start3A_54, %mul3A_53] : memref<32x1000000xf32, #tpu.memory_space<hbm>> -> memref<32x128xf32, #tpu.memory_space<hbm>>
    %dma_start3A_56 = arith.constant 0 : i32
    %dma_start3A_57 = tpu.memref_slice %arg2[%dma_start3A_56, %mul3A_53] : memref<32x1000000xf32, #tpu.memory_space<hbm>> -> memref<32x128xf32, #tpu.memory_space<hbm>>
    tpu.enqueue_dma source(%dma_start3A_57 : memref<32x128xf32, #tpu.memory_space<hbm>>) target(%arg5 : memref<32x128xf32, #tpu.memory_space<vmem>>) target_semaphore(%arg10 : memref<!tpu.dma_semaphore, #tpu.memory_space<semaphore_mem>>)
    %add3A_58 = arith.constant 0 : i32
    %add3A_59 = arith.addi %add3A, %add3A_58 : i32
    %mul3A_60 = arith.constant 4096 : i32
    %mul3A_61 = arith.muli %add3A_59, %mul3A_60 : i32
    %dma_start3A_62 = tpu.memref_slice %arg4[%mul3A_61] : memref<32000000xf32, #tpu.memory_space<hbm>> -> memref<4096xf32, #tpu.memory_space<hbm>>
    %dma_start3A_63 = tpu.memref_slice %arg4[%mul3A_61] : memref<32000000xf32, #tpu.memory_space<hbm>> -> memref<4096xf32, #tpu.memory_space<hbm>>
    tpu.enqueue_dma source(%arg7 : memref<4096xf32, #tpu.memory_space<vmem>>) target(%dma_start3A_63 : memref<4096xf32, #tpu.memory_space<hbm>>) target_semaphore(%arg12 : memref<!tpu.dma_semaphore, #tpu.memory_space<semaphore_mem>>)
    %dma_wait3A_64 = arith.constant 0 : i32
    %dma_wait3A_65 = arith.constant 0 : i32
    %dma_wait3A_66 = tpu.memref_slice %arg2[%dma_wait3A_64, %dma_wait3A_65] : memref<32x1000000xf32, #tpu.memory_space<hbm>> -> memref<32x128xf32, #tpu.memory_space<hbm>>
    %dma_wait3A_67 = arith.constant 0 : i32
    %dma_wait3A_68 = arith.constant 0 : i32
    %dma_wait3A_69 = tpu.memref_slice %arg2[%dma_wait3A_67, %dma_wait3A_68] : memref<32x1000000xf32, #tpu.memory_space<hbm>> -> memref<32x128xf32, #tpu.memory_space<hbm>>
    tpu.wait_dma2 semaphore(%arg11 : memref<!tpu.dma_semaphore, #tpu.memory_space<semaphore_mem>>) src(%dma_wait3A_69 : memref<32x128xf32, #tpu.memory_space<hbm>>) dst(%arg6 : memref<32x128xf32, #tpu.memory_space<vmem>>)
    %parallel_loop3A_70 = arith.constant 0 : i32
    %parallel_loop3A_71 = arith.constant 32 : i32
    %parallel_loop3A_72 = arith.constant 1 : i32
    scf.for %parallel_loop3A_105 = %parallel_loop3A_70 to %parallel_loop3A_71 step %parallel_loop3A_72  : i32 {
      %parallel_loop3A_106 = arith.constant 8 : i32
      %parallel_loop3A_107 = arith.divsi %parallel_loop3A_105, %parallel_loop3A_106 : i32
      %parallel_loop3A_108 = arith.constant 0 : i32
      %parallel_loop3A_109 = arith.cmpi sgt, %parallel_loop3A_105, %parallel_loop3A_108 : i32
      %parallel_loop3A_110 = arith.extui %parallel_loop3A_109 : i1 to i32
      %parallel_loop3A_111 = arith.constant 0 : i32
      %parallel_loop3A_112 = arith.cmpi slt, %parallel_loop3A_105, %parallel_loop3A_111 : i32
      %parallel_loop3A_113 = arith.extui %parallel_loop3A_112 : i1 to i32
      %parallel_loop3A_114 = arith.subi %parallel_loop3A_110, %parallel_loop3A_113 : i32
      %parallel_loop3A_115 = arith.constant 0 : i32
      %parallel_loop3A_116 = arith.cmpi sgt, %parallel_loop3A_106, %parallel_loop3A_115 : i32
      %parallel_loop3A_117 = arith.extui %parallel_loop3A_116 : i1 to i32
      %parallel_loop3A_118 = arith.constant 0 : i32
      %parallel_loop3A_119 = arith.cmpi slt, %parallel_loop3A_106, %parallel_loop3A_118 : i32
      %parallel_loop3A_120 = arith.extui %parallel_loop3A_119 : i1 to i32
      %parallel_loop3A_121 = arith.subi %parallel_loop3A_117, %parallel_loop3A_120 : i32
      %parallel_loop3A_122 = arith.cmpi ne, %parallel_loop3A_114, %parallel_loop3A_121 : i32
      %parallel_loop3A_123 = arith.remsi %parallel_loop3A_105, %parallel_loop3A_106 : i32
      %parallel_loop3A_124 = arith.constant 0 : i32
      %parallel_loop3A_125 = arith.cmpi ne, %parallel_loop3A_123, %parallel_loop3A_124 : i32
      %parallel_loop3A_126 = arith.andi %parallel_loop3A_122, %parallel_loop3A_125 : i1
      %parallel_loop3A_127 = arith.constant 1 : i32
      %parallel_loop3A_128 = arith.subi %parallel_loop3A_107, %parallel_loop3A_127 : i32
      %parallel_loop3A_129 = arith.select %parallel_loop3A_126, %parallel_loop3A_128, %parallel_loop3A_107 : i32
      %parallel_loop3A_130 = arith.constant 8 : i32
      %parallel_loop3A_131 = arith.muli %parallel_loop3A_129, %parallel_loop3A_130 : i32
      %parallel_loop3A_132 = tpu.assume_multiple %parallel_loop3A_131, 8 : i32
      %parallel_loop3A_133 = arith.constant 8 : i32
      %parallel_loop3A_134 = arith.constant 0 : i32
      %parallel_loop3A_135 = arith.cmpi eq, %parallel_loop3A_133, %parallel_loop3A_134 : i32
      %parallel_loop3A_136 = arith.constant 1 : i32
      %parallel_loop3A_137 = arith.select %parallel_loop3A_135, %parallel_loop3A_136, %parallel_loop3A_133 : i32
      %parallel_loop3A_138 = arith.remsi %parallel_loop3A_105, %parallel_loop3A_137 : i32
      %parallel_loop3A_139 = arith.constant 0 : i32
      %parallel_loop3A_140 = arith.cmpi ne, %parallel_loop3A_138, %parallel_loop3A_139 : i32
      %parallel_loop3A_141 = arith.constant 0 : i32
      %parallel_loop3A_142 = arith.cmpi slt, %parallel_loop3A_138, %parallel_loop3A_141 : i32
      %parallel_loop3A_143 = arith.constant 0 : i32
      %parallel_loop3A_144 = arith.cmpi slt, %parallel_loop3A_137, %parallel_loop3A_143 : i32
      %parallel_loop3A_145 = arith.xori %parallel_loop3A_142, %parallel_loop3A_144 : i1
      %parallel_loop3A_146 = arith.andi %parallel_loop3A_145, %parallel_loop3A_140 : i1
      %parallel_loop3A_147 = arith.addi %parallel_loop3A_138, %parallel_loop3A_137 : i32
      %parallel_loop3A_148 = arith.select %parallel_loop3A_146, %parallel_loop3A_147, %parallel_loop3A_138 : i32
      %parallel_loop3A_149 = vector.broadcast %parallel_loop3A_148 : i32 to vector<16xi32>
      %parallel_loop3A_150 = arith.addi %mul3A_3, %parallel_loop3A_149 : vector<16xi32>
      %parallel_loop3A_151 = arith.index_cast %parallel_loop3A_105 : i32 to index
      %parallel_loop3A_152 = arith.constant 0 : index
      %parallel_loop3A_153 = tpu.vector_load %arg6[%parallel_loop3A_151, %parallel_loop3A_152] {strides = array<i32>} : memref<32x128xf32, #tpu.memory_space<vmem>>, vector<16xf32>,
      %parallel_loop3A_154 = arith.constant 0 : i32
      %parallel_loop3A_155 = arith.addi %parallel_loop3A_154, %parallel_loop3A_132 : i32
      %parallel_loop3A_156 = tpu.memref_slice %arg8[%parallel_loop3A_155] : memref<4096xf32, #tpu.memory_space<vmem>> -> memref<488xf32, #tpu.memory_space<vmem>>
      tpu.vector_store_idx %parallel_loop3A_156[%parallel_loop3A_150], %parallel_loop3A_153 : memref<488xf32, #tpu.memory_space<vmem>>[vector<16xi32>], vector<16xf32>,
      %parallel_loop3A_157 = arith.index_cast %parallel_loop3A_105 : i32 to index
      %parallel_loop3A_158 = arith.constant 16 : index
      %parallel_loop3A_159 = tpu.vector_load %arg6[%parallel_loop3A_157, %parallel_loop3A_158] {strides = array<i32>} : memref<32x128xf32, #tpu.memory_space<vmem>>, vector<16xf32>,
      %parallel_loop3A_160 = arith.constant 512 : i32
      %parallel_loop3A_161 = arith.addi %parallel_loop3A_160, %parallel_loop3A_132 : i32
      %parallel_loop3A_162 = tpu.memref_slice %arg8[%parallel_loop3A_161] : memref<4096xf32, #tpu.memory_space<vmem>> -> memref<488xf32, #tpu.memory_space<vmem>>
      tpu.vector_store_idx %parallel_loop3A_162[%parallel_loop3A_150], %parallel_loop3A_159 : memref<488xf32, #tpu.memory_space<vmem>>[vector<16xi32>], vector<16xf32>,
      %parallel_loop3A_163 = arith.index_cast %parallel_loop3A_105 : i32 to index
      %parallel_loop3A_164 = arith.constant 32 : index
      %parallel_loop3A_165 = tpu.vector_load %arg6[%parallel_loop3A_163, %parallel_loop3A_164] {strides = array<i32>} : memref<32x128xf32, #tpu.memory_space<vmem>>, vector<16xf32>,
      %parallel_loop3A_166 = arith.constant 1024 : i32
      %parallel_loop3A_167 = arith.addi %parallel_loop3A_166, %parallel_loop3A_132 : i32
      %parallel_loop3A_168 = tpu.memref_slice %arg8[%parallel_loop3A_167] : memref<4096xf32, #tpu.memory_space<vmem>> -> memref<488xf32, #tpu.memory_space<vmem>>
      tpu.vector_store_idx %parallel_loop3A_168[%parallel_loop3A_150], %parallel_loop3A_165 : memref<488xf32, #tpu.memory_space<vmem>>[vector<16xi32>], vector<16xf32>,
      %parallel_loop3A_169 = arith.index_cast %parallel_loop3A_105 : i32 to index
      %parallel_loop3A_170 = arith.constant 48 : index
      %parallel_loop3A_171 = tpu.vector_load %arg6[%parallel_loop3A_169, %parallel_loop3A_170] {strides = array<i32>} : memref<32x128xf32, #tpu.memory_space<vmem>>, vector<16xf32>,
      %parallel_loop3A_172 = arith.constant 1536 : i32
      %parallel_loop3A_173 = arith.addi %parallel_loop3A_172, %parallel_loop3A_132 : i32
      %parallel_loop3A_174 = tpu.memref_slice %arg8[%parallel_loop3A_173] : memref<4096xf32, #tpu.memory_space<vmem>> -> memref<488xf32, #tpu.memory_space<vmem>>
      tpu.vector_store_idx %parallel_loop3A_174[%parallel_loop3A_150], %parallel_loop3A_171 : memref<488xf32, #tpu.memory_space<vmem>>[vector<16xi32>], vector<16xf32>,
      %parallel_loop3A_175 = arith.index_cast %parallel_loop3A_105 : i32 to index
      %parallel_loop3A_176 = arith.constant 64 : index
      %parallel_loop3A_177 = tpu.vector_load %arg6[%parallel_loop3A_175, %parallel_loop3A_176] {strides = array<i32>} : memref<32x128xf32, #tpu.memory_space<vmem>>, vector<16xf32>,
      %parallel_loop3A_178 = arith.constant 2048 : i32
      %parallel_loop3A_179 = arith.addi %parallel_loop3A_178, %parallel_loop3A_132 : i32
      %parallel_loop3A_180 = tpu.memref_slice %arg8[%parallel_loop3A_179] : memref<4096xf32, #tpu.memory_space<vmem>> -> memref<488xf32, #tpu.memory_space<vmem>>
      tpu.vector_store_idx %parallel_loop3A_180[%parallel_loop3A_150], %parallel_loop3A_177 : memref<488xf32, #tpu.memory_space<vmem>>[vector<16xi32>], vector<16xf32>,
      %parallel_loop3A_181 = arith.index_cast %parallel_loop3A_105 : i32 to index
      %parallel_loop3A_182 = arith.constant 80 : index
      %parallel_loop3A_183 = tpu.vector_load %arg6[%parallel_loop3A_181, %parallel_loop3A_182] {strides = array<i32>} : memref<32x128xf32, #tpu.memory_space<vmem>>, vector<16xf32>,
      %parallel_loop3A_184 = arith.constant 2560 : i32
      %parallel_loop3A_185 = arith.addi %parallel_loop3A_184, %parallel_loop3A_132 : i32
      %parallel_loop3A_186 = tpu.memref_slice %arg8[%parallel_loop3A_185] : memref<4096xf32, #tpu.memory_space<vmem>> -> memref<488xf32, #tpu.memory_space<vmem>>
      tpu.vector_store_idx %parallel_loop3A_186[%parallel_loop3A_150], %parallel_loop3A_183 : memref<488xf32, #tpu.memory_space<vmem>>[vector<16xi32>], vector<16xf32>,
      %parallel_loop3A_187 = arith.index_cast %parallel_loop3A_105 : i32 to index
      %parallel_loop3A_188 = arith.constant 96 : index
      %parallel_loop3A_189 = tpu.vector_load %arg6[%parallel_loop3A_187, %parallel_loop3A_188] {strides = array<i32>} : memref<32x128xf32, #tpu.memory_space<vmem>>, vector<16xf32>,
      %parallel_loop3A_190 = arith.constant 3072 : i32
      %parallel_loop3A_191 = arith.addi %parallel_loop3A_190, %parallel_loop3A_132 : i32
      %parallel_loop3A_192 = tpu.memref_slice %arg8[%parallel_loop3A_191] : memref<4096xf32, #tpu.memory_space<vmem>> -> memref<488xf32, #tpu.memory_space<vmem>>
      tpu.vector_store_idx %parallel_loop3A_192[%parallel_loop3A_150], %parallel_loop3A_189 : memref<488xf32, #tpu.memory_space<vmem>>[vector<16xi32>], vector<16xf32>,
      %parallel_loop3A_193 = arith.index_cast %parallel_loop3A_105 : i32 to index
      %parallel_loop3A_194 = arith.constant 112 : index
      %parallel_loop3A_195 = tpu.vector_load %arg6[%parallel_loop3A_193, %parallel_loop3A_194] {strides = array<i32>} : memref<32x128xf32, #tpu.memory_space<vmem>>, vector<16xf32>,
      %parallel_loop3A_196 = arith.constant 3584 : i32
      %parallel_loop3A_197 = arith.addi %parallel_loop3A_196, %parallel_loop3A_132 : i32
      %parallel_loop3A_198 = tpu.memref_slice %arg8[%parallel_loop3A_197] : memref<4096xf32, #tpu.memory_space<vmem>> -> memref<488xf32, #tpu.memory_space<vmem>>
      tpu.vector_store_idx %parallel_loop3A_198[%parallel_loop3A_150], %parallel_loop3A_195 : memref<488xf32, #tpu.memory_space<vmem>>[vector<16xi32>], vector<16xf32>,
    } {sc.loop_unroll_factor = 8 : i64, sc.parallel_access}
    %add3A_73 = arith.constant 96 : i32
    %add3A_74 = arith.addi %add3A, %add3A_73 : i32
    %mul3A_75 = arith.constant 128 : i32
    %mul3A_76 = arith.muli %add3A_74, %mul3A_75 : i32
    %dma_start3A_77 = arith.constant 0 : i32
    %dma_start3A_78 = tpu.memref_slice %arg2[%dma_start3A_77, %mul3A_76] : memref<32x1000000xf32, #tpu.memory_space<hbm>> -> memref<32x128xf32, #tpu.memory_space<hbm>>
    %dma_start3A_79 = arith.constant 0 : i32
    %dma_start3A_80 = tpu.memref_slice %arg2[%dma_start3A_79, %mul3A_76] : memref<32x1000000xf32, #tpu.memory_space<hbm>> -> memref<32x128xf32, #tpu.memory_space<hbm>>
    tpu.enqueue_dma source(%dma_start3A_80 : memref<32x128xf32, #tpu.memory_space<hbm>>) target(%arg6 : memref<32x128xf32, #tpu.memory_space<vmem>>) target_semaphore(%arg11 : memref<!tpu.dma_semaphore, #tpu.memory_space<semaphore_mem>>)
    %add3A_81 = arith.constant 32 : i32
    %add3A_82 = arith.addi %add3A, %add3A_81 : i32
    %mul3A_83 = arith.constant 4096 : i32
    %mul3A_84 = arith.muli %add3A_82, %mul3A_83 : i32
    %dma_start3A_85 = tpu.memref_slice %arg4[%mul3A_84] : memref<32000000xf32, #tpu.memory_space<hbm>> -> memref<4096xf32, #tpu.memory_space<hbm>>
    %dma_start3A_86 = tpu.memref_slice %arg4[%mul3A_84] : memref<32000000xf32, #tpu.memory_space<hbm>> -> memref<4096xf32, #tpu.memory_space<hbm>>
    tpu.enqueue_dma source(%arg8 : memref<4096xf32, #tpu.memory_space<vmem>>) target(%dma_start3A_86 : memref<4096xf32, #tpu.memory_space<hbm>>) target_semaphore(%arg13 : memref<!tpu.dma_semaphore, #tpu.memory_space<semaphore_mem>>)
    %scan3A = arith.constant 0 : i32
    %scan3A_87 = arith.constant 121 : i32
    %scan3A_88 = arith.addi %scan3A, %scan3A_87 : i32
    %scan3A_89 = arith.constant 1 : i32
    scf.for %scan3A_105 = %scan3A to %scan3A_88 step %scan3A_89  : i32 {
      %mul3A_106 = arith.constant 1 : i32
      %mul3A_107 = arith.muli %scan3A_105, %mul3A_106 : i32
      %add3A_108 = arith.constant 0 : i32
      %add3A_109 = arith.addi %add3A_108, %mul3A_107 : i32
      %mul3A_110 = arith.constant 2 : i32
      %mul3A_111 = arith.muli %add3A_109, %mul3A_110 : i32
      %add3A_112 = arith.constant 2 : i32
      %add3A_113 = arith.addi %add3A_112, %mul3A_111 : i32
      %add3A_114 = arith.constant 0 : i32
      %add3A_115 = arith.addi %add3A_113, %add3A_114 : i32
      %mul3A_116 = arith.constant 32 : i32
      %mul3A_117 = arith.muli %add3A_115, %mul3A_116 : i32
      %add3A_118 = arith.addi %add3A, %mul3A_117 : i32
      %dma_wait3A_119 = arith.constant 0 : i32
      %dma_wait3A_120 = tpu.memref_slice %arg4[%dma_wait3A_119] : memref<32000000xf32, #tpu.memory_space<hbm>> -> memref<4096xf32, #tpu.memory_space<hbm>>
      %dma_wait3A_121 = arith.constant 0 : i32
      %dma_wait3A_122 = tpu.memref_slice %arg4[%dma_wait3A_121] : memref<32000000xf32, #tpu.memory_space<hbm>> -> memref<4096xf32, #tpu.memory_space<hbm>>
      tpu.wait_dma2 semaphore(%arg12 : memref<!tpu.dma_semaphore, #tpu.memory_space<semaphore_mem>>) src(%arg7 : memref<4096xf32, #tpu.memory_space<vmem>>) dst(%dma_wait3A_122 : memref<4096xf32, #tpu.memory_space<hbm>>)
      %dma_wait3A_123 = arith.constant 0 : i32
      %dma_wait3A_124 = arith.constant 0 : i32
      %dma_wait3A_125 = tpu.memref_slice %arg2[%dma_wait3A_123, %dma_wait3A_124] : memref<32x1000000xf32, #tpu.memory_space<hbm>> -> memref<32x128xf32, #tpu.memory_space<hbm>>
      %dma_wait3A_126 = arith.constant 0 : i32
      %dma_wait3A_127 = arith.constant 0 : i32
      %dma_wait3A_128 = tpu.memref_slice %arg2[%dma_wait3A_126, %dma_wait3A_127] : memref<32x1000000xf32, #tpu.memory_space<hbm>> -> memref<32x128xf32, #tpu.memory_space<hbm>>
      tpu.wait_dma2 semaphore(%arg10 : memref<!tpu.dma_semaphore, #tpu.memory_space<semaphore_mem>>) src(%dma_wait3A_128 : memref<32x128xf32, #tpu.memory_space<hbm>>) dst(%arg5 : memref<32x128xf32, #tpu.memory_space<vmem>>)
      %parallel_loop3A_129 = arith.constant 0 : i32
      %parallel_loop3A_130 = arith.constant 32 : i32
      %parallel_loop3A_131 = arith.constant 1 : i32
      scf.for %parallel_loop3A_176 = %parallel_loop3A_129 to %parallel_loop3A_130 step %parallel_loop3A_131  : i32 {
        %parallel_loop3A_177 = arith.constant 8 : i32
        %parallel_loop3A_178 = arith.divsi %parallel_loop3A_176, %parallel_loop3A_177 : i32
        %parallel_loop3A_179 = arith.constant 0 : i32
        %parallel_loop3A_180 = arith.cmpi sgt, %parallel_loop3A_176, %parallel_loop3A_179 : i32
        %parallel_loop3A_181 = arith.extui %parallel_loop3A_180 : i1 to i32
        %parallel_loop3A_182 = arith.constant 0 : i32
        %parallel_loop3A_183 = arith.cmpi slt, %parallel_loop3A_176, %parallel_loop3A_182 : i32
        %parallel_loop3A_184 = arith.extui %parallel_loop3A_183 : i1 to i32
        %parallel_loop3A_185 = arith.subi %parallel_loop3A_181, %parallel_loop3A_184 : i32
        %parallel_loop3A_186 = arith.constant 0 : i32
        %parallel_loop3A_187 = arith.cmpi sgt, %parallel_loop3A_177, %parallel_loop3A_186 : i32
        %parallel_loop3A_188 = arith.extui %parallel_loop3A_187 : i1 to i32
        %parallel_loop3A_189 = arith.constant 0 : i32
        %parallel_loop3A_190 = arith.cmpi slt, %parallel_loop3A_177, %parallel_loop3A_189 : i32
        %parallel_loop3A_191 = arith.extui %parallel_loop3A_190 : i1 to i32
        %parallel_loop3A_192 = arith.subi %parallel_loop3A_188, %parallel_loop3A_191 : i32
        %parallel_loop3A_193 = arith.cmpi ne, %parallel_loop3A_185, %parallel_loop3A_192 : i32
        %parallel_loop3A_194 = arith.remsi %parallel_loop3A_176, %parallel_loop3A_177 : i32
        %parallel_loop3A_195 = arith.constant 0 : i32
        %parallel_loop3A_196 = arith.cmpi ne, %parallel_loop3A_194, %parallel_loop3A_195 : i32
        %parallel_loop3A_197 = arith.andi %parallel_loop3A_193, %parallel_loop3A_196 : i1
        %parallel_loop3A_198 = arith.constant 1 : i32
        %parallel_loop3A_199 = arith.subi %parallel_loop3A_178, %parallel_loop3A_198 : i32
        %parallel_loop3A_200 = arith.select %parallel_loop3A_197, %parallel_loop3A_199, %parallel_loop3A_178 : i32
        %parallel_loop3A_201 = arith.constant 8 : i32
        %parallel_loop3A_202 = arith.muli %parallel_loop3A_200, %parallel_loop3A_201 : i32
        %parallel_loop3A_203 = tpu.assume_multiple %parallel_loop3A_202, 8 : i32
        %parallel_loop3A_204 = arith.constant 8 : i32
        %parallel_loop3A_205 = arith.constant 0 : i32
        %parallel_loop3A_206 = arith.cmpi eq, %parallel_loop3A_204, %parallel_loop3A_205 : i32
        %parallel_loop3A_207 = arith.constant 1 : i32
        %parallel_loop3A_208 = arith.select %parallel_loop3A_206, %parallel_loop3A_207, %parallel_loop3A_204 : i32
        %parallel_loop3A_209 = arith.remsi %parallel_loop3A_176, %parallel_loop3A_208 : i32
        %parallel_loop3A_210 = arith.constant 0 : i32
        %parallel_loop3A_211 = arith.cmpi ne, %parallel_loop3A_209, %parallel_loop3A_210 : i32
        %parallel_loop3A_212 = arith.constant 0 : i32
        %parallel_loop3A_213 = arith.cmpi slt, %parallel_loop3A_209, %parallel_loop3A_212 : i32
        %parallel_loop3A_214 = arith.constant 0 : i32
        %parallel_loop3A_215 = arith.cmpi slt, %parallel_loop3A_208, %parallel_loop3A_214 : i32
        %parallel_loop3A_216 = arith.xori %parallel_loop3A_213, %parallel_loop3A_215 : i1
        %parallel_loop3A_217 = arith.andi %parallel_loop3A_216, %parallel_loop3A_211 : i1
        %parallel_loop3A_218 = arith.addi %parallel_loop3A_209, %parallel_loop3A_208 : i32
        %parallel_loop3A_219 = arith.select %parallel_loop3A_217, %parallel_loop3A_218, %parallel_loop3A_209 : i32
        %parallel_loop3A_220 = vector.broadcast %parallel_loop3A_219 : i32 to vector<16xi32>
        %parallel_loop3A_221 = arith.addi %mul3A_3, %parallel_loop3A_220 : vector<16xi32>
        %parallel_loop3A_222 = arith.index_cast %parallel_loop3A_176 : i32 to index
        %parallel_loop3A_223 = arith.constant 0 : index
        %parallel_loop3A_224 = tpu.vector_load %arg5[%parallel_loop3A_222, %parallel_loop3A_223] {strides = array<i32>} : memref<32x128xf32, #tpu.memory_space<vmem>>, vector<16xf32>,
        %parallel_loop3A_225 = arith.constant 0 : i32
        %parallel_loop3A_226 = arith.addi %parallel_loop3A_225, %parallel_loop3A_203 : i32
        %parallel_loop3A_227 = tpu.memref_slice %arg7[%parallel_loop3A_226] : memref<4096xf32, #tpu.memory_space<vmem>> -> memref<488xf32, #tpu.memory_space<vmem>>
        tpu.vector_store_idx %parallel_loop3A_227[%parallel_loop3A_221], %parallel_loop3A_224 : memref<488xf32, #tpu.memory_space<vmem>>[vector<16xi32>], vector<16xf32>,
        %parallel_loop3A_228 = arith.index_cast %parallel_loop3A_176 : i32 to index
        %parallel_loop3A_229 = arith.constant 16 : index
        %parallel_loop3A_230 = tpu.vector_load %arg5[%parallel_loop3A_228, %parallel_loop3A_229] {strides = array<i32>} : memref<32x128xf32, #tpu.memory_space<vmem>>, vector<16xf32>,
        %parallel_loop3A_231 = arith.constant 512 : i32
        %parallel_loop3A_232 = arith.addi %parallel_loop3A_231, %parallel_loop3A_203 : i32
        %parallel_loop3A_233 = tpu.memref_slice %arg7[%parallel_loop3A_232] : memref<4096xf32, #tpu.memory_space<vmem>> -> memref<488xf32, #tpu.memory_space<vmem>>
        tpu.vector_store_idx %parallel_loop3A_233[%parallel_loop3A_221], %parallel_loop3A_230 : memref<488xf32, #tpu.memory_space<vmem>>[vector<16xi32>], vector<16xf32>,
        %parallel_loop3A_234 = arith.index_cast %parallel_loop3A_176 : i32 to index
        %parallel_loop3A_235 = arith.constant 32 : index
        %parallel_loop3A_236 = tpu.vector_load %arg5[%parallel_loop3A_234, %parallel_loop3A_235] {strides = array<i32>} : memref<32x128xf32, #tpu.memory_space<vmem>>, vector<16xf32>,
        %parallel_loop3A_237 = arith.constant 1024 : i32
        %parallel_loop3A_238 = arith.addi %parallel_loop3A_237, %parallel_loop3A_203 : i32
        %parallel_loop3A_239 = tpu.memref_slice %arg7[%parallel_loop3A_238] : memref<4096xf32, #tpu.memory_space<vmem>> -> memref<488xf32, #tpu.memory_space<vmem>>
        tpu.vector_store_idx %parallel_loop3A_239[%parallel_loop3A_221], %parallel_loop3A_236 : memref<488xf32, #tpu.memory_space<vmem>>[vector<16xi32>], vector<16xf32>,
        %parallel_loop3A_240 = arith.index_cast %parallel_loop3A_176 : i32 to index
        %parallel_loop3A_241 = arith.constant 48 : index
        %parallel_loop3A_242 = tpu.vector_load %arg5[%parallel_loop3A_240, %parallel_loop3A_241] {strides = array<i32>} : memref<32x128xf32, #tpu.memory_space<vmem>>, vector<16xf32>,
        %parallel_loop3A_243 = arith.constant 1536 : i32
        %parallel_loop3A_244 = arith.addi %parallel_loop3A_243, %parallel_loop3A_203 : i32
        %parallel_loop3A_245 = tpu.memref_slice %arg7[%parallel_loop3A_244] : memref<4096xf32, #tpu.memory_space<vmem>> -> memref<488xf32, #tpu.memory_space<vmem>>
        tpu.vector_store_idx %parallel_loop3A_245[%parallel_loop3A_221], %parallel_loop3A_242 : memref<488xf32, #tpu.memory_space<vmem>>[vector<16xi32>], vector<16xf32>,
        %parallel_loop3A_246 = arith.index_cast %parallel_loop3A_176 : i32 to index
        %parallel_loop3A_247 = arith.constant 64 : index
        %parallel_loop3A_248 = tpu.vector_load %arg5[%parallel_loop3A_246, %parallel_loop3A_247] {strides = array<i32>} : memref<32x128xf32, #tpu.memory_space<vmem>>, vector<16xf32>,
        %parallel_loop3A_249 = arith.constant 2048 : i32
        %parallel_loop3A_250 = arith.addi %parallel_loop3A_249, %parallel_loop3A_203 : i32
        %parallel_loop3A_251 = tpu.memref_slice %arg7[%parallel_loop3A_250] : memref<4096xf32, #tpu.memory_space<vmem>> -> memref<488xf32, #tpu.memory_space<vmem>>
        tpu.vector_store_idx %parallel_loop3A_251[%parallel_loop3A_221], %parallel_loop3A_248 : memref<488xf32, #tpu.memory_space<vmem>>[vector<16xi32>], vector<16xf32>,
        %parallel_loop3A_252 = arith.index_cast %parallel_loop3A_176 : i32 to index
        %parallel_loop3A_253 = arith.constant 80 : index
        %parallel_loop3A_254 = tpu.vector_load %arg5[%parallel_loop3A_252, %parallel_loop3A_253] {strides = array<i32>} : memref<32x128xf32, #tpu.memory_space<vmem>>, vector<16xf32>,
        %parallel_loop3A_255 = arith.constant 2560 : i32
        %parallel_loop3A_256 = arith.addi %parallel_loop3A_255, %parallel_loop3A_203 : i32
        %parallel_loop3A_257 = tpu.memref_slice %arg7[%parallel_loop3A_256] : memref<4096xf32, #tpu.memory_space<vmem>> -> memref<488xf32, #tpu.memory_space<vmem>>
        tpu.vector_store_idx %parallel_loop3A_257[%parallel_loop3A_221], %parallel_loop3A_254 : memref<488xf32, #tpu.memory_space<vmem>>[vector<16xi32>], vector<16xf32>,
        %parallel_loop3A_258 = arith.index_cast %parallel_loop3A_176 : i32 to index
        %parallel_loop3A_259 = arith.constant 96 : index
        %parallel_loop3A_260 = tpu.vector_load %arg5[%parallel_loop3A_258, %parallel_loop3A_259] {strides = array<i32>} : memref<32x128xf32, #tpu.memory_space<vmem>>, vector<16xf32>,
        %parallel_loop3A_261 = arith.constant 3072 : i32
        %parallel_loop3A_262 = arith.addi %parallel_loop3A_261, %parallel_loop3A_203 : i32
        %parallel_loop3A_263 = tpu.memref_slice %arg7[%parallel_loop3A_262] : memref<4096xf32, #tpu.memory_space<vmem>> -> memref<488xf32, #tpu.memory_space<vmem>>
        tpu.vector_store_idx %parallel_loop3A_263[%parallel_loop3A_221], %parallel_loop3A_260 : memref<488xf32, #tpu.memory_space<vmem>>[vector<16xi32>], vector<16xf32>,
        %parallel_loop3A_264 = arith.index_cast %parallel_loop3A_176 : i32 to index
        %parallel_loop3A_265 = arith.constant 112 : index
        %parallel_loop3A_266 = tpu.vector_load %arg5[%parallel_loop3A_264, %parallel_loop3A_265] {strides = array<i32>} : memref<32x128xf32, #tpu.memory_space<vmem>>, vector<16xf32>,
        %parallel_loop3A_267 = arith.constant 3584 : i32
        %parallel_loop3A_268 = arith.addi %parallel_loop3A_267, %parallel_loop3A_203 : i32
        %parallel_loop3A_269 = tpu.memref_slice %arg7[%parallel_loop3A_268] : memref<4096xf32, #tpu.memory_space<vmem>> -> memref<488xf32, #tpu.memory_space<vmem>>
        tpu.vector_store_idx %parallel_loop3A_269[%parallel_loop3A_221], %parallel_loop3A_266 : memref<488xf32, #tpu.memory_space<vmem>>[vector<16xi32>], vector<16xf32>,
      } {sc.loop_unroll_factor = 8 : i64, sc.parallel_access}
      %add3A_132 = arith.constant 2 : i32
      %add3A_133 = arith.addi %add3A_115, %add3A_132 : i32
      %lt3A_134 = arith.constant 244 : i32
      %lt3A_135 = arith.cmpi slt, %add3A_133, %lt3A_134 : i32
      %convert_element_type3A_136 = arith.extui %lt3A_135 : i1 to i32
      %cond3A_137 = arith.constant 0 : i32
      %cond3A_138 = arith.cmpi ne, %convert_element_type3A_136, %cond3A_137 : i32
      scf.if %cond3A_138 {
        %add3A_176 = arith.constant 64 : i32
        %add3A_177 = arith.addi %add3A_118, %add3A_176 : i32
        %mul3A_178 = arith.constant 128 : i32
        %mul3A_179 = arith.muli %add3A_177, %mul3A_178 : i32
        %dma_start3A_180 = arith.constant 0 : i32
        %dma_start3A_181 = tpu.memref_slice %arg2[%dma_start3A_180, %mul3A_179] : memref<32x1000000xf32, #tpu.memory_space<hbm>> -> memref<32x128xf32, #tpu.memory_space<hbm>>
        %dma_start3A_182 = arith.constant 0 : i32
        %dma_start3A_183 = tpu.memref_slice %arg2[%dma_start3A_182, %mul3A_179] : memref<32x1000000xf32, #tpu.memory_space<hbm>> -> memref<32x128xf32, #tpu.memory_space<hbm>>
        tpu.enqueue_dma source(%dma_start3A_183 : memref<32x128xf32, #tpu.memory_space<hbm>>) target(%arg5 : memref<32x128xf32, #tpu.memory_space<vmem>>) target_semaphore(%arg10 : memref<!tpu.dma_semaphore, #tpu.memory_space<semaphore_mem>>)
      } else {
      }
      %mul3A_139 = arith.constant 4096 : i32
      %mul3A_140 = arith.muli %add3A_118, %mul3A_139 : i32
      %dma_start3A_141 = tpu.memref_slice %arg4[%mul3A_140] : memref<32000000xf32, #tpu.memory_space<hbm>> -> memref<4096xf32, #tpu.memory_space<hbm>>
      %dma_start3A_142 = tpu.memref_slice %arg4[%mul3A_140] : memref<32000000xf32, #tpu.memory_space<hbm>> -> memref<4096xf32, #tpu.memory_space<hbm>>
      tpu.enqueue_dma source(%arg7 : memref<4096xf32, #tpu.memory_space<vmem>>) target(%dma_start3A_142 : memref<4096xf32, #tpu.memory_space<hbm>>) target_semaphore(%arg12 : memref<!tpu.dma_semaphore, #tpu.memory_space<semaphore_mem>>)
      %mul3A_143 = arith.constant 2 : i32
      %mul3A_144 = arith.muli %add3A_109, %mul3A_143 : i32
      %add3A_145 = arith.constant 2 : i32
      %add3A_146 = arith.addi %add3A_145, %mul3A_144 : i32
      %add3A_147 = arith.constant 1 : i32
      %add3A_148 = arith.addi %add3A_146, %add3A_147 : i32
      %mul3A_149 = arith.constant 32 : i32
      %mul3A_150 = arith.muli %add3A_148, %mul3A_149 : i32
      %add3A_151 = arith.addi %add3A, %mul3A_150 : i32
      %dma_wait3A_152 = arith.constant 0 : i32
      %dma_wait3A_153 = tpu.memref_slice %arg4[%dma_wait3A_152] : memref<32000000xf32, #tpu.memory_space<hbm>> -> memref<4096xf32, #tpu.memory_space<hbm>>
      %dma_wait3A_154 = arith.constant 0 : i32
      %dma_wait3A_155 = tpu.memref_slice %arg4[%dma_wait3A_154] : memref<32000000xf32, #tpu.memory_space<hbm>> -> memref<4096xf32, #tpu.memory_space<hbm>>
      tpu.wait_dma2 semaphore(%arg13 : memref<!tpu.dma_semaphore, #tpu.memory_space<semaphore_mem>>) src(%arg8 : memref<4096xf32, #tpu.memory_space<vmem>>) dst(%dma_wait3A_155 : memref<4096xf32, #tpu.memory_space<hbm>>)
      %dma_wait3A_156 = arith.constant 0 : i32
      %dma_wait3A_157 = arith.constant 0 : i32
      %dma_wait3A_158 = tpu.memref_slice %arg2[%dma_wait3A_156, %dma_wait3A_157] : memref<32x1000000xf32, #tpu.memory_space<hbm>> -> memref<32x128xf32, #tpu.memory_space<hbm>>
      %dma_wait3A_159 = arith.constant 0 : i32
      %dma_wait3A_160 = arith.constant 0 : i32
      %dma_wait3A_161 = tpu.memref_slice %arg2[%dma_wait3A_159, %dma_wait3A_160] : memref<32x1000000xf32, #tpu.memory_space<hbm>> -> memref<32x128xf32, #tpu.memory_space<hbm>>
      tpu.wait_dma2 semaphore(%arg11 : memref<!tpu.dma_semaphore, #tpu.memory_space<semaphore_mem>>) src(%dma_wait3A_161 : memref<32x128xf32, #tpu.memory_space<hbm>>) dst(%arg6 : memref<32x128xf32, #tpu.memory_space<vmem>>)
      %parallel_loop3A_162 = arith.constant 0 : i32
      %parallel_loop3A_163 = arith.constant 32 : i32
      %parallel_loop3A_164 = arith.constant 1 : i32
      scf.for %parallel_loop3A_176 = %parallel_loop3A_162 to %parallel_loop3A_163 step %parallel_loop3A_164  : i32 {
        %parallel_loop3A_177 = arith.constant 8 : i32
        %parallel_loop3A_178 = arith.divsi %parallel_loop3A_176, %parallel_loop3A_177 : i32
        %parallel_loop3A_179 = arith.constant 0 : i32
        %parallel_loop3A_180 = arith.cmpi sgt, %parallel_loop3A_176, %parallel_loop3A_179 : i32
        %parallel_loop3A_181 = arith.extui %parallel_loop3A_180 : i1 to i32
        %parallel_loop3A_182 = arith.constant 0 : i32
        %parallel_loop3A_183 = arith.cmpi slt, %parallel_loop3A_176, %parallel_loop3A_182 : i32
        %parallel_loop3A_184 = arith.extui %parallel_loop3A_183 : i1 to i32
        %parallel_loop3A_185 = arith.subi %parallel_loop3A_181, %parallel_loop3A_184 : i32
        %parallel_loop3A_186 = arith.constant 0 : i32
        %parallel_loop3A_187 = arith.cmpi sgt, %parallel_loop3A_177, %parallel_loop3A_186 : i32
        %parallel_loop3A_188 = arith.extui %parallel_loop3A_187 : i1 to i32
        %parallel_loop3A_189 = arith.constant 0 : i32
        %parallel_loop3A_190 = arith.cmpi slt, %parallel_loop3A_177, %parallel_loop3A_189 : i32
        %parallel_loop3A_191 = arith.extui %parallel_loop3A_190 : i1 to i32
        %parallel_loop3A_192 = arith.subi %parallel_loop3A_188, %parallel_loop3A_191 : i32
        %parallel_loop3A_193 = arith.cmpi ne, %parallel_loop3A_185, %parallel_loop3A_192 : i32
        %parallel_loop3A_194 = arith.remsi %parallel_loop3A_176, %parallel_loop3A_177 : i32
        %parallel_loop3A_195 = arith.constant 0 : i32
        %parallel_loop3A_196 = arith.cmpi ne, %parallel_loop3A_194, %parallel_loop3A_195 : i32
        %parallel_loop3A_197 = arith.andi %parallel_loop3A_193, %parallel_loop3A_196 : i1
        %parallel_loop3A_198 = arith.constant 1 : i32
        %parallel_loop3A_199 = arith.subi %parallel_loop3A_178, %parallel_loop3A_198 : i32
        %parallel_loop3A_200 = arith.select %parallel_loop3A_197, %parallel_loop3A_199, %parallel_loop3A_178 : i32
        %parallel_loop3A_201 = arith.constant 8 : i32
        %parallel_loop3A_202 = arith.muli %parallel_loop3A_200, %parallel_loop3A_201 : i32
        %parallel_loop3A_203 = tpu.assume_multiple %parallel_loop3A_202, 8 : i32
        %parallel_loop3A_204 = arith.constant 8 : i32
        %parallel_loop3A_205 = arith.constant 0 : i32
        %parallel_loop3A_206 = arith.cmpi eq, %parallel_loop3A_204, %parallel_loop3A_205 : i32
        %parallel_loop3A_207 = arith.constant 1 : i32
        %parallel_loop3A_208 = arith.select %parallel_loop3A_206, %parallel_loop3A_207, %parallel_loop3A_204 : i32
        %parallel_loop3A_209 = arith.remsi %parallel_loop3A_176, %parallel_loop3A_208 : i32
        %parallel_loop3A_210 = arith.constant 0 : i32
        %parallel_loop3A_211 = arith.cmpi ne, %parallel_loop3A_209, %parallel_loop3A_210 : i32
        %parallel_loop3A_212 = arith.constant 0 : i32
        %parallel_loop3A_213 = arith.cmpi slt, %parallel_loop3A_209, %parallel_loop3A_212 : i32
        %parallel_loop3A_214 = arith.constant 0 : i32
        %parallel_loop3A_215 = arith.cmpi slt, %parallel_loop3A_208, %parallel_loop3A_214 : i32
        %parallel_loop3A_216 = arith.xori %parallel_loop3A_213, %parallel_loop3A_215 : i1
        %parallel_loop3A_217 = arith.andi %parallel_loop3A_216, %parallel_loop3A_211 : i1
        %parallel_loop3A_218 = arith.addi %parallel_loop3A_209, %parallel_loop3A_208 : i32
        %parallel_loop3A_219 = arith.select %parallel_loop3A_217, %parallel_loop3A_218, %parallel_loop3A_209 : i32
        %parallel_loop3A_220 = vector.broadcast %parallel_loop3A_219 : i32 to vector<16xi32>
        %parallel_loop3A_221 = arith.addi %mul3A_3, %parallel_loop3A_220 : vector<16xi32>
        %parallel_loop3A_222 = arith.index_cast %parallel_loop3A_176 : i32 to index
        %parallel_loop3A_223 = arith.constant 0 : index
        %parallel_loop3A_224 = tpu.vector_load %arg6[%parallel_loop3A_222, %parallel_loop3A_223] {strides = array<i32>} : memref<32x128xf32, #tpu.memory_space<vmem>>, vector<16xf32>,
        %parallel_loop3A_225 = arith.constant 0 : i32
        %parallel_loop3A_226 = arith.addi %parallel_loop3A_225, %parallel_loop3A_203 : i32
        %parallel_loop3A_227 = tpu.memref_slice %arg8[%parallel_loop3A_226] : memref<4096xf32, #tpu.memory_space<vmem>> -> memref<488xf32, #tpu.memory_space<vmem>>
        tpu.vector_store_idx %parallel_loop3A_227[%parallel_loop3A_221], %parallel_loop3A_224 : memref<488xf32, #tpu.memory_space<vmem>>[vector<16xi32>], vector<16xf32>,
        %parallel_loop3A_228 = arith.index_cast %parallel_loop3A_176 : i32 to index
        %parallel_loop3A_229 = arith.constant 16 : index
        %parallel_loop3A_230 = tpu.vector_load %arg6[%parallel_loop3A_228, %parallel_loop3A_229] {strides = array<i32>} : memref<32x128xf32, #tpu.memory_space<vmem>>, vector<16xf32>,
        %parallel_loop3A_231 = arith.constant 512 : i32
        %parallel_loop3A_232 = arith.addi %parallel_loop3A_231, %parallel_loop3A_203 : i32
        %parallel_loop3A_233 = tpu.memref_slice %arg8[%parallel_loop3A_232] : memref<4096xf32, #tpu.memory_space<vmem>> -> memref<488xf32, #tpu.memory_space<vmem>>
        tpu.vector_store_idx %parallel_loop3A_233[%parallel_loop3A_221], %parallel_loop3A_230 : memref<488xf32, #tpu.memory_space<vmem>>[vector<16xi32>], vector<16xf32>,
        %parallel_loop3A_234 = arith.index_cast %parallel_loop3A_176 : i32 to index
        %parallel_loop3A_235 = arith.constant 32 : index
        %parallel_loop3A_236 = tpu.vector_load %arg6[%parallel_loop3A_234, %parallel_loop3A_235] {strides = array<i32>} : memref<32x128xf32, #tpu.memory_space<vmem>>, vector<16xf32>,
        %parallel_loop3A_237 = arith.constant 1024 : i32
        %parallel_loop3A_238 = arith.addi %parallel_loop3A_237, %parallel_loop3A_203 : i32
        %parallel_loop3A_239 = tpu.memref_slice %arg8[%parallel_loop3A_238] : memref<4096xf32, #tpu.memory_space<vmem>> -> memref<488xf32, #tpu.memory_space<vmem>>
        tpu.vector_store_idx %parallel_loop3A_239[%parallel_loop3A_221], %parallel_loop3A_236 : memref<488xf32, #tpu.memory_space<vmem>>[vector<16xi32>], vector<16xf32>,
        %parallel_loop3A_240 = arith.index_cast %parallel_loop3A_176 : i32 to index
        %parallel_loop3A_241 = arith.constant 48 : index
        %parallel_loop3A_242 = tpu.vector_load %arg6[%parallel_loop3A_240, %parallel_loop3A_241] {strides = array<i32>} : memref<32x128xf32, #tpu.memory_space<vmem>>, vector<16xf32>,
        %parallel_loop3A_243 = arith.constant 1536 : i32
        %parallel_loop3A_244 = arith.addi %parallel_loop3A_243, %parallel_loop3A_203 : i32
        %parallel_loop3A_245 = tpu.memref_slice %arg8[%parallel_loop3A_244] : memref<4096xf32, #tpu.memory_space<vmem>> -> memref<488xf32, #tpu.memory_space<vmem>>
        tpu.vector_store_idx %parallel_loop3A_245[%parallel_loop3A_221], %parallel_loop3A_242 : memref<488xf32, #tpu.memory_space<vmem>>[vector<16xi32>], vector<16xf32>,
        %parallel_loop3A_246 = arith.index_cast %parallel_loop3A_176 : i32 to index
        %parallel_loop3A_247 = arith.constant 64 : index
        %parallel_loop3A_248 = tpu.vector_load %arg6[%parallel_loop3A_246, %parallel_loop3A_247] {strides = array<i32>} : memref<32x128xf32, #tpu.memory_space<vmem>>, vector<16xf32>,
        %parallel_loop3A_249 = arith.constant 2048 : i32
        %parallel_loop3A_250 = arith.addi %parallel_loop3A_249, %parallel_loop3A_203 : i32
        %parallel_loop3A_251 = tpu.memref_slice %arg8[%parallel_loop3A_250] : memref<4096xf32, #tpu.memory_space<vmem>> -> memref<488xf32, #tpu.memory_space<vmem>>
        tpu.vector_store_idx %parallel_loop3A_251[%parallel_loop3A_221], %parallel_loop3A_248 : memref<488xf32, #tpu.memory_space<vmem>>[vector<16xi32>], vector<16xf32>,
        %parallel_loop3A_252 = arith.index_cast %parallel_loop3A_176 : i32 to index
        %parallel_loop3A_253 = arith.constant 80 : index
        %parallel_loop3A_254 = tpu.vector_load %arg6[%parallel_loop3A_252, %parallel_loop3A_253] {strides = array<i32>} : memref<32x128xf32, #tpu.memory_space<vmem>>, vector<16xf32>,
        %parallel_loop3A_255 = arith.constant 2560 : i32
        %parallel_loop3A_256 = arith.addi %parallel_loop3A_255, %parallel_loop3A_203 : i32
        %parallel_loop3A_257 = tpu.memref_slice %arg8[%parallel_loop3A_256] : memref<4096xf32, #tpu.memory_space<vmem>> -> memref<488xf32, #tpu.memory_space<vmem>>
        tpu.vector_store_idx %parallel_loop3A_257[%parallel_loop3A_221], %parallel_loop3A_254 : memref<488xf32, #tpu.memory_space<vmem>>[vector<16xi32>], vector<16xf32>,
        %parallel_loop3A_258 = arith.index_cast %parallel_loop3A_176 : i32 to index
        %parallel_loop3A_259 = arith.constant 96 : index
        %parallel_loop3A_260 = tpu.vector_load %arg6[%parallel_loop3A_258, %parallel_loop3A_259] {strides = array<i32>} : memref<32x128xf32, #tpu.memory_space<vmem>>, vector<16xf32>,
        %parallel_loop3A_261 = arith.constant 3072 : i32
        %parallel_loop3A_262 = arith.addi %parallel_loop3A_261, %parallel_loop3A_203 : i32
        %parallel_loop3A_263 = tpu.memref_slice %arg8[%parallel_loop3A_262] : memref<4096xf32, #tpu.memory_space<vmem>> -> memref<488xf32, #tpu.memory_space<vmem>>
        tpu.vector_store_idx %parallel_loop3A_263[%parallel_loop3A_221], %parallel_loop3A_260 : memref<488xf32, #tpu.memory_space<vmem>>[vector<16xi32>], vector<16xf32>,
        %parallel_loop3A_264 = arith.index_cast %parallel_loop3A_176 : i32 to index
        %parallel_loop3A_265 = arith.constant 112 : index
        %parallel_loop3A_266 = tpu.vector_load %arg6[%parallel_loop3A_264, %parallel_loop3A_265] {strides = array<i32>} : memref<32x128xf32, #tpu.memory_space<vmem>>, vector<16xf32>,
        %parallel_loop3A_267 = arith.constant 3584 : i32
        %parallel_loop3A_268 = arith.addi %parallel_loop3A_267, %parallel_loop3A_203 : i32
        %parallel_loop3A_269 = tpu.memref_slice %arg8[%parallel_loop3A_268] : memref<4096xf32, #tpu.memory_space<vmem>> -> memref<488xf32, #tpu.memory_space<vmem>>
        tpu.vector_store_idx %parallel_loop3A_269[%parallel_loop3A_221], %parallel_loop3A_266 : memref<488xf32, #tpu.memory_space<vmem>>[vector<16xi32>], vector<16xf32>,
      } {sc.loop_unroll_factor = 8 : i64, sc.parallel_access}
      %add3A_165 = arith.constant 2 : i32
      %add3A_166 = arith.addi %add3A_148, %add3A_165 : i32
      %lt3A_167 = arith.constant 244 : i32
      %lt3A_168 = arith.cmpi slt, %add3A_166, %lt3A_167 : i32
      %convert_element_type3A_169 = arith.extui %lt3A_168 : i1 to i32
      %cond3A_170 = arith.constant 0 : i32
      %cond3A_171 = arith.cmpi ne, %convert_element_type3A_169, %cond3A_170 : i32
      scf.if %cond3A_171 {
        %add3A_176 = arith.constant 64 : i32
        %add3A_177 = arith.addi %add3A_151, %add3A_176 : i32
        %mul3A_178 = arith.constant 128 : i32
        %mul3A_179 = arith.muli %add3A_177, %mul3A_178 : i32
        %dma_start3A_180 = arith.constant 0 : i32
        %dma_start3A_181 = tpu.memref_slice %arg2[%dma_start3A_180, %mul3A_179] : memref<32x1000000xf32, #tpu.memory_space<hbm>> -> memref<32x128xf32, #tpu.memory_space<hbm>>
        %dma_start3A_182 = arith.constant 0 : i32
        %dma_start3A_183 = tpu.memref_slice %arg2[%dma_start3A_182, %mul3A_179] : memref<32x1000000xf32, #tpu.memory_space<hbm>> -> memref<32x128xf32, #tpu.memory_space<hbm>>
        tpu.enqueue_dma source(%dma_start3A_183 : memref<32x128xf32, #tpu.memory_space<hbm>>) target(%arg6 : memref<32x128xf32, #tpu.memory_space<vmem>>) target_semaphore(%arg11 : memref<!tpu.dma_semaphore, #tpu.memory_space<semaphore_mem>>)
      } else {
      }
      %mul3A_172 = arith.constant 4096 : i32
      %mul3A_173 = arith.muli %add3A_151, %mul3A_172 : i32
      %dma_start3A_174 = tpu.memref_slice %arg4[%mul3A_173] : memref<32000000xf32, #tpu.memory_space<hbm>> -> memref<4096xf32, #tpu.memory_space<hbm>>
      %dma_start3A_175 = tpu.memref_slice %arg4[%mul3A_173] : memref<32000000xf32, #tpu.memory_space<hbm>> -> memref<4096xf32, #tpu.memory_space<hbm>>
      tpu.enqueue_dma source(%arg8 : memref<4096xf32, #tpu.memory_space<vmem>>) target(%dma_start3A_175 : memref<4096xf32, #tpu.memory_space<hbm>>) target_semaphore(%arg13 : memref<!tpu.dma_semaphore, #tpu.memory_space<semaphore_mem>>)
    }
    %scan3A_90 = arith.constant 121 : i32
    %dma_wait3A_91 = arith.constant 0 : i32
    %dma_wait3A_92 = tpu.memref_slice %arg4[%dma_wait3A_91] : memref<32000000xf32, #tpu.memory_space<hbm>> -> memref<4096xf32, #tpu.memory_space<hbm>>
    %dma_wait3A_93 = arith.constant 0 : i32
    %dma_wait3A_94 = tpu.memref_slice %arg4[%dma_wait3A_93] : memref<32000000xf32, #tpu.memory_space<hbm>> -> memref<4096xf32, #tpu.memory_space<hbm>>
    tpu.wait_dma2 semaphore(%arg12 : memref<!tpu.dma_semaphore, #tpu.memory_space<semaphore_mem>>) src(%arg7 : memref<4096xf32, #tpu.memory_space<vmem>>) dst(%dma_wait3A_94 : memref<4096xf32, #tpu.memory_space<hbm>>)
    %dma_wait3A_95 = arith.constant 0 : i32
    %dma_wait3A_96 = tpu.memref_slice %arg4[%dma_wait3A_95] : memref<32000000xf32, #tpu.memory_space<hbm>> -> memref<4096xf32, #tpu.memory_space<hbm>>
    %dma_wait3A_97 = arith.constant 0 : i32
    %dma_wait3A_98 = tpu.memref_slice %arg4[%dma_wait3A_97] : memref<32000000xf32, #tpu.memory_space<hbm>> -> memref<4096xf32, #tpu.memory_space<hbm>>
    tpu.wait_dma2 semaphore(%arg13 : memref<!tpu.dma_semaphore, #tpu.memory_space<semaphore_mem>>) src(%arg8 : memref<4096xf32, #tpu.memory_space<vmem>>) dst(%dma_wait3A_98 : memref<4096xf32, #tpu.memory_space<hbm>>)
    %lt3A = arith.constant 4 : i32
    %lt3A_99 = arith.cmpi slt, %add3A, %lt3A : i32
    %convert_element_type3A = arith.extui %lt3A_99 : i1 to i32
    %cond3A = arith.constant 0 : i32
    %cond3A_100 = arith.cmpi ne, %convert_element_type3A, %cond3A : i32
    scf.if %cond3A_100 {
      %add3A_105 = arith.constant 7808 : i32
      %add3A_106 = arith.addi %add3A_105, %add3A : i32
      %mul3A_107 = arith.constant 128 : i32
      %mul3A_108 = arith.muli %add3A_106, %mul3A_107 : i32
      "tpu.region"() ({
        %run_scoped3A = tpu.sem_alloc : memref<!tpu.dma_semaphore, #tpu.memory_space<semaphore_mem>>
        %dma_start3A_114 = arith.constant 0 : i32
        %dma_start3A_115 = tpu.memref_slice %arg2[%dma_start3A_114, %mul3A_108] : memref<32x1000000xf32, #tpu.memory_space<hbm>> -> memref<32x128xf32, #tpu.memory_space<hbm>>
        %dma_start3A_116 = arith.constant 0 : i32
        %dma_start3A_117 = tpu.memref_slice %arg2[%dma_start3A_116, %mul3A_108] : memref<32x1000000xf32, #tpu.memory_space<hbm>> -> memref<32x128xf32, #tpu.memory_space<hbm>>
        tpu.enqueue_dma source(%dma_start3A_117 : memref<32x128xf32, #tpu.memory_space<hbm>>) target(%arg5 : memref<32x128xf32, #tpu.memory_space<vmem>>) target_semaphore(%run_scoped3A : memref<!tpu.dma_semaphore, #tpu.memory_space<semaphore_mem>>)
        %dma_wait3A_118 = arith.constant 0 : i32
        %dma_wait3A_119 = tpu.memref_slice %arg2[%dma_wait3A_118, %mul3A_108] : memref<32x1000000xf32, #tpu.memory_space<hbm>> -> memref<32x128xf32, #tpu.memory_space<hbm>>
        %dma_wait3A_120 = arith.constant 0 : i32
        %dma_wait3A_121 = tpu.memref_slice %arg2[%dma_wait3A_120, %mul3A_108] : memref<32x1000000xf32, #tpu.memory_space<hbm>> -> memref<32x128xf32, #tpu.memory_space<hbm>>
        tpu.wait_dma2 semaphore(%run_scoped3A : memref<!tpu.dma_semaphore, #tpu.memory_space<semaphore_mem>>) src(%dma_wait3A_121 : memref<32x128xf32, #tpu.memory_space<hbm>>) dst(%arg5 : memref<32x128xf32, #tpu.memory_space<vmem>>)
        tpu.yield
      }) : () -> ()
      %parallel_loop3A_109 = arith.constant 0 : i32
      %parallel_loop3A_110 = arith.constant 32 : i32
      %parallel_loop3A_111 = arith.constant 1 : i32
      scf.for %parallel_loop3A_114 = %parallel_loop3A_109 to %parallel_loop3A_110 step %parallel_loop3A_111  : i32 {
        %parallel_loop3A_115 = arith.constant 8 : i32
        %parallel_loop3A_116 = arith.divsi %parallel_loop3A_114, %parallel_loop3A_115 : i32
        %parallel_loop3A_117 = arith.constant 0 : i32
        %parallel_loop3A_118 = arith.cmpi sgt, %parallel_loop3A_114, %parallel_loop3A_117 : i32
        %parallel_loop3A_119 = arith.extui %parallel_loop3A_118 : i1 to i32
        %parallel_loop3A_120 = arith.constant 0 : i32
        %parallel_loop3A_121 = arith.cmpi slt, %parallel_loop3A_114, %parallel_loop3A_120 : i32
        %parallel_loop3A_122 = arith.extui %parallel_loop3A_121 : i1 to i32
        %parallel_loop3A_123 = arith.subi %parallel_loop3A_119, %parallel_loop3A_122 : i32
        %parallel_loop3A_124 = arith.constant 0 : i32
        %parallel_loop3A_125 = arith.cmpi sgt, %parallel_loop3A_115, %parallel_loop3A_124 : i32
        %parallel_loop3A_126 = arith.extui %parallel_loop3A_125 : i1 to i32
        %parallel_loop3A_127 = arith.constant 0 : i32
        %parallel_loop3A_128 = arith.cmpi slt, %parallel_loop3A_115, %parallel_loop3A_127 : i32
        %parallel_loop3A_129 = arith.extui %parallel_loop3A_128 : i1 to i32
        %parallel_loop3A_130 = arith.subi %parallel_loop3A_126, %parallel_loop3A_129 : i32
        %parallel_loop3A_131 = arith.cmpi ne, %parallel_loop3A_123, %parallel_loop3A_130 : i32
        %parallel_loop3A_132 = arith.remsi %parallel_loop3A_114, %parallel_loop3A_115 : i32
        %parallel_loop3A_133 = arith.constant 0 : i32
        %parallel_loop3A_134 = arith.cmpi ne, %parallel_loop3A_132, %parallel_loop3A_133 : i32
        %parallel_loop3A_135 = arith.andi %parallel_loop3A_131, %parallel_loop3A_134 : i1
        %parallel_loop3A_136 = arith.constant 1 : i32
        %parallel_loop3A_137 = arith.subi %parallel_loop3A_116, %parallel_loop3A_136 : i32
        %parallel_loop3A_138 = arith.select %parallel_loop3A_135, %parallel_loop3A_137, %parallel_loop3A_116 : i32
        %parallel_loop3A_139 = arith.constant 8 : i32
        %parallel_loop3A_140 = arith.muli %parallel_loop3A_138, %parallel_loop3A_139 : i32
        %parallel_loop3A_141 = tpu.assume_multiple %parallel_loop3A_140, 8 : i32
        %parallel_loop3A_142 = arith.constant 8 : i32
        %parallel_loop3A_143 = arith.constant 0 : i32
        %parallel_loop3A_144 = arith.cmpi eq, %parallel_loop3A_142, %parallel_loop3A_143 : i32
        %parallel_loop3A_145 = arith.constant 1 : i32
        %parallel_loop3A_146 = arith.select %parallel_loop3A_144, %parallel_loop3A_145, %parallel_loop3A_142 : i32
        %parallel_loop3A_147 = arith.remsi %parallel_loop3A_114, %parallel_loop3A_146 : i32
        %parallel_loop3A_148 = arith.constant 0 : i32
        %parallel_loop3A_149 = arith.cmpi ne, %parallel_loop3A_147, %parallel_loop3A_148 : i32
        %parallel_loop3A_150 = arith.constant 0 : i32
        %parallel_loop3A_151 = arith.cmpi slt, %parallel_loop3A_147, %parallel_loop3A_150 : i32
        %parallel_loop3A_152 = arith.constant 0 : i32
        %parallel_loop3A_153 = arith.cmpi slt, %parallel_loop3A_146, %parallel_loop3A_152 : i32
        %parallel_loop3A_154 = arith.xori %parallel_loop3A_151, %parallel_loop3A_153 : i1
        %parallel_loop3A_155 = arith.andi %parallel_loop3A_154, %parallel_loop3A_149 : i1
        %parallel_loop3A_156 = arith.addi %parallel_loop3A_147, %parallel_loop3A_146 : i32
        %parallel_loop3A_157 = arith.select %parallel_loop3A_155, %parallel_loop3A_156, %parallel_loop3A_147 : i32
        %parallel_loop3A_158 = vector.broadcast %parallel_loop3A_157 : i32 to vector<16xi32>
        %parallel_loop3A_159 = arith.addi %mul3A_3, %parallel_loop3A_158 : vector<16xi32>
        %parallel_loop3A_160 = arith.index_cast %parallel_loop3A_114 : i32 to index
        %parallel_loop3A_161 = arith.constant 0 : index
        %parallel_loop3A_162 = tpu.vector_load %arg5[%parallel_loop3A_160, %parallel_loop3A_161] {strides = array<i32>} : memref<32x128xf32, #tpu.memory_space<vmem>>, vector<16xf32>,
        %parallel_loop3A_163 = arith.constant 0 : i32
        %parallel_loop3A_164 = arith.addi %parallel_loop3A_163, %parallel_loop3A_141 : i32
        %parallel_loop3A_165 = tpu.memref_slice %arg7[%parallel_loop3A_164] : memref<4096xf32, #tpu.memory_space<vmem>> -> memref<488xf32, #tpu.memory_space<vmem>>
        tpu.vector_store_idx %parallel_loop3A_165[%parallel_loop3A_159], %parallel_loop3A_162 : memref<488xf32, #tpu.memory_space<vmem>>[vector<16xi32>], vector<16xf32>,
        %parallel_loop3A_166 = arith.index_cast %parallel_loop3A_114 : i32 to index
        %parallel_loop3A_167 = arith.constant 16 : index
        %parallel_loop3A_168 = tpu.vector_load %arg5[%parallel_loop3A_166, %parallel_loop3A_167] {strides = array<i32>} : memref<32x128xf32, #tpu.memory_space<vmem>>, vector<16xf32>,
        %parallel_loop3A_169 = arith.constant 512 : i32
        %parallel_loop3A_170 = arith.addi %parallel_loop3A_169, %parallel_loop3A_141 : i32
        %parallel_loop3A_171 = tpu.memref_slice %arg7[%parallel_loop3A_170] : memref<4096xf32, #tpu.memory_space<vmem>> -> memref<488xf32, #tpu.memory_space<vmem>>
        tpu.vector_store_idx %parallel_loop3A_171[%parallel_loop3A_159], %parallel_loop3A_168 : memref<488xf32, #tpu.memory_space<vmem>>[vector<16xi32>], vector<16xf32>,
        %parallel_loop3A_172 = arith.index_cast %parallel_loop3A_114 : i32 to index
        %parallel_loop3A_173 = arith.constant 32 : index
        %parallel_loop3A_174 = tpu.vector_load %arg5[%parallel_loop3A_172, %parallel_loop3A_173] {strides = array<i32>} : memref<32x128xf32, #tpu.memory_space<vmem>>, vector<16xf32>,
        %parallel_loop3A_175 = arith.constant 1024 : i32
        %parallel_loop3A_176 = arith.addi %parallel_loop3A_175, %parallel_loop3A_141 : i32
        %parallel_loop3A_177 = tpu.memref_slice %arg7[%parallel_loop3A_176] : memref<4096xf32, #tpu.memory_space<vmem>> -> memref<488xf32, #tpu.memory_space<vmem>>
        tpu.vector_store_idx %parallel_loop3A_177[%parallel_loop3A_159], %parallel_loop3A_174 : memref<488xf32, #tpu.memory_space<vmem>>[vector<16xi32>], vector<16xf32>,
        %parallel_loop3A_178 = arith.index_cast %parallel_loop3A_114 : i32 to index
        %parallel_loop3A_179 = arith.constant 48 : index
        %parallel_loop3A_180 = tpu.vector_load %arg5[%parallel_loop3A_178, %parallel_loop3A_179] {strides = array<i32>} : memref<32x128xf32, #tpu.memory_space<vmem>>, vector<16xf32>,
        %parallel_loop3A_181 = arith.constant 1536 : i32
        %parallel_loop3A_182 = arith.addi %parallel_loop3A_181, %parallel_loop3A_141 : i32
        %parallel_loop3A_183 = tpu.memref_slice %arg7[%parallel_loop3A_182] : memref<4096xf32, #tpu.memory_space<vmem>> -> memref<488xf32, #tpu.memory_space<vmem>>
        tpu.vector_store_idx %parallel_loop3A_183[%parallel_loop3A_159], %parallel_loop3A_180 : memref<488xf32, #tpu.memory_space<vmem>>[vector<16xi32>], vector<16xf32>,
        %parallel_loop3A_184 = arith.index_cast %parallel_loop3A_114 : i32 to index
        %parallel_loop3A_185 = arith.constant 64 : index
        %parallel_loop3A_186 = tpu.vector_load %arg5[%parallel_loop3A_184, %parallel_loop3A_185] {strides = array<i32>} : memref<32x128xf32, #tpu.memory_space<vmem>>, vector<16xf32>,
        %parallel_loop3A_187 = arith.constant 2048 : i32
        %parallel_loop3A_188 = arith.addi %parallel_loop3A_187, %parallel_loop3A_141 : i32
        %parallel_loop3A_189 = tpu.memref_slice %arg7[%parallel_loop3A_188] : memref<4096xf32, #tpu.memory_space<vmem>> -> memref<488xf32, #tpu.memory_space<vmem>>
        tpu.vector_store_idx %parallel_loop3A_189[%parallel_loop3A_159], %parallel_loop3A_186 : memref<488xf32, #tpu.memory_space<vmem>>[vector<16xi32>], vector<16xf32>,
        %parallel_loop3A_190 = arith.index_cast %parallel_loop3A_114 : i32 to index
        %parallel_loop3A_191 = arith.constant 80 : index
        %parallel_loop3A_192 = tpu.vector_load %arg5[%parallel_loop3A_190, %parallel_loop3A_191] {strides = array<i32>} : memref<32x128xf32, #tpu.memory_space<vmem>>, vector<16xf32>,
        %parallel_loop3A_193 = arith.constant 2560 : i32
        %parallel_loop3A_194 = arith.addi %parallel_loop3A_193, %parallel_loop3A_141 : i32
        %parallel_loop3A_195 = tpu.memref_slice %arg7[%parallel_loop3A_194] : memref<4096xf32, #tpu.memory_space<vmem>> -> memref<488xf32, #tpu.memory_space<vmem>>
        tpu.vector_store_idx %parallel_loop3A_195[%parallel_loop3A_159], %parallel_loop3A_192 : memref<488xf32, #tpu.memory_space<vmem>>[vector<16xi32>], vector<16xf32>,
        %parallel_loop3A_196 = arith.index_cast %parallel_loop3A_114 : i32 to index
        %parallel_loop3A_197 = arith.constant 96 : index
        %parallel_loop3A_198 = tpu.vector_load %arg5[%parallel_loop3A_196, %parallel_loop3A_197] {strides = array<i32>} : memref<32x128xf32, #tpu.memory_space<vmem>>, vector<16xf32>,
        %parallel_loop3A_199 = arith.constant 3072 : i32
        %parallel_loop3A_200 = arith.addi %parallel_loop3A_199, %parallel_loop3A_141 : i32
        %parallel_loop3A_201 = tpu.memref_slice %arg7[%parallel_loop3A_200] : memref<4096xf32, #tpu.memory_space<vmem>> -> memref<488xf32, #tpu.memory_space<vmem>>
        tpu.vector_store_idx %parallel_loop3A_201[%parallel_loop3A_159], %parallel_loop3A_198 : memref<488xf32, #tpu.memory_space<vmem>>[vector<16xi32>], vector<16xf32>,
        %parallel_loop3A_202 = arith.index_cast %parallel_loop3A_114 : i32 to index
        %parallel_loop3A_203 = arith.constant 112 : index
        %parallel_loop3A_204 = tpu.vector_load %arg5[%parallel_loop3A_202, %parallel_loop3A_203] {strides = array<i32>} : memref<32x128xf32, #tpu.memory_space<vmem>>, vector<16xf32>,
        %parallel_loop3A_205 = arith.constant 3584 : i32
        %parallel_loop3A_206 = arith.addi %parallel_loop3A_205, %parallel_loop3A_141 : i32
        %parallel_loop3A_207 = tpu.memref_slice %arg7[%parallel_loop3A_206] : memref<4096xf32, #tpu.memory_space<vmem>> -> memref<488xf32, #tpu.memory_space<vmem>>
        tpu.vector_store_idx %parallel_loop3A_207[%parallel_loop3A_159], %parallel_loop3A_204 : memref<488xf32, #tpu.memory_space<vmem>>[vector<16xi32>], vector<16xf32>,
      } {sc.loop_unroll_factor = 8 : i64, sc.parallel_access}
      %mul3A_112 = arith.constant 4096 : i32
      %mul3A_113 = arith.muli %add3A_106, %mul3A_112 : i32
      "tpu.region"() ({
        %run_scoped3A = tpu.sem_alloc : memref<!tpu.dma_semaphore, #tpu.memory_space<semaphore_mem>>
        %dma_start3A_114 = tpu.memref_slice %arg4[%mul3A_113] : memref<32000000xf32, #tpu.memory_space<hbm>> -> memref<4096xf32, #tpu.memory_space<hbm>>
        %dma_start3A_115 = tpu.memref_slice %arg4[%mul3A_113] : memref<32000000xf32, #tpu.memory_space<hbm>> -> memref<4096xf32, #tpu.memory_space<hbm>>
        tpu.enqueue_dma source(%arg7 : memref<4096xf32, #tpu.memory_space<vmem>>) target(%dma_start3A_115 : memref<4096xf32, #tpu.memory_space<hbm>>) target_semaphore(%run_scoped3A : memref<!tpu.dma_semaphore, #tpu.memory_space<semaphore_mem>>)
        %dma_wait3A_116 = tpu.memref_slice %arg4[%mul3A_113] : memref<32000000xf32, #tpu.memory_space<hbm>> -> memref<4096xf32, #tpu.memory_space<hbm>>
        %dma_wait3A_117 = tpu.memref_slice %arg4[%mul3A_113] : memref<32000000xf32, #tpu.memory_space<hbm>> -> memref<4096xf32, #tpu.memory_space<hbm>>
        tpu.wait_dma2 semaphore(%run_scoped3A : memref<!tpu.dma_semaphore, #tpu.memory_space<semaphore_mem>>) src(%arg7 : memref<4096xf32, #tpu.memory_space<vmem>>) dst(%dma_wait3A_117 : memref<4096xf32, #tpu.memory_space<hbm>>)
        tpu.yield
      }) : () -> ()
    } else {
    }
    %eq3A = arith.constant 4 : i32
    %eq3A_101 = arith.cmpi eq, %add3A, %eq3A : i32
    %convert_element_type3A_102 = arith.extui %eq3A_101 : i1 to i32
    %cond3A_103 = arith.constant 0 : i32
    %cond3A_104 = arith.cmpi ne, %convert_element_type3A_102, %cond3A_103 : i32
    scf.if %cond3A_104 {
      "tpu.region"() ({
        %run_scoped3A = tpu.sem_alloc : memref<!tpu.dma_semaphore, #tpu.memory_space<semaphore_mem>>
        tpu.enqueue_dma source(%arg3 : memref<2048xf32, #tpu.memory_space<hbm>>) target(%arg9 : memref<2048xf32, #tpu.memory_space<vmem>>) target_semaphore(%run_scoped3A : memref<!tpu.dma_semaphore, #tpu.memory_space<semaphore_mem>>)
        tpu.wait_dma2 semaphore(%run_scoped3A : memref<!tpu.dma_semaphore, #tpu.memory_space<semaphore_mem>>) src(%arg3 : memref<2048xf32, #tpu.memory_space<hbm>>) dst(%arg9 : memref<2048xf32, #tpu.memory_space<vmem>>)
        tpu.yield
      }) : () -> ()
      %broadcast_in_dim3A = arith.constant 0 : i32
      %broadcast_in_dim3A_105 = vector.broadcast %broadcast_in_dim3A : i32 to vector<16xi32>
      %add3A_106 = arith.constant 0 : i32
      %add3A_107 = vector.broadcast %add3A_106 : i32 to vector<16xi32>
      %add3A_108 = arith.addi %add3A_107, %iota3A : vector<16xi32>
      %mul3A_109 = arith.constant 64 : i32
      %mul3A_110 = vector.broadcast %mul3A_109 : i32 to vector<16xi32>
      %mul3A_111 = arith.muli %add3A_108, %mul3A_110 : vector<16xi32>
      %add3A_112 = arith.addi %mul3A_111, %broadcast_in_dim3A_105 : vector<16xi32>
      %gather3A = tpu.vector_load_idx %arg9[%add3A_112] : memref<2048xf32, #tpu.memory_space<vmem>>[vector<16xi32>], vector<16xf32>,
      %swap3A = arith.constant 0 : index
      %swap3A_113 = tpu.vector_load %arg8[%swap3A] {strides = array<i32>} : memref<4096xf32, #tpu.memory_space<vmem>>, vector<16xf32>,
      tpu.vector_store %arg8[%swap3A], %gather3A {strides = array<i32>} : memref<4096xf32, #tpu.memory_space<vmem>>, vector<16xf32>,
      %add3A_114 = arith.constant 16 : i32
      %add3A_115 = vector.broadcast %add3A_114 : i32 to vector<16xi32>
      %add3A_116 = arith.addi %add3A_115, %iota3A : vector<16xi32>
      %mul3A_117 = arith.constant 64 : i32
      %mul3A_118 = vector.broadcast %mul3A_117 : i32 to vector<16xi32>
      %mul3A_119 = arith.muli %add3A_116, %mul3A_118 : vector<16xi32>
      %add3A_120 = arith.addi %mul3A_119, %broadcast_in_dim3A_105 : vector<16xi32>
      %gather3A_121 = tpu.vector_load_idx %arg9[%add3A_120] : memref<2048xf32, #tpu.memory_space<vmem>>[vector<16xi32>], vector<16xf32>,
      %swap3A_122 = arith.constant 16 : index
      %swap3A_123 = tpu.vector_load %arg8[%swap3A_122] {strides = array<i32>} : memref<4096xf32, #tpu.memory_space<vmem>>, vector<16xf32>,
      tpu.vector_store %arg8[%swap3A_122], %gather3A_121 {strides = array<i32>} : memref<4096xf32, #tpu.memory_space<vmem>>, vector<16xf32>,
      %broadcast_in_dim3A_124 = arith.constant 1 : i32
      %broadcast_in_dim3A_125 = vector.broadcast %broadcast_in_dim3A_124 : i32 to vector<16xi32>
      %add3A_126 = arith.constant 0 : i32
      %add3A_127 = vector.broadcast %add3A_126 : i32 to vector<16xi32>
      %add3A_128 = arith.addi %add3A_127, %iota3A : vector<16xi32>
      %mul3A_129 = arith.constant 64 : i32
      %mul3A_130 = vector.broadcast %mul3A_129 : i32 to vector<16xi32>
      %mul3A_131 = arith.muli %add3A_128, %mul3A_130 : vector<16xi32>
      %add3A_132 = arith.addi %mul3A_131, %broadcast_in_dim3A_125 : vector<16xi32>
      %gather3A_133 = tpu.vector_load_idx %arg9[%add3A_132] : memref<2048xf32, #tpu.memory_space<vmem>>[vector<16xi32>], vector<16xf32>,
      %swap3A_134 = arith.constant 32 : index
      %swap3A_135 = tpu.vector_load %arg8[%swap3A_134] {strides = array<i32>} : memref<4096xf32, #tpu.memory_space<vmem>>, vector<16xf32>,
      tpu.vector_store %arg8[%swap3A_134], %gather3A_133 {strides = array<i32>} : memref<4096xf32, #tpu.memory_space<vmem>>, vector<16xf32>,
      %add3A_136 = arith.constant 16 : i32
      %add3A_137 = vector.broadcast %add3A_136 : i32 to vector<16xi32>
      %add3A_138 = arith.addi %add3A_137, %iota3A : vector<16xi32>
      %mul3A_139 = arith.constant 64 : i32
      %mul3A_140 = vector.broadcast %mul3A_139 : i32 to vector<16xi32>
      %mul3A_141 = arith.muli %add3A_138, %mul3A_140 : vector<16xi32>
      %add3A_142 = arith.addi %mul3A_141, %broadcast_in_dim3A_125 : vector<16xi32>
      %gather3A_143 = tpu.vector_load_idx %arg9[%add3A_142] : memref<2048xf32, #tpu.memory_space<vmem>>[vector<16xi32>], vector<16xf32>,
      %swap3A_144 = arith.constant 48 : index
      %swap3A_145 = tpu.vector_load %arg8[%swap3A_144] {strides = array<i32>} : memref<4096xf32, #tpu.memory_space<vmem>>, vector<16xf32>,
      tpu.vector_store %arg8[%swap3A_144], %gather3A_143 {strides = array<i32>} : memref<4096xf32, #tpu.memory_space<vmem>>, vector<16xf32>,
      %broadcast_in_dim3A_146 = arith.constant 2 : i32
      %broadcast_in_dim3A_147 = vector.broadcast %broadcast_in_dim3A_146 : i32 to vector<16xi32>
      %add3A_148 = arith.constant 0 : i32
      %add3A_149 = vector.broadcast %add3A_148 : i32 to vector<16xi32>
      %add3A_150 = arith.addi %add3A_149, %iota3A : vector<16xi32>
      %mul3A_151 = arith.constant 64 : i32
      %mul3A_152 = vector.broadcast %mul3A_151 : i32 to vector<16xi32>
      %mul3A_153 = arith.muli %add3A_150, %mul3A_152 : vector<16xi32>
      %add3A_154 = arith.addi %mul3A_153, %broadcast_in_dim3A_147 : vector<16xi32>
      %gather3A_155 = tpu.vector_load_idx %arg9[%add3A_154] : memref<2048xf32, #tpu.memory_space<vmem>>[vector<16xi32>], vector<16xf32>,
      %swap3A_156 = arith.constant 64 : index
      %swap3A_157 = tpu.vector_load %arg8[%swap3A_156] {strides = array<i32>} : memref<4096xf32, #tpu.memory_space<vmem>>, vector<16xf32>,
      tpu.vector_store %arg8[%swap3A_156], %gather3A_155 {strides = array<i32>} : memref<4096xf32, #tpu.memory_space<vmem>>, vector<16xf32>,
      %add3A_158 = arith.constant 16 : i32
      %add3A_159 = vector.broadcast %add3A_158 : i32 to vector<16xi32>
      %add3A_160 = arith.addi %add3A_159, %iota3A : vector<16xi32>
      %mul3A_161 = arith.constant 64 : i32
      %mul3A_162 = vector.broadcast %mul3A_161 : i32 to vector<16xi32>
      %mul3A_163 = arith.muli %add3A_160, %mul3A_162 : vector<16xi32>
      %add3A_164 = arith.addi %mul3A_163, %broadcast_in_dim3A_147 : vector<16xi32>
      %gather3A_165 = tpu.vector_load_idx %arg9[%add3A_164] : memref<2048xf32, #tpu.memory_space<vmem>>[vector<16xi32>], vector<16xf32>,
      %swap3A_166 = arith.constant 80 : index
      %swap3A_167 = tpu.vector_load %arg8[%swap3A_166] {strides = array<i32>} : memref<4096xf32, #tpu.memory_space<vmem>>, vector<16xf32>,
      tpu.vector_store %arg8[%swap3A_166], %gather3A_165 {strides = array<i32>} : memref<4096xf32, #tpu.memory_space<vmem>>, vector<16xf32>,
      %broadcast_in_dim3A_168 = arith.constant 3 : i32
      %broadcast_in_dim3A_169 = vector.broadcast %broadcast_in_dim3A_168 : i32 to vector<16xi32>
      %add3A_170 = arith.constant 0 : i32
      %add3A_171 = vector.broadcast %add3A_170 : i32 to vector<16xi32>
      %add3A_172 = arith.addi %add3A_171, %iota3A : vector<16xi32>
      %mul3A_173 = arith.constant 64 : i32
      %mul3A_174 = vector.broadcast %mul3A_173 : i32 to vector<16xi32>
      %mul3A_175 = arith.muli %add3A_172, %mul3A_174 : vector<16xi32>
      %add3A_176 = arith.addi %mul3A_175, %broadcast_in_dim3A_169 : vector<16xi32>
      %gather3A_177 = tpu.vector_load_idx %arg9[%add3A_176] : memref<2048xf32, #tpu.memory_space<vmem>>[vector<16xi32>], vector<16xf32>,
      %swap3A_178 = arith.constant 96 : index
      %swap3A_179 = tpu.vector_load %arg8[%swap3A_178] {strides = array<i32>} : memref<4096xf32, #tpu.memory_space<vmem>>, vector<16xf32>,
      tpu.vector_store %arg8[%swap3A_178], %gather3A_177 {strides = array<i32>} : memref<4096xf32, #tpu.memory_space<vmem>>, vector<16xf32>,
      %add3A_180 = arith.constant 16 : i32
      %add3A_181 = vector.broadcast %add3A_180 : i32 to vector<16xi32>
      %add3A_182 = arith.addi %add3A_181, %iota3A : vector<16xi32>
      %mul3A_183 = arith.constant 64 : i32
      %mul3A_184 = vector.broadcast %mul3A_183 : i32 to vector<16xi32>
      %mul3A_185 = arith.muli %add3A_182, %mul3A_184 : vector<16xi32>
      %add3A_186 = arith.addi %mul3A_185, %broadcast_in_dim3A_169 : vector<16xi32>
      %gather3A_187 = tpu.vector_load_idx %arg9[%add3A_186] : memref<2048xf32, #tpu.memory_space<vmem>>[vector<16xi32>], vector<16xf32>,
      %swap3A_188 = arith.constant 112 : index
      %swap3A_189 = tpu.vector_load %arg8[%swap3A_188] {strides = array<i32>} : memref<4096xf32, #tpu.memory_space<vmem>>, vector<16xf32>,
      tpu.vector_store %arg8[%swap3A_188], %gather3A_187 {strides = array<i32>} : memref<4096xf32, #tpu.memory_space<vmem>>, vector<16xf32>,
      %broadcast_in_dim3A_190 = arith.constant 4 : i32
      %broadcast_in_dim3A_191 = vector.broadcast %broadcast_in_dim3A_190 : i32 to vector<16xi32>
      %add3A_192 = arith.constant 0 : i32
      %add3A_193 = vector.broadcast %add3A_192 : i32 to vector<16xi32>
      %add3A_194 = arith.addi %add3A_193, %iota3A : vector<16xi32>
      %mul3A_195 = arith.constant 64 : i32
      %mul3A_196 = vector.broadcast %mul3A_195 : i32 to vector<16xi32>
      %mul3A_197 = arith.muli %add3A_194, %mul3A_196 : vector<16xi32>
      %add3A_198 = arith.addi %mul3A_197, %broadcast_in_dim3A_191 : vector<16xi32>
      %gather3A_199 = tpu.vector_load_idx %arg9[%add3A_198] : memref<2048xf32, #tpu.memory_space<vmem>>[vector<16xi32>], vector<16xf32>,
      %swap3A_200 = arith.constant 128 : index
      %swap3A_201 = tpu.vector_load %arg8[%swap3A_200] {strides = array<i32>} : memref<4096xf32, #tpu.memory_space<vmem>>, vector<16xf32>,
      tpu.vector_store %arg8[%swap3A_200], %gather3A_199 {strides = array<i32>} : memref<4096xf32, #tpu.memory_space<vmem>>, vector<16xf32>,
      %add3A_202 = arith.constant 16 : i32
      %add3A_203 = vector.broadcast %add3A_202 : i32 to vector<16xi32>
      %add3A_204 = arith.addi %add3A_203, %iota3A : vector<16xi32>
      %mul3A_205 = arith.constant 64 : i32
      %mul3A_206 = vector.broadcast %mul3A_205 : i32 to vector<16xi32>
      %mul3A_207 = arith.muli %add3A_204, %mul3A_206 : vector<16xi32>
      %add3A_208 = arith.addi %mul3A_207, %broadcast_in_dim3A_191 : vector<16xi32>
      %gather3A_209 = tpu.vector_load_idx %arg9[%add3A_208] : memref<2048xf32, #tpu.memory_space<vmem>>[vector<16xi32>], vector<16xf32>,
      %swap3A_210 = arith.constant 144 : index
      %swap3A_211 = tpu.vector_load %arg8[%swap3A_210] {strides = array<i32>} : memref<4096xf32, #tpu.memory_space<vmem>>, vector<16xf32>,
      tpu.vector_store %arg8[%swap3A_210], %gather3A_209 {strides = array<i32>} : memref<4096xf32, #tpu.memory_space<vmem>>, vector<16xf32>,
      %broadcast_in_dim3A_212 = arith.constant 5 : i32
      %broadcast_in_dim3A_213 = vector.broadcast %broadcast_in_dim3A_212 : i32 to vector<16xi32>
      %add3A_214 = arith.constant 0 : i32
      %add3A_215 = vector.broadcast %add3A_214 : i32 to vector<16xi32>
      %add3A_216 = arith.addi %add3A_215, %iota3A : vector<16xi32>
      %mul3A_217 = arith.constant 64 : i32
      %mul3A_218 = vector.broadcast %mul3A_217 : i32 to vector<16xi32>
      %mul3A_219 = arith.muli %add3A_216, %mul3A_218 : vector<16xi32>
      %add3A_220 = arith.addi %mul3A_219, %broadcast_in_dim3A_213 : vector<16xi32>
      %gather3A_221 = tpu.vector_load_idx %arg9[%add3A_220] : memref<2048xf32, #tpu.memory_space<vmem>>[vector<16xi32>], vector<16xf32>,
      %swap3A_222 = arith.constant 160 : index
      %swap3A_223 = tpu.vector_load %arg8[%swap3A_222] {strides = array<i32>} : memref<4096xf32, #tpu.memory_space<vmem>>, vector<16xf32>,
      tpu.vector_store %arg8[%swap3A_222], %gather3A_221 {strides = array<i32>} : memref<4096xf32, #tpu.memory_space<vmem>>, vector<16xf32>,
      %add3A_224 = arith.constant 16 : i32
      %add3A_225 = vector.broadcast %add3A_224 : i32 to vector<16xi32>
      %add3A_226 = arith.addi %add3A_225, %iota3A : vector<16xi32>
      %mul3A_227 = arith.constant 64 : i32
      %mul3A_228 = vector.broadcast %mul3A_227 : i32 to vector<16xi32>
      %mul3A_229 = arith.muli %add3A_226, %mul3A_228 : vector<16xi32>
      %add3A_230 = arith.addi %mul3A_229, %broadcast_in_dim3A_213 : vector<16xi32>
      %gather3A_231 = tpu.vector_load_idx %arg9[%add3A_230] : memref<2048xf32, #tpu.memory_space<vmem>>[vector<16xi32>], vector<16xf32>,
      %swap3A_232 = arith.constant 176 : index
      %swap3A_233 = tpu.vector_load %arg8[%swap3A_232] {strides = array<i32>} : memref<4096xf32, #tpu.memory_space<vmem>>, vector<16xf32>,
      tpu.vector_store %arg8[%swap3A_232], %gather3A_231 {strides = array<i32>} : memref<4096xf32, #tpu.memory_space<vmem>>, vector<16xf32>,
      %broadcast_in_dim3A_234 = arith.constant 6 : i32
      %broadcast_in_dim3A_235 = vector.broadcast %broadcast_in_dim3A_234 : i32 to vector<16xi32>
      %add3A_236 = arith.constant 0 : i32
      %add3A_237 = vector.broadcast %add3A_236 : i32 to vector<16xi32>
      %add3A_238 = arith.addi %add3A_237, %iota3A : vector<16xi32>
      %mul3A_239 = arith.constant 64 : i32
      %mul3A_240 = vector.broadcast %mul3A_239 : i32 to vector<16xi32>
      %mul3A_241 = arith.muli %add3A_238, %mul3A_240 : vector<16xi32>
      %add3A_242 = arith.addi %mul3A_241, %broadcast_in_dim3A_235 : vector<16xi32>
      %gather3A_243 = tpu.vector_load_idx %arg9[%add3A_242] : memref<2048xf32, #tpu.memory_space<vmem>>[vector<16xi32>], vector<16xf32>,
      %swap3A_244 = arith.constant 192 : index
      %swap3A_245 = tpu.vector_load %arg8[%swap3A_244] {strides = array<i32>} : memref<4096xf32, #tpu.memory_space<vmem>>, vector<16xf32>,
      tpu.vector_store %arg8[%swap3A_244], %gather3A_243 {strides = array<i32>} : memref<4096xf32, #tpu.memory_space<vmem>>, vector<16xf32>,
      %add3A_246 = arith.constant 16 : i32
      %add3A_247 = vector.broadcast %add3A_246 : i32 to vector<16xi32>
      %add3A_248 = arith.addi %add3A_247, %iota3A : vector<16xi32>
      %mul3A_249 = arith.constant 64 : i32
      %mul3A_250 = vector.broadcast %mul3A_249 : i32 to vector<16xi32>
      %mul3A_251 = arith.muli %add3A_248, %mul3A_250 : vector<16xi32>
      %add3A_252 = arith.addi %mul3A_251, %broadcast_in_dim3A_235 : vector<16xi32>
      %gather3A_253 = tpu.vector_load_idx %arg9[%add3A_252] : memref<2048xf32, #tpu.memory_space<vmem>>[vector<16xi32>], vector<16xf32>,
      %swap3A_254 = arith.constant 208 : index
      %swap3A_255 = tpu.vector_load %arg8[%swap3A_254] {strides = array<i32>} : memref<4096xf32, #tpu.memory_space<vmem>>, vector<16xf32>,
      tpu.vector_store %arg8[%swap3A_254], %gather3A_253 {strides = array<i32>} : memref<4096xf32, #tpu.memory_space<vmem>>, vector<16xf32>,
      %broadcast_in_dim3A_256 = arith.constant 7 : i32
      %broadcast_in_dim3A_257 = vector.broadcast %broadcast_in_dim3A_256 : i32 to vector<16xi32>
      %add3A_258 = arith.constant 0 : i32
      %add3A_259 = vector.broadcast %add3A_258 : i32 to vector<16xi32>
      %add3A_260 = arith.addi %add3A_259, %iota3A : vector<16xi32>
      %mul3A_261 = arith.constant 64 : i32
      %mul3A_262 = vector.broadcast %mul3A_261 : i32 to vector<16xi32>
      %mul3A_263 = arith.muli %add3A_260, %mul3A_262 : vector<16xi32>
      %add3A_264 = arith.addi %mul3A_263, %broadcast_in_dim3A_257 : vector<16xi32>
      %gather3A_265 = tpu.vector_load_idx %arg9[%add3A_264] : memref<2048xf32, #tpu.memory_space<vmem>>[vector<16xi32>], vector<16xf32>,
      %swap3A_266 = arith.constant 224 : index
      %swap3A_267 = tpu.vector_load %arg8[%swap3A_266] {strides = array<i32>} : memref<4096xf32, #tpu.memory_space<vmem>>, vector<16xf32>,
      tpu.vector_store %arg8[%swap3A_266], %gather3A_265 {strides = array<i32>} : memref<4096xf32, #tpu.memory_space<vmem>>, vector<16xf32>,
      %add3A_268 = arith.constant 16 : i32
      %add3A_269 = vector.broadcast %add3A_268 : i32 to vector<16xi32>
      %add3A_270 = arith.addi %add3A_269, %iota3A : vector<16xi32>
      %mul3A_271 = arith.constant 64 : i32
      %mul3A_272 = vector.broadcast %mul3A_271 : i32 to vector<16xi32>
      %mul3A_273 = arith.muli %add3A_270, %mul3A_272 : vector<16xi32>
      %add3A_274 = arith.addi %mul3A_273, %broadcast_in_dim3A_257 : vector<16xi32>
      %gather3A_275 = tpu.vector_load_idx %arg9[%add3A_274] : memref<2048xf32, #tpu.memory_space<vmem>>[vector<16xi32>], vector<16xf32>,
      %swap3A_276 = arith.constant 240 : index
      %swap3A_277 = tpu.vector_load %arg8[%swap3A_276] {strides = array<i32>} : memref<4096xf32, #tpu.memory_space<vmem>>, vector<16xf32>,
      tpu.vector_store %arg8[%swap3A_276], %gather3A_275 {strides = array<i32>} : memref<4096xf32, #tpu.memory_space<vmem>>, vector<16xf32>,
      %broadcast_in_dim3A_278 = arith.constant 8 : i32
      %broadcast_in_dim3A_279 = vector.broadcast %broadcast_in_dim3A_278 : i32 to vector<16xi32>
      %add3A_280 = arith.constant 0 : i32
      %add3A_281 = vector.broadcast %add3A_280 : i32 to vector<16xi32>
      %add3A_282 = arith.addi %add3A_281, %iota3A : vector<16xi32>
      %mul3A_283 = arith.constant 64 : i32
      %mul3A_284 = vector.broadcast %mul3A_283 : i32 to vector<16xi32>
      %mul3A_285 = arith.muli %add3A_282, %mul3A_284 : vector<16xi32>
      %add3A_286 = arith.addi %mul3A_285, %broadcast_in_dim3A_279 : vector<16xi32>
      %gather3A_287 = tpu.vector_load_idx %arg9[%add3A_286] : memref<2048xf32, #tpu.memory_space<vmem>>[vector<16xi32>], vector<16xf32>,
      %swap3A_288 = arith.constant 256 : index
      %swap3A_289 = tpu.vector_load %arg8[%swap3A_288] {strides = array<i32>} : memref<4096xf32, #tpu.memory_space<vmem>>, vector<16xf32>,
      tpu.vector_store %arg8[%swap3A_288], %gather3A_287 {strides = array<i32>} : memref<4096xf32, #tpu.memory_space<vmem>>, vector<16xf32>,
      %add3A_290 = arith.constant 16 : i32
      %add3A_291 = vector.broadcast %add3A_290 : i32 to vector<16xi32>
      %add3A_292 = arith.addi %add3A_291, %iota3A : vector<16xi32>
      %mul3A_293 = arith.constant 64 : i32
      %mul3A_294 = vector.broadcast %mul3A_293 : i32 to vector<16xi32>
      %mul3A_295 = arith.muli %add3A_292, %mul3A_294 : vector<16xi32>
      %add3A_296 = arith.addi %mul3A_295, %broadcast_in_dim3A_279 : vector<16xi32>
      %gather3A_297 = tpu.vector_load_idx %arg9[%add3A_296] : memref<2048xf32, #tpu.memory_space<vmem>>[vector<16xi32>], vector<16xf32>,
      %swap3A_298 = arith.constant 272 : index
      %swap3A_299 = tpu.vector_load %arg8[%swap3A_298] {strides = array<i32>} : memref<4096xf32, #tpu.memory_space<vmem>>, vector<16xf32>,
      tpu.vector_store %arg8[%swap3A_298], %gather3A_297 {strides = array<i32>} : memref<4096xf32, #tpu.memory_space<vmem>>, vector<16xf32>,
      %broadcast_in_dim3A_300 = arith.constant 9 : i32
      %broadcast_in_dim3A_301 = vector.broadcast %broadcast_in_dim3A_300 : i32 to vector<16xi32>
      %add3A_302 = arith.constant 0 : i32
      %add3A_303 = vector.broadcast %add3A_302 : i32 to vector<16xi32>
      %add3A_304 = arith.addi %add3A_303, %iota3A : vector<16xi32>
      %mul3A_305 = arith.constant 64 : i32
      %mul3A_306 = vector.broadcast %mul3A_305 : i32 to vector<16xi32>
      %mul3A_307 = arith.muli %add3A_304, %mul3A_306 : vector<16xi32>
      %add3A_308 = arith.addi %mul3A_307, %broadcast_in_dim3A_301 : vector<16xi32>
      %gather3A_309 = tpu.vector_load_idx %arg9[%add3A_308] : memref<2048xf32, #tpu.memory_space<vmem>>[vector<16xi32>], vector<16xf32>,
      %swap3A_310 = arith.constant 288 : index
      %swap3A_311 = tpu.vector_load %arg8[%swap3A_310] {strides = array<i32>} : memref<4096xf32, #tpu.memory_space<vmem>>, vector<16xf32>,
      tpu.vector_store %arg8[%swap3A_310], %gather3A_309 {strides = array<i32>} : memref<4096xf32, #tpu.memory_space<vmem>>, vector<16xf32>,
      %add3A_312 = arith.constant 16 : i32
      %add3A_313 = vector.broadcast %add3A_312 : i32 to vector<16xi32>
      %add3A_314 = arith.addi %add3A_313, %iota3A : vector<16xi32>
      %mul3A_315 = arith.constant 64 : i32
      %mul3A_316 = vector.broadcast %mul3A_315 : i32 to vector<16xi32>
      %mul3A_317 = arith.muli %add3A_314, %mul3A_316 : vector<16xi32>
      %add3A_318 = arith.addi %mul3A_317, %broadcast_in_dim3A_301 : vector<16xi32>
      %gather3A_319 = tpu.vector_load_idx %arg9[%add3A_318] : memref<2048xf32, #tpu.memory_space<vmem>>[vector<16xi32>], vector<16xf32>,
      %swap3A_320 = arith.constant 304 : index
      %swap3A_321 = tpu.vector_load %arg8[%swap3A_320] {strides = array<i32>} : memref<4096xf32, #tpu.memory_space<vmem>>, vector<16xf32>,
      tpu.vector_store %arg8[%swap3A_320], %gather3A_319 {strides = array<i32>} : memref<4096xf32, #tpu.memory_space<vmem>>, vector<16xf32>,
      %broadcast_in_dim3A_322 = arith.constant 10 : i32
      %broadcast_in_dim3A_323 = vector.broadcast %broadcast_in_dim3A_322 : i32 to vector<16xi32>
      %add3A_324 = arith.constant 0 : i32
      %add3A_325 = vector.broadcast %add3A_324 : i32 to vector<16xi32>
      %add3A_326 = arith.addi %add3A_325, %iota3A : vector<16xi32>
      %mul3A_327 = arith.constant 64 : i32
      %mul3A_328 = vector.broadcast %mul3A_327 : i32 to vector<16xi32>
      %mul3A_329 = arith.muli %add3A_326, %mul3A_328 : vector<16xi32>
      %add3A_330 = arith.addi %mul3A_329, %broadcast_in_dim3A_323 : vector<16xi32>
      %gather3A_331 = tpu.vector_load_idx %arg9[%add3A_330] : memref<2048xf32, #tpu.memory_space<vmem>>[vector<16xi32>], vector<16xf32>,
      %swap3A_332 = arith.constant 320 : index
      %swap3A_333 = tpu.vector_load %arg8[%swap3A_332] {strides = array<i32>} : memref<4096xf32, #tpu.memory_space<vmem>>, vector<16xf32>,
      tpu.vector_store %arg8[%swap3A_332], %gather3A_331 {strides = array<i32>} : memref<4096xf32, #tpu.memory_space<vmem>>, vector<16xf32>,
      %add3A_334 = arith.constant 16 : i32
      %add3A_335 = vector.broadcast %add3A_334 : i32 to vector<16xi32>
      %add3A_336 = arith.addi %add3A_335, %iota3A : vector<16xi32>
      %mul3A_337 = arith.constant 64 : i32
      %mul3A_338 = vector.broadcast %mul3A_337 : i32 to vector<16xi32>
      %mul3A_339 = arith.muli %add3A_336, %mul3A_338 : vector<16xi32>
      %add3A_340 = arith.addi %mul3A_339, %broadcast_in_dim3A_323 : vector<16xi32>
      %gather3A_341 = tpu.vector_load_idx %arg9[%add3A_340] : memref<2048xf32, #tpu.memory_space<vmem>>[vector<16xi32>], vector<16xf32>,
      %swap3A_342 = arith.constant 336 : index
      %swap3A_343 = tpu.vector_load %arg8[%swap3A_342] {strides = array<i32>} : memref<4096xf32, #tpu.memory_space<vmem>>, vector<16xf32>,
      tpu.vector_store %arg8[%swap3A_342], %gather3A_341 {strides = array<i32>} : memref<4096xf32, #tpu.memory_space<vmem>>, vector<16xf32>,
      %broadcast_in_dim3A_344 = arith.constant 11 : i32
      %broadcast_in_dim3A_345 = vector.broadcast %broadcast_in_dim3A_344 : i32 to vector<16xi32>
      %add3A_346 = arith.constant 0 : i32
      %add3A_347 = vector.broadcast %add3A_346 : i32 to vector<16xi32>
      %add3A_348 = arith.addi %add3A_347, %iota3A : vector<16xi32>
      %mul3A_349 = arith.constant 64 : i32
      %mul3A_350 = vector.broadcast %mul3A_349 : i32 to vector<16xi32>
      %mul3A_351 = arith.muli %add3A_348, %mul3A_350 : vector<16xi32>
      %add3A_352 = arith.addi %mul3A_351, %broadcast_in_dim3A_345 : vector<16xi32>
      %gather3A_353 = tpu.vector_load_idx %arg9[%add3A_352] : memref<2048xf32, #tpu.memory_space<vmem>>[vector<16xi32>], vector<16xf32>,
      %swap3A_354 = arith.constant 352 : index
      %swap3A_355 = tpu.vector_load %arg8[%swap3A_354] {strides = array<i32>} : memref<4096xf32, #tpu.memory_space<vmem>>, vector<16xf32>,
      tpu.vector_store %arg8[%swap3A_354], %gather3A_353 {strides = array<i32>} : memref<4096xf32, #tpu.memory_space<vmem>>, vector<16xf32>,
      %add3A_356 = arith.constant 16 : i32
      %add3A_357 = vector.broadcast %add3A_356 : i32 to vector<16xi32>
      %add3A_358 = arith.addi %add3A_357, %iota3A : vector<16xi32>
      %mul3A_359 = arith.constant 64 : i32
      %mul3A_360 = vector.broadcast %mul3A_359 : i32 to vector<16xi32>
      %mul3A_361 = arith.muli %add3A_358, %mul3A_360 : vector<16xi32>
      %add3A_362 = arith.addi %mul3A_361, %broadcast_in_dim3A_345 : vector<16xi32>
      %gather3A_363 = tpu.vector_load_idx %arg9[%add3A_362] : memref<2048xf32, #tpu.memory_space<vmem>>[vector<16xi32>], vector<16xf32>,
      %swap3A_364 = arith.constant 368 : index
      %swap3A_365 = tpu.vector_load %arg8[%swap3A_364] {strides = array<i32>} : memref<4096xf32, #tpu.memory_space<vmem>>, vector<16xf32>,
      tpu.vector_store %arg8[%swap3A_364], %gather3A_363 {strides = array<i32>} : memref<4096xf32, #tpu.memory_space<vmem>>, vector<16xf32>,
      %broadcast_in_dim3A_366 = arith.constant 12 : i32
      %broadcast_in_dim3A_367 = vector.broadcast %broadcast_in_dim3A_366 : i32 to vector<16xi32>
      %add3A_368 = arith.constant 0 : i32
      %add3A_369 = vector.broadcast %add3A_368 : i32 to vector<16xi32>
      %add3A_370 = arith.addi %add3A_369, %iota3A : vector<16xi32>
      %mul3A_371 = arith.constant 64 : i32
      %mul3A_372 = vector.broadcast %mul3A_371 : i32 to vector<16xi32>
      %mul3A_373 = arith.muli %add3A_370, %mul3A_372 : vector<16xi32>
      %add3A_374 = arith.addi %mul3A_373, %broadcast_in_dim3A_367 : vector<16xi32>
      %gather3A_375 = tpu.vector_load_idx %arg9[%add3A_374] : memref<2048xf32, #tpu.memory_space<vmem>>[vector<16xi32>], vector<16xf32>,
      %swap3A_376 = arith.constant 384 : index
      %swap3A_377 = tpu.vector_load %arg8[%swap3A_376] {strides = array<i32>} : memref<4096xf32, #tpu.memory_space<vmem>>, vector<16xf32>,
      tpu.vector_store %arg8[%swap3A_376], %gather3A_375 {strides = array<i32>} : memref<4096xf32, #tpu.memory_space<vmem>>, vector<16xf32>,
      %add3A_378 = arith.constant 16 : i32
      %add3A_379 = vector.broadcast %add3A_378 : i32 to vector<16xi32>
      %add3A_380 = arith.addi %add3A_379, %iota3A : vector<16xi32>
      %mul3A_381 = arith.constant 64 : i32
      %mul3A_382 = vector.broadcast %mul3A_381 : i32 to vector<16xi32>
      %mul3A_383 = arith.muli %add3A_380, %mul3A_382 : vector<16xi32>
      %add3A_384 = arith.addi %mul3A_383, %broadcast_in_dim3A_367 : vector<16xi32>
      %gather3A_385 = tpu.vector_load_idx %arg9[%add3A_384] : memref<2048xf32, #tpu.memory_space<vmem>>[vector<16xi32>], vector<16xf32>,
      %swap3A_386 = arith.constant 400 : index
      %swap3A_387 = tpu.vector_load %arg8[%swap3A_386] {strides = array<i32>} : memref<4096xf32, #tpu.memory_space<vmem>>, vector<16xf32>,
      tpu.vector_store %arg8[%swap3A_386], %gather3A_385 {strides = array<i32>} : memref<4096xf32, #tpu.memory_space<vmem>>, vector<16xf32>,
      %broadcast_in_dim3A_388 = arith.constant 13 : i32
      %broadcast_in_dim3A_389 = vector.broadcast %broadcast_in_dim3A_388 : i32 to vector<16xi32>
      %add3A_390 = arith.constant 0 : i32
      %add3A_391 = vector.broadcast %add3A_390 : i32 to vector<16xi32>
      %add3A_392 = arith.addi %add3A_391, %iota3A : vector<16xi32>
      %mul3A_393 = arith.constant 64 : i32
      %mul3A_394 = vector.broadcast %mul3A_393 : i32 to vector<16xi32>
      %mul3A_395 = arith.muli %add3A_392, %mul3A_394 : vector<16xi32>
      %add3A_396 = arith.addi %mul3A_395, %broadcast_in_dim3A_389 : vector<16xi32>
      %gather3A_397 = tpu.vector_load_idx %arg9[%add3A_396] : memref<2048xf32, #tpu.memory_space<vmem>>[vector<16xi32>], vector<16xf32>,
      %swap3A_398 = arith.constant 416 : index
      %swap3A_399 = tpu.vector_load %arg8[%swap3A_398] {strides = array<i32>} : memref<4096xf32, #tpu.memory_space<vmem>>, vector<16xf32>,
      tpu.vector_store %arg8[%swap3A_398], %gather3A_397 {strides = array<i32>} : memref<4096xf32, #tpu.memory_space<vmem>>, vector<16xf32>,
      %add3A_400 = arith.constant 16 : i32
      %add3A_401 = vector.broadcast %add3A_400 : i32 to vector<16xi32>
      %add3A_402 = arith.addi %add3A_401, %iota3A : vector<16xi32>
      %mul3A_403 = arith.constant 64 : i32
      %mul3A_404 = vector.broadcast %mul3A_403 : i32 to vector<16xi32>
      %mul3A_405 = arith.muli %add3A_402, %mul3A_404 : vector<16xi32>
      %add3A_406 = arith.addi %mul3A_405, %broadcast_in_dim3A_389 : vector<16xi32>
      %gather3A_407 = tpu.vector_load_idx %arg9[%add3A_406] : memref<2048xf32, #tpu.memory_space<vmem>>[vector<16xi32>], vector<16xf32>,
      %swap3A_408 = arith.constant 432 : index
      %swap3A_409 = tpu.vector_load %arg8[%swap3A_408] {strides = array<i32>} : memref<4096xf32, #tpu.memory_space<vmem>>, vector<16xf32>,
      tpu.vector_store %arg8[%swap3A_408], %gather3A_407 {strides = array<i32>} : memref<4096xf32, #tpu.memory_space<vmem>>, vector<16xf32>,
      %broadcast_in_dim3A_410 = arith.constant 14 : i32
      %broadcast_in_dim3A_411 = vector.broadcast %broadcast_in_dim3A_410 : i32 to vector<16xi32>
      %add3A_412 = arith.constant 0 : i32
      %add3A_413 = vector.broadcast %add3A_412 : i32 to vector<16xi32>
      %add3A_414 = arith.addi %add3A_413, %iota3A : vector<16xi32>
      %mul3A_415 = arith.constant 64 : i32
      %mul3A_416 = vector.broadcast %mul3A_415 : i32 to vector<16xi32>
      %mul3A_417 = arith.muli %add3A_414, %mul3A_416 : vector<16xi32>
      %add3A_418 = arith.addi %mul3A_417, %broadcast_in_dim3A_411 : vector<16xi32>
      %gather3A_419 = tpu.vector_load_idx %arg9[%add3A_418] : memref<2048xf32, #tpu.memory_space<vmem>>[vector<16xi32>], vector<16xf32>,
      %swap3A_420 = arith.constant 448 : index
      %swap3A_421 = tpu.vector_load %arg8[%swap3A_420] {strides = array<i32>} : memref<4096xf32, #tpu.memory_space<vmem>>, vector<16xf32>,
      tpu.vector_store %arg8[%swap3A_420], %gather3A_419 {strides = array<i32>} : memref<4096xf32, #tpu.memory_space<vmem>>, vector<16xf32>,
      %add3A_422 = arith.constant 16 : i32
      %add3A_423 = vector.broadcast %add3A_422 : i32 to vector<16xi32>
      %add3A_424 = arith.addi %add3A_423, %iota3A : vector<16xi32>
      %mul3A_425 = arith.constant 64 : i32
      %mul3A_426 = vector.broadcast %mul3A_425 : i32 to vector<16xi32>
      %mul3A_427 = arith.muli %add3A_424, %mul3A_426 : vector<16xi32>
      %add3A_428 = arith.addi %mul3A_427, %broadcast_in_dim3A_411 : vector<16xi32>
      %gather3A_429 = tpu.vector_load_idx %arg9[%add3A_428] : memref<2048xf32, #tpu.memory_space<vmem>>[vector<16xi32>], vector<16xf32>,
      %swap3A_430 = arith.constant 464 : index
      %swap3A_431 = tpu.vector_load %arg8[%swap3A_430] {strides = array<i32>} : memref<4096xf32, #tpu.memory_space<vmem>>, vector<16xf32>,
      tpu.vector_store %arg8[%swap3A_430], %gather3A_429 {strides = array<i32>} : memref<4096xf32, #tpu.memory_space<vmem>>, vector<16xf32>,
      %broadcast_in_dim3A_432 = arith.constant 15 : i32
      %broadcast_in_dim3A_433 = vector.broadcast %broadcast_in_dim3A_432 : i32 to vector<16xi32>
      %add3A_434 = arith.constant 0 : i32
      %add3A_435 = vector.broadcast %add3A_434 : i32 to vector<16xi32>
      %add3A_436 = arith.addi %add3A_435, %iota3A : vector<16xi32>
      %mul3A_437 = arith.constant 64 : i32
      %mul3A_438 = vector.broadcast %mul3A_437 : i32 to vector<16xi32>
      %mul3A_439 = arith.muli %add3A_436, %mul3A_438 : vector<16xi32>
      %add3A_440 = arith.addi %mul3A_439, %broadcast_in_dim3A_433 : vector<16xi32>
      %gather3A_441 = tpu.vector_load_idx %arg9[%add3A_440] : memref<2048xf32, #tpu.memory_space<vmem>>[vector<16xi32>], vector<16xf32>,
      %swap3A_442 = arith.constant 480 : index
      %swap3A_443 = tpu.vector_load %arg8[%swap3A_442] {strides = array<i32>} : memref<4096xf32, #tpu.memory_space<vmem>>, vector<16xf32>,
      tpu.vector_store %arg8[%swap3A_442], %gather3A_441 {strides = array<i32>} : memref<4096xf32, #tpu.memory_space<vmem>>, vector<16xf32>,
      %add3A_444 = arith.constant 16 : i32
      %add3A_445 = vector.broadcast %add3A_444 : i32 to vector<16xi32>
      %add3A_446 = arith.addi %add3A_445, %iota3A : vector<16xi32>
      %mul3A_447 = arith.constant 64 : i32
      %mul3A_448 = vector.broadcast %mul3A_447 : i32 to vector<16xi32>
      %mul3A_449 = arith.muli %add3A_446, %mul3A_448 : vector<16xi32>
      %add3A_450 = arith.addi %mul3A_449, %broadcast_in_dim3A_433 : vector<16xi32>
      %gather3A_451 = tpu.vector_load_idx %arg9[%add3A_450] : memref<2048xf32, #tpu.memory_space<vmem>>[vector<16xi32>], vector<16xf32>,
      %swap3A_452 = arith.constant 496 : index
      %swap3A_453 = tpu.vector_load %arg8[%swap3A_452] {strides = array<i32>} : memref<4096xf32, #tpu.memory_space<vmem>>, vector<16xf32>,
      tpu.vector_store %arg8[%swap3A_452], %gather3A_451 {strides = array<i32>} : memref<4096xf32, #tpu.memory_space<vmem>>, vector<16xf32>,
      %broadcast_in_dim3A_454 = arith.constant 16 : i32
      %broadcast_in_dim3A_455 = vector.broadcast %broadcast_in_dim3A_454 : i32 to vector<16xi32>
      %add3A_456 = arith.constant 0 : i32
      %add3A_457 = vector.broadcast %add3A_456 : i32 to vector<16xi32>
      %add3A_458 = arith.addi %add3A_457, %iota3A : vector<16xi32>
      %mul3A_459 = arith.constant 64 : i32
      %mul3A_460 = vector.broadcast %mul3A_459 : i32 to vector<16xi32>
      %mul3A_461 = arith.muli %add3A_458, %mul3A_460 : vector<16xi32>
      %add3A_462 = arith.addi %mul3A_461, %broadcast_in_dim3A_455 : vector<16xi32>
      %gather3A_463 = tpu.vector_load_idx %arg9[%add3A_462] : memref<2048xf32, #tpu.memory_space<vmem>>[vector<16xi32>], vector<16xf32>,
      %swap3A_464 = arith.constant 512 : index
      %swap3A_465 = tpu.vector_load %arg8[%swap3A_464] {strides = array<i32>} : memref<4096xf32, #tpu.memory_space<vmem>>, vector<16xf32>,
      tpu.vector_store %arg8[%swap3A_464], %gather3A_463 {strides = array<i32>} : memref<4096xf32, #tpu.memory_space<vmem>>, vector<16xf32>,
      %add3A_466 = arith.constant 16 : i32
      %add3A_467 = vector.broadcast %add3A_466 : i32 to vector<16xi32>
      %add3A_468 = arith.addi %add3A_467, %iota3A : vector<16xi32>
      %mul3A_469 = arith.constant 64 : i32
      %mul3A_470 = vector.broadcast %mul3A_469 : i32 to vector<16xi32>
      %mul3A_471 = arith.muli %add3A_468, %mul3A_470 : vector<16xi32>
      %add3A_472 = arith.addi %mul3A_471, %broadcast_in_dim3A_455 : vector<16xi32>
      %gather3A_473 = tpu.vector_load_idx %arg9[%add3A_472] : memref<2048xf32, #tpu.memory_space<vmem>>[vector<16xi32>], vector<16xf32>,
      %swap3A_474 = arith.constant 528 : index
      %swap3A_475 = tpu.vector_load %arg8[%swap3A_474] {strides = array<i32>} : memref<4096xf32, #tpu.memory_space<vmem>>, vector<16xf32>,
      tpu.vector_store %arg8[%swap3A_474], %gather3A_473 {strides = array<i32>} : memref<4096xf32, #tpu.memory_space<vmem>>, vector<16xf32>,
      %broadcast_in_dim3A_476 = arith.constant 17 : i32
      %broadcast_in_dim3A_477 = vector.broadcast %broadcast_in_dim3A_476 : i32 to vector<16xi32>
      %add3A_478 = arith.constant 0 : i32
      %add3A_479 = vector.broadcast %add3A_478 : i32 to vector<16xi32>
      %add3A_480 = arith.addi %add3A_479, %iota3A : vector<16xi32>
      %mul3A_481 = arith.constant 64 : i32
      %mul3A_482 = vector.broadcast %mul3A_481 : i32 to vector<16xi32>
      %mul3A_483 = arith.muli %add3A_480, %mul3A_482 : vector<16xi32>
      %add3A_484 = arith.addi %mul3A_483, %broadcast_in_dim3A_477 : vector<16xi32>
      %gather3A_485 = tpu.vector_load_idx %arg9[%add3A_484] : memref<2048xf32, #tpu.memory_space<vmem>>[vector<16xi32>], vector<16xf32>,
      %swap3A_486 = arith.constant 544 : index
      %swap3A_487 = tpu.vector_load %arg8[%swap3A_486] {strides = array<i32>} : memref<4096xf32, #tpu.memory_space<vmem>>, vector<16xf32>,
      tpu.vector_store %arg8[%swap3A_486], %gather3A_485 {strides = array<i32>} : memref<4096xf32, #tpu.memory_space<vmem>>, vector<16xf32>,
      %add3A_488 = arith.constant 16 : i32
      %add3A_489 = vector.broadcast %add3A_488 : i32 to vector<16xi32>
      %add3A_490 = arith.addi %add3A_489, %iota3A : vector<16xi32>
      %mul3A_491 = arith.constant 64 : i32
      %mul3A_492 = vector.broadcast %mul3A_491 : i32 to vector<16xi32>
      %mul3A_493 = arith.muli %add3A_490, %mul3A_492 : vector<16xi32>
      %add3A_494 = arith.addi %mul3A_493, %broadcast_in_dim3A_477 : vector<16xi32>
      %gather3A_495 = tpu.vector_load_idx %arg9[%add3A_494] : memref<2048xf32, #tpu.memory_space<vmem>>[vector<16xi32>], vector<16xf32>,
      %swap3A_496 = arith.constant 560 : index
      %swap3A_497 = tpu.vector_load %arg8[%swap3A_496] {strides = array<i32>} : memref<4096xf32, #tpu.memory_space<vmem>>, vector<16xf32>,
      tpu.vector_store %arg8[%swap3A_496], %gather3A_495 {strides = array<i32>} : memref<4096xf32, #tpu.memory_space<vmem>>, vector<16xf32>,
      %broadcast_in_dim3A_498 = arith.constant 18 : i32
      %broadcast_in_dim3A_499 = vector.broadcast %broadcast_in_dim3A_498 : i32 to vector<16xi32>
      %add3A_500 = arith.constant 0 : i32
      %add3A_501 = vector.broadcast %add3A_500 : i32 to vector<16xi32>
      %add3A_502 = arith.addi %add3A_501, %iota3A : vector<16xi32>
      %mul3A_503 = arith.constant 64 : i32
      %mul3A_504 = vector.broadcast %mul3A_503 : i32 to vector<16xi32>
      %mul3A_505 = arith.muli %add3A_502, %mul3A_504 : vector<16xi32>
      %add3A_506 = arith.addi %mul3A_505, %broadcast_in_dim3A_499 : vector<16xi32>
      %gather3A_507 = tpu.vector_load_idx %arg9[%add3A_506] : memref<2048xf32, #tpu.memory_space<vmem>>[vector<16xi32>], vector<16xf32>,
      %swap3A_508 = arith.constant 576 : index
      %swap3A_509 = tpu.vector_load %arg8[%swap3A_508] {strides = array<i32>} : memref<4096xf32, #tpu.memory_space<vmem>>, vector<16xf32>,
      tpu.vector_store %arg8[%swap3A_508], %gather3A_507 {strides = array<i32>} : memref<4096xf32, #tpu.memory_space<vmem>>, vector<16xf32>,
      %add3A_510 = arith.constant 16 : i32
      %add3A_511 = vector.broadcast %add3A_510 : i32 to vector<16xi32>
      %add3A_512 = arith.addi %add3A_511, %iota3A : vector<16xi32>
      %mul3A_513 = arith.constant 64 : i32
      %mul3A_514 = vector.broadcast %mul3A_513 : i32 to vector<16xi32>
      %mul3A_515 = arith.muli %add3A_512, %mul3A_514 : vector<16xi32>
      %add3A_516 = arith.addi %mul3A_515, %broadcast_in_dim3A_499 : vector<16xi32>
      %gather3A_517 = tpu.vector_load_idx %arg9[%add3A_516] : memref<2048xf32, #tpu.memory_space<vmem>>[vector<16xi32>], vector<16xf32>,
      %swap3A_518 = arith.constant 592 : index
      %swap3A_519 = tpu.vector_load %arg8[%swap3A_518] {strides = array<i32>} : memref<4096xf32, #tpu.memory_space<vmem>>, vector<16xf32>,
      tpu.vector_store %arg8[%swap3A_518], %gather3A_517 {strides = array<i32>} : memref<4096xf32, #tpu.memory_space<vmem>>, vector<16xf32>,
      %broadcast_in_dim3A_520 = arith.constant 19 : i32
      %broadcast_in_dim3A_521 = vector.broadcast %broadcast_in_dim3A_520 : i32 to vector<16xi32>
      %add3A_522 = arith.constant 0 : i32
      %add3A_523 = vector.broadcast %add3A_522 : i32 to vector<16xi32>
      %add3A_524 = arith.addi %add3A_523, %iota3A : vector<16xi32>
      %mul3A_525 = arith.constant 64 : i32
      %mul3A_526 = vector.broadcast %mul3A_525 : i32 to vector<16xi32>
      %mul3A_527 = arith.muli %add3A_524, %mul3A_526 : vector<16xi32>
      %add3A_528 = arith.addi %mul3A_527, %broadcast_in_dim3A_521 : vector<16xi32>
      %gather3A_529 = tpu.vector_load_idx %arg9[%add3A_528] : memref<2048xf32, #tpu.memory_space<vmem>>[vector<16xi32>], vector<16xf32>,
      %swap3A_530 = arith.constant 608 : index
      %swap3A_531 = tpu.vector_load %arg8[%swap3A_530] {strides = array<i32>} : memref<4096xf32, #tpu.memory_space<vmem>>, vector<16xf32>,
      tpu.vector_store %arg8[%swap3A_530], %gather3A_529 {strides = array<i32>} : memref<4096xf32, #tpu.memory_space<vmem>>, vector<16xf32>,
      %add3A_532 = arith.constant 16 : i32
      %add3A_533 = vector.broadcast %add3A_532 : i32 to vector<16xi32>
      %add3A_534 = arith.addi %add3A_533, %iota3A : vector<16xi32>
      %mul3A_535 = arith.constant 64 : i32
      %mul3A_536 = vector.broadcast %mul3A_535 : i32 to vector<16xi32>
      %mul3A_537 = arith.muli %add3A_534, %mul3A_536 : vector<16xi32>
      %add3A_538 = arith.addi %mul3A_537, %broadcast_in_dim3A_521 : vector<16xi32>
      %gather3A_539 = tpu.vector_load_idx %arg9[%add3A_538] : memref<2048xf32, #tpu.memory_space<vmem>>[vector<16xi32>], vector<16xf32>,
      %swap3A_540 = arith.constant 624 : index
      %swap3A_541 = tpu.vector_load %arg8[%swap3A_540] {strides = array<i32>} : memref<4096xf32, #tpu.memory_space<vmem>>, vector<16xf32>,
      tpu.vector_store %arg8[%swap3A_540], %gather3A_539 {strides = array<i32>} : memref<4096xf32, #tpu.memory_space<vmem>>, vector<16xf32>,
      %broadcast_in_dim3A_542 = arith.constant 20 : i32
      %broadcast_in_dim3A_543 = vector.broadcast %broadcast_in_dim3A_542 : i32 to vector<16xi32>
      %add3A_544 = arith.constant 0 : i32
      %add3A_545 = vector.broadcast %add3A_544 : i32 to vector<16xi32>
      %add3A_546 = arith.addi %add3A_545, %iota3A : vector<16xi32>
      %mul3A_547 = arith.constant 64 : i32
      %mul3A_548 = vector.broadcast %mul3A_547 : i32 to vector<16xi32>
      %mul3A_549 = arith.muli %add3A_546, %mul3A_548 : vector<16xi32>
      %add3A_550 = arith.addi %mul3A_549, %broadcast_in_dim3A_543 : vector<16xi32>
      %gather3A_551 = tpu.vector_load_idx %arg9[%add3A_550] : memref<2048xf32, #tpu.memory_space<vmem>>[vector<16xi32>], vector<16xf32>,
      %swap3A_552 = arith.constant 640 : index
      %swap3A_553 = tpu.vector_load %arg8[%swap3A_552] {strides = array<i32>} : memref<4096xf32, #tpu.memory_space<vmem>>, vector<16xf32>,
      tpu.vector_store %arg8[%swap3A_552], %gather3A_551 {strides = array<i32>} : memref<4096xf32, #tpu.memory_space<vmem>>, vector<16xf32>,
      %add3A_554 = arith.constant 16 : i32
      %add3A_555 = vector.broadcast %add3A_554 : i32 to vector<16xi32>
      %add3A_556 = arith.addi %add3A_555, %iota3A : vector<16xi32>
      %mul3A_557 = arith.constant 64 : i32
      %mul3A_558 = vector.broadcast %mul3A_557 : i32 to vector<16xi32>
      %mul3A_559 = arith.muli %add3A_556, %mul3A_558 : vector<16xi32>
      %add3A_560 = arith.addi %mul3A_559, %broadcast_in_dim3A_543 : vector<16xi32>
      %gather3A_561 = tpu.vector_load_idx %arg9[%add3A_560] : memref<2048xf32, #tpu.memory_space<vmem>>[vector<16xi32>], vector<16xf32>,
      %swap3A_562 = arith.constant 656 : index
      %swap3A_563 = tpu.vector_load %arg8[%swap3A_562] {strides = array<i32>} : memref<4096xf32, #tpu.memory_space<vmem>>, vector<16xf32>,
      tpu.vector_store %arg8[%swap3A_562], %gather3A_561 {strides = array<i32>} : memref<4096xf32, #tpu.memory_space<vmem>>, vector<16xf32>,
      %broadcast_in_dim3A_564 = arith.constant 21 : i32
      %broadcast_in_dim3A_565 = vector.broadcast %broadcast_in_dim3A_564 : i32 to vector<16xi32>
      %add3A_566 = arith.constant 0 : i32
      %add3A_567 = vector.broadcast %add3A_566 : i32 to vector<16xi32>
      %add3A_568 = arith.addi %add3A_567, %iota3A : vector<16xi32>
      %mul3A_569 = arith.constant 64 : i32
      %mul3A_570 = vector.broadcast %mul3A_569 : i32 to vector<16xi32>
      %mul3A_571 = arith.muli %add3A_568, %mul3A_570 : vector<16xi32>
      %add3A_572 = arith.addi %mul3A_571, %broadcast_in_dim3A_565 : vector<16xi32>
      %gather3A_573 = tpu.vector_load_idx %arg9[%add3A_572] : memref<2048xf32, #tpu.memory_space<vmem>>[vector<16xi32>], vector<16xf32>,
      %swap3A_574 = arith.constant 672 : index
      %swap3A_575 = tpu.vector_load %arg8[%swap3A_574] {strides = array<i32>} : memref<4096xf32, #tpu.memory_space<vmem>>, vector<16xf32>,
      tpu.vector_store %arg8[%swap3A_574], %gather3A_573 {strides = array<i32>} : memref<4096xf32, #tpu.memory_space<vmem>>, vector<16xf32>,
      %add3A_576 = arith.constant 16 : i32
      %add3A_577 = vector.broadcast %add3A_576 : i32 to vector<16xi32>
      %add3A_578 = arith.addi %add3A_577, %iota3A : vector<16xi32>
      %mul3A_579 = arith.constant 64 : i32
      %mul3A_580 = vector.broadcast %mul3A_579 : i32 to vector<16xi32>
      %mul3A_581 = arith.muli %add3A_578, %mul3A_580 : vector<16xi32>
      %add3A_582 = arith.addi %mul3A_581, %broadcast_in_dim3A_565 : vector<16xi32>
      %gather3A_583 = tpu.vector_load_idx %arg9[%add3A_582] : memref<2048xf32, #tpu.memory_space<vmem>>[vector<16xi32>], vector<16xf32>,
      %swap3A_584 = arith.constant 688 : index
      %swap3A_585 = tpu.vector_load %arg8[%swap3A_584] {strides = array<i32>} : memref<4096xf32, #tpu.memory_space<vmem>>, vector<16xf32>,
      tpu.vector_store %arg8[%swap3A_584], %gather3A_583 {strides = array<i32>} : memref<4096xf32, #tpu.memory_space<vmem>>, vector<16xf32>,
      %broadcast_in_dim3A_586 = arith.constant 22 : i32
      %broadcast_in_dim3A_587 = vector.broadcast %broadcast_in_dim3A_586 : i32 to vector<16xi32>
      %add3A_588 = arith.constant 0 : i32
      %add3A_589 = vector.broadcast %add3A_588 : i32 to vector<16xi32>
      %add3A_590 = arith.addi %add3A_589, %iota3A : vector<16xi32>
      %mul3A_591 = arith.constant 64 : i32
      %mul3A_592 = vector.broadcast %mul3A_591 : i32 to vector<16xi32>
      %mul3A_593 = arith.muli %add3A_590, %mul3A_592 : vector<16xi32>
      %add3A_594 = arith.addi %mul3A_593, %broadcast_in_dim3A_587 : vector<16xi32>
      %gather3A_595 = tpu.vector_load_idx %arg9[%add3A_594] : memref<2048xf32, #tpu.memory_space<vmem>>[vector<16xi32>], vector<16xf32>,
      %swap3A_596 = arith.constant 704 : index
      %swap3A_597 = tpu.vector_load %arg8[%swap3A_596] {strides = array<i32>} : memref<4096xf32, #tpu.memory_space<vmem>>, vector<16xf32>,
      tpu.vector_store %arg8[%swap3A_596], %gather3A_595 {strides = array<i32>} : memref<4096xf32, #tpu.memory_space<vmem>>, vector<16xf32>,
      %add3A_598 = arith.constant 16 : i32
      %add3A_599 = vector.broadcast %add3A_598 : i32 to vector<16xi32>
      %add3A_600 = arith.addi %add3A_599, %iota3A : vector<16xi32>
      %mul3A_601 = arith.constant 64 : i32
      %mul3A_602 = vector.broadcast %mul3A_601 : i32 to vector<16xi32>
      %mul3A_603 = arith.muli %add3A_600, %mul3A_602 : vector<16xi32>
      %add3A_604 = arith.addi %mul3A_603, %broadcast_in_dim3A_587 : vector<16xi32>
      %gather3A_605 = tpu.vector_load_idx %arg9[%add3A_604] : memref<2048xf32, #tpu.memory_space<vmem>>[vector<16xi32>], vector<16xf32>,
      %swap3A_606 = arith.constant 720 : index
      %swap3A_607 = tpu.vector_load %arg8[%swap3A_606] {strides = array<i32>} : memref<4096xf32, #tpu.memory_space<vmem>>, vector<16xf32>,
      tpu.vector_store %arg8[%swap3A_606], %gather3A_605 {strides = array<i32>} : memref<4096xf32, #tpu.memory_space<vmem>>, vector<16xf32>,
      %broadcast_in_dim3A_608 = arith.constant 23 : i32
      %broadcast_in_dim3A_609 = vector.broadcast %broadcast_in_dim3A_608 : i32 to vector<16xi32>
      %add3A_610 = arith.constant 0 : i32
      %add3A_611 = vector.broadcast %add3A_610 : i32 to vector<16xi32>
      %add3A_612 = arith.addi %add3A_611, %iota3A : vector<16xi32>
      %mul3A_613 = arith.constant 64 : i32
      %mul3A_614 = vector.broadcast %mul3A_613 : i32 to vector<16xi32>
      %mul3A_615 = arith.muli %add3A_612, %mul3A_614 : vector<16xi32>
      %add3A_616 = arith.addi %mul3A_615, %broadcast_in_dim3A_609 : vector<16xi32>
      %gather3A_617 = tpu.vector_load_idx %arg9[%add3A_616] : memref<2048xf32, #tpu.memory_space<vmem>>[vector<16xi32>], vector<16xf32>,
      %swap3A_618 = arith.constant 736 : index
      %swap3A_619 = tpu.vector_load %arg8[%swap3A_618] {strides = array<i32>} : memref<4096xf32, #tpu.memory_space<vmem>>, vector<16xf32>,
      tpu.vector_store %arg8[%swap3A_618], %gather3A_617 {strides = array<i32>} : memref<4096xf32, #tpu.memory_space<vmem>>, vector<16xf32>,
      %add3A_620 = arith.constant 16 : i32
      %add3A_621 = vector.broadcast %add3A_620 : i32 to vector<16xi32>
      %add3A_622 = arith.addi %add3A_621, %iota3A : vector<16xi32>
      %mul3A_623 = arith.constant 64 : i32
      %mul3A_624 = vector.broadcast %mul3A_623 : i32 to vector<16xi32>
      %mul3A_625 = arith.muli %add3A_622, %mul3A_624 : vector<16xi32>
      %add3A_626 = arith.addi %mul3A_625, %broadcast_in_dim3A_609 : vector<16xi32>
      %gather3A_627 = tpu.vector_load_idx %arg9[%add3A_626] : memref<2048xf32, #tpu.memory_space<vmem>>[vector<16xi32>], vector<16xf32>,
      %swap3A_628 = arith.constant 752 : index
      %swap3A_629 = tpu.vector_load %arg8[%swap3A_628] {strides = array<i32>} : memref<4096xf32, #tpu.memory_space<vmem>>, vector<16xf32>,
      tpu.vector_store %arg8[%swap3A_628], %gather3A_627 {strides = array<i32>} : memref<4096xf32, #tpu.memory_space<vmem>>, vector<16xf32>,
      %broadcast_in_dim3A_630 = arith.constant 24 : i32
      %broadcast_in_dim3A_631 = vector.broadcast %broadcast_in_dim3A_630 : i32 to vector<16xi32>
      %add3A_632 = arith.constant 0 : i32
      %add3A_633 = vector.broadcast %add3A_632 : i32 to vector<16xi32>
      %add3A_634 = arith.addi %add3A_633, %iota3A : vector<16xi32>
      %mul3A_635 = arith.constant 64 : i32
      %mul3A_636 = vector.broadcast %mul3A_635 : i32 to vector<16xi32>
      %mul3A_637 = arith.muli %add3A_634, %mul3A_636 : vector<16xi32>
      %add3A_638 = arith.addi %mul3A_637, %broadcast_in_dim3A_631 : vector<16xi32>
      %gather3A_639 = tpu.vector_load_idx %arg9[%add3A_638] : memref<2048xf32, #tpu.memory_space<vmem>>[vector<16xi32>], vector<16xf32>,
      %swap3A_640 = arith.constant 768 : index
      %swap3A_641 = tpu.vector_load %arg8[%swap3A_640] {strides = array<i32>} : memref<4096xf32, #tpu.memory_space<vmem>>, vector<16xf32>,
      tpu.vector_store %arg8[%swap3A_640], %gather3A_639 {strides = array<i32>} : memref<4096xf32, #tpu.memory_space<vmem>>, vector<16xf32>,
      %add3A_642 = arith.constant 16 : i32
      %add3A_643 = vector.broadcast %add3A_642 : i32 to vector<16xi32>
      %add3A_644 = arith.addi %add3A_643, %iota3A : vector<16xi32>
      %mul3A_645 = arith.constant 64 : i32
      %mul3A_646 = vector.broadcast %mul3A_645 : i32 to vector<16xi32>
      %mul3A_647 = arith.muli %add3A_644, %mul3A_646 : vector<16xi32>
      %add3A_648 = arith.addi %mul3A_647, %broadcast_in_dim3A_631 : vector<16xi32>
      %gather3A_649 = tpu.vector_load_idx %arg9[%add3A_648] : memref<2048xf32, #tpu.memory_space<vmem>>[vector<16xi32>], vector<16xf32>,
      %swap3A_650 = arith.constant 784 : index
      %swap3A_651 = tpu.vector_load %arg8[%swap3A_650] {strides = array<i32>} : memref<4096xf32, #tpu.memory_space<vmem>>, vector<16xf32>,
      tpu.vector_store %arg8[%swap3A_650], %gather3A_649 {strides = array<i32>} : memref<4096xf32, #tpu.memory_space<vmem>>, vector<16xf32>,
      %broadcast_in_dim3A_652 = arith.constant 25 : i32
      %broadcast_in_dim3A_653 = vector.broadcast %broadcast_in_dim3A_652 : i32 to vector<16xi32>
      %add3A_654 = arith.constant 0 : i32
      %add3A_655 = vector.broadcast %add3A_654 : i32 to vector<16xi32>
      %add3A_656 = arith.addi %add3A_655, %iota3A : vector<16xi32>
      %mul3A_657 = arith.constant 64 : i32
      %mul3A_658 = vector.broadcast %mul3A_657 : i32 to vector<16xi32>
      %mul3A_659 = arith.muli %add3A_656, %mul3A_658 : vector<16xi32>
      %add3A_660 = arith.addi %mul3A_659, %broadcast_in_dim3A_653 : vector<16xi32>
      %gather3A_661 = tpu.vector_load_idx %arg9[%add3A_660] : memref<2048xf32, #tpu.memory_space<vmem>>[vector<16xi32>], vector<16xf32>,
      %swap3A_662 = arith.constant 800 : index
      %swap3A_663 = tpu.vector_load %arg8[%swap3A_662] {strides = array<i32>} : memref<4096xf32, #tpu.memory_space<vmem>>, vector<16xf32>,
      tpu.vector_store %arg8[%swap3A_662], %gather3A_661 {strides = array<i32>} : memref<4096xf32, #tpu.memory_space<vmem>>, vector<16xf32>,
      %add3A_664 = arith.constant 16 : i32
      %add3A_665 = vector.broadcast %add3A_664 : i32 to vector<16xi32>
      %add3A_666 = arith.addi %add3A_665, %iota3A : vector<16xi32>
      %mul3A_667 = arith.constant 64 : i32
      %mul3A_668 = vector.broadcast %mul3A_667 : i32 to vector<16xi32>
      %mul3A_669 = arith.muli %add3A_666, %mul3A_668 : vector<16xi32>
      %add3A_670 = arith.addi %mul3A_669, %broadcast_in_dim3A_653 : vector<16xi32>
      %gather3A_671 = tpu.vector_load_idx %arg9[%add3A_670] : memref<2048xf32, #tpu.memory_space<vmem>>[vector<16xi32>], vector<16xf32>,
      %swap3A_672 = arith.constant 816 : index
      %swap3A_673 = tpu.vector_load %arg8[%swap3A_672] {strides = array<i32>} : memref<4096xf32, #tpu.memory_space<vmem>>, vector<16xf32>,
      tpu.vector_store %arg8[%swap3A_672], %gather3A_671 {strides = array<i32>} : memref<4096xf32, #tpu.memory_space<vmem>>, vector<16xf32>,
      %broadcast_in_dim3A_674 = arith.constant 26 : i32
      %broadcast_in_dim3A_675 = vector.broadcast %broadcast_in_dim3A_674 : i32 to vector<16xi32>
      %add3A_676 = arith.constant 0 : i32
      %add3A_677 = vector.broadcast %add3A_676 : i32 to vector<16xi32>
      %add3A_678 = arith.addi %add3A_677, %iota3A : vector<16xi32>
      %mul3A_679 = arith.constant 64 : i32
      %mul3A_680 = vector.broadcast %mul3A_679 : i32 to vector<16xi32>
      %mul3A_681 = arith.muli %add3A_678, %mul3A_680 : vector<16xi32>
      %add3A_682 = arith.addi %mul3A_681, %broadcast_in_dim3A_675 : vector<16xi32>
      %gather3A_683 = tpu.vector_load_idx %arg9[%add3A_682] : memref<2048xf32, #tpu.memory_space<vmem>>[vector<16xi32>], vector<16xf32>,
      %swap3A_684 = arith.constant 832 : index
      %swap3A_685 = tpu.vector_load %arg8[%swap3A_684] {strides = array<i32>} : memref<4096xf32, #tpu.memory_space<vmem>>, vector<16xf32>,
      tpu.vector_store %arg8[%swap3A_684], %gather3A_683 {strides = array<i32>} : memref<4096xf32, #tpu.memory_space<vmem>>, vector<16xf32>,
      %add3A_686 = arith.constant 16 : i32
      %add3A_687 = vector.broadcast %add3A_686 : i32 to vector<16xi32>
      %add3A_688 = arith.addi %add3A_687, %iota3A : vector<16xi32>
      %mul3A_689 = arith.constant 64 : i32
      %mul3A_690 = vector.broadcast %mul3A_689 : i32 to vector<16xi32>
      %mul3A_691 = arith.muli %add3A_688, %mul3A_690 : vector<16xi32>
      %add3A_692 = arith.addi %mul3A_691, %broadcast_in_dim3A_675 : vector<16xi32>
      %gather3A_693 = tpu.vector_load_idx %arg9[%add3A_692] : memref<2048xf32, #tpu.memory_space<vmem>>[vector<16xi32>], vector<16xf32>,
      %swap3A_694 = arith.constant 848 : index
      %swap3A_695 = tpu.vector_load %arg8[%swap3A_694] {strides = array<i32>} : memref<4096xf32, #tpu.memory_space<vmem>>, vector<16xf32>,
      tpu.vector_store %arg8[%swap3A_694], %gather3A_693 {strides = array<i32>} : memref<4096xf32, #tpu.memory_space<vmem>>, vector<16xf32>,
      %broadcast_in_dim3A_696 = arith.constant 27 : i32
      %broadcast_in_dim3A_697 = vector.broadcast %broadcast_in_dim3A_696 : i32 to vector<16xi32>
      %add3A_698 = arith.constant 0 : i32
      %add3A_699 = vector.broadcast %add3A_698 : i32 to vector<16xi32>
      %add3A_700 = arith.addi %add3A_699, %iota3A : vector<16xi32>
      %mul3A_701 = arith.constant 64 : i32
      %mul3A_702 = vector.broadcast %mul3A_701 : i32 to vector<16xi32>
      %mul3A_703 = arith.muli %add3A_700, %mul3A_702 : vector<16xi32>
      %add3A_704 = arith.addi %mul3A_703, %broadcast_in_dim3A_697 : vector<16xi32>
      %gather3A_705 = tpu.vector_load_idx %arg9[%add3A_704] : memref<2048xf32, #tpu.memory_space<vmem>>[vector<16xi32>], vector<16xf32>,
      %swap3A_706 = arith.constant 864 : index
      %swap3A_707 = tpu.vector_load %arg8[%swap3A_706] {strides = array<i32>} : memref<4096xf32, #tpu.memory_space<vmem>>, vector<16xf32>,
      tpu.vector_store %arg8[%swap3A_706], %gather3A_705 {strides = array<i32>} : memref<4096xf32, #tpu.memory_space<vmem>>, vector<16xf32>,
      %add3A_708 = arith.constant 16 : i32
      %add3A_709 = vector.broadcast %add3A_708 : i32 to vector<16xi32>
      %add3A_710 = arith.addi %add3A_709, %iota3A : vector<16xi32>
      %mul3A_711 = arith.constant 64 : i32
      %mul3A_712 = vector.broadcast %mul3A_711 : i32 to vector<16xi32>
      %mul3A_713 = arith.muli %add3A_710, %mul3A_712 : vector<16xi32>
      %add3A_714 = arith.addi %mul3A_713, %broadcast_in_dim3A_697 : vector<16xi32>
      %gather3A_715 = tpu.vector_load_idx %arg9[%add3A_714] : memref<2048xf32, #tpu.memory_space<vmem>>[vector<16xi32>], vector<16xf32>,
      %swap3A_716 = arith.constant 880 : index
      %swap3A_717 = tpu.vector_load %arg8[%swap3A_716] {strides = array<i32>} : memref<4096xf32, #tpu.memory_space<vmem>>, vector<16xf32>,
      tpu.vector_store %arg8[%swap3A_716], %gather3A_715 {strides = array<i32>} : memref<4096xf32, #tpu.memory_space<vmem>>, vector<16xf32>,
      %broadcast_in_dim3A_718 = arith.constant 28 : i32
      %broadcast_in_dim3A_719 = vector.broadcast %broadcast_in_dim3A_718 : i32 to vector<16xi32>
      %add3A_720 = arith.constant 0 : i32
      %add3A_721 = vector.broadcast %add3A_720 : i32 to vector<16xi32>
      %add3A_722 = arith.addi %add3A_721, %iota3A : vector<16xi32>
      %mul3A_723 = arith.constant 64 : i32
      %mul3A_724 = vector.broadcast %mul3A_723 : i32 to vector<16xi32>
      %mul3A_725 = arith.muli %add3A_722, %mul3A_724 : vector<16xi32>
      %add3A_726 = arith.addi %mul3A_725, %broadcast_in_dim3A_719 : vector<16xi32>
      %gather3A_727 = tpu.vector_load_idx %arg9[%add3A_726] : memref<2048xf32, #tpu.memory_space<vmem>>[vector<16xi32>], vector<16xf32>,
      %swap3A_728 = arith.constant 896 : index
      %swap3A_729 = tpu.vector_load %arg8[%swap3A_728] {strides = array<i32>} : memref<4096xf32, #tpu.memory_space<vmem>>, vector<16xf32>,
      tpu.vector_store %arg8[%swap3A_728], %gather3A_727 {strides = array<i32>} : memref<4096xf32, #tpu.memory_space<vmem>>, vector<16xf32>,
      %add3A_730 = arith.constant 16 : i32
      %add3A_731 = vector.broadcast %add3A_730 : i32 to vector<16xi32>
      %add3A_732 = arith.addi %add3A_731, %iota3A : vector<16xi32>
      %mul3A_733 = arith.constant 64 : i32
      %mul3A_734 = vector.broadcast %mul3A_733 : i32 to vector<16xi32>
      %mul3A_735 = arith.muli %add3A_732, %mul3A_734 : vector<16xi32>
      %add3A_736 = arith.addi %mul3A_735, %broadcast_in_dim3A_719 : vector<16xi32>
      %gather3A_737 = tpu.vector_load_idx %arg9[%add3A_736] : memref<2048xf32, #tpu.memory_space<vmem>>[vector<16xi32>], vector<16xf32>,
      %swap3A_738 = arith.constant 912 : index
      %swap3A_739 = tpu.vector_load %arg8[%swap3A_738] {strides = array<i32>} : memref<4096xf32, #tpu.memory_space<vmem>>, vector<16xf32>,
      tpu.vector_store %arg8[%swap3A_738], %gather3A_737 {strides = array<i32>} : memref<4096xf32, #tpu.memory_space<vmem>>, vector<16xf32>,
      %broadcast_in_dim3A_740 = arith.constant 29 : i32
      %broadcast_in_dim3A_741 = vector.broadcast %broadcast_in_dim3A_740 : i32 to vector<16xi32>
      %add3A_742 = arith.constant 0 : i32
      %add3A_743 = vector.broadcast %add3A_742 : i32 to vector<16xi32>
      %add3A_744 = arith.addi %add3A_743, %iota3A : vector<16xi32>
      %mul3A_745 = arith.constant 64 : i32
      %mul3A_746 = vector.broadcast %mul3A_745 : i32 to vector<16xi32>
      %mul3A_747 = arith.muli %add3A_744, %mul3A_746 : vector<16xi32>
      %add3A_748 = arith.addi %mul3A_747, %broadcast_in_dim3A_741 : vector<16xi32>
      %gather3A_749 = tpu.vector_load_idx %arg9[%add3A_748] : memref<2048xf32, #tpu.memory_space<vmem>>[vector<16xi32>], vector<16xf32>,
      %swap3A_750 = arith.constant 928 : index
      %swap3A_751 = tpu.vector_load %arg8[%swap3A_750] {strides = array<i32>} : memref<4096xf32, #tpu.memory_space<vmem>>, vector<16xf32>,
      tpu.vector_store %arg8[%swap3A_750], %gather3A_749 {strides = array<i32>} : memref<4096xf32, #tpu.memory_space<vmem>>, vector<16xf32>,
      %add3A_752 = arith.constant 16 : i32
      %add3A_753 = vector.broadcast %add3A_752 : i32 to vector<16xi32>
      %add3A_754 = arith.addi %add3A_753, %iota3A : vector<16xi32>
      %mul3A_755 = arith.constant 64 : i32
      %mul3A_756 = vector.broadcast %mul3A_755 : i32 to vector<16xi32>
      %mul3A_757 = arith.muli %add3A_754, %mul3A_756 : vector<16xi32>
      %add3A_758 = arith.addi %mul3A_757, %broadcast_in_dim3A_741 : vector<16xi32>
      %gather3A_759 = tpu.vector_load_idx %arg9[%add3A_758] : memref<2048xf32, #tpu.memory_space<vmem>>[vector<16xi32>], vector<16xf32>,
      %swap3A_760 = arith.constant 944 : index
      %swap3A_761 = tpu.vector_load %arg8[%swap3A_760] {strides = array<i32>} : memref<4096xf32, #tpu.memory_space<vmem>>, vector<16xf32>,
      tpu.vector_store %arg8[%swap3A_760], %gather3A_759 {strides = array<i32>} : memref<4096xf32, #tpu.memory_space<vmem>>, vector<16xf32>,
      %broadcast_in_dim3A_762 = arith.constant 30 : i32
      %broadcast_in_dim3A_763 = vector.broadcast %broadcast_in_dim3A_762 : i32 to vector<16xi32>
      %add3A_764 = arith.constant 0 : i32
      %add3A_765 = vector.broadcast %add3A_764 : i32 to vector<16xi32>
      %add3A_766 = arith.addi %add3A_765, %iota3A : vector<16xi32>
      %mul3A_767 = arith.constant 64 : i32
      %mul3A_768 = vector.broadcast %mul3A_767 : i32 to vector<16xi32>
      %mul3A_769 = arith.muli %add3A_766, %mul3A_768 : vector<16xi32>
      %add3A_770 = arith.addi %mul3A_769, %broadcast_in_dim3A_763 : vector<16xi32>
      %gather3A_771 = tpu.vector_load_idx %arg9[%add3A_770] : memref<2048xf32, #tpu.memory_space<vmem>>[vector<16xi32>], vector<16xf32>,
      %swap3A_772 = arith.constant 960 : index
      %swap3A_773 = tpu.vector_load %arg8[%swap3A_772] {strides = array<i32>} : memref<4096xf32, #tpu.memory_space<vmem>>, vector<16xf32>,
      tpu.vector_store %arg8[%swap3A_772], %gather3A_771 {strides = array<i32>} : memref<4096xf32, #tpu.memory_space<vmem>>, vector<16xf32>,
      %add3A_774 = arith.constant 16 : i32
      %add3A_775 = vector.broadcast %add3A_774 : i32 to vector<16xi32>
      %add3A_776 = arith.addi %add3A_775, %iota3A : vector<16xi32>
      %mul3A_777 = arith.constant 64 : i32
      %mul3A_778 = vector.broadcast %mul3A_777 : i32 to vector<16xi32>
      %mul3A_779 = arith.muli %add3A_776, %mul3A_778 : vector<16xi32>
      %add3A_780 = arith.addi %mul3A_779, %broadcast_in_dim3A_763 : vector<16xi32>
      %gather3A_781 = tpu.vector_load_idx %arg9[%add3A_780] : memref<2048xf32, #tpu.memory_space<vmem>>[vector<16xi32>], vector<16xf32>,
      %swap3A_782 = arith.constant 976 : index
      %swap3A_783 = tpu.vector_load %arg8[%swap3A_782] {strides = array<i32>} : memref<4096xf32, #tpu.memory_space<vmem>>, vector<16xf32>,
      tpu.vector_store %arg8[%swap3A_782], %gather3A_781 {strides = array<i32>} : memref<4096xf32, #tpu.memory_space<vmem>>, vector<16xf32>,
      %broadcast_in_dim3A_784 = arith.constant 31 : i32
      %broadcast_in_dim3A_785 = vector.broadcast %broadcast_in_dim3A_784 : i32 to vector<16xi32>
      %add3A_786 = arith.constant 0 : i32
      %add3A_787 = vector.broadcast %add3A_786 : i32 to vector<16xi32>
      %add3A_788 = arith.addi %add3A_787, %iota3A : vector<16xi32>
      %mul3A_789 = arith.constant 64 : i32
      %mul3A_790 = vector.broadcast %mul3A_789 : i32 to vector<16xi32>
      %mul3A_791 = arith.muli %add3A_788, %mul3A_790 : vector<16xi32>
      %add3A_792 = arith.addi %mul3A_791, %broadcast_in_dim3A_785 : vector<16xi32>
      %gather3A_793 = tpu.vector_load_idx %arg9[%add3A_792] : memref<2048xf32, #tpu.memory_space<vmem>>[vector<16xi32>], vector<16xf32>,
      %swap3A_794 = arith.constant 992 : index
      %swap3A_795 = tpu.vector_load %arg8[%swap3A_794] {strides = array<i32>} : memref<4096xf32, #tpu.memory_space<vmem>>, vector<16xf32>,
      tpu.vector_store %arg8[%swap3A_794], %gather3A_793 {strides = array<i32>} : memref<4096xf32, #tpu.memory_space<vmem>>, vector<16xf32>,
      %add3A_796 = arith.constant 16 : i32
      %add3A_797 = vector.broadcast %add3A_796 : i32 to vector<16xi32>
      %add3A_798 = arith.addi %add3A_797, %iota3A : vector<16xi32>
      %mul3A_799 = arith.constant 64 : i32
      %mul3A_800 = vector.broadcast %mul3A_799 : i32 to vector<16xi32>
      %mul3A_801 = arith.muli %add3A_798, %mul3A_800 : vector<16xi32>
      %add3A_802 = arith.addi %mul3A_801, %broadcast_in_dim3A_785 : vector<16xi32>
      %gather3A_803 = tpu.vector_load_idx %arg9[%add3A_802] : memref<2048xf32, #tpu.memory_space<vmem>>[vector<16xi32>], vector<16xf32>,
      %swap3A_804 = arith.constant 1008 : index
      %swap3A_805 = tpu.vector_load %arg8[%swap3A_804] {strides = array<i32>} : memref<4096xf32, #tpu.memory_space<vmem>>, vector<16xf32>,
      tpu.vector_store %arg8[%swap3A_804], %gather3A_803 {strides = array<i32>} : memref<4096xf32, #tpu.memory_space<vmem>>, vector<16xf32>,
      %broadcast_in_dim3A_806 = arith.constant 32 : i32
      %broadcast_in_dim3A_807 = vector.broadcast %broadcast_in_dim3A_806 : i32 to vector<16xi32>
      %add3A_808 = arith.constant 0 : i32
      %add3A_809 = vector.broadcast %add3A_808 : i32 to vector<16xi32>
      %add3A_810 = arith.addi %add3A_809, %iota3A : vector<16xi32>
      %mul3A_811 = arith.constant 64 : i32
      %mul3A_812 = vector.broadcast %mul3A_811 : i32 to vector<16xi32>
      %mul3A_813 = arith.muli %add3A_810, %mul3A_812 : vector<16xi32>
      %add3A_814 = arith.addi %mul3A_813, %broadcast_in_dim3A_807 : vector<16xi32>
      %gather3A_815 = tpu.vector_load_idx %arg9[%add3A_814] : memref<2048xf32, #tpu.memory_space<vmem>>[vector<16xi32>], vector<16xf32>,
      %swap3A_816 = arith.constant 1024 : index
      %swap3A_817 = tpu.vector_load %arg8[%swap3A_816] {strides = array<i32>} : memref<4096xf32, #tpu.memory_space<vmem>>, vector<16xf32>,
      tpu.vector_store %arg8[%swap3A_816], %gather3A_815 {strides = array<i32>} : memref<4096xf32, #tpu.memory_space<vmem>>, vector<16xf32>,
      %add3A_818 = arith.constant 16 : i32
      %add3A_819 = vector.broadcast %add3A_818 : i32 to vector<16xi32>
      %add3A_820 = arith.addi %add3A_819, %iota3A : vector<16xi32>
      %mul3A_821 = arith.constant 64 : i32
      %mul3A_822 = vector.broadcast %mul3A_821 : i32 to vector<16xi32>
      %mul3A_823 = arith.muli %add3A_820, %mul3A_822 : vector<16xi32>
      %add3A_824 = arith.addi %mul3A_823, %broadcast_in_dim3A_807 : vector<16xi32>
      %gather3A_825 = tpu.vector_load_idx %arg9[%add3A_824] : memref<2048xf32, #tpu.memory_space<vmem>>[vector<16xi32>], vector<16xf32>,
      %swap3A_826 = arith.constant 1040 : index
      %swap3A_827 = tpu.vector_load %arg8[%swap3A_826] {strides = array<i32>} : memref<4096xf32, #tpu.memory_space<vmem>>, vector<16xf32>,
      tpu.vector_store %arg8[%swap3A_826], %gather3A_825 {strides = array<i32>} : memref<4096xf32, #tpu.memory_space<vmem>>, vector<16xf32>,
      %broadcast_in_dim3A_828 = arith.constant 33 : i32
      %broadcast_in_dim3A_829 = vector.broadcast %broadcast_in_dim3A_828 : i32 to vector<16xi32>
      %add3A_830 = arith.constant 0 : i32
      %add3A_831 = vector.broadcast %add3A_830 : i32 to vector<16xi32>
      %add3A_832 = arith.addi %add3A_831, %iota3A : vector<16xi32>
      %mul3A_833 = arith.constant 64 : i32
      %mul3A_834 = vector.broadcast %mul3A_833 : i32 to vector<16xi32>
      %mul3A_835 = arith.muli %add3A_832, %mul3A_834 : vector<16xi32>
      %add3A_836 = arith.addi %mul3A_835, %broadcast_in_dim3A_829 : vector<16xi32>
      %gather3A_837 = tpu.vector_load_idx %arg9[%add3A_836] : memref<2048xf32, #tpu.memory_space<vmem>>[vector<16xi32>], vector<16xf32>,
      %swap3A_838 = arith.constant 1056 : index
      %swap3A_839 = tpu.vector_load %arg8[%swap3A_838] {strides = array<i32>} : memref<4096xf32, #tpu.memory_space<vmem>>, vector<16xf32>,
      tpu.vector_store %arg8[%swap3A_838], %gather3A_837 {strides = array<i32>} : memref<4096xf32, #tpu.memory_space<vmem>>, vector<16xf32>,
      %add3A_840 = arith.constant 16 : i32
      %add3A_841 = vector.broadcast %add3A_840 : i32 to vector<16xi32>
      %add3A_842 = arith.addi %add3A_841, %iota3A : vector<16xi32>
      %mul3A_843 = arith.constant 64 : i32
      %mul3A_844 = vector.broadcast %mul3A_843 : i32 to vector<16xi32>
      %mul3A_845 = arith.muli %add3A_842, %mul3A_844 : vector<16xi32>
      %add3A_846 = arith.addi %mul3A_845, %broadcast_in_dim3A_829 : vector<16xi32>
      %gather3A_847 = tpu.vector_load_idx %arg9[%add3A_846] : memref<2048xf32, #tpu.memory_space<vmem>>[vector<16xi32>], vector<16xf32>,
      %swap3A_848 = arith.constant 1072 : index
      %swap3A_849 = tpu.vector_load %arg8[%swap3A_848] {strides = array<i32>} : memref<4096xf32, #tpu.memory_space<vmem>>, vector<16xf32>,
      tpu.vector_store %arg8[%swap3A_848], %gather3A_847 {strides = array<i32>} : memref<4096xf32, #tpu.memory_space<vmem>>, vector<16xf32>,
      %broadcast_in_dim3A_850 = arith.constant 34 : i32
      %broadcast_in_dim3A_851 = vector.broadcast %broadcast_in_dim3A_850 : i32 to vector<16xi32>
      %add3A_852 = arith.constant 0 : i32
      %add3A_853 = vector.broadcast %add3A_852 : i32 to vector<16xi32>
      %add3A_854 = arith.addi %add3A_853, %iota3A : vector<16xi32>
      %mul3A_855 = arith.constant 64 : i32
      %mul3A_856 = vector.broadcast %mul3A_855 : i32 to vector<16xi32>
      %mul3A_857 = arith.muli %add3A_854, %mul3A_856 : vector<16xi32>
      %add3A_858 = arith.addi %mul3A_857, %broadcast_in_dim3A_851 : vector<16xi32>
      %gather3A_859 = tpu.vector_load_idx %arg9[%add3A_858] : memref<2048xf32, #tpu.memory_space<vmem>>[vector<16xi32>], vector<16xf32>,
      %swap3A_860 = arith.constant 1088 : index
      %swap3A_861 = tpu.vector_load %arg8[%swap3A_860] {strides = array<i32>} : memref<4096xf32, #tpu.memory_space<vmem>>, vector<16xf32>,
      tpu.vector_store %arg8[%swap3A_860], %gather3A_859 {strides = array<i32>} : memref<4096xf32, #tpu.memory_space<vmem>>, vector<16xf32>,
      %add3A_862 = arith.constant 16 : i32
      %add3A_863 = vector.broadcast %add3A_862 : i32 to vector<16xi32>
      %add3A_864 = arith.addi %add3A_863, %iota3A : vector<16xi32>
      %mul3A_865 = arith.constant 64 : i32
      %mul3A_866 = vector.broadcast %mul3A_865 : i32 to vector<16xi32>
      %mul3A_867 = arith.muli %add3A_864, %mul3A_866 : vector<16xi32>
      %add3A_868 = arith.addi %mul3A_867, %broadcast_in_dim3A_851 : vector<16xi32>
      %gather3A_869 = tpu.vector_load_idx %arg9[%add3A_868] : memref<2048xf32, #tpu.memory_space<vmem>>[vector<16xi32>], vector<16xf32>,
      %swap3A_870 = arith.constant 1104 : index
      %swap3A_871 = tpu.vector_load %arg8[%swap3A_870] {strides = array<i32>} : memref<4096xf32, #tpu.memory_space<vmem>>, vector<16xf32>,
      tpu.vector_store %arg8[%swap3A_870], %gather3A_869 {strides = array<i32>} : memref<4096xf32, #tpu.memory_space<vmem>>, vector<16xf32>,
      %broadcast_in_dim3A_872 = arith.constant 35 : i32
      %broadcast_in_dim3A_873 = vector.broadcast %broadcast_in_dim3A_872 : i32 to vector<16xi32>
      %add3A_874 = arith.constant 0 : i32
      %add3A_875 = vector.broadcast %add3A_874 : i32 to vector<16xi32>
      %add3A_876 = arith.addi %add3A_875, %iota3A : vector<16xi32>
      %mul3A_877 = arith.constant 64 : i32
      %mul3A_878 = vector.broadcast %mul3A_877 : i32 to vector<16xi32>
      %mul3A_879 = arith.muli %add3A_876, %mul3A_878 : vector<16xi32>
      %add3A_880 = arith.addi %mul3A_879, %broadcast_in_dim3A_873 : vector<16xi32>
      %gather3A_881 = tpu.vector_load_idx %arg9[%add3A_880] : memref<2048xf32, #tpu.memory_space<vmem>>[vector<16xi32>], vector<16xf32>,
      %swap3A_882 = arith.constant 1120 : index
      %swap3A_883 = tpu.vector_load %arg8[%swap3A_882] {strides = array<i32>} : memref<4096xf32, #tpu.memory_space<vmem>>, vector<16xf32>,
      tpu.vector_store %arg8[%swap3A_882], %gather3A_881 {strides = array<i32>} : memref<4096xf32, #tpu.memory_space<vmem>>, vector<16xf32>,
      %add3A_884 = arith.constant 16 : i32
      %add3A_885 = vector.broadcast %add3A_884 : i32 to vector<16xi32>
      %add3A_886 = arith.addi %add3A_885, %iota3A : vector<16xi32>
      %mul3A_887 = arith.constant 64 : i32
      %mul3A_888 = vector.broadcast %mul3A_887 : i32 to vector<16xi32>
      %mul3A_889 = arith.muli %add3A_886, %mul3A_888 : vector<16xi32>
      %add3A_890 = arith.addi %mul3A_889, %broadcast_in_dim3A_873 : vector<16xi32>
      %gather3A_891 = tpu.vector_load_idx %arg9[%add3A_890] : memref<2048xf32, #tpu.memory_space<vmem>>[vector<16xi32>], vector<16xf32>,
      %swap3A_892 = arith.constant 1136 : index
      %swap3A_893 = tpu.vector_load %arg8[%swap3A_892] {strides = array<i32>} : memref<4096xf32, #tpu.memory_space<vmem>>, vector<16xf32>,
      tpu.vector_store %arg8[%swap3A_892], %gather3A_891 {strides = array<i32>} : memref<4096xf32, #tpu.memory_space<vmem>>, vector<16xf32>,
      %broadcast_in_dim3A_894 = arith.constant 36 : i32
      %broadcast_in_dim3A_895 = vector.broadcast %broadcast_in_dim3A_894 : i32 to vector<16xi32>
      %add3A_896 = arith.constant 0 : i32
      %add3A_897 = vector.broadcast %add3A_896 : i32 to vector<16xi32>
      %add3A_898 = arith.addi %add3A_897, %iota3A : vector<16xi32>
      %mul3A_899 = arith.constant 64 : i32
      %mul3A_900 = vector.broadcast %mul3A_899 : i32 to vector<16xi32>
      %mul3A_901 = arith.muli %add3A_898, %mul3A_900 : vector<16xi32>
      %add3A_902 = arith.addi %mul3A_901, %broadcast_in_dim3A_895 : vector<16xi32>
      %gather3A_903 = tpu.vector_load_idx %arg9[%add3A_902] : memref<2048xf32, #tpu.memory_space<vmem>>[vector<16xi32>], vector<16xf32>,
      %swap3A_904 = arith.constant 1152 : index
      %swap3A_905 = tpu.vector_load %arg8[%swap3A_904] {strides = array<i32>} : memref<4096xf32, #tpu.memory_space<vmem>>, vector<16xf32>,
      tpu.vector_store %arg8[%swap3A_904], %gather3A_903 {strides = array<i32>} : memref<4096xf32, #tpu.memory_space<vmem>>, vector<16xf32>,
      %add3A_906 = arith.constant 16 : i32
      %add3A_907 = vector.broadcast %add3A_906 : i32 to vector<16xi32>
      %add3A_908 = arith.addi %add3A_907, %iota3A : vector<16xi32>
      %mul3A_909 = arith.constant 64 : i32
      %mul3A_910 = vector.broadcast %mul3A_909 : i32 to vector<16xi32>
      %mul3A_911 = arith.muli %add3A_908, %mul3A_910 : vector<16xi32>
      %add3A_912 = arith.addi %mul3A_911, %broadcast_in_dim3A_895 : vector<16xi32>
      %gather3A_913 = tpu.vector_load_idx %arg9[%add3A_912] : memref<2048xf32, #tpu.memory_space<vmem>>[vector<16xi32>], vector<16xf32>,
      %swap3A_914 = arith.constant 1168 : index
      %swap3A_915 = tpu.vector_load %arg8[%swap3A_914] {strides = array<i32>} : memref<4096xf32, #tpu.memory_space<vmem>>, vector<16xf32>,
      tpu.vector_store %arg8[%swap3A_914], %gather3A_913 {strides = array<i32>} : memref<4096xf32, #tpu.memory_space<vmem>>, vector<16xf32>,
      %broadcast_in_dim3A_916 = arith.constant 37 : i32
      %broadcast_in_dim3A_917 = vector.broadcast %broadcast_in_dim3A_916 : i32 to vector<16xi32>
      %add3A_918 = arith.constant 0 : i32
      %add3A_919 = vector.broadcast %add3A_918 : i32 to vector<16xi32>
      %add3A_920 = arith.addi %add3A_919, %iota3A : vector<16xi32>
      %mul3A_921 = arith.constant 64 : i32
      %mul3A_922 = vector.broadcast %mul3A_921 : i32 to vector<16xi32>
      %mul3A_923 = arith.muli %add3A_920, %mul3A_922 : vector<16xi32>
      %add3A_924 = arith.addi %mul3A_923, %broadcast_in_dim3A_917 : vector<16xi32>
      %gather3A_925 = tpu.vector_load_idx %arg9[%add3A_924] : memref<2048xf32, #tpu.memory_space<vmem>>[vector<16xi32>], vector<16xf32>,
      %swap3A_926 = arith.constant 1184 : index
      %swap3A_927 = tpu.vector_load %arg8[%swap3A_926] {strides = array<i32>} : memref<4096xf32, #tpu.memory_space<vmem>>, vector<16xf32>,
      tpu.vector_store %arg8[%swap3A_926], %gather3A_925 {strides = array<i32>} : memref<4096xf32, #tpu.memory_space<vmem>>, vector<16xf32>,
      %add3A_928 = arith.constant 16 : i32
      %add3A_929 = vector.broadcast %add3A_928 : i32 to vector<16xi32>
      %add3A_930 = arith.addi %add3A_929, %iota3A : vector<16xi32>
      %mul3A_931 = arith.constant 64 : i32
      %mul3A_932 = vector.broadcast %mul3A_931 : i32 to vector<16xi32>
      %mul3A_933 = arith.muli %add3A_930, %mul3A_932 : vector<16xi32>
      %add3A_934 = arith.addi %mul3A_933, %broadcast_in_dim3A_917 : vector<16xi32>
      %gather3A_935 = tpu.vector_load_idx %arg9[%add3A_934] : memref<2048xf32, #tpu.memory_space<vmem>>[vector<16xi32>], vector<16xf32>,
      %swap3A_936 = arith.constant 1200 : index
      %swap3A_937 = tpu.vector_load %arg8[%swap3A_936] {strides = array<i32>} : memref<4096xf32, #tpu.memory_space<vmem>>, vector<16xf32>,
      tpu.vector_store %arg8[%swap3A_936], %gather3A_935 {strides = array<i32>} : memref<4096xf32, #tpu.memory_space<vmem>>, vector<16xf32>,
      %broadcast_in_dim3A_938 = arith.constant 38 : i32
      %broadcast_in_dim3A_939 = vector.broadcast %broadcast_in_dim3A_938 : i32 to vector<16xi32>
      %add3A_940 = arith.constant 0 : i32
      %add3A_941 = vector.broadcast %add3A_940 : i32 to vector<16xi32>
      %add3A_942 = arith.addi %add3A_941, %iota3A : vector<16xi32>
      %mul3A_943 = arith.constant 64 : i32
      %mul3A_944 = vector.broadcast %mul3A_943 : i32 to vector<16xi32>
      %mul3A_945 = arith.muli %add3A_942, %mul3A_944 : vector<16xi32>
      %add3A_946 = arith.addi %mul3A_945, %broadcast_in_dim3A_939 : vector<16xi32>
      %gather3A_947 = tpu.vector_load_idx %arg9[%add3A_946] : memref<2048xf32, #tpu.memory_space<vmem>>[vector<16xi32>], vector<16xf32>,
      %swap3A_948 = arith.constant 1216 : index
      %swap3A_949 = tpu.vector_load %arg8[%swap3A_948] {strides = array<i32>} : memref<4096xf32, #tpu.memory_space<vmem>>, vector<16xf32>,
      tpu.vector_store %arg8[%swap3A_948], %gather3A_947 {strides = array<i32>} : memref<4096xf32, #tpu.memory_space<vmem>>, vector<16xf32>,
      %add3A_950 = arith.constant 16 : i32
      %add3A_951 = vector.broadcast %add3A_950 : i32 to vector<16xi32>
      %add3A_952 = arith.addi %add3A_951, %iota3A : vector<16xi32>
      %mul3A_953 = arith.constant 64 : i32
      %mul3A_954 = vector.broadcast %mul3A_953 : i32 to vector<16xi32>
      %mul3A_955 = arith.muli %add3A_952, %mul3A_954 : vector<16xi32>
      %add3A_956 = arith.addi %mul3A_955, %broadcast_in_dim3A_939 : vector<16xi32>
      %gather3A_957 = tpu.vector_load_idx %arg9[%add3A_956] : memref<2048xf32, #tpu.memory_space<vmem>>[vector<16xi32>], vector<16xf32>,
      %swap3A_958 = arith.constant 1232 : index
      %swap3A_959 = tpu.vector_load %arg8[%swap3A_958] {strides = array<i32>} : memref<4096xf32, #tpu.memory_space<vmem>>, vector<16xf32>,
      tpu.vector_store %arg8[%swap3A_958], %gather3A_957 {strides = array<i32>} : memref<4096xf32, #tpu.memory_space<vmem>>, vector<16xf32>,
      %broadcast_in_dim3A_960 = arith.constant 39 : i32
      %broadcast_in_dim3A_961 = vector.broadcast %broadcast_in_dim3A_960 : i32 to vector<16xi32>
      %add3A_962 = arith.constant 0 : i32
      %add3A_963 = vector.broadcast %add3A_962 : i32 to vector<16xi32>
      %add3A_964 = arith.addi %add3A_963, %iota3A : vector<16xi32>
      %mul3A_965 = arith.constant 64 : i32
      %mul3A_966 = vector.broadcast %mul3A_965 : i32 to vector<16xi32>
      %mul3A_967 = arith.muli %add3A_964, %mul3A_966 : vector<16xi32>
      %add3A_968 = arith.addi %mul3A_967, %broadcast_in_dim3A_961 : vector<16xi32>
      %gather3A_969 = tpu.vector_load_idx %arg9[%add3A_968] : memref<2048xf32, #tpu.memory_space<vmem>>[vector<16xi32>], vector<16xf32>,
      %swap3A_970 = arith.constant 1248 : index
      %swap3A_971 = tpu.vector_load %arg8[%swap3A_970] {strides = array<i32>} : memref<4096xf32, #tpu.memory_space<vmem>>, vector<16xf32>,
      tpu.vector_store %arg8[%swap3A_970], %gather3A_969 {strides = array<i32>} : memref<4096xf32, #tpu.memory_space<vmem>>, vector<16xf32>,
      %add3A_972 = arith.constant 16 : i32
      %add3A_973 = vector.broadcast %add3A_972 : i32 to vector<16xi32>
      %add3A_974 = arith.addi %add3A_973, %iota3A : vector<16xi32>
      %mul3A_975 = arith.constant 64 : i32
      %mul3A_976 = vector.broadcast %mul3A_975 : i32 to vector<16xi32>
      %mul3A_977 = arith.muli %add3A_974, %mul3A_976 : vector<16xi32>
      %add3A_978 = arith.addi %mul3A_977, %broadcast_in_dim3A_961 : vector<16xi32>
      %gather3A_979 = tpu.vector_load_idx %arg9[%add3A_978] : memref<2048xf32, #tpu.memory_space<vmem>>[vector<16xi32>], vector<16xf32>,
      %swap3A_980 = arith.constant 1264 : index
      %swap3A_981 = tpu.vector_load %arg8[%swap3A_980] {strides = array<i32>} : memref<4096xf32, #tpu.memory_space<vmem>>, vector<16xf32>,
      tpu.vector_store %arg8[%swap3A_980], %gather3A_979 {strides = array<i32>} : memref<4096xf32, #tpu.memory_space<vmem>>, vector<16xf32>,
      %broadcast_in_dim3A_982 = arith.constant 40 : i32
      %broadcast_in_dim3A_983 = vector.broadcast %broadcast_in_dim3A_982 : i32 to vector<16xi32>
      %add3A_984 = arith.constant 0 : i32
      %add3A_985 = vector.broadcast %add3A_984 : i32 to vector<16xi32>
      %add3A_986 = arith.addi %add3A_985, %iota3A : vector<16xi32>
      %mul3A_987 = arith.constant 64 : i32
      %mul3A_988 = vector.broadcast %mul3A_987 : i32 to vector<16xi32>
      %mul3A_989 = arith.muli %add3A_986, %mul3A_988 : vector<16xi32>
      %add3A_990 = arith.addi %mul3A_989, %broadcast_in_dim3A_983 : vector<16xi32>
      %gather3A_991 = tpu.vector_load_idx %arg9[%add3A_990] : memref<2048xf32, #tpu.memory_space<vmem>>[vector<16xi32>], vector<16xf32>,
      %swap3A_992 = arith.constant 1280 : index
      %swap3A_993 = tpu.vector_load %arg8[%swap3A_992] {strides = array<i32>} : memref<4096xf32, #tpu.memory_space<vmem>>, vector<16xf32>,
      tpu.vector_store %arg8[%swap3A_992], %gather3A_991 {strides = array<i32>} : memref<4096xf32, #tpu.memory_space<vmem>>, vector<16xf32>,
      %add3A_994 = arith.constant 16 : i32
      %add3A_995 = vector.broadcast %add3A_994 : i32 to vector<16xi32>
      %add3A_996 = arith.addi %add3A_995, %iota3A : vector<16xi32>
      %mul3A_997 = arith.constant 64 : i32
      %mul3A_998 = vector.broadcast %mul3A_997 : i32 to vector<16xi32>
      %mul3A_999 = arith.muli %add3A_996, %mul3A_998 : vector<16xi32>
      %add3A_1000 = arith.addi %mul3A_999, %broadcast_in_dim3A_983 : vector<16xi32>
      %gather3A_1001 = tpu.vector_load_idx %arg9[%add3A_1000] : memref<2048xf32, #tpu.memory_space<vmem>>[vector<16xi32>], vector<16xf32>,
      %swap3A_1002 = arith.constant 1296 : index
      %swap3A_1003 = tpu.vector_load %arg8[%swap3A_1002] {strides = array<i32>} : memref<4096xf32, #tpu.memory_space<vmem>>, vector<16xf32>,
      tpu.vector_store %arg8[%swap3A_1002], %gather3A_1001 {strides = array<i32>} : memref<4096xf32, #tpu.memory_space<vmem>>, vector<16xf32>,
      %broadcast_in_dim3A_1004 = arith.constant 41 : i32
      %broadcast_in_dim3A_1005 = vector.broadcast %broadcast_in_dim3A_1004 : i32 to vector<16xi32>
      %add3A_1006 = arith.constant 0 : i32
      %add3A_1007 = vector.broadcast %add3A_1006 : i32 to vector<16xi32>
      %add3A_1008 = arith.addi %add3A_1007, %iota3A : vector<16xi32>
      %mul3A_1009 = arith.constant 64 : i32
      %mul3A_1010 = vector.broadcast %mul3A_1009 : i32 to vector<16xi32>
      %mul3A_1011 = arith.muli %add3A_1008, %mul3A_1010 : vector<16xi32>
      %add3A_1012 = arith.addi %mul3A_1011, %broadcast_in_dim3A_1005 : vector<16xi32>
      %gather3A_1013 = tpu.vector_load_idx %arg9[%add3A_1012] : memref<2048xf32, #tpu.memory_space<vmem>>[vector<16xi32>], vector<16xf32>,
      %swap3A_1014 = arith.constant 1312 : index
      %swap3A_1015 = tpu.vector_load %arg8[%swap3A_1014] {strides = array<i32>} : memref<4096xf32, #tpu.memory_space<vmem>>, vector<16xf32>,
      tpu.vector_store %arg8[%swap3A_1014], %gather3A_1013 {strides = array<i32>} : memref<4096xf32, #tpu.memory_space<vmem>>, vector<16xf32>,
      %add3A_1016 = arith.constant 16 : i32
      %add3A_1017 = vector.broadcast %add3A_1016 : i32 to vector<16xi32>
      %add3A_1018 = arith.addi %add3A_1017, %iota3A : vector<16xi32>
      %mul3A_1019 = arith.constant 64 : i32
      %mul3A_1020 = vector.broadcast %mul3A_1019 : i32 to vector<16xi32>
      %mul3A_1021 = arith.muli %add3A_1018, %mul3A_1020 : vector<16xi32>
      %add3A_1022 = arith.addi %mul3A_1021, %broadcast_in_dim3A_1005 : vector<16xi32>
      %gather3A_1023 = tpu.vector_load_idx %arg9[%add3A_1022] : memref<2048xf32, #tpu.memory_space<vmem>>[vector<16xi32>], vector<16xf32>,
      %swap3A_1024 = arith.constant 1328 : index
      %swap3A_1025 = tpu.vector_load %arg8[%swap3A_1024] {strides = array<i32>} : memref<4096xf32, #tpu.memory_space<vmem>>, vector<16xf32>,
      tpu.vector_store %arg8[%swap3A_1024], %gather3A_1023 {strides = array<i32>} : memref<4096xf32, #tpu.memory_space<vmem>>, vector<16xf32>,
      %broadcast_in_dim3A_1026 = arith.constant 42 : i32
      %broadcast_in_dim3A_1027 = vector.broadcast %broadcast_in_dim3A_1026 : i32 to vector<16xi32>
      %add3A_1028 = arith.constant 0 : i32
      %add3A_1029 = vector.broadcast %add3A_1028 : i32 to vector<16xi32>
      %add3A_1030 = arith.addi %add3A_1029, %iota3A : vector<16xi32>
      %mul3A_1031 = arith.constant 64 : i32
      %mul3A_1032 = vector.broadcast %mul3A_1031 : i32 to vector<16xi32>
      %mul3A_1033 = arith.muli %add3A_1030, %mul3A_1032 : vector<16xi32>
      %add3A_1034 = arith.addi %mul3A_1033, %broadcast_in_dim3A_1027 : vector<16xi32>
      %gather3A_1035 = tpu.vector_load_idx %arg9[%add3A_1034] : memref<2048xf32, #tpu.memory_space<vmem>>[vector<16xi32>], vector<16xf32>,
      %swap3A_1036 = arith.constant 1344 : index
      %swap3A_1037 = tpu.vector_load %arg8[%swap3A_1036] {strides = array<i32>} : memref<4096xf32, #tpu.memory_space<vmem>>, vector<16xf32>,
      tpu.vector_store %arg8[%swap3A_1036], %gather3A_1035 {strides = array<i32>} : memref<4096xf32, #tpu.memory_space<vmem>>, vector<16xf32>,
      %add3A_1038 = arith.constant 16 : i32
      %add3A_1039 = vector.broadcast %add3A_1038 : i32 to vector<16xi32>
      %add3A_1040 = arith.addi %add3A_1039, %iota3A : vector<16xi32>
      %mul3A_1041 = arith.constant 64 : i32
      %mul3A_1042 = vector.broadcast %mul3A_1041 : i32 to vector<16xi32>
      %mul3A_1043 = arith.muli %add3A_1040, %mul3A_1042 : vector<16xi32>
      %add3A_1044 = arith.addi %mul3A_1043, %broadcast_in_dim3A_1027 : vector<16xi32>
      %gather3A_1045 = tpu.vector_load_idx %arg9[%add3A_1044] : memref<2048xf32, #tpu.memory_space<vmem>>[vector<16xi32>], vector<16xf32>,
      %swap3A_1046 = arith.constant 1360 : index
      %swap3A_1047 = tpu.vector_load %arg8[%swap3A_1046] {strides = array<i32>} : memref<4096xf32, #tpu.memory_space<vmem>>, vector<16xf32>,
      tpu.vector_store %arg8[%swap3A_1046], %gather3A_1045 {strides = array<i32>} : memref<4096xf32, #tpu.memory_space<vmem>>, vector<16xf32>,
      %broadcast_in_dim3A_1048 = arith.constant 43 : i32
      %broadcast_in_dim3A_1049 = vector.broadcast %broadcast_in_dim3A_1048 : i32 to vector<16xi32>
      %add3A_1050 = arith.constant 0 : i32
      %add3A_1051 = vector.broadcast %add3A_1050 : i32 to vector<16xi32>
      %add3A_1052 = arith.addi %add3A_1051, %iota3A : vector<16xi32>
      %mul3A_1053 = arith.constant 64 : i32
      %mul3A_1054 = vector.broadcast %mul3A_1053 : i32 to vector<16xi32>
      %mul3A_1055 = arith.muli %add3A_1052, %mul3A_1054 : vector<16xi32>
      %add3A_1056 = arith.addi %mul3A_1055, %broadcast_in_dim3A_1049 : vector<16xi32>
      %gather3A_1057 = tpu.vector_load_idx %arg9[%add3A_1056] : memref<2048xf32, #tpu.memory_space<vmem>>[vector<16xi32>], vector<16xf32>,
      %swap3A_1058 = arith.constant 1376 : index
      %swap3A_1059 = tpu.vector_load %arg8[%swap3A_1058] {strides = array<i32>} : memref<4096xf32, #tpu.memory_space<vmem>>, vector<16xf32>,
      tpu.vector_store %arg8[%swap3A_1058], %gather3A_1057 {strides = array<i32>} : memref<4096xf32, #tpu.memory_space<vmem>>, vector<16xf32>,
      %add3A_1060 = arith.constant 16 : i32
      %add3A_1061 = vector.broadcast %add3A_1060 : i32 to vector<16xi32>
      %add3A_1062 = arith.addi %add3A_1061, %iota3A : vector<16xi32>
      %mul3A_1063 = arith.constant 64 : i32
      %mul3A_1064 = vector.broadcast %mul3A_1063 : i32 to vector<16xi32>
      %mul3A_1065 = arith.muli %add3A_1062, %mul3A_1064 : vector<16xi32>
      %add3A_1066 = arith.addi %mul3A_1065, %broadcast_in_dim3A_1049 : vector<16xi32>
      %gather3A_1067 = tpu.vector_load_idx %arg9[%add3A_1066] : memref<2048xf32, #tpu.memory_space<vmem>>[vector<16xi32>], vector<16xf32>,
      %swap3A_1068 = arith.constant 1392 : index
      %swap3A_1069 = tpu.vector_load %arg8[%swap3A_1068] {strides = array<i32>} : memref<4096xf32, #tpu.memory_space<vmem>>, vector<16xf32>,
      tpu.vector_store %arg8[%swap3A_1068], %gather3A_1067 {strides = array<i32>} : memref<4096xf32, #tpu.memory_space<vmem>>, vector<16xf32>,
      %broadcast_in_dim3A_1070 = arith.constant 44 : i32
      %broadcast_in_dim3A_1071 = vector.broadcast %broadcast_in_dim3A_1070 : i32 to vector<16xi32>
      %add3A_1072 = arith.constant 0 : i32
      %add3A_1073 = vector.broadcast %add3A_1072 : i32 to vector<16xi32>
      %add3A_1074 = arith.addi %add3A_1073, %iota3A : vector<16xi32>
      %mul3A_1075 = arith.constant 64 : i32
      %mul3A_1076 = vector.broadcast %mul3A_1075 : i32 to vector<16xi32>
      %mul3A_1077 = arith.muli %add3A_1074, %mul3A_1076 : vector<16xi32>
      %add3A_1078 = arith.addi %mul3A_1077, %broadcast_in_dim3A_1071 : vector<16xi32>
      %gather3A_1079 = tpu.vector_load_idx %arg9[%add3A_1078] : memref<2048xf32, #tpu.memory_space<vmem>>[vector<16xi32>], vector<16xf32>,
      %swap3A_1080 = arith.constant 1408 : index
      %swap3A_1081 = tpu.vector_load %arg8[%swap3A_1080] {strides = array<i32>} : memref<4096xf32, #tpu.memory_space<vmem>>, vector<16xf32>,
      tpu.vector_store %arg8[%swap3A_1080], %gather3A_1079 {strides = array<i32>} : memref<4096xf32, #tpu.memory_space<vmem>>, vector<16xf32>,
      %add3A_1082 = arith.constant 16 : i32
      %add3A_1083 = vector.broadcast %add3A_1082 : i32 to vector<16xi32>
      %add3A_1084 = arith.addi %add3A_1083, %iota3A : vector<16xi32>
      %mul3A_1085 = arith.constant 64 : i32
      %mul3A_1086 = vector.broadcast %mul3A_1085 : i32 to vector<16xi32>
      %mul3A_1087 = arith.muli %add3A_1084, %mul3A_1086 : vector<16xi32>
      %add3A_1088 = arith.addi %mul3A_1087, %broadcast_in_dim3A_1071 : vector<16xi32>
      %gather3A_1089 = tpu.vector_load_idx %arg9[%add3A_1088] : memref<2048xf32, #tpu.memory_space<vmem>>[vector<16xi32>], vector<16xf32>,
      %swap3A_1090 = arith.constant 1424 : index
      %swap3A_1091 = tpu.vector_load %arg8[%swap3A_1090] {strides = array<i32>} : memref<4096xf32, #tpu.memory_space<vmem>>, vector<16xf32>,
      tpu.vector_store %arg8[%swap3A_1090], %gather3A_1089 {strides = array<i32>} : memref<4096xf32, #tpu.memory_space<vmem>>, vector<16xf32>,
      %broadcast_in_dim3A_1092 = arith.constant 45 : i32
      %broadcast_in_dim3A_1093 = vector.broadcast %broadcast_in_dim3A_1092 : i32 to vector<16xi32>
      %add3A_1094 = arith.constant 0 : i32
      %add3A_1095 = vector.broadcast %add3A_1094 : i32 to vector<16xi32>
      %add3A_1096 = arith.addi %add3A_1095, %iota3A : vector<16xi32>
      %mul3A_1097 = arith.constant 64 : i32
      %mul3A_1098 = vector.broadcast %mul3A_1097 : i32 to vector<16xi32>
      %mul3A_1099 = arith.muli %add3A_1096, %mul3A_1098 : vector<16xi32>
      %add3A_1100 = arith.addi %mul3A_1099, %broadcast_in_dim3A_1093 : vector<16xi32>
      %gather3A_1101 = tpu.vector_load_idx %arg9[%add3A_1100] : memref<2048xf32, #tpu.memory_space<vmem>>[vector<16xi32>], vector<16xf32>,
      %swap3A_1102 = arith.constant 1440 : index
      %swap3A_1103 = tpu.vector_load %arg8[%swap3A_1102] {strides = array<i32>} : memref<4096xf32, #tpu.memory_space<vmem>>, vector<16xf32>,
      tpu.vector_store %arg8[%swap3A_1102], %gather3A_1101 {strides = array<i32>} : memref<4096xf32, #tpu.memory_space<vmem>>, vector<16xf32>,
      %add3A_1104 = arith.constant 16 : i32
      %add3A_1105 = vector.broadcast %add3A_1104 : i32 to vector<16xi32>
      %add3A_1106 = arith.addi %add3A_1105, %iota3A : vector<16xi32>
      %mul3A_1107 = arith.constant 64 : i32
      %mul3A_1108 = vector.broadcast %mul3A_1107 : i32 to vector<16xi32>
      %mul3A_1109 = arith.muli %add3A_1106, %mul3A_1108 : vector<16xi32>
      %add3A_1110 = arith.addi %mul3A_1109, %broadcast_in_dim3A_1093 : vector<16xi32>
      %gather3A_1111 = tpu.vector_load_idx %arg9[%add3A_1110] : memref<2048xf32, #tpu.memory_space<vmem>>[vector<16xi32>], vector<16xf32>,
      %swap3A_1112 = arith.constant 1456 : index
      %swap3A_1113 = tpu.vector_load %arg8[%swap3A_1112] {strides = array<i32>} : memref<4096xf32, #tpu.memory_space<vmem>>, vector<16xf32>,
      tpu.vector_store %arg8[%swap3A_1112], %gather3A_1111 {strides = array<i32>} : memref<4096xf32, #tpu.memory_space<vmem>>, vector<16xf32>,
      %broadcast_in_dim3A_1114 = arith.constant 46 : i32
      %broadcast_in_dim3A_1115 = vector.broadcast %broadcast_in_dim3A_1114 : i32 to vector<16xi32>
      %add3A_1116 = arith.constant 0 : i32
      %add3A_1117 = vector.broadcast %add3A_1116 : i32 to vector<16xi32>
      %add3A_1118 = arith.addi %add3A_1117, %iota3A : vector<16xi32>
      %mul3A_1119 = arith.constant 64 : i32
      %mul3A_1120 = vector.broadcast %mul3A_1119 : i32 to vector<16xi32>
      %mul3A_1121 = arith.muli %add3A_1118, %mul3A_1120 : vector<16xi32>
      %add3A_1122 = arith.addi %mul3A_1121, %broadcast_in_dim3A_1115 : vector<16xi32>
      %gather3A_1123 = tpu.vector_load_idx %arg9[%add3A_1122] : memref<2048xf32, #tpu.memory_space<vmem>>[vector<16xi32>], vector<16xf32>,
      %swap3A_1124 = arith.constant 1472 : index
      %swap3A_1125 = tpu.vector_load %arg8[%swap3A_1124] {strides = array<i32>} : memref<4096xf32, #tpu.memory_space<vmem>>, vector<16xf32>,
      tpu.vector_store %arg8[%swap3A_1124], %gather3A_1123 {strides = array<i32>} : memref<4096xf32, #tpu.memory_space<vmem>>, vector<16xf32>,
      %add3A_1126 = arith.constant 16 : i32
      %add3A_1127 = vector.broadcast %add3A_1126 : i32 to vector<16xi32>
      %add3A_1128 = arith.addi %add3A_1127, %iota3A : vector<16xi32>
      %mul3A_1129 = arith.constant 64 : i32
      %mul3A_1130 = vector.broadcast %mul3A_1129 : i32 to vector<16xi32>
      %mul3A_1131 = arith.muli %add3A_1128, %mul3A_1130 : vector<16xi32>
      %add3A_1132 = arith.addi %mul3A_1131, %broadcast_in_dim3A_1115 : vector<16xi32>
      %gather3A_1133 = tpu.vector_load_idx %arg9[%add3A_1132] : memref<2048xf32, #tpu.memory_space<vmem>>[vector<16xi32>], vector<16xf32>,
      %swap3A_1134 = arith.constant 1488 : index
      %swap3A_1135 = tpu.vector_load %arg8[%swap3A_1134] {strides = array<i32>} : memref<4096xf32, #tpu.memory_space<vmem>>, vector<16xf32>,
      tpu.vector_store %arg8[%swap3A_1134], %gather3A_1133 {strides = array<i32>} : memref<4096xf32, #tpu.memory_space<vmem>>, vector<16xf32>,
      %broadcast_in_dim3A_1136 = arith.constant 47 : i32
      %broadcast_in_dim3A_1137 = vector.broadcast %broadcast_in_dim3A_1136 : i32 to vector<16xi32>
      %add3A_1138 = arith.constant 0 : i32
      %add3A_1139 = vector.broadcast %add3A_1138 : i32 to vector<16xi32>
      %add3A_1140 = arith.addi %add3A_1139, %iota3A : vector<16xi32>
      %mul3A_1141 = arith.constant 64 : i32
      %mul3A_1142 = vector.broadcast %mul3A_1141 : i32 to vector<16xi32>
      %mul3A_1143 = arith.muli %add3A_1140, %mul3A_1142 : vector<16xi32>
      %add3A_1144 = arith.addi %mul3A_1143, %broadcast_in_dim3A_1137 : vector<16xi32>
      %gather3A_1145 = tpu.vector_load_idx %arg9[%add3A_1144] : memref<2048xf32, #tpu.memory_space<vmem>>[vector<16xi32>], vector<16xf32>,
      %swap3A_1146 = arith.constant 1504 : index
      %swap3A_1147 = tpu.vector_load %arg8[%swap3A_1146] {strides = array<i32>} : memref<4096xf32, #tpu.memory_space<vmem>>, vector<16xf32>,
      tpu.vector_store %arg8[%swap3A_1146], %gather3A_1145 {strides = array<i32>} : memref<4096xf32, #tpu.memory_space<vmem>>, vector<16xf32>,
      %add3A_1148 = arith.constant 16 : i32
      %add3A_1149 = vector.broadcast %add3A_1148 : i32 to vector<16xi32>
      %add3A_1150 = arith.addi %add3A_1149, %iota3A : vector<16xi32>
      %mul3A_1151 = arith.constant 64 : i32
      %mul3A_1152 = vector.broadcast %mul3A_1151 : i32 to vector<16xi32>
      %mul3A_1153 = arith.muli %add3A_1150, %mul3A_1152 : vector<16xi32>
      %add3A_1154 = arith.addi %mul3A_1153, %broadcast_in_dim3A_1137 : vector<16xi32>
      %gather3A_1155 = tpu.vector_load_idx %arg9[%add3A_1154] : memref<2048xf32, #tpu.memory_space<vmem>>[vector<16xi32>], vector<16xf32>,
      %swap3A_1156 = arith.constant 1520 : index
      %swap3A_1157 = tpu.vector_load %arg8[%swap3A_1156] {strides = array<i32>} : memref<4096xf32, #tpu.memory_space<vmem>>, vector<16xf32>,
      tpu.vector_store %arg8[%swap3A_1156], %gather3A_1155 {strides = array<i32>} : memref<4096xf32, #tpu.memory_space<vmem>>, vector<16xf32>,
      %broadcast_in_dim3A_1158 = arith.constant 48 : i32
      %broadcast_in_dim3A_1159 = vector.broadcast %broadcast_in_dim3A_1158 : i32 to vector<16xi32>
      %add3A_1160 = arith.constant 0 : i32
      %add3A_1161 = vector.broadcast %add3A_1160 : i32 to vector<16xi32>
      %add3A_1162 = arith.addi %add3A_1161, %iota3A : vector<16xi32>
      %mul3A_1163 = arith.constant 64 : i32
      %mul3A_1164 = vector.broadcast %mul3A_1163 : i32 to vector<16xi32>
      %mul3A_1165 = arith.muli %add3A_1162, %mul3A_1164 : vector<16xi32>
      %add3A_1166 = arith.addi %mul3A_1165, %broadcast_in_dim3A_1159 : vector<16xi32>
      %gather3A_1167 = tpu.vector_load_idx %arg9[%add3A_1166] : memref<2048xf32, #tpu.memory_space<vmem>>[vector<16xi32>], vector<16xf32>,
      %swap3A_1168 = arith.constant 1536 : index
      %swap3A_1169 = tpu.vector_load %arg8[%swap3A_1168] {strides = array<i32>} : memref<4096xf32, #tpu.memory_space<vmem>>, vector<16xf32>,
      tpu.vector_store %arg8[%swap3A_1168], %gather3A_1167 {strides = array<i32>} : memref<4096xf32, #tpu.memory_space<vmem>>, vector<16xf32>,
      %add3A_1170 = arith.constant 16 : i32
      %add3A_1171 = vector.broadcast %add3A_1170 : i32 to vector<16xi32>
      %add3A_1172 = arith.addi %add3A_1171, %iota3A : vector<16xi32>
      %mul3A_1173 = arith.constant 64 : i32
      %mul3A_1174 = vector.broadcast %mul3A_1173 : i32 to vector<16xi32>
      %mul3A_1175 = arith.muli %add3A_1172, %mul3A_1174 : vector<16xi32>
      %add3A_1176 = arith.addi %mul3A_1175, %broadcast_in_dim3A_1159 : vector<16xi32>
      %gather3A_1177 = tpu.vector_load_idx %arg9[%add3A_1176] : memref<2048xf32, #tpu.memory_space<vmem>>[vector<16xi32>], vector<16xf32>,
      %swap3A_1178 = arith.constant 1552 : index
      %swap3A_1179 = tpu.vector_load %arg8[%swap3A_1178] {strides = array<i32>} : memref<4096xf32, #tpu.memory_space<vmem>>, vector<16xf32>,
      tpu.vector_store %arg8[%swap3A_1178], %gather3A_1177 {strides = array<i32>} : memref<4096xf32, #tpu.memory_space<vmem>>, vector<16xf32>,
      %broadcast_in_dim3A_1180 = arith.constant 49 : i32
      %broadcast_in_dim3A_1181 = vector.broadcast %broadcast_in_dim3A_1180 : i32 to vector<16xi32>
      %add3A_1182 = arith.constant 0 : i32
      %add3A_1183 = vector.broadcast %add3A_1182 : i32 to vector<16xi32>
      %add3A_1184 = arith.addi %add3A_1183, %iota3A : vector<16xi32>
      %mul3A_1185 = arith.constant 64 : i32
      %mul3A_1186 = vector.broadcast %mul3A_1185 : i32 to vector<16xi32>
      %mul3A_1187 = arith.muli %add3A_1184, %mul3A_1186 : vector<16xi32>
      %add3A_1188 = arith.addi %mul3A_1187, %broadcast_in_dim3A_1181 : vector<16xi32>
      %gather3A_1189 = tpu.vector_load_idx %arg9[%add3A_1188] : memref<2048xf32, #tpu.memory_space<vmem>>[vector<16xi32>], vector<16xf32>,
      %swap3A_1190 = arith.constant 1568 : index
      %swap3A_1191 = tpu.vector_load %arg8[%swap3A_1190] {strides = array<i32>} : memref<4096xf32, #tpu.memory_space<vmem>>, vector<16xf32>,
      tpu.vector_store %arg8[%swap3A_1190], %gather3A_1189 {strides = array<i32>} : memref<4096xf32, #tpu.memory_space<vmem>>, vector<16xf32>,
      %add3A_1192 = arith.constant 16 : i32
      %add3A_1193 = vector.broadcast %add3A_1192 : i32 to vector<16xi32>
      %add3A_1194 = arith.addi %add3A_1193, %iota3A : vector<16xi32>
      %mul3A_1195 = arith.constant 64 : i32
      %mul3A_1196 = vector.broadcast %mul3A_1195 : i32 to vector<16xi32>
      %mul3A_1197 = arith.muli %add3A_1194, %mul3A_1196 : vector<16xi32>
      %add3A_1198 = arith.addi %mul3A_1197, %broadcast_in_dim3A_1181 : vector<16xi32>
      %gather3A_1199 = tpu.vector_load_idx %arg9[%add3A_1198] : memref<2048xf32, #tpu.memory_space<vmem>>[vector<16xi32>], vector<16xf32>,
      %swap3A_1200 = arith.constant 1584 : index
      %swap3A_1201 = tpu.vector_load %arg8[%swap3A_1200] {strides = array<i32>} : memref<4096xf32, #tpu.memory_space<vmem>>, vector<16xf32>,
      tpu.vector_store %arg8[%swap3A_1200], %gather3A_1199 {strides = array<i32>} : memref<4096xf32, #tpu.memory_space<vmem>>, vector<16xf32>,
      %broadcast_in_dim3A_1202 = arith.constant 50 : i32
      %broadcast_in_dim3A_1203 = vector.broadcast %broadcast_in_dim3A_1202 : i32 to vector<16xi32>
      %add3A_1204 = arith.constant 0 : i32
      %add3A_1205 = vector.broadcast %add3A_1204 : i32 to vector<16xi32>
      %add3A_1206 = arith.addi %add3A_1205, %iota3A : vector<16xi32>
      %mul3A_1207 = arith.constant 64 : i32
      %mul3A_1208 = vector.broadcast %mul3A_1207 : i32 to vector<16xi32>
      %mul3A_1209 = arith.muli %add3A_1206, %mul3A_1208 : vector<16xi32>
      %add3A_1210 = arith.addi %mul3A_1209, %broadcast_in_dim3A_1203 : vector<16xi32>
      %gather3A_1211 = tpu.vector_load_idx %arg9[%add3A_1210] : memref<2048xf32, #tpu.memory_space<vmem>>[vector<16xi32>], vector<16xf32>,
      %swap3A_1212 = arith.constant 1600 : index
      %swap3A_1213 = tpu.vector_load %arg8[%swap3A_1212] {strides = array<i32>} : memref<4096xf32, #tpu.memory_space<vmem>>, vector<16xf32>,
      tpu.vector_store %arg8[%swap3A_1212], %gather3A_1211 {strides = array<i32>} : memref<4096xf32, #tpu.memory_space<vmem>>, vector<16xf32>,
      %add3A_1214 = arith.constant 16 : i32
      %add3A_1215 = vector.broadcast %add3A_1214 : i32 to vector<16xi32>
      %add3A_1216 = arith.addi %add3A_1215, %iota3A : vector<16xi32>
      %mul3A_1217 = arith.constant 64 : i32
      %mul3A_1218 = vector.broadcast %mul3A_1217 : i32 to vector<16xi32>
      %mul3A_1219 = arith.muli %add3A_1216, %mul3A_1218 : vector<16xi32>
      %add3A_1220 = arith.addi %mul3A_1219, %broadcast_in_dim3A_1203 : vector<16xi32>
      %gather3A_1221 = tpu.vector_load_idx %arg9[%add3A_1220] : memref<2048xf32, #tpu.memory_space<vmem>>[vector<16xi32>], vector<16xf32>,
      %swap3A_1222 = arith.constant 1616 : index
      %swap3A_1223 = tpu.vector_load %arg8[%swap3A_1222] {strides = array<i32>} : memref<4096xf32, #tpu.memory_space<vmem>>, vector<16xf32>,
      tpu.vector_store %arg8[%swap3A_1222], %gather3A_1221 {strides = array<i32>} : memref<4096xf32, #tpu.memory_space<vmem>>, vector<16xf32>,
      %broadcast_in_dim3A_1224 = arith.constant 51 : i32
      %broadcast_in_dim3A_1225 = vector.broadcast %broadcast_in_dim3A_1224 : i32 to vector<16xi32>
      %add3A_1226 = arith.constant 0 : i32
      %add3A_1227 = vector.broadcast %add3A_1226 : i32 to vector<16xi32>
      %add3A_1228 = arith.addi %add3A_1227, %iota3A : vector<16xi32>
      %mul3A_1229 = arith.constant 64 : i32
      %mul3A_1230 = vector.broadcast %mul3A_1229 : i32 to vector<16xi32>
      %mul3A_1231 = arith.muli %add3A_1228, %mul3A_1230 : vector<16xi32>
      %add3A_1232 = arith.addi %mul3A_1231, %broadcast_in_dim3A_1225 : vector<16xi32>
      %gather3A_1233 = tpu.vector_load_idx %arg9[%add3A_1232] : memref<2048xf32, #tpu.memory_space<vmem>>[vector<16xi32>], vector<16xf32>,
      %swap3A_1234 = arith.constant 1632 : index
      %swap3A_1235 = tpu.vector_load %arg8[%swap3A_1234] {strides = array<i32>} : memref<4096xf32, #tpu.memory_space<vmem>>, vector<16xf32>,
      tpu.vector_store %arg8[%swap3A_1234], %gather3A_1233 {strides = array<i32>} : memref<4096xf32, #tpu.memory_space<vmem>>, vector<16xf32>,
      %add3A_1236 = arith.constant 16 : i32
      %add3A_1237 = vector.broadcast %add3A_1236 : i32 to vector<16xi32>
      %add3A_1238 = arith.addi %add3A_1237, %iota3A : vector<16xi32>
      %mul3A_1239 = arith.constant 64 : i32
      %mul3A_1240 = vector.broadcast %mul3A_1239 : i32 to vector<16xi32>
      %mul3A_1241 = arith.muli %add3A_1238, %mul3A_1240 : vector<16xi32>
      %add3A_1242 = arith.addi %mul3A_1241, %broadcast_in_dim3A_1225 : vector<16xi32>
      %gather3A_1243 = tpu.vector_load_idx %arg9[%add3A_1242] : memref<2048xf32, #tpu.memory_space<vmem>>[vector<16xi32>], vector<16xf32>,
      %swap3A_1244 = arith.constant 1648 : index
      %swap3A_1245 = tpu.vector_load %arg8[%swap3A_1244] {strides = array<i32>} : memref<4096xf32, #tpu.memory_space<vmem>>, vector<16xf32>,
      tpu.vector_store %arg8[%swap3A_1244], %gather3A_1243 {strides = array<i32>} : memref<4096xf32, #tpu.memory_space<vmem>>, vector<16xf32>,
      %broadcast_in_dim3A_1246 = arith.constant 52 : i32
      %broadcast_in_dim3A_1247 = vector.broadcast %broadcast_in_dim3A_1246 : i32 to vector<16xi32>
      %add3A_1248 = arith.constant 0 : i32
      %add3A_1249 = vector.broadcast %add3A_1248 : i32 to vector<16xi32>
      %add3A_1250 = arith.addi %add3A_1249, %iota3A : vector<16xi32>
      %mul3A_1251 = arith.constant 64 : i32
      %mul3A_1252 = vector.broadcast %mul3A_1251 : i32 to vector<16xi32>
      %mul3A_1253 = arith.muli %add3A_1250, %mul3A_1252 : vector<16xi32>
      %add3A_1254 = arith.addi %mul3A_1253, %broadcast_in_dim3A_1247 : vector<16xi32>
      %gather3A_1255 = tpu.vector_load_idx %arg9[%add3A_1254] : memref<2048xf32, #tpu.memory_space<vmem>>[vector<16xi32>], vector<16xf32>,
      %swap3A_1256 = arith.constant 1664 : index
      %swap3A_1257 = tpu.vector_load %arg8[%swap3A_1256] {strides = array<i32>} : memref<4096xf32, #tpu.memory_space<vmem>>, vector<16xf32>,
      tpu.vector_store %arg8[%swap3A_1256], %gather3A_1255 {strides = array<i32>} : memref<4096xf32, #tpu.memory_space<vmem>>, vector<16xf32>,
      %add3A_1258 = arith.constant 16 : i32
      %add3A_1259 = vector.broadcast %add3A_1258 : i32 to vector<16xi32>
      %add3A_1260 = arith.addi %add3A_1259, %iota3A : vector<16xi32>
      %mul3A_1261 = arith.constant 64 : i32
      %mul3A_1262 = vector.broadcast %mul3A_1261 : i32 to vector<16xi32>
      %mul3A_1263 = arith.muli %add3A_1260, %mul3A_1262 : vector<16xi32>
      %add3A_1264 = arith.addi %mul3A_1263, %broadcast_in_dim3A_1247 : vector<16xi32>
      %gather3A_1265 = tpu.vector_load_idx %arg9[%add3A_1264] : memref<2048xf32, #tpu.memory_space<vmem>>[vector<16xi32>], vector<16xf32>,
      %swap3A_1266 = arith.constant 1680 : index
      %swap3A_1267 = tpu.vector_load %arg8[%swap3A_1266] {strides = array<i32>} : memref<4096xf32, #tpu.memory_space<vmem>>, vector<16xf32>,
      tpu.vector_store %arg8[%swap3A_1266], %gather3A_1265 {strides = array<i32>} : memref<4096xf32, #tpu.memory_space<vmem>>, vector<16xf32>,
      %broadcast_in_dim3A_1268 = arith.constant 53 : i32
      %broadcast_in_dim3A_1269 = vector.broadcast %broadcast_in_dim3A_1268 : i32 to vector<16xi32>
      %add3A_1270 = arith.constant 0 : i32
      %add3A_1271 = vector.broadcast %add3A_1270 : i32 to vector<16xi32>
      %add3A_1272 = arith.addi %add3A_1271, %iota3A : vector<16xi32>
      %mul3A_1273 = arith.constant 64 : i32
      %mul3A_1274 = vector.broadcast %mul3A_1273 : i32 to vector<16xi32>
      %mul3A_1275 = arith.muli %add3A_1272, %mul3A_1274 : vector<16xi32>
      %add3A_1276 = arith.addi %mul3A_1275, %broadcast_in_dim3A_1269 : vector<16xi32>
      %gather3A_1277 = tpu.vector_load_idx %arg9[%add3A_1276] : memref<2048xf32, #tpu.memory_space<vmem>>[vector<16xi32>], vector<16xf32>,
      %swap3A_1278 = arith.constant 1696 : index
      %swap3A_1279 = tpu.vector_load %arg8[%swap3A_1278] {strides = array<i32>} : memref<4096xf32, #tpu.memory_space<vmem>>, vector<16xf32>,
      tpu.vector_store %arg8[%swap3A_1278], %gather3A_1277 {strides = array<i32>} : memref<4096xf32, #tpu.memory_space<vmem>>, vector<16xf32>,
      %add3A_1280 = arith.constant 16 : i32
      %add3A_1281 = vector.broadcast %add3A_1280 : i32 to vector<16xi32>
      %add3A_1282 = arith.addi %add3A_1281, %iota3A : vector<16xi32>
      %mul3A_1283 = arith.constant 64 : i32
      %mul3A_1284 = vector.broadcast %mul3A_1283 : i32 to vector<16xi32>
      %mul3A_1285 = arith.muli %add3A_1282, %mul3A_1284 : vector<16xi32>
      %add3A_1286 = arith.addi %mul3A_1285, %broadcast_in_dim3A_1269 : vector<16xi32>
      %gather3A_1287 = tpu.vector_load_idx %arg9[%add3A_1286] : memref<2048xf32, #tpu.memory_space<vmem>>[vector<16xi32>], vector<16xf32>,
      %swap3A_1288 = arith.constant 1712 : index
      %swap3A_1289 = tpu.vector_load %arg8[%swap3A_1288] {strides = array<i32>} : memref<4096xf32, #tpu.memory_space<vmem>>, vector<16xf32>,
      tpu.vector_store %arg8[%swap3A_1288], %gather3A_1287 {strides = array<i32>} : memref<4096xf32, #tpu.memory_space<vmem>>, vector<16xf32>,
      %broadcast_in_dim3A_1290 = arith.constant 54 : i32
      %broadcast_in_dim3A_1291 = vector.broadcast %broadcast_in_dim3A_1290 : i32 to vector<16xi32>
      %add3A_1292 = arith.constant 0 : i32
      %add3A_1293 = vector.broadcast %add3A_1292 : i32 to vector<16xi32>
      %add3A_1294 = arith.addi %add3A_1293, %iota3A : vector<16xi32>
      %mul3A_1295 = arith.constant 64 : i32
      %mul3A_1296 = vector.broadcast %mul3A_1295 : i32 to vector<16xi32>
      %mul3A_1297 = arith.muli %add3A_1294, %mul3A_1296 : vector<16xi32>
      %add3A_1298 = arith.addi %mul3A_1297, %broadcast_in_dim3A_1291 : vector<16xi32>
      %gather3A_1299 = tpu.vector_load_idx %arg9[%add3A_1298] : memref<2048xf32, #tpu.memory_space<vmem>>[vector<16xi32>], vector<16xf32>,
      %swap3A_1300 = arith.constant 1728 : index
      %swap3A_1301 = tpu.vector_load %arg8[%swap3A_1300] {strides = array<i32>} : memref<4096xf32, #tpu.memory_space<vmem>>, vector<16xf32>,
      tpu.vector_store %arg8[%swap3A_1300], %gather3A_1299 {strides = array<i32>} : memref<4096xf32, #tpu.memory_space<vmem>>, vector<16xf32>,
      %add3A_1302 = arith.constant 16 : i32
      %add3A_1303 = vector.broadcast %add3A_1302 : i32 to vector<16xi32>
      %add3A_1304 = arith.addi %add3A_1303, %iota3A : vector<16xi32>
      %mul3A_1305 = arith.constant 64 : i32
      %mul3A_1306 = vector.broadcast %mul3A_1305 : i32 to vector<16xi32>
      %mul3A_1307 = arith.muli %add3A_1304, %mul3A_1306 : vector<16xi32>
      %add3A_1308 = arith.addi %mul3A_1307, %broadcast_in_dim3A_1291 : vector<16xi32>
      %gather3A_1309 = tpu.vector_load_idx %arg9[%add3A_1308] : memref<2048xf32, #tpu.memory_space<vmem>>[vector<16xi32>], vector<16xf32>,
      %swap3A_1310 = arith.constant 1744 : index
      %swap3A_1311 = tpu.vector_load %arg8[%swap3A_1310] {strides = array<i32>} : memref<4096xf32, #tpu.memory_space<vmem>>, vector<16xf32>,
      tpu.vector_store %arg8[%swap3A_1310], %gather3A_1309 {strides = array<i32>} : memref<4096xf32, #tpu.memory_space<vmem>>, vector<16xf32>,
      %broadcast_in_dim3A_1312 = arith.constant 55 : i32
      %broadcast_in_dim3A_1313 = vector.broadcast %broadcast_in_dim3A_1312 : i32 to vector<16xi32>
      %add3A_1314 = arith.constant 0 : i32
      %add3A_1315 = vector.broadcast %add3A_1314 : i32 to vector<16xi32>
      %add3A_1316 = arith.addi %add3A_1315, %iota3A : vector<16xi32>
      %mul3A_1317 = arith.constant 64 : i32
      %mul3A_1318 = vector.broadcast %mul3A_1317 : i32 to vector<16xi32>
      %mul3A_1319 = arith.muli %add3A_1316, %mul3A_1318 : vector<16xi32>
      %add3A_1320 = arith.addi %mul3A_1319, %broadcast_in_dim3A_1313 : vector<16xi32>
      %gather3A_1321 = tpu.vector_load_idx %arg9[%add3A_1320] : memref<2048xf32, #tpu.memory_space<vmem>>[vector<16xi32>], vector<16xf32>,
      %swap3A_1322 = arith.constant 1760 : index
      %swap3A_1323 = tpu.vector_load %arg8[%swap3A_1322] {strides = array<i32>} : memref<4096xf32, #tpu.memory_space<vmem>>, vector<16xf32>,
      tpu.vector_store %arg8[%swap3A_1322], %gather3A_1321 {strides = array<i32>} : memref<4096xf32, #tpu.memory_space<vmem>>, vector<16xf32>,
      %add3A_1324 = arith.constant 16 : i32
      %add3A_1325 = vector.broadcast %add3A_1324 : i32 to vector<16xi32>
      %add3A_1326 = arith.addi %add3A_1325, %iota3A : vector<16xi32>
      %mul3A_1327 = arith.constant 64 : i32
      %mul3A_1328 = vector.broadcast %mul3A_1327 : i32 to vector<16xi32>
      %mul3A_1329 = arith.muli %add3A_1326, %mul3A_1328 : vector<16xi32>
      %add3A_1330 = arith.addi %mul3A_1329, %broadcast_in_dim3A_1313 : vector<16xi32>
      %gather3A_1331 = tpu.vector_load_idx %arg9[%add3A_1330] : memref<2048xf32, #tpu.memory_space<vmem>>[vector<16xi32>], vector<16xf32>,
      %swap3A_1332 = arith.constant 1776 : index
      %swap3A_1333 = tpu.vector_load %arg8[%swap3A_1332] {strides = array<i32>} : memref<4096xf32, #tpu.memory_space<vmem>>, vector<16xf32>,
      tpu.vector_store %arg8[%swap3A_1332], %gather3A_1331 {strides = array<i32>} : memref<4096xf32, #tpu.memory_space<vmem>>, vector<16xf32>,
      %broadcast_in_dim3A_1334 = arith.constant 56 : i32
      %broadcast_in_dim3A_1335 = vector.broadcast %broadcast_in_dim3A_1334 : i32 to vector<16xi32>
      %add3A_1336 = arith.constant 0 : i32
      %add3A_1337 = vector.broadcast %add3A_1336 : i32 to vector<16xi32>
      %add3A_1338 = arith.addi %add3A_1337, %iota3A : vector<16xi32>
      %mul3A_1339 = arith.constant 64 : i32
      %mul3A_1340 = vector.broadcast %mul3A_1339 : i32 to vector<16xi32>
      %mul3A_1341 = arith.muli %add3A_1338, %mul3A_1340 : vector<16xi32>
      %add3A_1342 = arith.addi %mul3A_1341, %broadcast_in_dim3A_1335 : vector<16xi32>
      %gather3A_1343 = tpu.vector_load_idx %arg9[%add3A_1342] : memref<2048xf32, #tpu.memory_space<vmem>>[vector<16xi32>], vector<16xf32>,
      %swap3A_1344 = arith.constant 1792 : index
      %swap3A_1345 = tpu.vector_load %arg8[%swap3A_1344] {strides = array<i32>} : memref<4096xf32, #tpu.memory_space<vmem>>, vector<16xf32>,
      tpu.vector_store %arg8[%swap3A_1344], %gather3A_1343 {strides = array<i32>} : memref<4096xf32, #tpu.memory_space<vmem>>, vector<16xf32>,
      %add3A_1346 = arith.constant 16 : i32
      %add3A_1347 = vector.broadcast %add3A_1346 : i32 to vector<16xi32>
      %add3A_1348 = arith.addi %add3A_1347, %iota3A : vector<16xi32>
      %mul3A_1349 = arith.constant 64 : i32
      %mul3A_1350 = vector.broadcast %mul3A_1349 : i32 to vector<16xi32>
      %mul3A_1351 = arith.muli %add3A_1348, %mul3A_1350 : vector<16xi32>
      %add3A_1352 = arith.addi %mul3A_1351, %broadcast_in_dim3A_1335 : vector<16xi32>
      %gather3A_1353 = tpu.vector_load_idx %arg9[%add3A_1352] : memref<2048xf32, #tpu.memory_space<vmem>>[vector<16xi32>], vector<16xf32>,
      %swap3A_1354 = arith.constant 1808 : index
      %swap3A_1355 = tpu.vector_load %arg8[%swap3A_1354] {strides = array<i32>} : memref<4096xf32, #tpu.memory_space<vmem>>, vector<16xf32>,
      tpu.vector_store %arg8[%swap3A_1354], %gather3A_1353 {strides = array<i32>} : memref<4096xf32, #tpu.memory_space<vmem>>, vector<16xf32>,
      %broadcast_in_dim3A_1356 = arith.constant 57 : i32
      %broadcast_in_dim3A_1357 = vector.broadcast %broadcast_in_dim3A_1356 : i32 to vector<16xi32>
      %add3A_1358 = arith.constant 0 : i32
      %add3A_1359 = vector.broadcast %add3A_1358 : i32 to vector<16xi32>
      %add3A_1360 = arith.addi %add3A_1359, %iota3A : vector<16xi32>
      %mul3A_1361 = arith.constant 64 : i32
      %mul3A_1362 = vector.broadcast %mul3A_1361 : i32 to vector<16xi32>
      %mul3A_1363 = arith.muli %add3A_1360, %mul3A_1362 : vector<16xi32>
      %add3A_1364 = arith.addi %mul3A_1363, %broadcast_in_dim3A_1357 : vector<16xi32>
      %gather3A_1365 = tpu.vector_load_idx %arg9[%add3A_1364] : memref<2048xf32, #tpu.memory_space<vmem>>[vector<16xi32>], vector<16xf32>,
      %swap3A_1366 = arith.constant 1824 : index
      %swap3A_1367 = tpu.vector_load %arg8[%swap3A_1366] {strides = array<i32>} : memref<4096xf32, #tpu.memory_space<vmem>>, vector<16xf32>,
      tpu.vector_store %arg8[%swap3A_1366], %gather3A_1365 {strides = array<i32>} : memref<4096xf32, #tpu.memory_space<vmem>>, vector<16xf32>,
      %add3A_1368 = arith.constant 16 : i32
      %add3A_1369 = vector.broadcast %add3A_1368 : i32 to vector<16xi32>
      %add3A_1370 = arith.addi %add3A_1369, %iota3A : vector<16xi32>
      %mul3A_1371 = arith.constant 64 : i32
      %mul3A_1372 = vector.broadcast %mul3A_1371 : i32 to vector<16xi32>
      %mul3A_1373 = arith.muli %add3A_1370, %mul3A_1372 : vector<16xi32>
      %add3A_1374 = arith.addi %mul3A_1373, %broadcast_in_dim3A_1357 : vector<16xi32>
      %gather3A_1375 = tpu.vector_load_idx %arg9[%add3A_1374] : memref<2048xf32, #tpu.memory_space<vmem>>[vector<16xi32>], vector<16xf32>,
      %swap3A_1376 = arith.constant 1840 : index
      %swap3A_1377 = tpu.vector_load %arg8[%swap3A_1376] {strides = array<i32>} : memref<4096xf32, #tpu.memory_space<vmem>>, vector<16xf32>,
      tpu.vector_store %arg8[%swap3A_1376], %gather3A_1375 {strides = array<i32>} : memref<4096xf32, #tpu.memory_space<vmem>>, vector<16xf32>,
      %broadcast_in_dim3A_1378 = arith.constant 58 : i32
      %broadcast_in_dim3A_1379 = vector.broadcast %broadcast_in_dim3A_1378 : i32 to vector<16xi32>
      %add3A_1380 = arith.constant 0 : i32
      %add3A_1381 = vector.broadcast %add3A_1380 : i32 to vector<16xi32>
      %add3A_1382 = arith.addi %add3A_1381, %iota3A : vector<16xi32>
      %mul3A_1383 = arith.constant 64 : i32
      %mul3A_1384 = vector.broadcast %mul3A_1383 : i32 to vector<16xi32>
      %mul3A_1385 = arith.muli %add3A_1382, %mul3A_1384 : vector<16xi32>
      %add3A_1386 = arith.addi %mul3A_1385, %broadcast_in_dim3A_1379 : vector<16xi32>
      %gather3A_1387 = tpu.vector_load_idx %arg9[%add3A_1386] : memref<2048xf32, #tpu.memory_space<vmem>>[vector<16xi32>], vector<16xf32>,
      %swap3A_1388 = arith.constant 1856 : index
      %swap3A_1389 = tpu.vector_load %arg8[%swap3A_1388] {strides = array<i32>} : memref<4096xf32, #tpu.memory_space<vmem>>, vector<16xf32>,
      tpu.vector_store %arg8[%swap3A_1388], %gather3A_1387 {strides = array<i32>} : memref<4096xf32, #tpu.memory_space<vmem>>, vector<16xf32>,
      %add3A_1390 = arith.constant 16 : i32
      %add3A_1391 = vector.broadcast %add3A_1390 : i32 to vector<16xi32>
      %add3A_1392 = arith.addi %add3A_1391, %iota3A : vector<16xi32>
      %mul3A_1393 = arith.constant 64 : i32
      %mul3A_1394 = vector.broadcast %mul3A_1393 : i32 to vector<16xi32>
      %mul3A_1395 = arith.muli %add3A_1392, %mul3A_1394 : vector<16xi32>
      %add3A_1396 = arith.addi %mul3A_1395, %broadcast_in_dim3A_1379 : vector<16xi32>
      %gather3A_1397 = tpu.vector_load_idx %arg9[%add3A_1396] : memref<2048xf32, #tpu.memory_space<vmem>>[vector<16xi32>], vector<16xf32>,
      %swap3A_1398 = arith.constant 1872 : index
      %swap3A_1399 = tpu.vector_load %arg8[%swap3A_1398] {strides = array<i32>} : memref<4096xf32, #tpu.memory_space<vmem>>, vector<16xf32>,
      tpu.vector_store %arg8[%swap3A_1398], %gather3A_1397 {strides = array<i32>} : memref<4096xf32, #tpu.memory_space<vmem>>, vector<16xf32>,
      %broadcast_in_dim3A_1400 = arith.constant 59 : i32
      %broadcast_in_dim3A_1401 = vector.broadcast %broadcast_in_dim3A_1400 : i32 to vector<16xi32>
      %add3A_1402 = arith.constant 0 : i32
      %add3A_1403 = vector.broadcast %add3A_1402 : i32 to vector<16xi32>
      %add3A_1404 = arith.addi %add3A_1403, %iota3A : vector<16xi32>
      %mul3A_1405 = arith.constant 64 : i32
      %mul3A_1406 = vector.broadcast %mul3A_1405 : i32 to vector<16xi32>
      %mul3A_1407 = arith.muli %add3A_1404, %mul3A_1406 : vector<16xi32>
      %add3A_1408 = arith.addi %mul3A_1407, %broadcast_in_dim3A_1401 : vector<16xi32>
      %gather3A_1409 = tpu.vector_load_idx %arg9[%add3A_1408] : memref<2048xf32, #tpu.memory_space<vmem>>[vector<16xi32>], vector<16xf32>,
      %swap3A_1410 = arith.constant 1888 : index
      %swap3A_1411 = tpu.vector_load %arg8[%swap3A_1410] {strides = array<i32>} : memref<4096xf32, #tpu.memory_space<vmem>>, vector<16xf32>,
      tpu.vector_store %arg8[%swap3A_1410], %gather3A_1409 {strides = array<i32>} : memref<4096xf32, #tpu.memory_space<vmem>>, vector<16xf32>,
      %add3A_1412 = arith.constant 16 : i32
      %add3A_1413 = vector.broadcast %add3A_1412 : i32 to vector<16xi32>
      %add3A_1414 = arith.addi %add3A_1413, %iota3A : vector<16xi32>
      %mul3A_1415 = arith.constant 64 : i32
      %mul3A_1416 = vector.broadcast %mul3A_1415 : i32 to vector<16xi32>
      %mul3A_1417 = arith.muli %add3A_1414, %mul3A_1416 : vector<16xi32>
      %add3A_1418 = arith.addi %mul3A_1417, %broadcast_in_dim3A_1401 : vector<16xi32>
      %gather3A_1419 = tpu.vector_load_idx %arg9[%add3A_1418] : memref<2048xf32, #tpu.memory_space<vmem>>[vector<16xi32>], vector<16xf32>,
      %swap3A_1420 = arith.constant 1904 : index
      %swap3A_1421 = tpu.vector_load %arg8[%swap3A_1420] {strides = array<i32>} : memref<4096xf32, #tpu.memory_space<vmem>>, vector<16xf32>,
      tpu.vector_store %arg8[%swap3A_1420], %gather3A_1419 {strides = array<i32>} : memref<4096xf32, #tpu.memory_space<vmem>>, vector<16xf32>,
      %broadcast_in_dim3A_1422 = arith.constant 60 : i32
      %broadcast_in_dim3A_1423 = vector.broadcast %broadcast_in_dim3A_1422 : i32 to vector<16xi32>
      %add3A_1424 = arith.constant 0 : i32
      %add3A_1425 = vector.broadcast %add3A_1424 : i32 to vector<16xi32>
      %add3A_1426 = arith.addi %add3A_1425, %iota3A : vector<16xi32>
      %mul3A_1427 = arith.constant 64 : i32
      %mul3A_1428 = vector.broadcast %mul3A_1427 : i32 to vector<16xi32>
      %mul3A_1429 = arith.muli %add3A_1426, %mul3A_1428 : vector<16xi32>
      %add3A_1430 = arith.addi %mul3A_1429, %broadcast_in_dim3A_1423 : vector<16xi32>
      %gather3A_1431 = tpu.vector_load_idx %arg9[%add3A_1430] : memref<2048xf32, #tpu.memory_space<vmem>>[vector<16xi32>], vector<16xf32>,
      %swap3A_1432 = arith.constant 1920 : index
      %swap3A_1433 = tpu.vector_load %arg8[%swap3A_1432] {strides = array<i32>} : memref<4096xf32, #tpu.memory_space<vmem>>, vector<16xf32>,
      tpu.vector_store %arg8[%swap3A_1432], %gather3A_1431 {strides = array<i32>} : memref<4096xf32, #tpu.memory_space<vmem>>, vector<16xf32>,
      %add3A_1434 = arith.constant 16 : i32
      %add3A_1435 = vector.broadcast %add3A_1434 : i32 to vector<16xi32>
      %add3A_1436 = arith.addi %add3A_1435, %iota3A : vector<16xi32>
      %mul3A_1437 = arith.constant 64 : i32
      %mul3A_1438 = vector.broadcast %mul3A_1437 : i32 to vector<16xi32>
      %mul3A_1439 = arith.muli %add3A_1436, %mul3A_1438 : vector<16xi32>
      %add3A_1440 = arith.addi %mul3A_1439, %broadcast_in_dim3A_1423 : vector<16xi32>
      %gather3A_1441 = tpu.vector_load_idx %arg9[%add3A_1440] : memref<2048xf32, #tpu.memory_space<vmem>>[vector<16xi32>], vector<16xf32>,
      %swap3A_1442 = arith.constant 1936 : index
      %swap3A_1443 = tpu.vector_load %arg8[%swap3A_1442] {strides = array<i32>} : memref<4096xf32, #tpu.memory_space<vmem>>, vector<16xf32>,
      tpu.vector_store %arg8[%swap3A_1442], %gather3A_1441 {strides = array<i32>} : memref<4096xf32, #tpu.memory_space<vmem>>, vector<16xf32>,
      %broadcast_in_dim3A_1444 = arith.constant 61 : i32
      %broadcast_in_dim3A_1445 = vector.broadcast %broadcast_in_dim3A_1444 : i32 to vector<16xi32>
      %add3A_1446 = arith.constant 0 : i32
      %add3A_1447 = vector.broadcast %add3A_1446 : i32 to vector<16xi32>
      %add3A_1448 = arith.addi %add3A_1447, %iota3A : vector<16xi32>
      %mul3A_1449 = arith.constant 64 : i32
      %mul3A_1450 = vector.broadcast %mul3A_1449 : i32 to vector<16xi32>
      %mul3A_1451 = arith.muli %add3A_1448, %mul3A_1450 : vector<16xi32>
      %add3A_1452 = arith.addi %mul3A_1451, %broadcast_in_dim3A_1445 : vector<16xi32>
      %gather3A_1453 = tpu.vector_load_idx %arg9[%add3A_1452] : memref<2048xf32, #tpu.memory_space<vmem>>[vector<16xi32>], vector<16xf32>,
      %swap3A_1454 = arith.constant 1952 : index
      %swap3A_1455 = tpu.vector_load %arg8[%swap3A_1454] {strides = array<i32>} : memref<4096xf32, #tpu.memory_space<vmem>>, vector<16xf32>,
      tpu.vector_store %arg8[%swap3A_1454], %gather3A_1453 {strides = array<i32>} : memref<4096xf32, #tpu.memory_space<vmem>>, vector<16xf32>,
      %add3A_1456 = arith.constant 16 : i32
      %add3A_1457 = vector.broadcast %add3A_1456 : i32 to vector<16xi32>
      %add3A_1458 = arith.addi %add3A_1457, %iota3A : vector<16xi32>
      %mul3A_1459 = arith.constant 64 : i32
      %mul3A_1460 = vector.broadcast %mul3A_1459 : i32 to vector<16xi32>
      %mul3A_1461 = arith.muli %add3A_1458, %mul3A_1460 : vector<16xi32>
      %add3A_1462 = arith.addi %mul3A_1461, %broadcast_in_dim3A_1445 : vector<16xi32>
      %gather3A_1463 = tpu.vector_load_idx %arg9[%add3A_1462] : memref<2048xf32, #tpu.memory_space<vmem>>[vector<16xi32>], vector<16xf32>,
      %swap3A_1464 = arith.constant 1968 : index
      %swap3A_1465 = tpu.vector_load %arg8[%swap3A_1464] {strides = array<i32>} : memref<4096xf32, #tpu.memory_space<vmem>>, vector<16xf32>,
      tpu.vector_store %arg8[%swap3A_1464], %gather3A_1463 {strides = array<i32>} : memref<4096xf32, #tpu.memory_space<vmem>>, vector<16xf32>,
      %broadcast_in_dim3A_1466 = arith.constant 62 : i32
      %broadcast_in_dim3A_1467 = vector.broadcast %broadcast_in_dim3A_1466 : i32 to vector<16xi32>
      %add3A_1468 = arith.constant 0 : i32
      %add3A_1469 = vector.broadcast %add3A_1468 : i32 to vector<16xi32>
      %add3A_1470 = arith.addi %add3A_1469, %iota3A : vector<16xi32>
      %mul3A_1471 = arith.constant 64 : i32
      %mul3A_1472 = vector.broadcast %mul3A_1471 : i32 to vector<16xi32>
      %mul3A_1473 = arith.muli %add3A_1470, %mul3A_1472 : vector<16xi32>
      %add3A_1474 = arith.addi %mul3A_1473, %broadcast_in_dim3A_1467 : vector<16xi32>
      %gather3A_1475 = tpu.vector_load_idx %arg9[%add3A_1474] : memref<2048xf32, #tpu.memory_space<vmem>>[vector<16xi32>], vector<16xf32>,
      %swap3A_1476 = arith.constant 1984 : index
      %swap3A_1477 = tpu.vector_load %arg8[%swap3A_1476] {strides = array<i32>} : memref<4096xf32, #tpu.memory_space<vmem>>, vector<16xf32>,
      tpu.vector_store %arg8[%swap3A_1476], %gather3A_1475 {strides = array<i32>} : memref<4096xf32, #tpu.memory_space<vmem>>, vector<16xf32>,
      %add3A_1478 = arith.constant 16 : i32
      %add3A_1479 = vector.broadcast %add3A_1478 : i32 to vector<16xi32>
      %add3A_1480 = arith.addi %add3A_1479, %iota3A : vector<16xi32>
      %mul3A_1481 = arith.constant 64 : i32
      %mul3A_1482 = vector.broadcast %mul3A_1481 : i32 to vector<16xi32>
      %mul3A_1483 = arith.muli %add3A_1480, %mul3A_1482 : vector<16xi32>
      %add3A_1484 = arith.addi %mul3A_1483, %broadcast_in_dim3A_1467 : vector<16xi32>
      %gather3A_1485 = tpu.vector_load_idx %arg9[%add3A_1484] : memref<2048xf32, #tpu.memory_space<vmem>>[vector<16xi32>], vector<16xf32>,
      %swap3A_1486 = arith.constant 2000 : index
      %swap3A_1487 = tpu.vector_load %arg8[%swap3A_1486] {strides = array<i32>} : memref<4096xf32, #tpu.memory_space<vmem>>, vector<16xf32>,
      tpu.vector_store %arg8[%swap3A_1486], %gather3A_1485 {strides = array<i32>} : memref<4096xf32, #tpu.memory_space<vmem>>, vector<16xf32>,
      %broadcast_in_dim3A_1488 = arith.constant 63 : i32
      %broadcast_in_dim3A_1489 = vector.broadcast %broadcast_in_dim3A_1488 : i32 to vector<16xi32>
      %add3A_1490 = arith.constant 0 : i32
      %add3A_1491 = vector.broadcast %add3A_1490 : i32 to vector<16xi32>
      %add3A_1492 = arith.addi %add3A_1491, %iota3A : vector<16xi32>
      %mul3A_1493 = arith.constant 64 : i32
      %mul3A_1494 = vector.broadcast %mul3A_1493 : i32 to vector<16xi32>
      %mul3A_1495 = arith.muli %add3A_1492, %mul3A_1494 : vector<16xi32>
      %add3A_1496 = arith.addi %mul3A_1495, %broadcast_in_dim3A_1489 : vector<16xi32>
      %gather3A_1497 = tpu.vector_load_idx %arg9[%add3A_1496] : memref<2048xf32, #tpu.memory_space<vmem>>[vector<16xi32>], vector<16xf32>,
      %swap3A_1498 = arith.constant 2016 : index
      %swap3A_1499 = tpu.vector_load %arg8[%swap3A_1498] {strides = array<i32>} : memref<4096xf32, #tpu.memory_space<vmem>>, vector<16xf32>,
      tpu.vector_store %arg8[%swap3A_1498], %gather3A_1497 {strides = array<i32>} : memref<4096xf32, #tpu.memory_space<vmem>>, vector<16xf32>,
      %add3A_1500 = arith.constant 16 : i32
      %add3A_1501 = vector.broadcast %add3A_1500 : i32 to vector<16xi32>
      %add3A_1502 = arith.addi %add3A_1501, %iota3A : vector<16xi32>
      %mul3A_1503 = arith.constant 64 : i32
      %mul3A_1504 = vector.broadcast %mul3A_1503 : i32 to vector<16xi32>
      %mul3A_1505 = arith.muli %add3A_1502, %mul3A_1504 : vector<16xi32>
      %add3A_1506 = arith.addi %mul3A_1505, %broadcast_in_dim3A_1489 : vector<16xi32>
      %gather3A_1507 = tpu.vector_load_idx %arg9[%add3A_1506] : memref<2048xf32, #tpu.memory_space<vmem>>[vector<16xi32>], vector<16xf32>,
      %swap3A_1508 = arith.constant 2032 : index
      %swap3A_1509 = tpu.vector_load %arg8[%swap3A_1508] {strides = array<i32>} : memref<4096xf32, #tpu.memory_space<vmem>>, vector<16xf32>,
      tpu.vector_store %arg8[%swap3A_1508], %gather3A_1507 {strides = array<i32>} : memref<4096xf32, #tpu.memory_space<vmem>>, vector<16xf32>,
      "tpu.region"() ({
        %run_scoped3A = tpu.sem_alloc : memref<!tpu.dma_semaphore, #tpu.memory_space<semaphore_mem>>
        %dma_start3A_1510 = arith.constant 0 : i32
        %dma_start3A_1511 = tpu.memref_slice %arg8[%dma_start3A_1510] : memref<4096xf32, #tpu.memory_space<vmem>> -> memref<2048xf32, #tpu.memory_space<vmem>>
        %dma_start3A_1512 = arith.constant 31997952 : i32
        %dma_start3A_1513 = tpu.memref_slice %arg4[%dma_start3A_1512] : memref<32000000xf32, #tpu.memory_space<hbm>> -> memref<2048xf32, #tpu.memory_space<hbm>>
        %dma_start3A_1514 = arith.constant 31997952 : i32
        %dma_start3A_1515 = tpu.memref_slice %arg4[%dma_start3A_1514] : memref<32000000xf32, #tpu.memory_space<hbm>> -> memref<2048xf32, #tpu.memory_space<hbm>>
        %dma_start3A_1516 = arith.constant 0 : i32
        %dma_start3A_1517 = tpu.memref_slice %arg8[%dma_start3A_1516] : memref<4096xf32, #tpu.memory_space<vmem>> -> memref<2048xf32, #tpu.memory_space<vmem>>
        tpu.enqueue_dma source(%dma_start3A_1517 : memref<2048xf32, #tpu.memory_space<vmem>>) target(%dma_start3A_1515 : memref<2048xf32, #tpu.memory_space<hbm>>) target_semaphore(%run_scoped3A : memref<!tpu.dma_semaphore, #tpu.memory_space<semaphore_mem>>)
        %dma_wait3A_1518 = arith.constant 0 : i32
        %dma_wait3A_1519 = tpu.memref_slice %arg8[%dma_wait3A_1518] : memref<4096xf32, #tpu.memory_space<vmem>> -> memref<2048xf32, #tpu.memory_space<vmem>>
        %dma_wait3A_1520 = arith.constant 31997952 : i32
        %dma_wait3A_1521 = tpu.memref_slice %arg4[%dma_wait3A_1520] : memref<32000000xf32, #tpu.memory_space<hbm>> -> memref<2048xf32, #tpu.memory_space<hbm>>
        %dma_wait3A_1522 = arith.constant 31997952 : i32
        %dma_wait3A_1523 = tpu.memref_slice %arg4[%dma_wait3A_1522] : memref<32000000xf32, #tpu.memory_space<hbm>> -> memref<2048xf32, #tpu.memory_space<hbm>>
        %dma_wait3A_1524 = arith.constant 0 : i32
        %dma_wait3A_1525 = tpu.memref_slice %arg8[%dma_wait3A_1524] : memref<4096xf32, #tpu.memory_space<vmem>> -> memref<2048xf32, #tpu.memory_space<vmem>>
        tpu.wait_dma2 semaphore(%run_scoped3A : memref<!tpu.dma_semaphore, #tpu.memory_space<semaphore_mem>>) src(%dma_wait3A_1525 : memref<2048xf32, #tpu.memory_space<vmem>>) dst(%dma_wait3A_1523 : memref<2048xf32, #tpu.memory_space<hbm>>)
        tpu.yield
      }) : () -> ()
    } else {
    }
    return
  }
}

#map = affine_map<(d0, d1) -> (0)>
#map1 = affine_map<(d0, d1) -> (0, 0)>
module attributes {stable_mosaic.version = 14 : i64} {
  func.func @gather(%arg0: i32, %arg1: i32, %arg2: memref<819200xi32, #tpu.memory_space<hbm>>, %arg3: memref<1000000x32xf32, #tpu.memory_space<hbm>>, %arg4: memref<819200x32xf32, #tpu.memory_space<hbm>>, %arg5: memref<1600xi32, #tpu.memory_space<vmem>>, %arg6: memref<1600xi32, #tpu.memory_space<vmem>>, %arg7: memref<1600x32xf32, #tpu.memory_space<vmem>>, %arg8: memref<1600x32xf32, #tpu.memory_space<vmem>>, %arg9: memref<!tpu.dma_semaphore, #tpu.memory_space<semaphore_mem>>, %arg10: memref<!tpu.dma_semaphore, #tpu.memory_space<semaphore_mem>>, %arg11: memref<!tpu.dma_semaphore, #tpu.memory_space<semaphore_mem>>, %arg12: memref<!tpu.dma_semaphore, #tpu.memory_space<semaphore_mem>>) attributes {dimension_semantics = [#tpu.dimension_semantics<core_parallel>, #tpu.dimension_semantics<subcore_parallel>], iteration_bounds = array<i64: 2, 16>, scalar_prefetch = 0 : i64, scratch_operands = 8 : i64, tpu.core_type = #tpu.core_type<sc_vector_subcore>, window_params = [{transform_indices = #map}, {transform_indices = #map1}, {transform_indices = #map1}]} {
    %mul3A = arith.constant 2 : i32
    %mul3A_0 = arith.muli %arg1, %mul3A : i32
    %add3A = arith.addi %mul3A_0, %arg0 : i32
    %mul3A_1 = arith.constant 25600 : i32
    %mul3A_2 = arith.muli %add3A, %mul3A_1 : i32
    %add3A_3 = arith.constant 0 : i32
    %add3A_4 = arith.addi %mul3A_2, %add3A_3 : i32
    "tpu.region"() ({
      %run_scoped3A = tpu.sem_alloc : memref<!tpu.dma_semaphore, #tpu.memory_space<semaphore_mem>>
      %dma_start3A_289 = tpu.memref_slice %arg2[%add3A_4] : memref<819200xi32, #tpu.memory_space<hbm>> -> memref<1600xi32, #tpu.memory_space<hbm>>
      %dma_start3A_290 = tpu.memref_slice %arg2[%add3A_4] : memref<819200xi32, #tpu.memory_space<hbm>> -> memref<1600xi32, #tpu.memory_space<hbm>>
      tpu.enqueue_dma source(%dma_start3A_290 : memref<1600xi32, #tpu.memory_space<hbm>>) target(%arg5 : memref<1600xi32, #tpu.memory_space<vmem>>) target_semaphore(%run_scoped3A : memref<!tpu.dma_semaphore, #tpu.memory_space<semaphore_mem>>)
      %dma_wait3A_291 = tpu.memref_slice %arg2[%add3A_4] : memref<819200xi32, #tpu.memory_space<hbm>> -> memref<1600xi32, #tpu.memory_space<hbm>>
      %dma_wait3A_292 = tpu.memref_slice %arg2[%add3A_4] : memref<819200xi32, #tpu.memory_space<hbm>> -> memref<1600xi32, #tpu.memory_space<hbm>>
      tpu.wait_dma2 semaphore(%run_scoped3A : memref<!tpu.dma_semaphore, #tpu.memory_space<semaphore_mem>>) src(%dma_wait3A_292 : memref<1600xi32, #tpu.memory_space<hbm>>) dst(%arg5 : memref<1600xi32, #tpu.memory_space<vmem>>)
      tpu.yield
    }) : () -> ()
    %dma_start3A = arith.constant 0 : i32
    %dma_start3A_5 = arith.constant 0 : i32
    %dma_start3A_6 = tpu.memref_slice %arg3[%dma_start3A, %dma_start3A_5] : memref<1000000x32xf32, #tpu.memory_space<hbm>> -> memref<1000000x32xf32, #tpu.memory_space<hbm>>
    tpu.enqueue_indirect_dma source(%dma_start3A_6 : memref<1000000x32xf32, #tpu.memory_space<hbm>>) target(%arg7 : memref<1600x32xf32, #tpu.memory_space<vmem>>) offsets(%arg5 : memref<1600xi32, #tpu.memory_space<vmem>>) semaphore(%arg9 : memref<!tpu.dma_semaphore, #tpu.memory_space<semaphore_mem>>)
    %add3A_7 = arith.constant 1600 : i32
    %add3A_8 = arith.addi %mul3A_2, %add3A_7 : i32
    "tpu.region"() ({
      %run_scoped3A = tpu.sem_alloc : memref<!tpu.dma_semaphore, #tpu.memory_space<semaphore_mem>>
      %dma_start3A_289 = tpu.memref_slice %arg2[%add3A_8] : memref<819200xi32, #tpu.memory_space<hbm>> -> memref<1600xi32, #tpu.memory_space<hbm>>
      %dma_start3A_290 = tpu.memref_slice %arg2[%add3A_8] : memref<819200xi32, #tpu.memory_space<hbm>> -> memref<1600xi32, #tpu.memory_space<hbm>>
      tpu.enqueue_dma source(%dma_start3A_290 : memref<1600xi32, #tpu.memory_space<hbm>>) target(%arg6 : memref<1600xi32, #tpu.memory_space<vmem>>) target_semaphore(%run_scoped3A : memref<!tpu.dma_semaphore, #tpu.memory_space<semaphore_mem>>)
      %dma_wait3A_291 = tpu.memref_slice %arg2[%add3A_8] : memref<819200xi32, #tpu.memory_space<hbm>> -> memref<1600xi32, #tpu.memory_space<hbm>>
      %dma_wait3A_292 = tpu.memref_slice %arg2[%add3A_8] : memref<819200xi32, #tpu.memory_space<hbm>> -> memref<1600xi32, #tpu.memory_space<hbm>>
      tpu.wait_dma2 semaphore(%run_scoped3A : memref<!tpu.dma_semaphore, #tpu.memory_space<semaphore_mem>>) src(%dma_wait3A_292 : memref<1600xi32, #tpu.memory_space<hbm>>) dst(%arg6 : memref<1600xi32, #tpu.memory_space<vmem>>)
      tpu.yield
    }) : () -> ()
    %dma_start3A_9 = arith.constant 0 : i32
    %dma_start3A_10 = arith.constant 0 : i32
    %dma_start3A_11 = tpu.memref_slice %arg3[%dma_start3A_9, %dma_start3A_10] : memref<1000000x32xf32, #tpu.memory_space<hbm>> -> memref<1000000x32xf32, #tpu.memory_space<hbm>>
    tpu.enqueue_indirect_dma source(%dma_start3A_11 : memref<1000000x32xf32, #tpu.memory_space<hbm>>) target(%arg8 : memref<1600x32xf32, #tpu.memory_space<vmem>>) offsets(%arg6 : memref<1600xi32, #tpu.memory_space<vmem>>) semaphore(%arg10 : memref<!tpu.dma_semaphore, #tpu.memory_space<semaphore_mem>>)
    %add3A_12 = arith.constant 0 : i32
    %add3A_13 = arith.addi %mul3A_2, %add3A_12 : i32
    %dma_wait3A = arith.constant 0 : i32
    %dma_wait3A_14 = arith.constant 0 : i32
    %dma_wait3A_15 = tpu.memref_slice %arg3[%dma_wait3A, %dma_wait3A_14] : memref<1000000x32xf32, #tpu.memory_space<hbm>> -> memref<1000000x32xf32, #tpu.memory_space<hbm>>
    tpu.wait_indirect_dma semaphore(%arg9 : memref<!tpu.dma_semaphore, #tpu.memory_space<semaphore_mem>>) src(%dma_wait3A_15 : memref<1000000x32xf32, #tpu.memory_space<hbm>>) dst(%arg7 : memref<1600x32xf32, #tpu.memory_space<vmem>>)
    %dma_start3A_16 = arith.constant 0 : i32
    %dma_start3A_17 = tpu.memref_slice %arg4[%add3A_13, %dma_start3A_16] : memref<819200x32xf32, #tpu.memory_space<hbm>> -> memref<1600x32xf32, #tpu.memory_space<hbm>>
    %dma_start3A_18 = arith.constant 0 : i32
    %dma_start3A_19 = tpu.memref_slice %arg4[%add3A_13, %dma_start3A_18] : memref<819200x32xf32, #tpu.memory_space<hbm>> -> memref<1600x32xf32, #tpu.memory_space<hbm>>
    tpu.enqueue_dma source(%arg7 : memref<1600x32xf32, #tpu.memory_space<vmem>>) target(%dma_start3A_19 : memref<1600x32xf32, #tpu.memory_space<hbm>>) target_semaphore(%arg11 : memref<!tpu.dma_semaphore, #tpu.memory_space<semaphore_mem>>)
    %dma_wait3A_20 = arith.constant 0 : i32
    %dma_wait3A_21 = tpu.memref_slice %arg4[%add3A_13, %dma_wait3A_20] : memref<819200x32xf32, #tpu.memory_space<hbm>> -> memref<1600x32xf32, #tpu.memory_space<hbm>>
    %dma_wait3A_22 = arith.constant 0 : i32
    %dma_wait3A_23 = tpu.memref_slice %arg4[%add3A_13, %dma_wait3A_22] : memref<819200x32xf32, #tpu.memory_space<hbm>> -> memref<1600x32xf32, #tpu.memory_space<hbm>>
    tpu.wait_dma2 semaphore(%arg11 : memref<!tpu.dma_semaphore, #tpu.memory_space<semaphore_mem>>) src(%arg7 : memref<1600x32xf32, #tpu.memory_space<vmem>>) dst(%dma_wait3A_23 : memref<1600x32xf32, #tpu.memory_space<hbm>>)
    %add3A_24 = arith.constant 3200 : i32
    %add3A_25 = arith.addi %mul3A_2, %add3A_24 : i32
    "tpu.region"() ({
      %run_scoped3A = tpu.sem_alloc : memref<!tpu.dma_semaphore, #tpu.memory_space<semaphore_mem>>
      %dma_start3A_289 = tpu.memref_slice %arg2[%add3A_25] : memref<819200xi32, #tpu.memory_space<hbm>> -> memref<1600xi32, #tpu.memory_space<hbm>>
      %dma_start3A_290 = tpu.memref_slice %arg2[%add3A_25] : memref<819200xi32, #tpu.memory_space<hbm>> -> memref<1600xi32, #tpu.memory_space<hbm>>
      tpu.enqueue_dma source(%dma_start3A_290 : memref<1600xi32, #tpu.memory_space<hbm>>) target(%arg5 : memref<1600xi32, #tpu.memory_space<vmem>>) target_semaphore(%run_scoped3A : memref<!tpu.dma_semaphore, #tpu.memory_space<semaphore_mem>>)
      %dma_wait3A_291 = tpu.memref_slice %arg2[%add3A_25] : memref<819200xi32, #tpu.memory_space<hbm>> -> memref<1600xi32, #tpu.memory_space<hbm>>
      %dma_wait3A_292 = tpu.memref_slice %arg2[%add3A_25] : memref<819200xi32, #tpu.memory_space<hbm>> -> memref<1600xi32, #tpu.memory_space<hbm>>
      tpu.wait_dma2 semaphore(%run_scoped3A : memref<!tpu.dma_semaphore, #tpu.memory_space<semaphore_mem>>) src(%dma_wait3A_292 : memref<1600xi32, #tpu.memory_space<hbm>>) dst(%arg5 : memref<1600xi32, #tpu.memory_space<vmem>>)
      tpu.yield
    }) : () -> ()
    %dma_start3A_26 = arith.constant 0 : i32
    %dma_start3A_27 = arith.constant 0 : i32
    %dma_start3A_28 = tpu.memref_slice %arg3[%dma_start3A_26, %dma_start3A_27] : memref<1000000x32xf32, #tpu.memory_space<hbm>> -> memref<1000000x32xf32, #tpu.memory_space<hbm>>
    tpu.enqueue_indirect_dma source(%dma_start3A_28 : memref<1000000x32xf32, #tpu.memory_space<hbm>>) target(%arg7 : memref<1600x32xf32, #tpu.memory_space<vmem>>) offsets(%arg5 : memref<1600xi32, #tpu.memory_space<vmem>>) semaphore(%arg9 : memref<!tpu.dma_semaphore, #tpu.memory_space<semaphore_mem>>)
    %add3A_29 = arith.constant 1600 : i32
    %add3A_30 = arith.addi %mul3A_2, %add3A_29 : i32
    %dma_wait3A_31 = arith.constant 0 : i32
    %dma_wait3A_32 = arith.constant 0 : i32
    %dma_wait3A_33 = tpu.memref_slice %arg3[%dma_wait3A_31, %dma_wait3A_32] : memref<1000000x32xf32, #tpu.memory_space<hbm>> -> memref<1000000x32xf32, #tpu.memory_space<hbm>>
    tpu.wait_indirect_dma semaphore(%arg10 : memref<!tpu.dma_semaphore, #tpu.memory_space<semaphore_mem>>) src(%dma_wait3A_33 : memref<1000000x32xf32, #tpu.memory_space<hbm>>) dst(%arg8 : memref<1600x32xf32, #tpu.memory_space<vmem>>)
    %dma_start3A_34 = arith.constant 0 : i32
    %dma_start3A_35 = tpu.memref_slice %arg4[%add3A_30, %dma_start3A_34] : memref<819200x32xf32, #tpu.memory_space<hbm>> -> memref<1600x32xf32, #tpu.memory_space<hbm>>
    %dma_start3A_36 = arith.constant 0 : i32
    %dma_start3A_37 = tpu.memref_slice %arg4[%add3A_30, %dma_start3A_36] : memref<819200x32xf32, #tpu.memory_space<hbm>> -> memref<1600x32xf32, #tpu.memory_space<hbm>>
    tpu.enqueue_dma source(%arg8 : memref<1600x32xf32, #tpu.memory_space<vmem>>) target(%dma_start3A_37 : memref<1600x32xf32, #tpu.memory_space<hbm>>) target_semaphore(%arg12 : memref<!tpu.dma_semaphore, #tpu.memory_space<semaphore_mem>>)
    %dma_wait3A_38 = arith.constant 0 : i32
    %dma_wait3A_39 = tpu.memref_slice %arg4[%add3A_30, %dma_wait3A_38] : memref<819200x32xf32, #tpu.memory_space<hbm>> -> memref<1600x32xf32, #tpu.memory_space<hbm>>
    %dma_wait3A_40 = arith.constant 0 : i32
    %dma_wait3A_41 = tpu.memref_slice %arg4[%add3A_30, %dma_wait3A_40] : memref<819200x32xf32, #tpu.memory_space<hbm>> -> memref<1600x32xf32, #tpu.memory_space<hbm>>
    tpu.wait_dma2 semaphore(%arg12 : memref<!tpu.dma_semaphore, #tpu.memory_space<semaphore_mem>>) src(%arg8 : memref<1600x32xf32, #tpu.memory_space<vmem>>) dst(%dma_wait3A_41 : memref<1600x32xf32, #tpu.memory_space<hbm>>)
    %add3A_42 = arith.constant 4800 : i32
    %add3A_43 = arith.addi %mul3A_2, %add3A_42 : i32
    "tpu.region"() ({
      %run_scoped3A = tpu.sem_alloc : memref<!tpu.dma_semaphore, #tpu.memory_space<semaphore_mem>>
      %dma_start3A_289 = tpu.memref_slice %arg2[%add3A_43] : memref<819200xi32, #tpu.memory_space<hbm>> -> memref<1600xi32, #tpu.memory_space<hbm>>
      %dma_start3A_290 = tpu.memref_slice %arg2[%add3A_43] : memref<819200xi32, #tpu.memory_space<hbm>> -> memref<1600xi32, #tpu.memory_space<hbm>>
      tpu.enqueue_dma source(%dma_start3A_290 : memref<1600xi32, #tpu.memory_space<hbm>>) target(%arg6 : memref<1600xi32, #tpu.memory_space<vmem>>) target_semaphore(%run_scoped3A : memref<!tpu.dma_semaphore, #tpu.memory_space<semaphore_mem>>)
      %dma_wait3A_291 = tpu.memref_slice %arg2[%add3A_43] : memref<819200xi32, #tpu.memory_space<hbm>> -> memref<1600xi32, #tpu.memory_space<hbm>>
      %dma_wait3A_292 = tpu.memref_slice %arg2[%add3A_43] : memref<819200xi32, #tpu.memory_space<hbm>> -> memref<1600xi32, #tpu.memory_space<hbm>>
      tpu.wait_dma2 semaphore(%run_scoped3A : memref<!tpu.dma_semaphore, #tpu.memory_space<semaphore_mem>>) src(%dma_wait3A_292 : memref<1600xi32, #tpu.memory_space<hbm>>) dst(%arg6 : memref<1600xi32, #tpu.memory_space<vmem>>)
      tpu.yield
    }) : () -> ()
    %dma_start3A_44 = arith.constant 0 : i32
    %dma_start3A_45 = arith.constant 0 : i32
    %dma_start3A_46 = tpu.memref_slice %arg3[%dma_start3A_44, %dma_start3A_45] : memref<1000000x32xf32, #tpu.memory_space<hbm>> -> memref<1000000x32xf32, #tpu.memory_space<hbm>>
    tpu.enqueue_indirect_dma source(%dma_start3A_46 : memref<1000000x32xf32, #tpu.memory_space<hbm>>) target(%arg8 : memref<1600x32xf32, #tpu.memory_space<vmem>>) offsets(%arg6 : memref<1600xi32, #tpu.memory_space<vmem>>) semaphore(%arg10 : memref<!tpu.dma_semaphore, #tpu.memory_space<semaphore_mem>>)
    %add3A_47 = arith.constant 3200 : i32
    %add3A_48 = arith.addi %mul3A_2, %add3A_47 : i32
    %dma_wait3A_49 = arith.constant 0 : i32
    %dma_wait3A_50 = arith.constant 0 : i32
    %dma_wait3A_51 = tpu.memref_slice %arg3[%dma_wait3A_49, %dma_wait3A_50] : memref<1000000x32xf32, #tpu.memory_space<hbm>> -> memref<1000000x32xf32, #tpu.memory_space<hbm>>
    tpu.wait_indirect_dma semaphore(%arg9 : memref<!tpu.dma_semaphore, #tpu.memory_space<semaphore_mem>>) src(%dma_wait3A_51 : memref<1000000x32xf32, #tpu.memory_space<hbm>>) dst(%arg7 : memref<1600x32xf32, #tpu.memory_space<vmem>>)
    %dma_start3A_52 = arith.constant 0 : i32
    %dma_start3A_53 = tpu.memref_slice %arg4[%add3A_48, %dma_start3A_52] : memref<819200x32xf32, #tpu.memory_space<hbm>> -> memref<1600x32xf32, #tpu.memory_space<hbm>>
    %dma_start3A_54 = arith.constant 0 : i32
    %dma_start3A_55 = tpu.memref_slice %arg4[%add3A_48, %dma_start3A_54] : memref<819200x32xf32, #tpu.memory_space<hbm>> -> memref<1600x32xf32, #tpu.memory_space<hbm>>
    tpu.enqueue_dma source(%arg7 : memref<1600x32xf32, #tpu.memory_space<vmem>>) target(%dma_start3A_55 : memref<1600x32xf32, #tpu.memory_space<hbm>>) target_semaphore(%arg11 : memref<!tpu.dma_semaphore, #tpu.memory_space<semaphore_mem>>)
    %dma_wait3A_56 = arith.constant 0 : i32
    %dma_wait3A_57 = tpu.memref_slice %arg4[%add3A_48, %dma_wait3A_56] : memref<819200x32xf32, #tpu.memory_space<hbm>> -> memref<1600x32xf32, #tpu.memory_space<hbm>>
    %dma_wait3A_58 = arith.constant 0 : i32
    %dma_wait3A_59 = tpu.memref_slice %arg4[%add3A_48, %dma_wait3A_58] : memref<819200x32xf32, #tpu.memory_space<hbm>> -> memref<1600x32xf32, #tpu.memory_space<hbm>>
    tpu.wait_dma2 semaphore(%arg11 : memref<!tpu.dma_semaphore, #tpu.memory_space<semaphore_mem>>) src(%arg7 : memref<1600x32xf32, #tpu.memory_space<vmem>>) dst(%dma_wait3A_59 : memref<1600x32xf32, #tpu.memory_space<hbm>>)
    %add3A_60 = arith.constant 6400 : i32
    %add3A_61 = arith.addi %mul3A_2, %add3A_60 : i32
    "tpu.region"() ({
      %run_scoped3A = tpu.sem_alloc : memref<!tpu.dma_semaphore, #tpu.memory_space<semaphore_mem>>
      %dma_start3A_289 = tpu.memref_slice %arg2[%add3A_61] : memref<819200xi32, #tpu.memory_space<hbm>> -> memref<1600xi32, #tpu.memory_space<hbm>>
      %dma_start3A_290 = tpu.memref_slice %arg2[%add3A_61] : memref<819200xi32, #tpu.memory_space<hbm>> -> memref<1600xi32, #tpu.memory_space<hbm>>
      tpu.enqueue_dma source(%dma_start3A_290 : memref<1600xi32, #tpu.memory_space<hbm>>) target(%arg5 : memref<1600xi32, #tpu.memory_space<vmem>>) target_semaphore(%run_scoped3A : memref<!tpu.dma_semaphore, #tpu.memory_space<semaphore_mem>>)
      %dma_wait3A_291 = tpu.memref_slice %arg2[%add3A_61] : memref<819200xi32, #tpu.memory_space<hbm>> -> memref<1600xi32, #tpu.memory_space<hbm>>
      %dma_wait3A_292 = tpu.memref_slice %arg2[%add3A_61] : memref<819200xi32, #tpu.memory_space<hbm>> -> memref<1600xi32, #tpu.memory_space<hbm>>
      tpu.wait_dma2 semaphore(%run_scoped3A : memref<!tpu.dma_semaphore, #tpu.memory_space<semaphore_mem>>) src(%dma_wait3A_292 : memref<1600xi32, #tpu.memory_space<hbm>>) dst(%arg5 : memref<1600xi32, #tpu.memory_space<vmem>>)
      tpu.yield
    }) : () -> ()
    %dma_start3A_62 = arith.constant 0 : i32
    %dma_start3A_63 = arith.constant 0 : i32
    %dma_start3A_64 = tpu.memref_slice %arg3[%dma_start3A_62, %dma_start3A_63] : memref<1000000x32xf32, #tpu.memory_space<hbm>> -> memref<1000000x32xf32, #tpu.memory_space<hbm>>
    tpu.enqueue_indirect_dma source(%dma_start3A_64 : memref<1000000x32xf32, #tpu.memory_space<hbm>>) target(%arg7 : memref<1600x32xf32, #tpu.memory_space<vmem>>) offsets(%arg5 : memref<1600xi32, #tpu.memory_space<vmem>>) semaphore(%arg9 : memref<!tpu.dma_semaphore, #tpu.memory_space<semaphore_mem>>)
    %add3A_65 = arith.constant 4800 : i32
    %add3A_66 = arith.addi %mul3A_2, %add3A_65 : i32
    %dma_wait3A_67 = arith.constant 0 : i32
    %dma_wait3A_68 = arith.constant 0 : i32
    %dma_wait3A_69 = tpu.memref_slice %arg3[%dma_wait3A_67, %dma_wait3A_68] : memref<1000000x32xf32, #tpu.memory_space<hbm>> -> memref<1000000x32xf32, #tpu.memory_space<hbm>>
    tpu.wait_indirect_dma semaphore(%arg10 : memref<!tpu.dma_semaphore, #tpu.memory_space<semaphore_mem>>) src(%dma_wait3A_69 : memref<1000000x32xf32, #tpu.memory_space<hbm>>) dst(%arg8 : memref<1600x32xf32, #tpu.memory_space<vmem>>)
    %dma_start3A_70 = arith.constant 0 : i32
    %dma_start3A_71 = tpu.memref_slice %arg4[%add3A_66, %dma_start3A_70] : memref<819200x32xf32, #tpu.memory_space<hbm>> -> memref<1600x32xf32, #tpu.memory_space<hbm>>
    %dma_start3A_72 = arith.constant 0 : i32
    %dma_start3A_73 = tpu.memref_slice %arg4[%add3A_66, %dma_start3A_72] : memref<819200x32xf32, #tpu.memory_space<hbm>> -> memref<1600x32xf32, #tpu.memory_space<hbm>>
    tpu.enqueue_dma source(%arg8 : memref<1600x32xf32, #tpu.memory_space<vmem>>) target(%dma_start3A_73 : memref<1600x32xf32, #tpu.memory_space<hbm>>) target_semaphore(%arg12 : memref<!tpu.dma_semaphore, #tpu.memory_space<semaphore_mem>>)
    %dma_wait3A_74 = arith.constant 0 : i32
    %dma_wait3A_75 = tpu.memref_slice %arg4[%add3A_66, %dma_wait3A_74] : memref<819200x32xf32, #tpu.memory_space<hbm>> -> memref<1600x32xf32, #tpu.memory_space<hbm>>
    %dma_wait3A_76 = arith.constant 0 : i32
    %dma_wait3A_77 = tpu.memref_slice %arg4[%add3A_66, %dma_wait3A_76] : memref<819200x32xf32, #tpu.memory_space<hbm>> -> memref<1600x32xf32, #tpu.memory_space<hbm>>
    tpu.wait_dma2 semaphore(%arg12 : memref<!tpu.dma_semaphore, #tpu.memory_space<semaphore_mem>>) src(%arg8 : memref<1600x32xf32, #tpu.memory_space<vmem>>) dst(%dma_wait3A_77 : memref<1600x32xf32, #tpu.memory_space<hbm>>)
    %add3A_78 = arith.constant 8000 : i32
    %add3A_79 = arith.addi %mul3A_2, %add3A_78 : i32
    "tpu.region"() ({
      %run_scoped3A = tpu.sem_alloc : memref<!tpu.dma_semaphore, #tpu.memory_space<semaphore_mem>>
      %dma_start3A_289 = tpu.memref_slice %arg2[%add3A_79] : memref<819200xi32, #tpu.memory_space<hbm>> -> memref<1600xi32, #tpu.memory_space<hbm>>
      %dma_start3A_290 = tpu.memref_slice %arg2[%add3A_79] : memref<819200xi32, #tpu.memory_space<hbm>> -> memref<1600xi32, #tpu.memory_space<hbm>>
      tpu.enqueue_dma source(%dma_start3A_290 : memref<1600xi32, #tpu.memory_space<hbm>>) target(%arg6 : memref<1600xi32, #tpu.memory_space<vmem>>) target_semaphore(%run_scoped3A : memref<!tpu.dma_semaphore, #tpu.memory_space<semaphore_mem>>)
      %dma_wait3A_291 = tpu.memref_slice %arg2[%add3A_79] : memref<819200xi32, #tpu.memory_space<hbm>> -> memref<1600xi32, #tpu.memory_space<hbm>>
      %dma_wait3A_292 = tpu.memref_slice %arg2[%add3A_79] : memref<819200xi32, #tpu.memory_space<hbm>> -> memref<1600xi32, #tpu.memory_space<hbm>>
      tpu.wait_dma2 semaphore(%run_scoped3A : memref<!tpu.dma_semaphore, #tpu.memory_space<semaphore_mem>>) src(%dma_wait3A_292 : memref<1600xi32, #tpu.memory_space<hbm>>) dst(%arg6 : memref<1600xi32, #tpu.memory_space<vmem>>)
      tpu.yield
    }) : () -> ()
    %dma_start3A_80 = arith.constant 0 : i32
    %dma_start3A_81 = arith.constant 0 : i32
    %dma_start3A_82 = tpu.memref_slice %arg3[%dma_start3A_80, %dma_start3A_81] : memref<1000000x32xf32, #tpu.memory_space<hbm>> -> memref<1000000x32xf32, #tpu.memory_space<hbm>>
    tpu.enqueue_indirect_dma source(%dma_start3A_82 : memref<1000000x32xf32, #tpu.memory_space<hbm>>) target(%arg8 : memref<1600x32xf32, #tpu.memory_space<vmem>>) offsets(%arg6 : memref<1600xi32, #tpu.memory_space<vmem>>) semaphore(%arg10 : memref<!tpu.dma_semaphore, #tpu.memory_space<semaphore_mem>>)
    %add3A_83 = arith.constant 6400 : i32
    %add3A_84 = arith.addi %mul3A_2, %add3A_83 : i32
    %dma_wait3A_85 = arith.constant 0 : i32
    %dma_wait3A_86 = arith.constant 0 : i32
    %dma_wait3A_87 = tpu.memref_slice %arg3[%dma_wait3A_85, %dma_wait3A_86] : memref<1000000x32xf32, #tpu.memory_space<hbm>> -> memref<1000000x32xf32, #tpu.memory_space<hbm>>
    tpu.wait_indirect_dma semaphore(%arg9 : memref<!tpu.dma_semaphore, #tpu.memory_space<semaphore_mem>>) src(%dma_wait3A_87 : memref<1000000x32xf32, #tpu.memory_space<hbm>>) dst(%arg7 : memref<1600x32xf32, #tpu.memory_space<vmem>>)
    %dma_start3A_88 = arith.constant 0 : i32
    %dma_start3A_89 = tpu.memref_slice %arg4[%add3A_84, %dma_start3A_88] : memref<819200x32xf32, #tpu.memory_space<hbm>> -> memref<1600x32xf32, #tpu.memory_space<hbm>>
    %dma_start3A_90 = arith.constant 0 : i32
    %dma_start3A_91 = tpu.memref_slice %arg4[%add3A_84, %dma_start3A_90] : memref<819200x32xf32, #tpu.memory_space<hbm>> -> memref<1600x32xf32, #tpu.memory_space<hbm>>
    tpu.enqueue_dma source(%arg7 : memref<1600x32xf32, #tpu.memory_space<vmem>>) target(%dma_start3A_91 : memref<1600x32xf32, #tpu.memory_space<hbm>>) target_semaphore(%arg11 : memref<!tpu.dma_semaphore, #tpu.memory_space<semaphore_mem>>)
    %dma_wait3A_92 = arith.constant 0 : i32
    %dma_wait3A_93 = tpu.memref_slice %arg4[%add3A_84, %dma_wait3A_92] : memref<819200x32xf32, #tpu.memory_space<hbm>> -> memref<1600x32xf32, #tpu.memory_space<hbm>>
    %dma_wait3A_94 = arith.constant 0 : i32
    %dma_wait3A_95 = tpu.memref_slice %arg4[%add3A_84, %dma_wait3A_94] : memref<819200x32xf32, #tpu.memory_space<hbm>> -> memref<1600x32xf32, #tpu.memory_space<hbm>>
    tpu.wait_dma2 semaphore(%arg11 : memref<!tpu.dma_semaphore, #tpu.memory_space<semaphore_mem>>) src(%arg7 : memref<1600x32xf32, #tpu.memory_space<vmem>>) dst(%dma_wait3A_95 : memref<1600x32xf32, #tpu.memory_space<hbm>>)
    %add3A_96 = arith.constant 9600 : i32
    %add3A_97 = arith.addi %mul3A_2, %add3A_96 : i32
    "tpu.region"() ({
      %run_scoped3A = tpu.sem_alloc : memref<!tpu.dma_semaphore, #tpu.memory_space<semaphore_mem>>
      %dma_start3A_289 = tpu.memref_slice %arg2[%add3A_97] : memref<819200xi32, #tpu.memory_space<hbm>> -> memref<1600xi32, #tpu.memory_space<hbm>>
      %dma_start3A_290 = tpu.memref_slice %arg2[%add3A_97] : memref<819200xi32, #tpu.memory_space<hbm>> -> memref<1600xi32, #tpu.memory_space<hbm>>
      tpu.enqueue_dma source(%dma_start3A_290 : memref<1600xi32, #tpu.memory_space<hbm>>) target(%arg5 : memref<1600xi32, #tpu.memory_space<vmem>>) target_semaphore(%run_scoped3A : memref<!tpu.dma_semaphore, #tpu.memory_space<semaphore_mem>>)
      %dma_wait3A_291 = tpu.memref_slice %arg2[%add3A_97] : memref<819200xi32, #tpu.memory_space<hbm>> -> memref<1600xi32, #tpu.memory_space<hbm>>
      %dma_wait3A_292 = tpu.memref_slice %arg2[%add3A_97] : memref<819200xi32, #tpu.memory_space<hbm>> -> memref<1600xi32, #tpu.memory_space<hbm>>
      tpu.wait_dma2 semaphore(%run_scoped3A : memref<!tpu.dma_semaphore, #tpu.memory_space<semaphore_mem>>) src(%dma_wait3A_292 : memref<1600xi32, #tpu.memory_space<hbm>>) dst(%arg5 : memref<1600xi32, #tpu.memory_space<vmem>>)
      tpu.yield
    }) : () -> ()
    %dma_start3A_98 = arith.constant 0 : i32
    %dma_start3A_99 = arith.constant 0 : i32
    %dma_start3A_100 = tpu.memref_slice %arg3[%dma_start3A_98, %dma_start3A_99] : memref<1000000x32xf32, #tpu.memory_space<hbm>> -> memref<1000000x32xf32, #tpu.memory_space<hbm>>
    tpu.enqueue_indirect_dma source(%dma_start3A_100 : memref<1000000x32xf32, #tpu.memory_space<hbm>>) target(%arg7 : memref<1600x32xf32, #tpu.memory_space<vmem>>) offsets(%arg5 : memref<1600xi32, #tpu.memory_space<vmem>>) semaphore(%arg9 : memref<!tpu.dma_semaphore, #tpu.memory_space<semaphore_mem>>)
    %add3A_101 = arith.constant 8000 : i32
    %add3A_102 = arith.addi %mul3A_2, %add3A_101 : i32
    %dma_wait3A_103 = arith.constant 0 : i32
    %dma_wait3A_104 = arith.constant 0 : i32
    %dma_wait3A_105 = tpu.memref_slice %arg3[%dma_wait3A_103, %dma_wait3A_104] : memref<1000000x32xf32, #tpu.memory_space<hbm>> -> memref<1000000x32xf32, #tpu.memory_space<hbm>>
    tpu.wait_indirect_dma semaphore(%arg10 : memref<!tpu.dma_semaphore, #tpu.memory_space<semaphore_mem>>) src(%dma_wait3A_105 : memref<1000000x32xf32, #tpu.memory_space<hbm>>) dst(%arg8 : memref<1600x32xf32, #tpu.memory_space<vmem>>)
    %dma_start3A_106 = arith.constant 0 : i32
    %dma_start3A_107 = tpu.memref_slice %arg4[%add3A_102, %dma_start3A_106] : memref<819200x32xf32, #tpu.memory_space<hbm>> -> memref<1600x32xf32, #tpu.memory_space<hbm>>
    %dma_start3A_108 = arith.constant 0 : i32
    %dma_start3A_109 = tpu.memref_slice %arg4[%add3A_102, %dma_start3A_108] : memref<819200x32xf32, #tpu.memory_space<hbm>> -> memref<1600x32xf32, #tpu.memory_space<hbm>>
    tpu.enqueue_dma source(%arg8 : memref<1600x32xf32, #tpu.memory_space<vmem>>) target(%dma_start3A_109 : memref<1600x32xf32, #tpu.memory_space<hbm>>) target_semaphore(%arg12 : memref<!tpu.dma_semaphore, #tpu.memory_space<semaphore_mem>>)
    %dma_wait3A_110 = arith.constant 0 : i32
    %dma_wait3A_111 = tpu.memref_slice %arg4[%add3A_102, %dma_wait3A_110] : memref<819200x32xf32, #tpu.memory_space<hbm>> -> memref<1600x32xf32, #tpu.memory_space<hbm>>
    %dma_wait3A_112 = arith.constant 0 : i32
    %dma_wait3A_113 = tpu.memref_slice %arg4[%add3A_102, %dma_wait3A_112] : memref<819200x32xf32, #tpu.memory_space<hbm>> -> memref<1600x32xf32, #tpu.memory_space<hbm>>
    tpu.wait_dma2 semaphore(%arg12 : memref<!tpu.dma_semaphore, #tpu.memory_space<semaphore_mem>>) src(%arg8 : memref<1600x32xf32, #tpu.memory_space<vmem>>) dst(%dma_wait3A_113 : memref<1600x32xf32, #tpu.memory_space<hbm>>)
    %add3A_114 = arith.constant 11200 : i32
    %add3A_115 = arith.addi %mul3A_2, %add3A_114 : i32
    "tpu.region"() ({
      %run_scoped3A = tpu.sem_alloc : memref<!tpu.dma_semaphore, #tpu.memory_space<semaphore_mem>>
      %dma_start3A_289 = tpu.memref_slice %arg2[%add3A_115] : memref<819200xi32, #tpu.memory_space<hbm>> -> memref<1600xi32, #tpu.memory_space<hbm>>
      %dma_start3A_290 = tpu.memref_slice %arg2[%add3A_115] : memref<819200xi32, #tpu.memory_space<hbm>> -> memref<1600xi32, #tpu.memory_space<hbm>>
      tpu.enqueue_dma source(%dma_start3A_290 : memref<1600xi32, #tpu.memory_space<hbm>>) target(%arg6 : memref<1600xi32, #tpu.memory_space<vmem>>) target_semaphore(%run_scoped3A : memref<!tpu.dma_semaphore, #tpu.memory_space<semaphore_mem>>)
      %dma_wait3A_291 = tpu.memref_slice %arg2[%add3A_115] : memref<819200xi32, #tpu.memory_space<hbm>> -> memref<1600xi32, #tpu.memory_space<hbm>>
      %dma_wait3A_292 = tpu.memref_slice %arg2[%add3A_115] : memref<819200xi32, #tpu.memory_space<hbm>> -> memref<1600xi32, #tpu.memory_space<hbm>>
      tpu.wait_dma2 semaphore(%run_scoped3A : memref<!tpu.dma_semaphore, #tpu.memory_space<semaphore_mem>>) src(%dma_wait3A_292 : memref<1600xi32, #tpu.memory_space<hbm>>) dst(%arg6 : memref<1600xi32, #tpu.memory_space<vmem>>)
      tpu.yield
    }) : () -> ()
    %dma_start3A_116 = arith.constant 0 : i32
    %dma_start3A_117 = arith.constant 0 : i32
    %dma_start3A_118 = tpu.memref_slice %arg3[%dma_start3A_116, %dma_start3A_117] : memref<1000000x32xf32, #tpu.memory_space<hbm>> -> memref<1000000x32xf32, #tpu.memory_space<hbm>>
    tpu.enqueue_indirect_dma source(%dma_start3A_118 : memref<1000000x32xf32, #tpu.memory_space<hbm>>) target(%arg8 : memref<1600x32xf32, #tpu.memory_space<vmem>>) offsets(%arg6 : memref<1600xi32, #tpu.memory_space<vmem>>) semaphore(%arg10 : memref<!tpu.dma_semaphore, #tpu.memory_space<semaphore_mem>>)
    %add3A_119 = arith.constant 9600 : i32
    %add3A_120 = arith.addi %mul3A_2, %add3A_119 : i32
    %dma_wait3A_121 = arith.constant 0 : i32
    %dma_wait3A_122 = arith.constant 0 : i32
    %dma_wait3A_123 = tpu.memref_slice %arg3[%dma_wait3A_121, %dma_wait3A_122] : memref<1000000x32xf32, #tpu.memory_space<hbm>> -> memref<1000000x32xf32, #tpu.memory_space<hbm>>
    tpu.wait_indirect_dma semaphore(%arg9 : memref<!tpu.dma_semaphore, #tpu.memory_space<semaphore_mem>>) src(%dma_wait3A_123 : memref<1000000x32xf32, #tpu.memory_space<hbm>>) dst(%arg7 : memref<1600x32xf32, #tpu.memory_space<vmem>>)
    %dma_start3A_124 = arith.constant 0 : i32
    %dma_start3A_125 = tpu.memref_slice %arg4[%add3A_120, %dma_start3A_124] : memref<819200x32xf32, #tpu.memory_space<hbm>> -> memref<1600x32xf32, #tpu.memory_space<hbm>>
    %dma_start3A_126 = arith.constant 0 : i32
    %dma_start3A_127 = tpu.memref_slice %arg4[%add3A_120, %dma_start3A_126] : memref<819200x32xf32, #tpu.memory_space<hbm>> -> memref<1600x32xf32, #tpu.memory_space<hbm>>
    tpu.enqueue_dma source(%arg7 : memref<1600x32xf32, #tpu.memory_space<vmem>>) target(%dma_start3A_127 : memref<1600x32xf32, #tpu.memory_space<hbm>>) target_semaphore(%arg11 : memref<!tpu.dma_semaphore, #tpu.memory_space<semaphore_mem>>)
    %dma_wait3A_128 = arith.constant 0 : i32
    %dma_wait3A_129 = tpu.memref_slice %arg4[%add3A_120, %dma_wait3A_128] : memref<819200x32xf32, #tpu.memory_space<hbm>> -> memref<1600x32xf32, #tpu.memory_space<hbm>>
    %dma_wait3A_130 = arith.constant 0 : i32
    %dma_wait3A_131 = tpu.memref_slice %arg4[%add3A_120, %dma_wait3A_130] : memref<819200x32xf32, #tpu.memory_space<hbm>> -> memref<1600x32xf32, #tpu.memory_space<hbm>>
    tpu.wait_dma2 semaphore(%arg11 : memref<!tpu.dma_semaphore, #tpu.memory_space<semaphore_mem>>) src(%arg7 : memref<1600x32xf32, #tpu.memory_space<vmem>>) dst(%dma_wait3A_131 : memref<1600x32xf32, #tpu.memory_space<hbm>>)
    %add3A_132 = arith.constant 12800 : i32
    %add3A_133 = arith.addi %mul3A_2, %add3A_132 : i32
    "tpu.region"() ({
      %run_scoped3A = tpu.sem_alloc : memref<!tpu.dma_semaphore, #tpu.memory_space<semaphore_mem>>
      %dma_start3A_289 = tpu.memref_slice %arg2[%add3A_133] : memref<819200xi32, #tpu.memory_space<hbm>> -> memref<1600xi32, #tpu.memory_space<hbm>>
      %dma_start3A_290 = tpu.memref_slice %arg2[%add3A_133] : memref<819200xi32, #tpu.memory_space<hbm>> -> memref<1600xi32, #tpu.memory_space<hbm>>
      tpu.enqueue_dma source(%dma_start3A_290 : memref<1600xi32, #tpu.memory_space<hbm>>) target(%arg5 : memref<1600xi32, #tpu.memory_space<vmem>>) target_semaphore(%run_scoped3A : memref<!tpu.dma_semaphore, #tpu.memory_space<semaphore_mem>>)
      %dma_wait3A_291 = tpu.memref_slice %arg2[%add3A_133] : memref<819200xi32, #tpu.memory_space<hbm>> -> memref<1600xi32, #tpu.memory_space<hbm>>
      %dma_wait3A_292 = tpu.memref_slice %arg2[%add3A_133] : memref<819200xi32, #tpu.memory_space<hbm>> -> memref<1600xi32, #tpu.memory_space<hbm>>
      tpu.wait_dma2 semaphore(%run_scoped3A : memref<!tpu.dma_semaphore, #tpu.memory_space<semaphore_mem>>) src(%dma_wait3A_292 : memref<1600xi32, #tpu.memory_space<hbm>>) dst(%arg5 : memref<1600xi32, #tpu.memory_space<vmem>>)
      tpu.yield
    }) : () -> ()
    %dma_start3A_134 = arith.constant 0 : i32
    %dma_start3A_135 = arith.constant 0 : i32
    %dma_start3A_136 = tpu.memref_slice %arg3[%dma_start3A_134, %dma_start3A_135] : memref<1000000x32xf32, #tpu.memory_space<hbm>> -> memref<1000000x32xf32, #tpu.memory_space<hbm>>
    tpu.enqueue_indirect_dma source(%dma_start3A_136 : memref<1000000x32xf32, #tpu.memory_space<hbm>>) target(%arg7 : memref<1600x32xf32, #tpu.memory_space<vmem>>) offsets(%arg5 : memref<1600xi32, #tpu.memory_space<vmem>>) semaphore(%arg9 : memref<!tpu.dma_semaphore, #tpu.memory_space<semaphore_mem>>)
    %add3A_137 = arith.constant 11200 : i32
    %add3A_138 = arith.addi %mul3A_2, %add3A_137 : i32
    %dma_wait3A_139 = arith.constant 0 : i32
    %dma_wait3A_140 = arith.constant 0 : i32
    %dma_wait3A_141 = tpu.memref_slice %arg3[%dma_wait3A_139, %dma_wait3A_140] : memref<1000000x32xf32, #tpu.memory_space<hbm>> -> memref<1000000x32xf32, #tpu.memory_space<hbm>>
    tpu.wait_indirect_dma semaphore(%arg10 : memref<!tpu.dma_semaphore, #tpu.memory_space<semaphore_mem>>) src(%dma_wait3A_141 : memref<1000000x32xf32, #tpu.memory_space<hbm>>) dst(%arg8 : memref<1600x32xf32, #tpu.memory_space<vmem>>)
    %dma_start3A_142 = arith.constant 0 : i32
    %dma_start3A_143 = tpu.memref_slice %arg4[%add3A_138, %dma_start3A_142] : memref<819200x32xf32, #tpu.memory_space<hbm>> -> memref<1600x32xf32, #tpu.memory_space<hbm>>
    %dma_start3A_144 = arith.constant 0 : i32
    %dma_start3A_145 = tpu.memref_slice %arg4[%add3A_138, %dma_start3A_144] : memref<819200x32xf32, #tpu.memory_space<hbm>> -> memref<1600x32xf32, #tpu.memory_space<hbm>>
    tpu.enqueue_dma source(%arg8 : memref<1600x32xf32, #tpu.memory_space<vmem>>) target(%dma_start3A_145 : memref<1600x32xf32, #tpu.memory_space<hbm>>) target_semaphore(%arg12 : memref<!tpu.dma_semaphore, #tpu.memory_space<semaphore_mem>>)
    %dma_wait3A_146 = arith.constant 0 : i32
    %dma_wait3A_147 = tpu.memref_slice %arg4[%add3A_138, %dma_wait3A_146] : memref<819200x32xf32, #tpu.memory_space<hbm>> -> memref<1600x32xf32, #tpu.memory_space<hbm>>
    %dma_wait3A_148 = arith.constant 0 : i32
    %dma_wait3A_149 = tpu.memref_slice %arg4[%add3A_138, %dma_wait3A_148] : memref<819200x32xf32, #tpu.memory_space<hbm>> -> memref<1600x32xf32, #tpu.memory_space<hbm>>
    tpu.wait_dma2 semaphore(%arg12 : memref<!tpu.dma_semaphore, #tpu.memory_space<semaphore_mem>>) src(%arg8 : memref<1600x32xf32, #tpu.memory_space<vmem>>) dst(%dma_wait3A_149 : memref<1600x32xf32, #tpu.memory_space<hbm>>)
    %add3A_150 = arith.constant 14400 : i32
    %add3A_151 = arith.addi %mul3A_2, %add3A_150 : i32
    "tpu.region"() ({
      %run_scoped3A = tpu.sem_alloc : memref<!tpu.dma_semaphore, #tpu.memory_space<semaphore_mem>>
      %dma_start3A_289 = tpu.memref_slice %arg2[%add3A_151] : memref<819200xi32, #tpu.memory_space<hbm>> -> memref<1600xi32, #tpu.memory_space<hbm>>
      %dma_start3A_290 = tpu.memref_slice %arg2[%add3A_151] : memref<819200xi32, #tpu.memory_space<hbm>> -> memref<1600xi32, #tpu.memory_space<hbm>>
      tpu.enqueue_dma source(%dma_start3A_290 : memref<1600xi32, #tpu.memory_space<hbm>>) target(%arg6 : memref<1600xi32, #tpu.memory_space<vmem>>) target_semaphore(%run_scoped3A : memref<!tpu.dma_semaphore, #tpu.memory_space<semaphore_mem>>)
      %dma_wait3A_291 = tpu.memref_slice %arg2[%add3A_151] : memref<819200xi32, #tpu.memory_space<hbm>> -> memref<1600xi32, #tpu.memory_space<hbm>>
      %dma_wait3A_292 = tpu.memref_slice %arg2[%add3A_151] : memref<819200xi32, #tpu.memory_space<hbm>> -> memref<1600xi32, #tpu.memory_space<hbm>>
      tpu.wait_dma2 semaphore(%run_scoped3A : memref<!tpu.dma_semaphore, #tpu.memory_space<semaphore_mem>>) src(%dma_wait3A_292 : memref<1600xi32, #tpu.memory_space<hbm>>) dst(%arg6 : memref<1600xi32, #tpu.memory_space<vmem>>)
      tpu.yield
    }) : () -> ()
    %dma_start3A_152 = arith.constant 0 : i32
    %dma_start3A_153 = arith.constant 0 : i32
    %dma_start3A_154 = tpu.memref_slice %arg3[%dma_start3A_152, %dma_start3A_153] : memref<1000000x32xf32, #tpu.memory_space<hbm>> -> memref<1000000x32xf32, #tpu.memory_space<hbm>>
    tpu.enqueue_indirect_dma source(%dma_start3A_154 : memref<1000000x32xf32, #tpu.memory_space<hbm>>) target(%arg8 : memref<1600x32xf32, #tpu.memory_space<vmem>>) offsets(%arg6 : memref<1600xi32, #tpu.memory_space<vmem>>) semaphore(%arg10 : memref<!tpu.dma_semaphore, #tpu.memory_space<semaphore_mem>>)
    %add3A_155 = arith.constant 12800 : i32
    %add3A_156 = arith.addi %mul3A_2, %add3A_155 : i32
    %dma_wait3A_157 = arith.constant 0 : i32
    %dma_wait3A_158 = arith.constant 0 : i32
    %dma_wait3A_159 = tpu.memref_slice %arg3[%dma_wait3A_157, %dma_wait3A_158] : memref<1000000x32xf32, #tpu.memory_space<hbm>> -> memref<1000000x32xf32, #tpu.memory_space<hbm>>
    tpu.wait_indirect_dma semaphore(%arg9 : memref<!tpu.dma_semaphore, #tpu.memory_space<semaphore_mem>>) src(%dma_wait3A_159 : memref<1000000x32xf32, #tpu.memory_space<hbm>>) dst(%arg7 : memref<1600x32xf32, #tpu.memory_space<vmem>>)
    %dma_start3A_160 = arith.constant 0 : i32
    %dma_start3A_161 = tpu.memref_slice %arg4[%add3A_156, %dma_start3A_160] : memref<819200x32xf32, #tpu.memory_space<hbm>> -> memref<1600x32xf32, #tpu.memory_space<hbm>>
    %dma_start3A_162 = arith.constant 0 : i32
    %dma_start3A_163 = tpu.memref_slice %arg4[%add3A_156, %dma_start3A_162] : memref<819200x32xf32, #tpu.memory_space<hbm>> -> memref<1600x32xf32, #tpu.memory_space<hbm>>
    tpu.enqueue_dma source(%arg7 : memref<1600x32xf32, #tpu.memory_space<vmem>>) target(%dma_start3A_163 : memref<1600x32xf32, #tpu.memory_space<hbm>>) target_semaphore(%arg11 : memref<!tpu.dma_semaphore, #tpu.memory_space<semaphore_mem>>)
    %dma_wait3A_164 = arith.constant 0 : i32
    %dma_wait3A_165 = tpu.memref_slice %arg4[%add3A_156, %dma_wait3A_164] : memref<819200x32xf32, #tpu.memory_space<hbm>> -> memref<1600x32xf32, #tpu.memory_space<hbm>>
    %dma_wait3A_166 = arith.constant 0 : i32
    %dma_wait3A_167 = tpu.memref_slice %arg4[%add3A_156, %dma_wait3A_166] : memref<819200x32xf32, #tpu.memory_space<hbm>> -> memref<1600x32xf32, #tpu.memory_space<hbm>>
    tpu.wait_dma2 semaphore(%arg11 : memref<!tpu.dma_semaphore, #tpu.memory_space<semaphore_mem>>) src(%arg7 : memref<1600x32xf32, #tpu.memory_space<vmem>>) dst(%dma_wait3A_167 : memref<1600x32xf32, #tpu.memory_space<hbm>>)
    %add3A_168 = arith.constant 16000 : i32
    %add3A_169 = arith.addi %mul3A_2, %add3A_168 : i32
    "tpu.region"() ({
      %run_scoped3A = tpu.sem_alloc : memref<!tpu.dma_semaphore, #tpu.memory_space<semaphore_mem>>
      %dma_start3A_289 = tpu.memref_slice %arg2[%add3A_169] : memref<819200xi32, #tpu.memory_space<hbm>> -> memref<1600xi32, #tpu.memory_space<hbm>>
      %dma_start3A_290 = tpu.memref_slice %arg2[%add3A_169] : memref<819200xi32, #tpu.memory_space<hbm>> -> memref<1600xi32, #tpu.memory_space<hbm>>
      tpu.enqueue_dma source(%dma_start3A_290 : memref<1600xi32, #tpu.memory_space<hbm>>) target(%arg5 : memref<1600xi32, #tpu.memory_space<vmem>>) target_semaphore(%run_scoped3A : memref<!tpu.dma_semaphore, #tpu.memory_space<semaphore_mem>>)
      %dma_wait3A_291 = tpu.memref_slice %arg2[%add3A_169] : memref<819200xi32, #tpu.memory_space<hbm>> -> memref<1600xi32, #tpu.memory_space<hbm>>
      %dma_wait3A_292 = tpu.memref_slice %arg2[%add3A_169] : memref<819200xi32, #tpu.memory_space<hbm>> -> memref<1600xi32, #tpu.memory_space<hbm>>
      tpu.wait_dma2 semaphore(%run_scoped3A : memref<!tpu.dma_semaphore, #tpu.memory_space<semaphore_mem>>) src(%dma_wait3A_292 : memref<1600xi32, #tpu.memory_space<hbm>>) dst(%arg5 : memref<1600xi32, #tpu.memory_space<vmem>>)
      tpu.yield
    }) : () -> ()
    %dma_start3A_170 = arith.constant 0 : i32
    %dma_start3A_171 = arith.constant 0 : i32
    %dma_start3A_172 = tpu.memref_slice %arg3[%dma_start3A_170, %dma_start3A_171] : memref<1000000x32xf32, #tpu.memory_space<hbm>> -> memref<1000000x32xf32, #tpu.memory_space<hbm>>
    tpu.enqueue_indirect_dma source(%dma_start3A_172 : memref<1000000x32xf32, #tpu.memory_space<hbm>>) target(%arg7 : memref<1600x32xf32, #tpu.memory_space<vmem>>) offsets(%arg5 : memref<1600xi32, #tpu.memory_space<vmem>>) semaphore(%arg9 : memref<!tpu.dma_semaphore, #tpu.memory_space<semaphore_mem>>)
    %add3A_173 = arith.constant 14400 : i32
    %add3A_174 = arith.addi %mul3A_2, %add3A_173 : i32
    %dma_wait3A_175 = arith.constant 0 : i32
    %dma_wait3A_176 = arith.constant 0 : i32
    %dma_wait3A_177 = tpu.memref_slice %arg3[%dma_wait3A_175, %dma_wait3A_176] : memref<1000000x32xf32, #tpu.memory_space<hbm>> -> memref<1000000x32xf32, #tpu.memory_space<hbm>>
    tpu.wait_indirect_dma semaphore(%arg10 : memref<!tpu.dma_semaphore, #tpu.memory_space<semaphore_mem>>) src(%dma_wait3A_177 : memref<1000000x32xf32, #tpu.memory_space<hbm>>) dst(%arg8 : memref<1600x32xf32, #tpu.memory_space<vmem>>)
    %dma_start3A_178 = arith.constant 0 : i32
    %dma_start3A_179 = tpu.memref_slice %arg4[%add3A_174, %dma_start3A_178] : memref<819200x32xf32, #tpu.memory_space<hbm>> -> memref<1600x32xf32, #tpu.memory_space<hbm>>
    %dma_start3A_180 = arith.constant 0 : i32
    %dma_start3A_181 = tpu.memref_slice %arg4[%add3A_174, %dma_start3A_180] : memref<819200x32xf32, #tpu.memory_space<hbm>> -> memref<1600x32xf32, #tpu.memory_space<hbm>>
    tpu.enqueue_dma source(%arg8 : memref<1600x32xf32, #tpu.memory_space<vmem>>) target(%dma_start3A_181 : memref<1600x32xf32, #tpu.memory_space<hbm>>) target_semaphore(%arg12 : memref<!tpu.dma_semaphore, #tpu.memory_space<semaphore_mem>>)
    %dma_wait3A_182 = arith.constant 0 : i32
    %dma_wait3A_183 = tpu.memref_slice %arg4[%add3A_174, %dma_wait3A_182] : memref<819200x32xf32, #tpu.memory_space<hbm>> -> memref<1600x32xf32, #tpu.memory_space<hbm>>
    %dma_wait3A_184 = arith.constant 0 : i32
    %dma_wait3A_185 = tpu.memref_slice %arg4[%add3A_174, %dma_wait3A_184] : memref<819200x32xf32, #tpu.memory_space<hbm>> -> memref<1600x32xf32, #tpu.memory_space<hbm>>
    tpu.wait_dma2 semaphore(%arg12 : memref<!tpu.dma_semaphore, #tpu.memory_space<semaphore_mem>>) src(%arg8 : memref<1600x32xf32, #tpu.memory_space<vmem>>) dst(%dma_wait3A_185 : memref<1600x32xf32, #tpu.memory_space<hbm>>)
    %add3A_186 = arith.constant 17600 : i32
    %add3A_187 = arith.addi %mul3A_2, %add3A_186 : i32
    "tpu.region"() ({
      %run_scoped3A = tpu.sem_alloc : memref<!tpu.dma_semaphore, #tpu.memory_space<semaphore_mem>>
      %dma_start3A_289 = tpu.memref_slice %arg2[%add3A_187] : memref<819200xi32, #tpu.memory_space<hbm>> -> memref<1600xi32, #tpu.memory_space<hbm>>
      %dma_start3A_290 = tpu.memref_slice %arg2[%add3A_187] : memref<819200xi32, #tpu.memory_space<hbm>> -> memref<1600xi32, #tpu.memory_space<hbm>>
      tpu.enqueue_dma source(%dma_start3A_290 : memref<1600xi32, #tpu.memory_space<hbm>>) target(%arg6 : memref<1600xi32, #tpu.memory_space<vmem>>) target_semaphore(%run_scoped3A : memref<!tpu.dma_semaphore, #tpu.memory_space<semaphore_mem>>)
      %dma_wait3A_291 = tpu.memref_slice %arg2[%add3A_187] : memref<819200xi32, #tpu.memory_space<hbm>> -> memref<1600xi32, #tpu.memory_space<hbm>>
      %dma_wait3A_292 = tpu.memref_slice %arg2[%add3A_187] : memref<819200xi32, #tpu.memory_space<hbm>> -> memref<1600xi32, #tpu.memory_space<hbm>>
      tpu.wait_dma2 semaphore(%run_scoped3A : memref<!tpu.dma_semaphore, #tpu.memory_space<semaphore_mem>>) src(%dma_wait3A_292 : memref<1600xi32, #tpu.memory_space<hbm>>) dst(%arg6 : memref<1600xi32, #tpu.memory_space<vmem>>)
      tpu.yield
    }) : () -> ()
    %dma_start3A_188 = arith.constant 0 : i32
    %dma_start3A_189 = arith.constant 0 : i32
    %dma_start3A_190 = tpu.memref_slice %arg3[%dma_start3A_188, %dma_start3A_189] : memref<1000000x32xf32, #tpu.memory_space<hbm>> -> memref<1000000x32xf32, #tpu.memory_space<hbm>>
    tpu.enqueue_indirect_dma source(%dma_start3A_190 : memref<1000000x32xf32, #tpu.memory_space<hbm>>) target(%arg8 : memref<1600x32xf32, #tpu.memory_space<vmem>>) offsets(%arg6 : memref<1600xi32, #tpu.memory_space<vmem>>) semaphore(%arg10 : memref<!tpu.dma_semaphore, #tpu.memory_space<semaphore_mem>>)
    %add3A_191 = arith.constant 16000 : i32
    %add3A_192 = arith.addi %mul3A_2, %add3A_191 : i32
    %dma_wait3A_193 = arith.constant 0 : i32
    %dma_wait3A_194 = arith.constant 0 : i32
    %dma_wait3A_195 = tpu.memref_slice %arg3[%dma_wait3A_193, %dma_wait3A_194] : memref<1000000x32xf32, #tpu.memory_space<hbm>> -> memref<1000000x32xf32, #tpu.memory_space<hbm>>
    tpu.wait_indirect_dma semaphore(%arg9 : memref<!tpu.dma_semaphore, #tpu.memory_space<semaphore_mem>>) src(%dma_wait3A_195 : memref<1000000x32xf32, #tpu.memory_space<hbm>>) dst(%arg7 : memref<1600x32xf32, #tpu.memory_space<vmem>>)
    %dma_start3A_196 = arith.constant 0 : i32
    %dma_start3A_197 = tpu.memref_slice %arg4[%add3A_192, %dma_start3A_196] : memref<819200x32xf32, #tpu.memory_space<hbm>> -> memref<1600x32xf32, #tpu.memory_space<hbm>>
    %dma_start3A_198 = arith.constant 0 : i32
    %dma_start3A_199 = tpu.memref_slice %arg4[%add3A_192, %dma_start3A_198] : memref<819200x32xf32, #tpu.memory_space<hbm>> -> memref<1600x32xf32, #tpu.memory_space<hbm>>
    tpu.enqueue_dma source(%arg7 : memref<1600x32xf32, #tpu.memory_space<vmem>>) target(%dma_start3A_199 : memref<1600x32xf32, #tpu.memory_space<hbm>>) target_semaphore(%arg11 : memref<!tpu.dma_semaphore, #tpu.memory_space<semaphore_mem>>)
    %dma_wait3A_200 = arith.constant 0 : i32
    %dma_wait3A_201 = tpu.memref_slice %arg4[%add3A_192, %dma_wait3A_200] : memref<819200x32xf32, #tpu.memory_space<hbm>> -> memref<1600x32xf32, #tpu.memory_space<hbm>>
    %dma_wait3A_202 = arith.constant 0 : i32
    %dma_wait3A_203 = tpu.memref_slice %arg4[%add3A_192, %dma_wait3A_202] : memref<819200x32xf32, #tpu.memory_space<hbm>> -> memref<1600x32xf32, #tpu.memory_space<hbm>>
    tpu.wait_dma2 semaphore(%arg11 : memref<!tpu.dma_semaphore, #tpu.memory_space<semaphore_mem>>) src(%arg7 : memref<1600x32xf32, #tpu.memory_space<vmem>>) dst(%dma_wait3A_203 : memref<1600x32xf32, #tpu.memory_space<hbm>>)
    %add3A_204 = arith.constant 19200 : i32
    %add3A_205 = arith.addi %mul3A_2, %add3A_204 : i32
    "tpu.region"() ({
      %run_scoped3A = tpu.sem_alloc : memref<!tpu.dma_semaphore, #tpu.memory_space<semaphore_mem>>
      %dma_start3A_289 = tpu.memref_slice %arg2[%add3A_205] : memref<819200xi32, #tpu.memory_space<hbm>> -> memref<1600xi32, #tpu.memory_space<hbm>>
      %dma_start3A_290 = tpu.memref_slice %arg2[%add3A_205] : memref<819200xi32, #tpu.memory_space<hbm>> -> memref<1600xi32, #tpu.memory_space<hbm>>
      tpu.enqueue_dma source(%dma_start3A_290 : memref<1600xi32, #tpu.memory_space<hbm>>) target(%arg5 : memref<1600xi32, #tpu.memory_space<vmem>>) target_semaphore(%run_scoped3A : memref<!tpu.dma_semaphore, #tpu.memory_space<semaphore_mem>>)
      %dma_wait3A_291 = tpu.memref_slice %arg2[%add3A_205] : memref<819200xi32, #tpu.memory_space<hbm>> -> memref<1600xi32, #tpu.memory_space<hbm>>
      %dma_wait3A_292 = tpu.memref_slice %arg2[%add3A_205] : memref<819200xi32, #tpu.memory_space<hbm>> -> memref<1600xi32, #tpu.memory_space<hbm>>
      tpu.wait_dma2 semaphore(%run_scoped3A : memref<!tpu.dma_semaphore, #tpu.memory_space<semaphore_mem>>) src(%dma_wait3A_292 : memref<1600xi32, #tpu.memory_space<hbm>>) dst(%arg5 : memref<1600xi32, #tpu.memory_space<vmem>>)
      tpu.yield
    }) : () -> ()
    %dma_start3A_206 = arith.constant 0 : i32
    %dma_start3A_207 = arith.constant 0 : i32
    %dma_start3A_208 = tpu.memref_slice %arg3[%dma_start3A_206, %dma_start3A_207] : memref<1000000x32xf32, #tpu.memory_space<hbm>> -> memref<1000000x32xf32, #tpu.memory_space<hbm>>
    tpu.enqueue_indirect_dma source(%dma_start3A_208 : memref<1000000x32xf32, #tpu.memory_space<hbm>>) target(%arg7 : memref<1600x32xf32, #tpu.memory_space<vmem>>) offsets(%arg5 : memref<1600xi32, #tpu.memory_space<vmem>>) semaphore(%arg9 : memref<!tpu.dma_semaphore, #tpu.memory_space<semaphore_mem>>)
    %add3A_209 = arith.constant 17600 : i32
    %add3A_210 = arith.addi %mul3A_2, %add3A_209 : i32
    %dma_wait3A_211 = arith.constant 0 : i32
    %dma_wait3A_212 = arith.constant 0 : i32
    %dma_wait3A_213 = tpu.memref_slice %arg3[%dma_wait3A_211, %dma_wait3A_212] : memref<1000000x32xf32, #tpu.memory_space<hbm>> -> memref<1000000x32xf32, #tpu.memory_space<hbm>>
    tpu.wait_indirect_dma semaphore(%arg10 : memref<!tpu.dma_semaphore, #tpu.memory_space<semaphore_mem>>) src(%dma_wait3A_213 : memref<1000000x32xf32, #tpu.memory_space<hbm>>) dst(%arg8 : memref<1600x32xf32, #tpu.memory_space<vmem>>)
    %dma_start3A_214 = arith.constant 0 : i32
    %dma_start3A_215 = tpu.memref_slice %arg4[%add3A_210, %dma_start3A_214] : memref<819200x32xf32, #tpu.memory_space<hbm>> -> memref<1600x32xf32, #tpu.memory_space<hbm>>
    %dma_start3A_216 = arith.constant 0 : i32
    %dma_start3A_217 = tpu.memref_slice %arg4[%add3A_210, %dma_start3A_216] : memref<819200x32xf32, #tpu.memory_space<hbm>> -> memref<1600x32xf32, #tpu.memory_space<hbm>>
    tpu.enqueue_dma source(%arg8 : memref<1600x32xf32, #tpu.memory_space<vmem>>) target(%dma_start3A_217 : memref<1600x32xf32, #tpu.memory_space<hbm>>) target_semaphore(%arg12 : memref<!tpu.dma_semaphore, #tpu.memory_space<semaphore_mem>>)
    %dma_wait3A_218 = arith.constant 0 : i32
    %dma_wait3A_219 = tpu.memref_slice %arg4[%add3A_210, %dma_wait3A_218] : memref<819200x32xf32, #tpu.memory_space<hbm>> -> memref<1600x32xf32, #tpu.memory_space<hbm>>
    %dma_wait3A_220 = arith.constant 0 : i32
    %dma_wait3A_221 = tpu.memref_slice %arg4[%add3A_210, %dma_wait3A_220] : memref<819200x32xf32, #tpu.memory_space<hbm>> -> memref<1600x32xf32, #tpu.memory_space<hbm>>
    tpu.wait_dma2 semaphore(%arg12 : memref<!tpu.dma_semaphore, #tpu.memory_space<semaphore_mem>>) src(%arg8 : memref<1600x32xf32, #tpu.memory_space<vmem>>) dst(%dma_wait3A_221 : memref<1600x32xf32, #tpu.memory_space<hbm>>)
    %add3A_222 = arith.constant 20800 : i32
    %add3A_223 = arith.addi %mul3A_2, %add3A_222 : i32
    "tpu.region"() ({
      %run_scoped3A = tpu.sem_alloc : memref<!tpu.dma_semaphore, #tpu.memory_space<semaphore_mem>>
      %dma_start3A_289 = tpu.memref_slice %arg2[%add3A_223] : memref<819200xi32, #tpu.memory_space<hbm>> -> memref<1600xi32, #tpu.memory_space<hbm>>
      %dma_start3A_290 = tpu.memref_slice %arg2[%add3A_223] : memref<819200xi32, #tpu.memory_space<hbm>> -> memref<1600xi32, #tpu.memory_space<hbm>>
      tpu.enqueue_dma source(%dma_start3A_290 : memref<1600xi32, #tpu.memory_space<hbm>>) target(%arg6 : memref<1600xi32, #tpu.memory_space<vmem>>) target_semaphore(%run_scoped3A : memref<!tpu.dma_semaphore, #tpu.memory_space<semaphore_mem>>)
      %dma_wait3A_291 = tpu.memref_slice %arg2[%add3A_223] : memref<819200xi32, #tpu.memory_space<hbm>> -> memref<1600xi32, #tpu.memory_space<hbm>>
      %dma_wait3A_292 = tpu.memref_slice %arg2[%add3A_223] : memref<819200xi32, #tpu.memory_space<hbm>> -> memref<1600xi32, #tpu.memory_space<hbm>>
      tpu.wait_dma2 semaphore(%run_scoped3A : memref<!tpu.dma_semaphore, #tpu.memory_space<semaphore_mem>>) src(%dma_wait3A_292 : memref<1600xi32, #tpu.memory_space<hbm>>) dst(%arg6 : memref<1600xi32, #tpu.memory_space<vmem>>)
      tpu.yield
    }) : () -> ()
    %dma_start3A_224 = arith.constant 0 : i32
    %dma_start3A_225 = arith.constant 0 : i32
    %dma_start3A_226 = tpu.memref_slice %arg3[%dma_start3A_224, %dma_start3A_225] : memref<1000000x32xf32, #tpu.memory_space<hbm>> -> memref<1000000x32xf32, #tpu.memory_space<hbm>>
    tpu.enqueue_indirect_dma source(%dma_start3A_226 : memref<1000000x32xf32, #tpu.memory_space<hbm>>) target(%arg8 : memref<1600x32xf32, #tpu.memory_space<vmem>>) offsets(%arg6 : memref<1600xi32, #tpu.memory_space<vmem>>) semaphore(%arg10 : memref<!tpu.dma_semaphore, #tpu.memory_space<semaphore_mem>>)
    %add3A_227 = arith.constant 19200 : i32
    %add3A_228 = arith.addi %mul3A_2, %add3A_227 : i32
    %dma_wait3A_229 = arith.constant 0 : i32
    %dma_wait3A_230 = arith.constant 0 : i32
    %dma_wait3A_231 = tpu.memref_slice %arg3[%dma_wait3A_229, %dma_wait3A_230] : memref<1000000x32xf32, #tpu.memory_space<hbm>> -> memref<1000000x32xf32, #tpu.memory_space<hbm>>
    tpu.wait_indirect_dma semaphore(%arg9 : memref<!tpu.dma_semaphore, #tpu.memory_space<semaphore_mem>>) src(%dma_wait3A_231 : memref<1000000x32xf32, #tpu.memory_space<hbm>>) dst(%arg7 : memref<1600x32xf32, #tpu.memory_space<vmem>>)
    %dma_start3A_232 = arith.constant 0 : i32
    %dma_start3A_233 = tpu.memref_slice %arg4[%add3A_228, %dma_start3A_232] : memref<819200x32xf32, #tpu.memory_space<hbm>> -> memref<1600x32xf32, #tpu.memory_space<hbm>>
    %dma_start3A_234 = arith.constant 0 : i32
    %dma_start3A_235 = tpu.memref_slice %arg4[%add3A_228, %dma_start3A_234] : memref<819200x32xf32, #tpu.memory_space<hbm>> -> memref<1600x32xf32, #tpu.memory_space<hbm>>
    tpu.enqueue_dma source(%arg7 : memref<1600x32xf32, #tpu.memory_space<vmem>>) target(%dma_start3A_235 : memref<1600x32xf32, #tpu.memory_space<hbm>>) target_semaphore(%arg11 : memref<!tpu.dma_semaphore, #tpu.memory_space<semaphore_mem>>)
    %dma_wait3A_236 = arith.constant 0 : i32
    %dma_wait3A_237 = tpu.memref_slice %arg4[%add3A_228, %dma_wait3A_236] : memref<819200x32xf32, #tpu.memory_space<hbm>> -> memref<1600x32xf32, #tpu.memory_space<hbm>>
    %dma_wait3A_238 = arith.constant 0 : i32
    %dma_wait3A_239 = tpu.memref_slice %arg4[%add3A_228, %dma_wait3A_238] : memref<819200x32xf32, #tpu.memory_space<hbm>> -> memref<1600x32xf32, #tpu.memory_space<hbm>>
    tpu.wait_dma2 semaphore(%arg11 : memref<!tpu.dma_semaphore, #tpu.memory_space<semaphore_mem>>) src(%arg7 : memref<1600x32xf32, #tpu.memory_space<vmem>>) dst(%dma_wait3A_239 : memref<1600x32xf32, #tpu.memory_space<hbm>>)
    %add3A_240 = arith.constant 22400 : i32
    %add3A_241 = arith.addi %mul3A_2, %add3A_240 : i32
    "tpu.region"() ({
      %run_scoped3A = tpu.sem_alloc : memref<!tpu.dma_semaphore, #tpu.memory_space<semaphore_mem>>
      %dma_start3A_289 = tpu.memref_slice %arg2[%add3A_241] : memref<819200xi32, #tpu.memory_space<hbm>> -> memref<1600xi32, #tpu.memory_space<hbm>>
      %dma_start3A_290 = tpu.memref_slice %arg2[%add3A_241] : memref<819200xi32, #tpu.memory_space<hbm>> -> memref<1600xi32, #tpu.memory_space<hbm>>
      tpu.enqueue_dma source(%dma_start3A_290 : memref<1600xi32, #tpu.memory_space<hbm>>) target(%arg5 : memref<1600xi32, #tpu.memory_space<vmem>>) target_semaphore(%run_scoped3A : memref<!tpu.dma_semaphore, #tpu.memory_space<semaphore_mem>>)
      %dma_wait3A_291 = tpu.memref_slice %arg2[%add3A_241] : memref<819200xi32, #tpu.memory_space<hbm>> -> memref<1600xi32, #tpu.memory_space<hbm>>
      %dma_wait3A_292 = tpu.memref_slice %arg2[%add3A_241] : memref<819200xi32, #tpu.memory_space<hbm>> -> memref<1600xi32, #tpu.memory_space<hbm>>
      tpu.wait_dma2 semaphore(%run_scoped3A : memref<!tpu.dma_semaphore, #tpu.memory_space<semaphore_mem>>) src(%dma_wait3A_292 : memref<1600xi32, #tpu.memory_space<hbm>>) dst(%arg5 : memref<1600xi32, #tpu.memory_space<vmem>>)
      tpu.yield
    }) : () -> ()
    %dma_start3A_242 = arith.constant 0 : i32
    %dma_start3A_243 = arith.constant 0 : i32
    %dma_start3A_244 = tpu.memref_slice %arg3[%dma_start3A_242, %dma_start3A_243] : memref<1000000x32xf32, #tpu.memory_space<hbm>> -> memref<1000000x32xf32, #tpu.memory_space<hbm>>
    tpu.enqueue_indirect_dma source(%dma_start3A_244 : memref<1000000x32xf32, #tpu.memory_space<hbm>>) target(%arg7 : memref<1600x32xf32, #tpu.memory_space<vmem>>) offsets(%arg5 : memref<1600xi32, #tpu.memory_space<vmem>>) semaphore(%arg9 : memref<!tpu.dma_semaphore, #tpu.memory_space<semaphore_mem>>)
    %add3A_245 = arith.constant 20800 : i32
    %add3A_246 = arith.addi %mul3A_2, %add3A_245 : i32
    %dma_wait3A_247 = arith.constant 0 : i32
    %dma_wait3A_248 = arith.constant 0 : i32
    %dma_wait3A_249 = tpu.memref_slice %arg3[%dma_wait3A_247, %dma_wait3A_248] : memref<1000000x32xf32, #tpu.memory_space<hbm>> -> memref<1000000x32xf32, #tpu.memory_space<hbm>>
    tpu.wait_indirect_dma semaphore(%arg10 : memref<!tpu.dma_semaphore, #tpu.memory_space<semaphore_mem>>) src(%dma_wait3A_249 : memref<1000000x32xf32, #tpu.memory_space<hbm>>) dst(%arg8 : memref<1600x32xf32, #tpu.memory_space<vmem>>)
    %dma_start3A_250 = arith.constant 0 : i32
    %dma_start3A_251 = tpu.memref_slice %arg4[%add3A_246, %dma_start3A_250] : memref<819200x32xf32, #tpu.memory_space<hbm>> -> memref<1600x32xf32, #tpu.memory_space<hbm>>
    %dma_start3A_252 = arith.constant 0 : i32
    %dma_start3A_253 = tpu.memref_slice %arg4[%add3A_246, %dma_start3A_252] : memref<819200x32xf32, #tpu.memory_space<hbm>> -> memref<1600x32xf32, #tpu.memory_space<hbm>>
    tpu.enqueue_dma source(%arg8 : memref<1600x32xf32, #tpu.memory_space<vmem>>) target(%dma_start3A_253 : memref<1600x32xf32, #tpu.memory_space<hbm>>) target_semaphore(%arg12 : memref<!tpu.dma_semaphore, #tpu.memory_space<semaphore_mem>>)
    %dma_wait3A_254 = arith.constant 0 : i32
    %dma_wait3A_255 = tpu.memref_slice %arg4[%add3A_246, %dma_wait3A_254] : memref<819200x32xf32, #tpu.memory_space<hbm>> -> memref<1600x32xf32, #tpu.memory_space<hbm>>
    %dma_wait3A_256 = arith.constant 0 : i32
    %dma_wait3A_257 = tpu.memref_slice %arg4[%add3A_246, %dma_wait3A_256] : memref<819200x32xf32, #tpu.memory_space<hbm>> -> memref<1600x32xf32, #tpu.memory_space<hbm>>
    tpu.wait_dma2 semaphore(%arg12 : memref<!tpu.dma_semaphore, #tpu.memory_space<semaphore_mem>>) src(%arg8 : memref<1600x32xf32, #tpu.memory_space<vmem>>) dst(%dma_wait3A_257 : memref<1600x32xf32, #tpu.memory_space<hbm>>)
    %add3A_258 = arith.constant 24000 : i32
    %add3A_259 = arith.addi %mul3A_2, %add3A_258 : i32
    "tpu.region"() ({
      %run_scoped3A = tpu.sem_alloc : memref<!tpu.dma_semaphore, #tpu.memory_space<semaphore_mem>>
      %dma_start3A_289 = tpu.memref_slice %arg2[%add3A_259] : memref<819200xi32, #tpu.memory_space<hbm>> -> memref<1600xi32, #tpu.memory_space<hbm>>
      %dma_start3A_290 = tpu.memref_slice %arg2[%add3A_259] : memref<819200xi32, #tpu.memory_space<hbm>> -> memref<1600xi32, #tpu.memory_space<hbm>>
      tpu.enqueue_dma source(%dma_start3A_290 : memref<1600xi32, #tpu.memory_space<hbm>>) target(%arg6 : memref<1600xi32, #tpu.memory_space<vmem>>) target_semaphore(%run_scoped3A : memref<!tpu.dma_semaphore, #tpu.memory_space<semaphore_mem>>)
      %dma_wait3A_291 = tpu.memref_slice %arg2[%add3A_259] : memref<819200xi32, #tpu.memory_space<hbm>> -> memref<1600xi32, #tpu.memory_space<hbm>>
      %dma_wait3A_292 = tpu.memref_slice %arg2[%add3A_259] : memref<819200xi32, #tpu.memory_space<hbm>> -> memref<1600xi32, #tpu.memory_space<hbm>>
      tpu.wait_dma2 semaphore(%run_scoped3A : memref<!tpu.dma_semaphore, #tpu.memory_space<semaphore_mem>>) src(%dma_wait3A_292 : memref<1600xi32, #tpu.memory_space<hbm>>) dst(%arg6 : memref<1600xi32, #tpu.memory_space<vmem>>)
      tpu.yield
    }) : () -> ()
    %dma_start3A_260 = arith.constant 0 : i32
    %dma_start3A_261 = arith.constant 0 : i32
    %dma_start3A_262 = tpu.memref_slice %arg3[%dma_start3A_260, %dma_start3A_261] : memref<1000000x32xf32, #tpu.memory_space<hbm>> -> memref<1000000x32xf32, #tpu.memory_space<hbm>>
    tpu.enqueue_indirect_dma source(%dma_start3A_262 : memref<1000000x32xf32, #tpu.memory_space<hbm>>) target(%arg8 : memref<1600x32xf32, #tpu.memory_space<vmem>>) offsets(%arg6 : memref<1600xi32, #tpu.memory_space<vmem>>) semaphore(%arg10 : memref<!tpu.dma_semaphore, #tpu.memory_space<semaphore_mem>>)
    %add3A_263 = arith.constant 22400 : i32
    %add3A_264 = arith.addi %mul3A_2, %add3A_263 : i32
    %dma_wait3A_265 = arith.constant 0 : i32
    %dma_wait3A_266 = arith.constant 0 : i32
    %dma_wait3A_267 = tpu.memref_slice %arg3[%dma_wait3A_265, %dma_wait3A_266] : memref<1000000x32xf32, #tpu.memory_space<hbm>> -> memref<1000000x32xf32, #tpu.memory_space<hbm>>
    tpu.wait_indirect_dma semaphore(%arg9 : memref<!tpu.dma_semaphore, #tpu.memory_space<semaphore_mem>>) src(%dma_wait3A_267 : memref<1000000x32xf32, #tpu.memory_space<hbm>>) dst(%arg7 : memref<1600x32xf32, #tpu.memory_space<vmem>>)
    %dma_start3A_268 = arith.constant 0 : i32
    %dma_start3A_269 = tpu.memref_slice %arg4[%add3A_264, %dma_start3A_268] : memref<819200x32xf32, #tpu.memory_space<hbm>> -> memref<1600x32xf32, #tpu.memory_space<hbm>>
    %dma_start3A_270 = arith.constant 0 : i32
    %dma_start3A_271 = tpu.memref_slice %arg4[%add3A_264, %dma_start3A_270] : memref<819200x32xf32, #tpu.memory_space<hbm>> -> memref<1600x32xf32, #tpu.memory_space<hbm>>
    tpu.enqueue_dma source(%arg7 : memref<1600x32xf32, #tpu.memory_space<vmem>>) target(%dma_start3A_271 : memref<1600x32xf32, #tpu.memory_space<hbm>>) target_semaphore(%arg11 : memref<!tpu.dma_semaphore, #tpu.memory_space<semaphore_mem>>)
    %add3A_272 = arith.constant 24000 : i32
    %add3A_273 = arith.addi %mul3A_2, %add3A_272 : i32
    %dma_wait3A_274 = arith.constant 0 : i32
    %dma_wait3A_275 = arith.constant 0 : i32
    %dma_wait3A_276 = tpu.memref_slice %arg3[%dma_wait3A_274, %dma_wait3A_275] : memref<1000000x32xf32, #tpu.memory_space<hbm>> -> memref<1000000x32xf32, #tpu.memory_space<hbm>>
    tpu.wait_indirect_dma semaphore(%arg10 : memref<!tpu.dma_semaphore, #tpu.memory_space<semaphore_mem>>) src(%dma_wait3A_276 : memref<1000000x32xf32, #tpu.memory_space<hbm>>) dst(%arg8 : memref<1600x32xf32, #tpu.memory_space<vmem>>)
    %dma_start3A_277 = arith.constant 0 : i32
    %dma_start3A_278 = tpu.memref_slice %arg4[%add3A_273, %dma_start3A_277] : memref<819200x32xf32, #tpu.memory_space<hbm>> -> memref<1600x32xf32, #tpu.memory_space<hbm>>
    %dma_start3A_279 = arith.constant 0 : i32
    %dma_start3A_280 = tpu.memref_slice %arg4[%add3A_273, %dma_start3A_279] : memref<819200x32xf32, #tpu.memory_space<hbm>> -> memref<1600x32xf32, #tpu.memory_space<hbm>>
    tpu.enqueue_dma source(%arg8 : memref<1600x32xf32, #tpu.memory_space<vmem>>) target(%dma_start3A_280 : memref<1600x32xf32, #tpu.memory_space<hbm>>) target_semaphore(%arg12 : memref<!tpu.dma_semaphore, #tpu.memory_space<semaphore_mem>>)
    %dma_wait3A_281 = arith.constant 0 : i32
    %dma_wait3A_282 = tpu.memref_slice %arg4[%add3A_264, %dma_wait3A_281] : memref<819200x32xf32, #tpu.memory_space<hbm>> -> memref<1600x32xf32, #tpu.memory_space<hbm>>
    %dma_wait3A_283 = arith.constant 0 : i32
    %dma_wait3A_284 = tpu.memref_slice %arg4[%add3A_264, %dma_wait3A_283] : memref<819200x32xf32, #tpu.memory_space<hbm>> -> memref<1600x32xf32, #tpu.memory_space<hbm>>
    tpu.wait_dma2 semaphore(%arg11 : memref<!tpu.dma_semaphore, #tpu.memory_space<semaphore_mem>>) src(%arg7 : memref<1600x32xf32, #tpu.memory_space<vmem>>) dst(%dma_wait3A_284 : memref<1600x32xf32, #tpu.memory_space<hbm>>)
    %dma_wait3A_285 = arith.constant 0 : i32
    %dma_wait3A_286 = tpu.memref_slice %arg4[%add3A_273, %dma_wait3A_285] : memref<819200x32xf32, #tpu.memory_space<hbm>> -> memref<1600x32xf32, #tpu.memory_space<hbm>>
    %dma_wait3A_287 = arith.constant 0 : i32
    %dma_wait3A_288 = tpu.memref_slice %arg4[%add3A_273, %dma_wait3A_287] : memref<819200x32xf32, #tpu.memory_space<hbm>> -> memref<1600x32xf32, #tpu.memory_space<hbm>>
    tpu.wait_dma2 semaphore(%arg12 : memref<!tpu.dma_semaphore, #tpu.memory_space<semaphore_mem>>) src(%arg8 : memref<1600x32xf32, #tpu.memory_space<vmem>>) dst(%dma_wait3A_288 : memref<1600x32xf32, #tpu.memory_space<hbm>>)
    return
  }
}

</mosaic_0001>

<sc_bundles>
// kernel: kernel.4.cloned.1.call-start
scs
__scs_entry_jumppad:
0x0: {  	(pc) =	sbr.rel $0x88, $3  }
0x1: {  	(tag) =	ssettag $0x0;
	lr =	simm.s32 $0x1  }
0x2: {  	[smem:$0x3F9F] =	sst lr;
	_ =	strace $0xD0000000  }
0x3: {  	_ = 	snop  }
0x4: {  	_ = 	snop  }
0x5: {  	_ = 	snop  }
0x6: {  	_ = 	snop  }
0x7: {  	_ = 	snop  }
__scs_overlays_trampoline_lowered:
0x8: {  	[smem:$0x3FAE] =	sst s0  }
0x9: {  	[smem:$0x3FAF] =	sst s1  }
0xa: {  	[smem:$0x3FB0] =	sst s2  }
0xb: {  	[smem:$0x3FB1] =	sst s3  }
0xc: {  	[smem:$0x3FB2] =	sst s4  }
0xd: {  	[smem:$0x3FB3] =	sst s5  }
0xe: {  	[smem:$0x3FB4] =	sst s6  }
0xf: {  	[smem:$0x3FB5] =	sst s7  }
0x10: {  	[smem:$0x3FB6] =	sst s8  }
0x11: {  	[smem:$0x3FB7] =	sst s9;
	s0 =	simm.s32 @!p0 $0x0  }
0x12: {  	s1 =	sld [smem:$0x3F9D];
	s0 =	simm.s32 @p0 $0x1  }
0x13: {  	[smem:$0x3FB8] =	sst s0;
	s0 =	simm.s32 @!p1 $0x0  }
0x14: {  	s2 =	sld [smem:$0x3F9C];
	s0 =	simm.s32 @p1 $0x1  }
0x15: {  	[smem:$0x3FB9] =	sst s0;
	s0 =	simm.s32 @!p2 $0x0  }
0x16: {  	s3 =	sld [smem:$0x3FDB];
	s0 =	simm.s32 @p2 $0x1  }
0x17: {  	s4 =	simm.s32 $0x1BF5;
	[smem:$0x3FBB] =	sst s0  }
0x18: {  	s0 =	sld [smem:$0x3F9E];
	_ =	swait.ge [sflag:s4], $0x0  }
0x19: {  	s7 =	sld [smem:$0x3F9F]  }
0x1a: {  	s8 =	sadd.s32 $0xFFFFE003, lr  }
0x1b: {  	s9 =	sadd.s32 $0xFFFFFEF7, lr;
	s5 =	simm.s32 $0xFFFFFFFF;
	p2 =	slt.u32 s8, $0xFFFFF086  }
0x1c: {  	p1 =	slt.u32 s9, $0xF7A;
	s5 =	simm.s32 @!p2 $0x0  }
0x1d: {  	s5 =	simm.s32 @p1 $0x1;
	p0 =	seq.s32 s7, s2  }
0x1e: {  	s7 =	smul.u32 @!p0 $0xF7A, s2;
	p2 =	seq.s32 @!p0 s5, $0x0  }
0x1f: {  	s9 =	smul.u32 $0xF7A, s1;
	s8 =	simm.s32 @!p0 $0x1BF5;
	p2 =	por !p2, p0  }
0x20: {  	[sflag:s8] =	ssyncset.s32 @!p0 $0xFFFFF086;
	s6 =	sadd.s32 @!p0 s3, s7;
	s7 =	simm.s32 @!p0 $0x108  }
0x21: {  	s3 =	sadd.s32 s3, s9;
	s6 =	sadd.s32 @!p0 $0x88, s6;
	s7 =	simm.s32 @p2 $0x1082  }
0x22: {  	[simem:s7], [sflag:s8] =	dma.local @!p0 [hbm:s6], $0xF7A  }
0x23: {  	s9 =	sor.u32 $0xD0000000, s2;
	s6 =	simm.s32 $0x108;
	_ =	swait.ge @!p0 [sflag:s8], $0x0  }
0x24: {  	s3 =	sadd.s32 $0x88, s3;
	s6 =	simm.s32 @!p1 $0x1082;
	[sflag:s4] =	ssyncset.s32 $0xFFFFF086  }
0x25: {  	[simem:s6], [sflag:s4] =	dma.local [hbm:s3], $0xF7A  }
0x26: {  	[smem:$0x3F9F] =	sst s1;
	(tag) =	ssettag s2;
	_ =	strace s9  }
0x27: {  	s1 =	sld [smem:$0x3FAF]  }
0x28: {  	s2 =	sld [smem:$0x3FB0]  }
0x29: {  	s4 =	sld [smem:$0x3FB2]  }
0x2a: {  	p0 =	seq.s32 s5, $0x0;
	s5 =	sld [smem:$0x3FB3]  }
0x2b: {  	s6 =	sld [smem:$0x3FB4]  }
0x2c: {  	s7 =	sld [smem:$0x3FB5]  }
0x2d: {  	s3 =	simm.s32 $0x108;
	s8 =	sld [smem:$0x3FB6]  }
0x2e: {  	s3 =	simm.s32 @!p0 $0x1082;
	s9 =	sld [smem:$0x3FB7]  }
0x2f: {  	lr =	sadd.s32 s0, s3;
	s0 =	sld [smem:$0x3FAE]  }
0x30: {  	s3 =	sld [smem:$0x3FB1]  }
0x31: {  	[smem:$0x3FBA] =	sst s10  }
0x32: {  	s10 =	sld [smem:$0x3FB8];
	_ =	sdelay $0x3  }
0x33: {  	p0 =	seq.s32 s10, $0x1;
	s10 =	sld [smem:$0x3FBA];
	_ =	sdelay $0x3  }
0x34: {  	[smem:$0x3FBA] =	sst s10  }
0x35: {  	s10 =	sld [smem:$0x3FB9];
	_ =	sdelay $0x3  }
0x36: {  	p1 =	seq.s32 s10, $0x1;
	s10 =	sld [smem:$0x3FBA];
	_ =	sdelay $0x3  }
0x37: {  	[smem:$0x3FBA] =	sst s10  }
0x38: {  	s10 =	sld [smem:$0x3FBB]  }
0x39: {  	_ = 	snop;
	(pc) =	sbr.ind lr, $3  }
0x3a: {  	_ = 	snop  }
0x3b: {  	_ = 	snop  }
0x3c: {  	p2 =	seq.s32 s10, $0x1;
	s10 =	sld [smem:$0x3FBA]  }
0x3d: {  	_ =	shalt  }
0x3e: {  	_ =	shalt  }
0x3f: {  	_ =	shalt  }
0x40: {  	_ =	shalt  }
0x41: {  	_ =	shalt  }
0x42: {  	_ =	shalt  }
0x43: {  	_ =	shalt  }
0x44: {  	_ =	shalt  }
0x45: {  	_ =	shalt  }
0x46: {  	_ =	shalt  }
0x47: {  	_ =	shalt  }
0x48: {  	_ =	shalt  }
0x49: {  	_ =	shalt  }
0x4a: {  	_ =	shalt  }
0x4b: {  	_ =	shalt  }
0x4c: {  	_ =	shalt  }
0x4d: {  	_ =	shalt  }
0x4e: {  	_ =	shalt  }
0x4f: {  	_ =	shalt  }
0x50: {  	_ =	shalt  }
0x51: {  	_ =	shalt  }
0x52: {  	_ =	shalt  }
0x53: {  	_ =	shalt  }
0x54: {  	_ =	shalt  }
0x55: {  	_ =	shalt  }
0x56: {  	_ =	shalt  }
0x57: {  	_ =	shalt  }
0x58: {  	_ =	shalt  }
0x59: {  	_ =	shalt  }
0x5a: {  	_ =	shalt  }
0x5b: {  	_ =	shalt  }
0x5c: {  	_ =	shalt  }
0x5d: {  	_ =	shalt  }
0x5e: {  	_ =	shalt  }
0x5f: {  	_ =	shalt  }
0x60: {  	_ =	shalt  }
0x61: {  	_ =	shalt  }
0x62: {  	_ =	shalt  }
0x63: {  	_ =	shalt  }
0x64: {  	_ =	shalt  }
0x65: {  	_ =	shalt  }
0x66: {  	_ =	shalt  }
0x67: {  	_ =	shalt  }
0x68: {  	_ =	shalt  }
0x69: {  	_ =	shalt  }
0x6a: {  	_ =	shalt  }
0x6b: {  	_ =	shalt  }
0x6c: {  	_ =	shalt  }
0x6d: {  	_ =	shalt  }
0x6e: {  	_ =	shalt  }
0x6f: {  	_ =	shalt  }
0x70: {  	_ =	shalt  }
0x71: {  	_ =	shalt  }
0x72: {  	_ =	shalt  }
0x73: {  	_ =	shalt  }
0x74: {  	_ =	shalt  }
0x75: {  	_ =	shalt  }
0x76: {  	_ =	shalt  }
0x77: {  	_ =	shalt  }
0x78: {  	_ =	shalt  }
0x79: {  	_ =	shalt  }
0x7a: {  	_ =	shalt  }
0x7b: {  	_ =	shalt  }
0x7c: {  	_ =	shalt  }
0x7d: {  	_ =	shalt  }
0x7e: {  	_ =	shalt  }
0x7f: {  	_ =	shalt  }
0x80: {  	_ =	shalt  }
0x81: {  	_ =	shalt  }
0x82: {  	_ =	shalt  }
0x83: {  	_ =	shalt  }
0x84: {  	_ =	shalt  }
0x85: {  	_ =	shalt  }
0x86: {  	_ =	shalt  }
0x87: {  	_ =	shalt  }
.Lfunc_end0:
.L_simem_size_0:
called_computation.1_lowered:
.L_overlay_start_0:
0x88: {  	s2 =	sld [smem:$0x3FD9]  }
0x89: {  	s3 =	sld [smem:$0x3FFE];
	_ =	sdelay $0x1  }
0x8a: {  	s1 =	srdreg.scid  }
0x8b: {  	s0 =	sand.u32 $0x1, s1  }
0x8c: {  	s17 =	sshll.u32 s0, $0xA;
	s2 =	sadd.s32 s3, s2  }
0x8d: {  	s2 =	sadd.s32 s2, s17  }
0x8e: {  	[smem:$0x3FC6] =	sst s2  }
0x8f: {  	_ = 	snop  }
0x90: {  	s2 =	sld [smem:$0x3FC8]  }
0x91: {  	s18 =	sld [smem:$0x3FD0];
	(tm) =	ssettm $0x1  }
0x92: {  	s4 =	sld [smem:$0x3FFB];
	_ =	sdelay $0x3  }
0x93: {  	_ =	strace s4  }
0x94: {  	s4 =	sld [smem:$0x3FFC];
	_ =	sdelay $0x3  }
0x95: {  	_ =	strace s4  }
0x96: {  	s4 =	sld [smem:$0x3FFD];
	_ =	sdelay $0x3  }
0x97: {  	_ =	strace s4  }
0x98: {  	_ =	strace $0x8FFFFFFF  }
0x99: {  	s19 =	sld [smem:$0x3FDB];
	_ =	sdelay $0x1  }
0x9a: {  	s5 =	simm.s32 $_scs_section_size  }
0x9b: {  	s6 =	simm.s32 $_size__tile_overlayer_lowered;
	s7 =	simm.s32 $_tile_overlayer_lowered  }
0x9c: {  	s22 =	simm.s32 $0x1BFF;
	s21 =	sshll.u32 s7, $0x1;
	s4 =	sadd.s32 s5, s19  }
0x9d: {  	s8 =	simm.s32 $0x0;
	s20 =	sshll.u32 s6, $0x1;
	s6 =	sadd.s32 s21, s4  }
0x9e: {  	[timem:s8], [sflag:s22] =	dma.local [hbm:s6], s20  }
0x9f: {  	_ =	swait.ge [sflag:s22], s20  }
0xa0: {  	s5 =	ssub.s32 $0x0, s20;
	[sflag:s22] =	ssyncset.done $0x0  }
0xa1: {  	[sflag:s22] =	ssyncadd.s32 s5;
	_ =	sdelay $0x1  }
0xa2: {  	s23 =	simm.s32 $0x1B8B  }
0xa3: {  	_ =	swait.ge [sflag:s23], $0x1  }
0xa4: {  	[sflag:s23] =	ssyncset.done $0x0  }
0xa5: {  	s25 =	simm.s32 $0x1B8E;
	s24 =	sld [smem:$0x3FFE];
	[sflag:s23] =	ssyncadd.s32 $0xFFFFFFFF  }
0xa6: {  	s26 =	simm.s32 $execute0_lowered;
	[smem:$0x3FD2] =	sst s25  }
0xa7: {  	s6 =	sshll.u32 s26, $0x1;
	_ =	strace $0x80000046;
	[dreg:$0x1] =	wrdreg $0xFFFFFFFF  }
0xa8: {  	s28 =	simm.s32 $_size_execute0_lowered;
	s4 =	sadd.s32 s4, s6;
	[dreg:$0x0] =	wrdreg $0x0  }
0xa9: {  	s6 =	sshll.u32 s28, $0x1;
	[dreg:$0x2] =	wrdreg s4  }
0xaa: {  	[dreg:$0x3] =	wrdreg s6  }
0xab: {  	[dreg:$0x4] =	wrdreg $0xC0  }
0xac: {  	_ =	task [dreg:s8], $0x5FFFF  }
0xad: {  	[dreg:$0x1] =	wrdreg $0xFFFFFFFF  }
0xae: {  	[dreg:$0x0] =	wrdreg $0x60  }
0xaf: {  	[dreg:$0x2] =	wrdreg s2  }
0xb0: {  	[dreg:$0x3] =	wrdreg s18  }
0xb1: {  	[dreg:$0x4] =	wrdreg s24  }
0xb2: {  	[dreg:$0x5] =	wrdreg $0x9  }
0xb3: {  	_ =	task.clear_ibuf [dreg:s8], $0x6FFFF;
	_ =	strace $0x90000046  }
0xb4: {  	s29 =	simm.s32 $0x9;
	_ =	strace $0x80000048  }
0xb5: {  	_ =	swait.ge [sflag:s29], $0x1  }
0xb6: {  	[sflag:s29] =	ssyncadd.s32 $0xFFFFFFFF  }
0xb7: {  	_ =	strace $0x90000048  }
0xb8: {  	_ =	sfence  }
0xb9: {  	s30 =	sld [smem:$0x0];
	_ =	sdelay $0x2  }
0xba: {  	s31 =	sshll.u32 s1, $0xD;
	s1 =	sshrl.u32 s1, $0x2  }
0xbb: {  	s3 =	sand.u32 $0x4000, s31;
	s1 =	sadd.s32 s1, s30  }
0xbc: {  	s0 =	sor.u32 s3, s0;
	s1 =	sshll.u32 s1, $0x11  }
0xbd: {  	s0 =	sor.u32 s1, s0  }
0xbe: {  	s0 =	sadd.s32 $0x8F2B, s0  }
0xbf: {  	[sflag:s0] =	ssyncadd.remote.s32 $0x1  }
0xc0: {  	_ =	sfence.sel $0xFFFF  }
0xc1: {  	[dreg:$0x0] =	wrdreg $0xFFFFFFFF;
	(pc) =	sbr.abs _section_cstart, $3  }
0xc2: {  	[dreg:$0x1] =	wrdreg $0xFFFFFFFF  }
0xc3: {  	_ =	task.clear_ibuf [dreg:s8], $0x2FFFF;
	_ =	strace $0x9FFFFFFF  }
0xc4: {  	(tm) =	ssettm $0x7FFFFFFF  }
0xc5: {  	_ =	shalt  }
tec
execute0_lowered:
.L_overlay_start_1:
0x0: {  	(tag) =	ssettag $0x1  }
0x1: {  	v3 =	vlaneseq.u32  }
0x2: {  	v0 =	vmul.u32 $0x20, v3;
	_ =	sdelay $0x1  }
0x3: {  	v3 =	vmul.u32 $0x40, v3;
	v1 =	vor.u32 $0x1, v0;
	v2 =	vor.u32 $0x2, v0  }
0x4: {  	v4 =	vor.u32 $0x3, v0;
	v5 =	vor.u32 $0x4, v0;
	v6 =	vor.u32 $0x5, v0  }
0x5: {  	s0 =	rddreg [dreg:$0x0];
	v7 =	vor.u32 $0x6, v0;
	v8 =	vor.u32 $0x7, v0;
	v9 =	vor.u32 $0x400, v3  }
0x6: {  	s1 =	rddreg [dreg:$0x2];
	v17 =	vor.u32 $0x404, v3;
	v18 =	vor.u32 $0x5, v3;
	v19 =	vor.u32 $0x405, v3  }
0x7: {  	s2 =	simm.s32 $0x0;
	s3 =	srdreg.scid;
	s26 =	stileid.u32;
	v20 =	vor.u32 $0x6, v3;
	v21 =	vor.u32 $0x406, v3;
	v22 =	vor.u32 $0x7, v3  }
0x8: {  	s18 =	simm.s32 $0x400;
	s19 =	simm.s32 $0x7A1400;
	s20 =	simm.s32 $0x1000;
	v23 =	vor.u32 $0x407, v3;
	v24 =	vor.u32 $0x8, v3;
	v25 =	vor.u32 $0x408, v3  }
0x9: {  	s21 =	simm.s32 $0x1;
	s22 =	simm.s32 $0x2000;
	s23 =	simm.s32 $0x2;
	v26 =	vor.u32 $0x9, v3;
	v27 =	vor.u32 $0x409, v3;
	v28 =	vor.u32 $0xA, v3  }
0xa: {  	s28 =	simm.s32 $0x5;
	s29 =	simm.s32 $0x4000;
	s30 =	simm.s32 $0x0;
	v29 =	vor.u32 $0x40A, v3;
	v30 =	vor.u32 $0xB, v3;
	v31 =	vor.u32 $0x40B, v3  }
0xb: {  	[smem:$0x7FF] =	sst s2;
	s3 =	sand.u32 $0x1, s3;
	s6 =	sshll.u32 s26, $0x1;
	v32 =	vor.u32 $0xC, v3;
	v33 =	vor.u32 $0x40C, v3;
	v34 =	vor.u32 $0xD, v3  }
0xc: {  	s4 =	sadd.s32 $0xE00, s1;
	s31 =	sadd.s32 $0x3D1600, s1;
	p1 =	sgt.u32 s26, $0x1;
	v35 =	vor.u32 $0x40D, v3;
	v36 =	vor.u32 $0xE, v3;
	v37 =	vor.u32 $0x40E, v3  }
0xd: {  	s26 =	simm.s32 $0x4;
	s5 =	ssub.s32 $0x2, s3;
	s3 =	sor.u32 s3, s6;
	v38 =	vor.u32 $0xF, v3;
	v39 =	vor.u32 $0x40F, v3;
	[tilespmem:$0x1FF80] =	vst v9;
	v9 =	vor.u32 $0x1, v3  }
0xe: {  	s6 =	sadd.s32 $0x2000, s0;
	s7 =	sshrl.u32 s5, $0x1;
	s8 =	sshll.u32 s3, $0x7;
	v40 =	vor.u32 $0x10, v3;
	v41 =	vor.u32 $0x410, v3;
	[tilespmem:$0x1FF90] =	vst v9;
	v9 =	vor.u32 $0x401, v3  }
0xf: {  	s11 =	sor.u32 $0x20, s3;
	s9 =	sshll.u32 s3, $0x9;
	s12 =	sor.u32 $0x40, s3;
	v42 =	vor.u32 $0x11, v3;
	v43 =	vor.u32 $0x411, v3;
	[tilespmem:$0x1FFA0] =	vst v9;
	v9 =	vor.u32 $0x2, v3  }
0x10: {  	s15 =	sor.u32 $0x1E80, s3;
	s13 =	sor.u32 $0x60, s3;
	v44 =	vor.u32 $0x12, v3;
	v45 =	vor.u32 $0x412, v3;
	p0 =	sne.s32 s3, $0x4;
	[tilespmem:$0x1FFB0] =	vst v9;
	v9 =	vor.u32 $0x402, v3  }
0x11: {  	v46 =	vor.u32 $0x13, v3;
	v47 =	vor.u32 $0x413, v3;
	s14 =	ssub.s32 s5, s7;
	s5 =	sadd.s32 s0, s8;
	s24 =	sshll.u32 s11, $0x7;
	[tilespmem:$0x1FFC0] =	vst v9;
	v9 =	vor.u32 $0x3, v3  }
0x12: {  	v48 =	vor.u32 $0x14, v3;
	v49 =	vor.u32 $0x414, v3;
	s8 =	sadd.s32 s8, s6;
	s9 =	sadd.s32 s4, s9;
	s11 =	sshll.u32 s11, $0x9;
	[tilespmem:$0x1FFD0] =	vst v9;
	v9 =	vor.u32 $0x403, v3  }
.Ltmp0:
0x13: {  	v50 =	vor.u32 $0x15, v3;
	v51 =	vor.u32 $0x415, v3;
	s16 =	sshll.u32 s15, $0x7;
	s15 =	sshll.u32 s15, $0x9;
	[tilespmem:$0x1FFE0] =	vst v9;
	v9 =	vor.u32 $0x4, v3;
	(pc) =	sbr.rel .LBB2_1-.Ltmp0, $4  }
0x14: {  	v52 =	vor.u32 $0x16, v3;
	v53 =	vor.u32 $0x416, v3;
	v54 =	vor.u32 $0x17, v3;
	s7 =	sadd.s32 s0, s24;
	s10 =	sadd.s32 $0x3000, s5;
	s0 =	sadd.s32 s0, s16;
	[tilespmem:$0x1FFF0] =	vst v9  }
0x15: {  	v55 =	vor.u32 $0x417, v3;
	v56 =	vor.u32 $0x18, v3;
	v57 =	vor.u32 $0x418, v3;
	s25 =	sadd.s32 s4, s15;
	_ =	strace $0x80000047;
	[dreg:$0x4] =	wrdreg s0  }
0x16: {  	v58 =	vor.u32 $0x19, v3;
	v59 =	vor.u32 $0x419, v3;
	v60 =	vor.u32 $0x1A, v3;
	s11 =	sadd.s32 s4, s11;
	s17 =	smax.u32 s14, $0x1;
	[dreg:$0x5] =	wrdreg s25  }
0x17: {  	v61 =	vor.u32 $0x41A, v3;
	v62 =	vor.u32 $0x1B, v3;
	v63 =	vor.u32 $0x41B, v3;
	s24 =	simm.s32 $0x3000;
	[dreg:$0x6] =	wrdreg s31;
	s25 =	simm.s32 $0x3  }
.LBB2_17:
0x18: {  	s30 =	sadd.s32 $0x1, s30  }
0x19: {  	p2 =	sne.s32 s30, s17  }
.Ltmp1:
0x1a: {  	_ = 	snop;
	(pc) =	sbr.rel @!p2 .LBB2_18-.Ltmp1, $1  }
0x1b: {  	_ =	sdelay $0x3  }
.LBB2_1:
0x1c: {  	[tilespmem:s2], [sflag:$0x1] =	stream.strided.gather [hbm4b:s5+s18], $0x1000, s19, s18, $0x38;
	[tilespmem:$0x4800] =	vst v63  }
0x1d: {  	_ = 	snop  }
0x1e: {  	[tilespmem:s20], [sflag:$0x2] =	stream.strided.gather [hbm4b:s7+s18], $0x1000, s19, s18, $0x38;
	[tilespmem:$0x4800] =	vst v63  }
0x1f: {  	_ =	swait.ge [sflag:s21], $0x1000  }
0x20: {  	[sflag:s21] =	ssyncset.done $0x0  }
0x21: {  	s0 =	simm.s32 $0x200;
	[sflag:s21] =	ssyncadd.s32 $0xFFFFF000  }
0x22: {  	v9 =	vld [tilespmem:s0+$0x180]  }
0x23: {  	v10 =	vld [tilespmem:s0+$0xFFFFFE80]  }
0x24: {  	v11 =	vld [tilespmem:s0+$0xFFFFFF00]  }
0x25: {  	v12 =	vld [tilespmem:s0+$0xFFFFFF80]  }
0x26: {  	v13 =	vld [tilespmem:s0+$0x0]  }
0x27: {  	v14 =	vld [tilespmem:s0+$0x80];
	[tilespmem:v8+s22+$0x0] =	vst.idx.msk $0xffff, v9  }
0x28: {  	[tilespmem:v1+s22+$0x0] =	vst.idx.msk $0xffff, v10;
	v10 =	vld [tilespmem:s0+$0x100]  }
0x29: {  	[tilespmem:v2+s22+$0x0] =	vst.idx.msk $0xffff, v11;
	v11 =	vld [tilespmem:s0+$0xFFFFFE00]  }
0x2a: {  	[tilespmem:v4+s22+$0x0] =	vst.idx.msk $0xffff, v12;
	v9 =	vld [tilespmem:s0+$0x190]  }
0x2b: {  	[tilespmem:v5+s22+$0x0] =	vst.idx.msk $0xffff, v13;
	v12 =	vld [tilespmem:s0+$0xFFFFFE90]  }
0x2c: {  	[tilespmem:v6+s22+$0x0] =	vst.idx.msk $0xffff, v14;
	v13 =	vld [tilespmem:s0+$0xFFFFFF10]  }
0x2d: {  	v14 =	vld [tilespmem:s0+$0xFFFFFF90];
	[tilespmem:v7+s22+$0x0] =	vst.idx.msk $0xffff, v10  }
0x2e: {  	[tilespmem:v0+s22+$0x0] =	vst.idx.msk $0xffff, v11;
	v10 =	vld [tilespmem:s0+$0x10]  }
0x2f: {  	[tilespmem:v8+s22+$0x200] =	vst.idx.msk $0xffff, v9;
	v11 =	vld [tilespmem:s0+$0xFFFFFE10]  }
0x30: {  	[tilespmem:v1+s22+$0x200] =	vst.idx.msk $0xffff, v12;
	v12 =	vld [tilespmem:s0+$0x90]  }
0x31: {  	[tilespmem:v2+s22+$0x200] =	vst.idx.msk $0xffff, v13;
	v9 =	vld [tilespmem:s0+$0x1A0]  }
0x32: {  	[tilespmem:v4+s22+$0x200] =	vst.idx.msk $0xffff, v14;
	v13 =	vld [tilespmem:s0+$0x110]  }
0x33: {  	v14 =	vld [tilespmem:s0+$0xFFFFFEA0];
	[tilespmem:v5+s22+$0x200] =	vst.idx.msk $0xffff, v10  }
0x34: {  	v10 =	vld [tilespmem:s0+$0xFFFFFF20];
	[tilespmem:v0+s22+$0x200] =	vst.idx.msk $0xffff, v11  }
0x35: {  	[tilespmem:v6+s22+$0x200] =	vst.idx.msk $0xffff, v12;
	v12 =	vld [tilespmem:s0+$0xFFFFFFA0]  }
0x36: {  	[tilespmem:v8+s22+$0x400] =	vst.idx.msk $0xffff, v9;
	v11 =	vld [tilespmem:s0+$0xFFFFFE20]  }
0x37: {  	[tilespmem:v7+s22+$0x200] =	vst.idx.msk $0xffff, v13;
	v9 =	vld [tilespmem:s0+$0x1B0]  }
0x38: {  	v13 =	vld [tilespmem:s0+$0x20];
	[tilespmem:v1+s22+$0x400] =	vst.idx.msk $0xffff, v14  }
0x39: {  	v14 =	vld [tilespmem:s0+$0xA0];
	[tilespmem:v2+s22+$0x400] =	vst.idx.msk $0xffff, v10  }
0x3a: {  	v10 =	vld [tilespmem:s0+$0x120];
	[tilespmem:v4+s22+$0x400] =	vst.idx.msk $0xffff, v12  }
0x3b: {  	v12 =	vld [tilespmem:s0+$0xFFFFFEB0];
	[tilespmem:v0+s22+$0x400] =	vst.idx.msk $0xffff, v11  }
0x3c: {  	[tilespmem:v8+s22+$0x600] =	vst.idx.msk $0xffff, v9;
	v11 =	vld [tilespmem:s0+$0xFFFFFE30]  }
0x3d: {  	[tilespmem:v5+s22+$0x400] =	vst.idx.msk $0xffff, v13;
	v9 =	vld [tilespmem:s0+$0x1C0]  }
0x3e: {  	v13 =	vld [tilespmem:s0+$0xFFFFFF30];
	[tilespmem:v6+s22+$0x400] =	vst.idx.msk $0xffff, v14  }
0x3f: {  	v14 =	vld [tilespmem:s0+$0xFFFFFFB0];
	[tilespmem:v7+s22+$0x400] =	vst.idx.msk $0xffff, v10  }
0x40: {  	v10 =	vld [tilespmem:s0+$0x30];
	[tilespmem:v1+s22+$0x600] =	vst.idx.msk $0xffff, v12  }
0x41: {  	v12 =	vld [tilespmem:s0+$0x130];
	[tilespmem:v0+s22+$0x600] =	vst.idx.msk $0xffff, v11  }
0x42: {  	v11 =	vld [tilespmem:s0+$0xB0];
	[tilespmem:v8+s22+$0x800] =	vst.idx.msk $0xffff, v9  }
0x43: {  	[tilespmem:v2+s22+$0x600] =	vst.idx.msk $0xffff, v13;
	v9 =	vld [tilespmem:s0+$0x1D0]  }
0x44: {  	[tilespmem:v4+s22+$0x600] =	vst.idx.msk $0xffff, v14;
	v14 =	vld [tilespmem:s0+$0xFFFFFEC0]  }
0x45: {  	v13 =	vld [tilespmem:s0+$0xFFFFFE40];
	[tilespmem:v5+s22+$0x600] =	vst.idx.msk $0xffff, v10  }
0x46: {  	v10 =	vld [tilespmem:s0+$0xFFFFFF40];
	[tilespmem:v7+s22+$0x600] =	vst.idx.msk $0xffff, v12  }
0x47: {  	v12 =	vld [tilespmem:s0+$0x40];
	[tilespmem:v6+s22+$0x600] =	vst.idx.msk $0xffff, v11  }
0x48: {  	v11 =	vld [tilespmem:s0+$0xFFFFFFC0];
	[tilespmem:v8+s22+$0xA00] =	vst.idx.msk $0xffff, v9  }
0x49: {  	[tilespmem:v1+s22+$0x800] =	vst.idx.msk $0xffff, v14;
	v9 =	vld [tilespmem:s0+$0x1E0]  }
0x4a: {  	v14 =	vld [tilespmem:s0+$0x140];
	[tilespmem:v0+s22+$0x800] =	vst.idx.msk $0xffff, v13  }
0x4b: {  	v13 =	vld [tilespmem:s0+$0xC0];
	[tilespmem:v2+s22+$0x800] =	vst.idx.msk $0xffff, v10  }
0x4c: {  	v10 =	vld [tilespmem:s0+$0xFFFFFE50];
	[tilespmem:v5+s22+$0x800] =	vst.idx.msk $0xffff, v12  }
0x4d: {  	[tilespmem:v4+s22+$0x800] =	vst.idx.msk $0xffff, v11;
	v11 =	vld [tilespmem:s0+$0xFFFFFED0]  }
0x4e: {  	v12 =	vld [tilespmem:s0+$0xFFFFFF50];
	[tilespmem:v8+s22+$0xC00] =	vst.idx.msk $0xffff, v9  }
0x4f: {  	[tilespmem:v7+s22+$0x800] =	vst.idx.msk $0xffff, v14;
	v9 =	vld [tilespmem:s0+$0x1F0]  }
0x50: {  	v14 =	vld [tilespmem:s0+$0x50];
	[tilespmem:v6+s22+$0x800] =	vst.idx.msk $0xffff, v13  }
0x51: {  	v13 =	vld [tilespmem:s0+$0xFFFFFFD0];
	[tilespmem:v0+s22+$0xA00] =	vst.idx.msk $0xffff, v10  }
0x52: {  	v10 =	vld [tilespmem:s0+$0x150];
	[tilespmem:v1+s22+$0xA00] =	vst.idx.msk $0xffff, v11  }
0x53: {  	[tilespmem:v2+s22+$0xA00] =	vst.idx.msk $0xffff, v12;
	v12 =	vld [tilespmem:s0+$0xFFFFFEE0]  }
0x54: {  	[tilespmem:v8+s22+$0xE00] =	vst.idx.msk $0xffff, v9;
	v9 =	vld [tilespmem:s0+$0xD0]  }
0x55: {  	[tilespmem:v5+s22+$0xA00] =	vst.idx.msk $0xffff, v14;
	v11 =	vld [tilespmem:s0+$0xFFFFFE60]  }
0x56: {  	v15 =	vld [tilespmem:s0+$0x60];
	[tilespmem:v4+s22+$0xA00] =	vst.idx.msk $0xffff, v13  }
0x57: {  	v13 =	vld [tilespmem:s0+$0xFFFFFF60];
	[tilespmem:v7+s22+$0xA00] =	vst.idx.msk $0xffff, v10  }
0x58: {  	v14 =	vld [tilespmem:s0+$0xFFFFFFE0];
	[tilespmem:v1+s22+$0xC00] =	vst.idx.msk $0xffff, v12  }
0x59: {  	v12 =	vld [tilespmem:s0+$0x160];
	[tilespmem:v6+s22+$0xA00] =	vst.idx.msk $0xffff, v9  }
0x5a: {  	[tilespmem:v0+s22+$0xC00] =	vst.idx.msk $0xffff, v11;
	v11 =	vld [tilespmem:s0+$0xE0]  }
0x5b: {  	[tilespmem:v5+s22+$0xC00] =	vst.idx.msk $0xffff, v15;
	v16 =	vld [tilespmem:s0+$0xFFFFFE70]  }
0x5c: {  	[tilespmem:v2+s22+$0xC00] =	vst.idx.msk $0xffff, v13;
	v13 =	vld [tilespmem:s0+$0xFFFFFEF0]  }
0x5d: {  	[tilespmem:v4+s22+$0xC00] =	vst.idx.msk $0xffff, v14;
	v9 =	vld [tilespmem:s0+$0xFFFFFF70]  }
0x5e: {  	v10 =	vld [tilespmem:s0+$0xFFFFFFF0];
	[tilespmem:v7+s22+$0xC00] =	vst.idx.msk $0xffff, v12  }
0x5f: {  	[tilespmem:v6+s22+$0xC00] =	vst.idx.msk $0xffff, v11;
	v11 =	vld [tilespmem:s0+$0x70]  }
0x60: {  	[tilespmem:v0+s22+$0xE00] =	vst.idx.msk $0xffff, v16;
	v12 =	vld [tilespmem:s0+$0xF0]  }
0x61: {  	s3 =	simm.s32 $0x0;
	s1 =	simm.s32 $0x2000;
	[tilespmem:v1+s22+$0xE00] =	vst.idx.msk $0xffff, v13;
	v13 =	vld [tilespmem:s0+$0x170];
	s0 =	simm.s32 $0x600  }
.LBB2_2:
0x62: {  	v14 =	vld [tilespmem:s0+$0x180];
	s3 =	sadd.s32 $0x8, s3;
	[tilespmem:v2+s1+$0xE00] =	vst.idx.msk $0xffff, v9  }
0x63: {  	v9 =	vld [tilespmem:s0+$0xFFFFFE80];
	p2 =	slt.u32 s3, $0x18;
	[tilespmem:v4+s1+$0xE00] =	vst.idx.msk $0xffff, v10  }
0x64: {  	v10 =	vld [tilespmem:s0+$0xFFFFFF00];
	[tilespmem:v5+s1+$0xE00] =	vst.idx.msk $0xffff, v11  }
0x65: {  	v11 =	vld [tilespmem:s0+$0xFFFFFF80];
	[tilespmem:v6+s1+$0xE00] =	vst.idx.msk $0xffff, v12  }
0x66: {  	v12 =	vld [tilespmem:s0+$0x0];
	[tilespmem:v7+s1+$0xE00] =	vst.idx.msk $0xffff, v13;
	s1 =	sadd.s32 $0x8, s1  }
0x67: {  	v13 =	vld [tilespmem:s0+$0x80];
	[tilespmem:v8+s1+$0x0] =	vst.idx.msk $0xffff, v14  }
0x68: {  	[tilespmem:v1+s1+$0x0] =	vst.idx.msk $0xffff, v9;
	v9 =	vld [tilespmem:s0+$0x190]  }
0x69: {  	[tilespmem:v2+s1+$0x0] =	vst.idx.msk $0xffff, v10;
	v10 =	vld [tilespmem:s0+$0x100]  }
0x6a: {  	v14 =	vld [tilespmem:s0+$0xFFFFFE00];
	[tilespmem:v4+s1+$0x0] =	vst.idx.msk $0xffff, v11  }
0x6b: {  	v11 =	vld [tilespmem:s0+$0xFFFFFE90];
	[tilespmem:v5+s1+$0x0] =	vst.idx.msk $0xffff, v12  }
0x6c: {  	v12 =	vld [tilespmem:s0+$0xFFFFFF10];
	[tilespmem:v6+s1+$0x0] =	vst.idx.msk $0xffff, v13  }
0x6d: {  	v13 =	vld [tilespmem:s0+$0xFFFFFF90];
	[tilespmem:v8+s1+$0x200] =	vst.idx.msk $0xffff, v9  }
0x6e: {  	[tilespmem:v7+s1+$0x0] =	vst.idx.msk $0xffff, v10;
	v9 =	vld [tilespmem:s0+$0x1A0]  }
0x6f: {  	[tilespmem:v0+s1+$0x0] =	vst.idx.msk $0xffff, v14;
	v10 =	vld [tilespmem:s0+$0x10]  }
0x70: {  	v14 =	vld [tilespmem:s0+$0xFFFFFE10];
	[tilespmem:v1+s1+$0x200] =	vst.idx.msk $0xffff, v11  }
0x71: {  	[tilespmem:v2+s1+$0x200] =	vst.idx.msk $0xffff, v12;
	v11 =	vld [tilespmem:s0+$0x90]  }
0x72: {  	[tilespmem:v4+s1+$0x200] =	vst.idx.msk $0xffff, v13;
	v12 =	vld [tilespmem:s0+$0x110]  }
0x73: {  	v13 =	vld [tilespmem:s0+$0xFFFFFEA0];
	[tilespmem:v8+s1+$0x400] =	vst.idx.msk $0xffff, v9  }
0x74: {  	[tilespmem:v5+s1+$0x200] =	vst.idx.msk $0xffff, v10;
	v9 =	vld [tilespmem:s0+$0x1B0]  }
0x75: {  	[tilespmem:v0+s1+$0x200] =	vst.idx.msk $0xffff, v14;
	v10 =	vld [tilespmem:s0+$0xFFFFFF20]  }
0x76: {  	v14 =	vld [tilespmem:s0+$0xFFFFFE20];
	[tilespmem:v6+s1+$0x200] =	vst.idx.msk $0xffff, v11  }
0x77: {  	v11 =	vld [tilespmem:s0+$0xFFFFFFA0];
	[tilespmem:v7+s1+$0x200] =	vst.idx.msk $0xffff, v12  }
0x78: {  	[tilespmem:v1+s1+$0x400] =	vst.idx.msk $0xffff, v13;
	v12 =	vld [tilespmem:s0+$0x20]  }
0x79: {  	v13 =	vld [tilespmem:s0+$0xA0];
	[tilespmem:v8+s1+$0x600] =	vst.idx.msk $0xffff, v9  }
0x7a: {  	[tilespmem:v2+s1+$0x400] =	vst.idx.msk $0xffff, v10;
	v9 =	vld [tilespmem:s0+$0x1C0]  }
0x7b: {  	[tilespmem:v0+s1+$0x400] =	vst.idx.msk $0xffff, v14;
	v10 =	vld [tilespmem:s0+$0x120]  }
0x7c: {  	v14 =	vld [tilespmem:s0+$0xFFFFFE30];
	[tilespmem:v4+s1+$0x400] =	vst.idx.msk $0xffff, v11  }
0x7d: {  	v11 =	vld [tilespmem:s0+$0xFFFFFEB0];
	[tilespmem:v5+s1+$0x400] =	vst.idx.msk $0xffff, v12  }
0x7e: {  	v12 =	vld [tilespmem:s0+$0xFFFFFF30];
	[tilespmem:v6+s1+$0x400] =	vst.idx.msk $0xffff, v13  }
0x7f: {  	v13 =	vld [tilespmem:s0+$0xFFFFFFB0];
	[tilespmem:v8+s1+$0x800] =	vst.idx.msk $0xffff, v9  }
0x80: {  	[tilespmem:v7+s1+$0x400] =	vst.idx.msk $0xffff, v10;
	v9 =	vld [tilespmem:s0+$0x1D0]  }
0x81: {  	[tilespmem:v0+s1+$0x600] =	vst.idx.msk $0xffff, v14;
	v10 =	vld [tilespmem:s0+$0x30]  }
0x82: {  	[tilespmem:v1+s1+$0x600] =	vst.idx.msk $0xffff, v11;
	v11 =	vld [tilespmem:s0+$0xB0]  }
0x83: {  	[tilespmem:v2+s1+$0x600] =	vst.idx.msk $0xffff, v12;
	v12 =	vld [tilespmem:s0+$0x130]  }
0x84: {  	v14 =	vld [tilespmem:s0+$0xFFFFFE40];
	[tilespmem:v4+s1+$0x600] =	vst.idx.msk $0xffff, v13  }
0x85: {  	v13 =	vld [tilespmem:s0+$0xFFFFFEC0];
	[tilespmem:v8+s1+$0xA00] =	vst.idx.msk $0xffff, v9  }
0x86: {  	[tilespmem:v5+s1+$0x600] =	vst.idx.msk $0xffff, v10;
	v9 =	vld [tilespmem:s0+$0x1E0]  }
0x87: {  	v10 =	vld [tilespmem:s0+$0xFFFFFF40];
	[tilespmem:v6+s1+$0x600] =	vst.idx.msk $0xffff, v11  }
0x88: {  	v11 =	vld [tilespmem:s0+$0xFFFFFFC0];
	[tilespmem:v7+s1+$0x600] =	vst.idx.msk $0xffff, v12  }
0x89: {  	[tilespmem:v0+s1+$0x800] =	vst.idx.msk $0xffff, v14;
	v12 =	vld [tilespmem:s0+$0x40]  }
0x8a: {  	[tilespmem:v1+s1+$0x800] =	vst.idx.msk $0xffff, v13;
	v13 =	vld [tilespmem:s0+$0xC0]  }
0x8b: {  	v14 =	vld [tilespmem:s0+$0x140];
	[tilespmem:v8+s1+$0xC00] =	vst.idx.msk $0xffff, v9  }
0x8c: {  	[tilespmem:v2+s1+$0x800] =	vst.idx.msk $0xffff, v10;
	v9 =	vld [tilespmem:s0+$0x1F0]  }
0x8d: {  	v10 =	vld [tilespmem:s0+$0xFFFFFE50];
	[tilespmem:v4+s1+$0x800] =	vst.idx.msk $0xffff, v11  }
0x8e: {  	v11 =	vld [tilespmem:s0+$0xFFFFFED0];
	[tilespmem:v5+s1+$0x800] =	vst.idx.msk $0xffff, v12  }
0x8f: {  	v12 =	vld [tilespmem:s0+$0xFFFFFF50];
	[tilespmem:v6+s1+$0x800] =	vst.idx.msk $0xffff, v13  }
0x90: {  	v13 =	vld [tilespmem:s0+$0xFFFFFFD0];
	[tilespmem:v7+s1+$0x800] =	vst.idx.msk $0xffff, v14  }
0x91: {  	v14 =	vld [tilespmem:s0+$0x50];
	[tilespmem:v8+s1+$0xE00] =	vst.idx.msk $0xffff, v9  }
0x92: {  	[tilespmem:v0+s1+$0xA00] =	vst.idx.msk $0xffff, v10;
	v9 =	vld [tilespmem:s0+$0xD0]  }
0x93: {  	[tilespmem:v1+s1+$0xA00] =	vst.idx.msk $0xffff, v11;
	v10 =	vld [tilespmem:s0+$0x150]  }
0x94: {  	v11 =	vld [tilespmem:s0+$0xFFFFFE60];
	[tilespmem:v2+s1+$0xA00] =	vst.idx.msk $0xffff, v12  }
0x95: {  	v12 =	vld [tilespmem:s0+$0xFFFFFEE0];
	[tilespmem:v4+s1+$0xA00] =	vst.idx.msk $0xffff, v13  }
0x96: {  	v13 =	vld [tilespmem:s0+$0xFFFFFF60];
	[tilespmem:v5+s1+$0xA00] =	vst.idx.msk $0xffff, v14  }
0x97: {  	v14 =	vld [tilespmem:s0+$0xFFFFFFE0];
	[tilespmem:v6+s1+$0xA00] =	vst.idx.msk $0xffff, v9  }
0x98: {  	v15 =	vld [tilespmem:s0+$0x60];
	[tilespmem:v7+s1+$0xA00] =	vst.idx.msk $0xffff, v10  }
0x99: {  	[tilespmem:v0+s1+$0xC00] =	vst.idx.msk $0xffff, v11;
	v11 =	vld [tilespmem:s0+$0xE0]  }
0x9a: {  	[tilespmem:v1+s1+$0xC00] =	vst.idx.msk $0xffff, v12;
	v12 =	vld [tilespmem:s0+$0x160]  }
0x9b: {  	v16 =	vld [tilespmem:s0+$0xFFFFFE70];
	[tilespmem:v2+s1+$0xC00] =	vst.idx.msk $0xffff, v13  }
0x9c: {  	v13 =	vld [tilespmem:s0+$0xFFFFFEF0];
	[tilespmem:v4+s1+$0xC00] =	vst.idx.msk $0xffff, v14  }
.Ltmp2:
0x9d: {  	v9 =	vld [tilespmem:s0+$0xFFFFFF70];
	[tilespmem:v5+s1+$0xC00] =	vst.idx.msk $0xffff, v15;
	(pc) =	sbr.rel @p2 .LBB2_2-.Ltmp2, $4  }
0x9e: {  	v10 =	vld [tilespmem:s0+$0xFFFFFFF0];
	[tilespmem:v6+s1+$0xC00] =	vst.idx.msk $0xffff, v11  }
0x9f: {  	v11 =	vld [tilespmem:s0+$0x70];
	[tilespmem:v7+s1+$0xC00] =	vst.idx.msk $0xffff, v12  }
0xa0: {  	[tilespmem:v0+s1+$0xE00] =	vst.idx.msk $0xffff, v16;
	v12 =	vld [tilespmem:s0+$0xF0]  }
0xa1: {  	[tilespmem:v1+s1+$0xE00] =	vst.idx.msk $0xffff, v13;
	v13 =	vld [tilespmem:s0+$0x170];
	s0 =	sadd.s32 $0x400, s0  }
0xa2: {  	_ =	sdelay $0x3  }
0xa3: {  	[tilespmem:v2+s1+$0xE00] =	vst.idx.msk $0xffff, v9  }
0xa4: {  	[tilespmem:v4+s1+$0xE00] =	vst.idx.msk $0xffff, v10  }
0xa5: {  	[tilespmem:v5+s1+$0xE00] =	vst.idx.msk $0xffff, v11  }
0xa6: {  	[tilespmem:v6+s1+$0xE00] =	vst.idx.msk $0xffff, v12  }
0xa7: {  	[tilespmem:v7+s1+$0xE00] =	vst.idx.msk $0xffff, v13  }
0xa8: {  	[tilespmem:s2], [sflag:$0x1] =	stream.strided.gather [hbm4b:s8+s18], $0x1000, s19, s18, $0x38;
	[tilespmem:$0x4800] =	vst v63  }
0xa9: {  	_ = 	snop  }
0xaa: {  	[hbm4b:s9+s2] =	stream.linear.scatter [tilespmem:s22], [sflag:$0x3], $0x1000, $0x38;
	[tilespmem:$0x4800] =	vst v63  }
0xab: {  	_ =	swait.ge [sflag:s23], $0x1000  }
0xac: {  	[sflag:s23] =	ssyncset.done $0x0  }
0xad: {  	s0 =	simm.s32 $0x1200;
	[sflag:s23] =	ssyncadd.s32 $0xFFFFF000  }
0xae: {  	v9 =	vld [tilespmem:s0+$0x180]  }
0xaf: {  	v10 =	vld [tilespmem:s0+$0xFFFFFE80]  }
0xb0: {  	v11 =	vld [tilespmem:s0+$0xFFFFFF00]  }
0xb1: {  	v12 =	vld [tilespmem:s0+$0xFFFFFF80]  }
0xb2: {  	s1 =	simm.s32 $0x3000;
	v13 =	vld [tilespmem:s0+$0x0]  }
0xb3: {  	v14 =	vld [tilespmem:s0+$0x80];
	[tilespmem:v8+s1+$0x0] =	vst.idx.msk $0xffff, v9  }
0xb4: {  	[tilespmem:v1+s1+$0x0] =	vst.idx.msk $0xffff, v10;
	v10 =	vld [tilespmem:s0+$0x100]  }
0xb5: {  	[tilespmem:v2+s1+$0x0] =	vst.idx.msk $0xffff, v11;
	v11 =	vld [tilespmem:s0+$0xFFFFFE00]  }
0xb6: {  	[tilespmem:v4+s1+$0x0] =	vst.idx.msk $0xffff, v12;
	v9 =	vld [tilespmem:s0+$0x190]  }
0xb7: {  	[tilespmem:v5+s1+$0x0] =	vst.idx.msk $0xffff, v13;
	v12 =	vld [tilespmem:s0+$0xFFFFFE90]  }
0xb8: {  	[tilespmem:v6+s1+$0x0] =	vst.idx.msk $0xffff, v14;
	v13 =	vld [tilespmem:s0+$0xFFFFFF10]  }
0xb9: {  	v14 =	vld [tilespmem:s0+$0xFFFFFF90];
	[tilespmem:v7+s1+$0x0] =	vst.idx.msk $0xffff, v10  }
0xba: {  	[tilespmem:v0+s1+$0x0] =	vst.idx.msk $0xffff, v11;
	v10 =	vld [tilespmem:s0+$0x10]  }
0xbb: {  	[tilespmem:v8+s1+$0x200] =	vst.idx.msk $0xffff, v9;
	v11 =	vld [tilespmem:s0+$0xFFFFFE10]  }
0xbc: {  	[tilespmem:v1+s1+$0x200] =	vst.idx.msk $0xffff, v12;
	v12 =	vld [tilespmem:s0+$0x90]  }
0xbd: {  	[tilespmem:v2+s1+$0x200] =	vst.idx.msk $0xffff, v13;
	v9 =	vld [tilespmem:s0+$0x1A0]  }
0xbe: {  	[tilespmem:v4+s1+$0x200] =	vst.idx.msk $0xffff, v14;
	v13 =	vld [tilespmem:s0+$0x110]  }
0xbf: {  	v14 =	vld [tilespmem:s0+$0xFFFFFEA0];
	[tilespmem:v5+s1+$0x200] =	vst.idx.msk $0xffff, v10  }
0xc0: {  	v10 =	vld [tilespmem:s0+$0xFFFFFF20];
	[tilespmem:v0+s1+$0x200] =	vst.idx.msk $0xffff, v11  }
0xc1: {  	[tilespmem:v6+s1+$0x200] =	vst.idx.msk $0xffff, v12;
	v12 =	vld [tilespmem:s0+$0xFFFFFFA0]  }
0xc2: {  	[tilespmem:v8+s1+$0x400] =	vst.idx.msk $0xffff, v9;
	v11 =	vld [tilespmem:s0+$0xFFFFFE20]  }
0xc3: {  	[tilespmem:v7+s1+$0x200] =	vst.idx.msk $0xffff, v13;
	v9 =	vld [tilespmem:s0+$0x1B0]  }
0xc4: {  	v13 =	vld [tilespmem:s0+$0x20];
	[tilespmem:v1+s1+$0x400] =	vst.idx.msk $0xffff, v14  }
0xc5: {  	v14 =	vld [tilespmem:s0+$0xA0];
	[tilespmem:v2+s1+$0x400] =	vst.idx.msk $0xffff, v10  }
0xc6: {  	v10 =	vld [tilespmem:s0+$0x120];
	[tilespmem:v4+s1+$0x400] =	vst.idx.msk $0xffff, v12  }
0xc7: {  	v12 =	vld [tilespmem:s0+$0xFFFFFEB0];
	[tilespmem:v0+s1+$0x400] =	vst.idx.msk $0xffff, v11  }
0xc8: {  	[tilespmem:v8+s1+$0x600] =	vst.idx.msk $0xffff, v9;
	v11 =	vld [tilespmem:s0+$0xFFFFFE30]  }
0xc9: {  	[tilespmem:v5+s1+$0x400] =	vst.idx.msk $0xffff, v13;
	v9 =	vld [tilespmem:s0+$0x1C0]  }
0xca: {  	v13 =	vld [tilespmem:s0+$0xFFFFFF30];
	[tilespmem:v6+s1+$0x400] =	vst.idx.msk $0xffff, v14  }
0xcb: {  	v14 =	vld [tilespmem:s0+$0xFFFFFFB0];
	[tilespmem:v7+s1+$0x400] =	vst.idx.msk $0xffff, v10  }
0xcc: {  	v10 =	vld [tilespmem:s0+$0x30];
	[tilespmem:v1+s1+$0x600] =	vst.idx.msk $0xffff, v12  }
0xcd: {  	v12 =	vld [tilespmem:s0+$0x130];
	[tilespmem:v0+s1+$0x600] =	vst.idx.msk $0xffff, v11  }
0xce: {  	v11 =	vld [tilespmem:s0+$0xB0];
	[tilespmem:v8+s1+$0x800] =	vst.idx.msk $0xffff, v9  }
0xcf: {  	[tilespmem:v2+s1+$0x600] =	vst.idx.msk $0xffff, v13;
	v9 =	vld [tilespmem:s0+$0x1D0]  }
0xd0: {  	[tilespmem:v4+s1+$0x600] =	vst.idx.msk $0xffff, v14;
	v14 =	vld [tilespmem:s0+$0xFFFFFEC0]  }
0xd1: {  	v13 =	vld [tilespmem:s0+$0xFFFFFE40];
	[tilespmem:v5+s1+$0x600] =	vst.idx.msk $0xffff, v10  }
0xd2: {  	v10 =	vld [tilespmem:s0+$0xFFFFFF40];
	[tilespmem:v7+s1+$0x600] =	vst.idx.msk $0xffff, v12  }
0xd3: {  	v12 =	vld [tilespmem:s0+$0x40];
	[tilespmem:v6+s1+$0x600] =	vst.idx.msk $0xffff, v11  }
0xd4: {  	v11 =	vld [tilespmem:s0+$0xFFFFFFC0];
	[tilespmem:v8+s1+$0xA00] =	vst.idx.msk $0xffff, v9  }
0xd5: {  	[tilespmem:v1+s1+$0x800] =	vst.idx.msk $0xffff, v14;
	v9 =	vld [tilespmem:s0+$0x1E0]  }
0xd6: {  	v14 =	vld [tilespmem:s0+$0x140];
	[tilespmem:v0+s1+$0x800] =	vst.idx.msk $0xffff, v13  }
0xd7: {  	v13 =	vld [tilespmem:s0+$0xC0];
	[tilespmem:v2+s1+$0x800] =	vst.idx.msk $0xffff, v10  }
0xd8: {  	v10 =	vld [tilespmem:s0+$0xFFFFFE50];
	[tilespmem:v5+s1+$0x800] =	vst.idx.msk $0xffff, v12  }
0xd9: {  	[tilespmem:v4+s1+$0x800] =	vst.idx.msk $0xffff, v11;
	v11 =	vld [tilespmem:s0+$0xFFFFFED0]  }
0xda: {  	v12 =	vld [tilespmem:s0+$0xFFFFFF50];
	[tilespmem:v8+s1+$0xC00] =	vst.idx.msk $0xffff, v9  }
0xdb: {  	[tilespmem:v7+s1+$0x800] =	vst.idx.msk $0xffff, v14;
	v9 =	vld [tilespmem:s0+$0x1F0]  }
0xdc: {  	v14 =	vld [tilespmem:s0+$0x50];
	[tilespmem:v6+s1+$0x800] =	vst.idx.msk $0xffff, v13  }
0xdd: {  	v13 =	vld [tilespmem:s0+$0xFFFFFFD0];
	[tilespmem:v0+s1+$0xA00] =	vst.idx.msk $0xffff, v10  }
0xde: {  	v10 =	vld [tilespmem:s0+$0x150];
	[tilespmem:v1+s1+$0xA00] =	vst.idx.msk $0xffff, v11  }
0xdf: {  	[tilespmem:v2+s1+$0xA00] =	vst.idx.msk $0xffff, v12;
	v12 =	vld [tilespmem:s0+$0xFFFFFEE0]  }
0xe0: {  	[tilespmem:v8+s1+$0xE00] =	vst.idx.msk $0xffff, v9;
	v9 =	vld [tilespmem:s0+$0xD0]  }
0xe1: {  	[tilespmem:v5+s1+$0xA00] =	vst.idx.msk $0xffff, v14;
	v11 =	vld [tilespmem:s0+$0xFFFFFE60]  }
0xe2: {  	v15 =	vld [tilespmem:s0+$0x60];
	[tilespmem:v4+s1+$0xA00] =	vst.idx.msk $0xffff, v13  }
0xe3: {  	v13 =	vld [tilespmem:s0+$0xFFFFFF60];
	[tilespmem:v7+s1+$0xA00] =	vst.idx.msk $0xffff, v10  }
0xe4: {  	v14 =	vld [tilespmem:s0+$0xFFFFFFE0];
	[tilespmem:v1+s1+$0xC00] =	vst.idx.msk $0xffff, v12  }
0xe5: {  	v12 =	vld [tilespmem:s0+$0x160];
	[tilespmem:v6+s1+$0xA00] =	vst.idx.msk $0xffff, v9  }
0xe6: {  	[tilespmem:v0+s1+$0xC00] =	vst.idx.msk $0xffff, v11;
	v11 =	vld [tilespmem:s0+$0xE0]  }
0xe7: {  	[tilespmem:v5+s1+$0xC00] =	vst.idx.msk $0xffff, v15;
	v16 =	vld [tilespmem:s0+$0xFFFFFE70]  }
0xe8: {  	[tilespmem:v2+s1+$0xC00] =	vst.idx.msk $0xffff, v13;
	v13 =	vld [tilespmem:s0+$0xFFFFFEF0]  }
0xe9: {  	[tilespmem:v4+s1+$0xC00] =	vst.idx.msk $0xffff, v14;
	v9 =	vld [tilespmem:s0+$0xFFFFFF70]  }
0xea: {  	v10 =	vld [tilespmem:s0+$0xFFFFFFF0];
	[tilespmem:v7+s1+$0xC00] =	vst.idx.msk $0xffff, v12  }
0xeb: {  	[tilespmem:v6+s1+$0xC00] =	vst.idx.msk $0xffff, v11;
	v11 =	vld [tilespmem:s0+$0x70]  }
0xec: {  	[tilespmem:v0+s1+$0xE00] =	vst.idx.msk $0xffff, v16;
	v12 =	vld [tilespmem:s0+$0xF0]  }
0xed: {  	s3 =	simm.s32 $0x0;
	[tilespmem:v1+s1+$0xE00] =	vst.idx.msk $0xffff, v13;
	v13 =	vld [tilespmem:s0+$0x170];
	s0 =	simm.s32 $0x1600  }
.LBB2_4:
0xee: {  	v14 =	vld [tilespmem:s0+$0x180];
	s3 =	sadd.s32 $0x8, s3;
	[tilespmem:v2+s1+$0xE00] =	vst.idx.msk $0xffff, v9  }
0xef: {  	v9 =	vld [tilespmem:s0+$0xFFFFFE80];
	p2 =	slt.u32 s3, $0x18;
	[tilespmem:v4+s1+$0xE00] =	vst.idx.msk $0xffff, v10  }
0xf0: {  	v10 =	vld [tilespmem:s0+$0xFFFFFF00];
	[tilespmem:v5+s1+$0xE00] =	vst.idx.msk $0xffff, v11  }
0xf1: {  	v11 =	vld [tilespmem:s0+$0xFFFFFF80];
	[tilespmem:v6+s1+$0xE00] =	vst.idx.msk $0xffff, v12  }
0xf2: {  	v12 =	vld [tilespmem:s0+$0x0];
	[tilespmem:v7+s1+$0xE00] =	vst.idx.msk $0xffff, v13;
	s1 =	sadd.s32 $0x8, s1  }
0xf3: {  	v13 =	vld [tilespmem:s0+$0x80];
	[tilespmem:v8+s1+$0x0] =	vst.idx.msk $0xffff, v14  }
0xf4: {  	[tilespmem:v1+s1+$0x0] =	vst.idx.msk $0xffff, v9;
	v9 =	vld [tilespmem:s0+$0x190]  }
0xf5: {  	[tilespmem:v2+s1+$0x0] =	vst.idx.msk $0xffff, v10;
	v10 =	vld [tilespmem:s0+$0x100]  }
0xf6: {  	v14 =	vld [tilespmem:s0+$0xFFFFFE00];
	[tilespmem:v4+s1+$0x0] =	vst.idx.msk $0xffff, v11  }
0xf7: {  	v11 =	vld [tilespmem:s0+$0xFFFFFE90];
	[tilespmem:v5+s1+$0x0] =	vst.idx.msk $0xffff, v12  }
0xf8: {  	v12 =	vld [tilespmem:s0+$0xFFFFFF10];
	[tilespmem:v6+s1+$0x0] =	vst.idx.msk $0xffff, v13  }
0xf9: {  	v13 =	vld [tilespmem:s0+$0xFFFFFF90];
	[tilespmem:v8+s1+$0x200] =	vst.idx.msk $0xffff, v9  }
0xfa: {  	[tilespmem:v7+s1+$0x0] =	vst.idx.msk $0xffff, v10;
	v9 =	vld [tilespmem:s0+$0x1A0]  }
0xfb: {  	[tilespmem:v0+s1+$0x0] =	vst.idx.msk $0xffff, v14;
	v10 =	vld [tilespmem:s0+$0x10]  }
0xfc: {  	v14 =	vld [tilespmem:s0+$0xFFFFFE10];
	[tilespmem:v1+s1+$0x200] =	vst.idx.msk $0xffff, v11  }
0xfd: {  	[tilespmem:v2+s1+$0x200] =	vst.idx.msk $0xffff, v12;
	v11 =	vld [tilespmem:s0+$0x90]  }
0xfe: {  	[tilespmem:v4+s1+$0x200] =	vst.idx.msk $0xffff, v13;
	v12 =	vld [tilespmem:s0+$0x110]  }
0xff: {  	v13 =	vld [tilespmem:s0+$0xFFFFFEA0];
	[tilespmem:v8+s1+$0x400] =	vst.idx.msk $0xffff, v9  }
0x100: {  	[tilespmem:v5+s1+$0x200] =	vst.idx.msk $0xffff, v10;
	v9 =	vld [tilespmem:s0+$0x1B0]  }
0x101: {  	[tilespmem:v0+s1+$0x200] =	vst.idx.msk $0xffff, v14;
	v10 =	vld [tilespmem:s0+$0xFFFFFF20]  }
0x102: {  	v14 =	vld [tilespmem:s0+$0xFFFFFE20];
	[tilespmem:v6+s1+$0x200] =	vst.idx.msk $0xffff, v11  }
0x103: {  	v11 =	vld [tilespmem:s0+$0xFFFFFFA0];
	[tilespmem:v7+s1+$0x200] =	vst.idx.msk $0xffff, v12  }
0x104: {  	[tilespmem:v1+s1+$0x400] =	vst.idx.msk $0xffff, v13;
	v12 =	vld [tilespmem:s0+$0x20]  }
0x105: {  	v13 =	vld [tilespmem:s0+$0xA0];
	[tilespmem:v8+s1+$0x600] =	vst.idx.msk $0xffff, v9  }
0x106: {  	[tilespmem:v2+s1+$0x400] =	vst.idx.msk $0xffff, v10;
	v9 =	vld [tilespmem:s0+$0x1C0]  }
0x107: {  	[tilespmem:v0+s1+$0x400] =	vst.idx.msk $0xffff, v14;
	v10 =	vld [tilespmem:s0+$0x120]  }
0x108: {  	v14 =	vld [tilespmem:s0+$0xFFFFFE30];
	[tilespmem:v4+s1+$0x400] =	vst.idx.msk $0xffff, v11  }
0x109: {  	v11 =	vld [tilespmem:s0+$0xFFFFFEB0];
	[tilespmem:v5+s1+$0x400] =	vst.idx.msk $0xffff, v12  }
0x10a: {  	v12 =	vld [tilespmem:s0+$0xFFFFFF30];
	[tilespmem:v6+s1+$0x400] =	vst.idx.msk $0xffff, v13  }
0x10b: {  	v13 =	vld [tilespmem:s0+$0xFFFFFFB0];
	[tilespmem:v8+s1+$0x800] =	vst.idx.msk $0xffff, v9  }
0x10c: {  	[tilespmem:v7+s1+$0x400] =	vst.idx.msk $0xffff, v10;
	v9 =	vld [tilespmem:s0+$0x1D0]  }
0x10d: {  	[tilespmem:v0+s1+$0x600] =	vst.idx.msk $0xffff, v14;
	v10 =	vld [tilespmem:s0+$0x30]  }
0x10e: {  	[tilespmem:v1+s1+$0x600] =	vst.idx.msk $0xffff, v11;
	v11 =	vld [tilespmem:s0+$0xB0]  }
0x10f: {  	[tilespmem:v2+s1+$0x600] =	vst.idx.msk $0xffff, v12;
	v12 =	vld [tilespmem:s0+$0x130]  }
0x110: {  	v14 =	vld [tilespmem:s0+$0xFFFFFE40];
	[tilespmem:v4+s1+$0x600] =	vst.idx.msk $0xffff, v13  }
0x111: {  	v13 =	vld [tilespmem:s0+$0xFFFFFEC0];
	[tilespmem:v8+s1+$0xA00] =	vst.idx.msk $0xffff, v9  }
0x112: {  	[tilespmem:v5+s1+$0x600] =	vst.idx.msk $0xffff, v10;
	v9 =	vld [tilespmem:s0+$0x1E0]  }
0x113: {  	v10 =	vld [tilespmem:s0+$0xFFFFFF40];
	[tilespmem:v6+s1+$0x600] =	vst.idx.msk $0xffff, v11  }
0x114: {  	v11 =	vld [tilespmem:s0+$0xFFFFFFC0];
	[tilespmem:v7+s1+$0x600] =	vst.idx.msk $0xffff, v12  }
0x115: {  	[tilespmem:v0+s1+$0x800] =	vst.idx.msk $0xffff, v14;
	v12 =	vld [tilespmem:s0+$0x40]  }
0x116: {  	[tilespmem:v1+s1+$0x800] =	vst.idx.msk $0xffff, v13;
	v13 =	vld [tilespmem:s0+$0xC0]  }
0x117: {  	v14 =	vld [tilespmem:s0+$0x140];
	[tilespmem:v8+s1+$0xC00] =	vst.idx.msk $0xffff, v9  }
0x118: {  	[tilespmem:v2+s1+$0x800] =	vst.idx.msk $0xffff, v10;
	v9 =	vld [tilespmem:s0+$0x1F0]  }
0x119: {  	v10 =	vld [tilespmem:s0+$0xFFFFFE50];
	[tilespmem:v4+s1+$0x800] =	vst.idx.msk $0xffff, v11  }
0x11a: {  	v11 =	vld [tilespmem:s0+$0xFFFFFED0];
	[tilespmem:v5+s1+$0x800] =	vst.idx.msk $0xffff, v12  }
0x11b: {  	v12 =	vld [tilespmem:s0+$0xFFFFFF50];
	[tilespmem:v6+s1+$0x800] =	vst.idx.msk $0xffff, v13  }
0x11c: {  	v13 =	vld [tilespmem:s0+$0xFFFFFFD0];
	[tilespmem:v7+s1+$0x800] =	vst.idx.msk $0xffff, v14  }
0x11d: {  	v14 =	vld [tilespmem:s0+$0x50];
	[tilespmem:v8+s1+$0xE00] =	vst.idx.msk $0xffff, v9  }
0x11e: {  	[tilespmem:v0+s1+$0xA00] =	vst.idx.msk $0xffff, v10;
	v9 =	vld [tilespmem:s0+$0xD0]  }
0x11f: {  	[tilespmem:v1+s1+$0xA00] =	vst.idx.msk $0xffff, v11;
	v10 =	vld [tilespmem:s0+$0x150]  }
0x120: {  	v11 =	vld [tilespmem:s0+$0xFFFFFE60];
	[tilespmem:v2+s1+$0xA00] =	vst.idx.msk $0xffff, v12  }
0x121: {  	v12 =	vld [tilespmem:s0+$0xFFFFFEE0];
	[tilespmem:v4+s1+$0xA00] =	vst.idx.msk $0xffff, v13  }
0x122: {  	v13 =	vld [tilespmem:s0+$0xFFFFFF60];
	[tilespmem:v5+s1+$0xA00] =	vst.idx.msk $0xffff, v14  }
0x123: {  	v14 =	vld [tilespmem:s0+$0xFFFFFFE0];
	[tilespmem:v6+s1+$0xA00] =	vst.idx.msk $0xffff, v9  }
0x124: {  	v15 =	vld [tilespmem:s0+$0x60];
	[tilespmem:v7+s1+$0xA00] =	vst.idx.msk $0xffff, v10  }
0x125: {  	[tilespmem:v0+s1+$0xC00] =	vst.idx.msk $0xffff, v11;
	v11 =	vld [tilespmem:s0+$0xE0]  }
0x126: {  	[tilespmem:v1+s1+$0xC00] =	vst.idx.msk $0xffff, v12;
	v12 =	vld [tilespmem:s0+$0x160]  }
0x127: {  	v16 =	vld [tilespmem:s0+$0xFFFFFE70];
	[tilespmem:v2+s1+$0xC00] =	vst.idx.msk $0xffff, v13  }
0x128: {  	v13 =	vld [tilespmem:s0+$0xFFFFFEF0];
	[tilespmem:v4+s1+$0xC00] =	vst.idx.msk $0xffff, v14  }
.Ltmp3:
0x129: {  	v9 =	vld [tilespmem:s0+$0xFFFFFF70];
	[tilespmem:v5+s1+$0xC00] =	vst.idx.msk $0xffff, v15;
	(pc) =	sbr.rel @p2 .LBB2_4-.Ltmp3, $4  }
0x12a: {  	v10 =	vld [tilespmem:s0+$0xFFFFFFF0];
	[tilespmem:v6+s1+$0xC00] =	vst.idx.msk $0xffff, v11  }
0x12b: {  	v11 =	vld [tilespmem:s0+$0x70];
	[tilespmem:v7+s1+$0xC00] =	vst.idx.msk $0xffff, v12  }
0x12c: {  	[tilespmem:v0+s1+$0xE00] =	vst.idx.msk $0xffff, v16;
	v12 =	vld [tilespmem:s0+$0xF0]  }
0x12d: {  	[tilespmem:v1+s1+$0xE00] =	vst.idx.msk $0xffff, v13;
	v13 =	vld [tilespmem:s0+$0x170];
	s0 =	sadd.s32 $0x400, s0  }
0x12e: {  	_ =	sdelay $0x3  }
0x12f: {  	[tilespmem:v2+s1+$0xE00] =	vst.idx.msk $0xffff, v9  }
0x130: {  	[tilespmem:v4+s1+$0xE00] =	vst.idx.msk $0xffff, v10  }
0x131: {  	[tilespmem:v5+s1+$0xE00] =	vst.idx.msk $0xffff, v11  }
0x132: {  	[tilespmem:v6+s1+$0xE00] =	vst.idx.msk $0xffff, v12  }
0x133: {  	[tilespmem:v7+s1+$0xE00] =	vst.idx.msk $0xffff, v13  }
0x134: {  	[tilespmem:s20], [sflag:$0x2] =	stream.strided.gather [hbm4b:s10+s18], $0x1000, s19, s18, $0x38;
	[tilespmem:$0x4800] =	vst v63  }
0x135: {  	s31 =	simm.s32 $0x0  }
0x136: {  	[hbm4b:s11+s31] =	stream.linear.scatter [tilespmem:s24], [sflag:$0x4], $0x1000, $0x38;
	[tilespmem:$0x4800] =	vst v63  }
.LBB2_6:
0x137: {  	_ =	swait.ge [sflag:s25], $0x1000  }
0x138: {  	[sflag:s25] =	ssyncset.done $0x0  }
0x139: {  	[sflag:s25] =	ssyncadd.s32 $0xFFFFF000  }
0x13a: {  	_ =	swait.ge [sflag:s21], $0x1000  }
0x13b: {  	[sflag:s21] =	ssyncset.done $0x0  }
0x13c: {  	s0 =	simm.s32 $0x200;
	[sflag:s21] =	ssyncadd.s32 $0xFFFFF000  }
0x13d: {  	v9 =	vld [tilespmem:s0+$0x180]  }
0x13e: {  	v10 =	vld [tilespmem:s0+$0xFFFFFE80]  }
0x13f: {  	v11 =	vld [tilespmem:s0+$0xFFFFFF00]  }
0x140: {  	v12 =	vld [tilespmem:s0+$0xFFFFFF80]  }
0x141: {  	s3 =	simm.s32 $0x2000;
	v13 =	vld [tilespmem:s0+$0x0]  }
0x142: {  	v14 =	vld [tilespmem:s0+$0x80];
	[tilespmem:v8+s3+$0x0] =	vst.idx.msk $0xffff, v9  }
0x143: {  	[tilespmem:v1+s3+$0x0] =	vst.idx.msk $0xffff, v10;
	v10 =	vld [tilespmem:s0+$0x100]  }
0x144: {  	[tilespmem:v2+s3+$0x0] =	vst.idx.msk $0xffff, v11;
	v11 =	vld [tilespmem:s0+$0xFFFFFE00]  }
0x145: {  	[tilespmem:v4+s3+$0x0] =	vst.idx.msk $0xffff, v12;
	v9 =	vld [tilespmem:s0+$0x190]  }
0x146: {  	[tilespmem:v5+s3+$0x0] =	vst.idx.msk $0xffff, v13;
	v12 =	vld [tilespmem:s0+$0xFFFFFE90]  }
0x147: {  	[tilespmem:v6+s3+$0x0] =	vst.idx.msk $0xffff, v14;
	v13 =	vld [tilespmem:s0+$0xFFFFFF10]  }
0x148: {  	v14 =	vld [tilespmem:s0+$0xFFFFFF90];
	[tilespmem:v7+s3+$0x0] =	vst.idx.msk $0xffff, v10  }
0x149: {  	[tilespmem:v0+s3+$0x0] =	vst.idx.msk $0xffff, v11;
	v10 =	vld [tilespmem:s0+$0x10]  }
0x14a: {  	[tilespmem:v8+s3+$0x200] =	vst.idx.msk $0xffff, v9;
	v11 =	vld [tilespmem:s0+$0xFFFFFE10]  }
0x14b: {  	[tilespmem:v1+s3+$0x200] =	vst.idx.msk $0xffff, v12;
	v12 =	vld [tilespmem:s0+$0x90]  }
0x14c: {  	[tilespmem:v2+s3+$0x200] =	vst.idx.msk $0xffff, v13;
	v9 =	vld [tilespmem:s0+$0x1A0]  }
0x14d: {  	[tilespmem:v4+s3+$0x200] =	vst.idx.msk $0xffff, v14;
	v13 =	vld [tilespmem:s0+$0x110]  }
0x14e: {  	v14 =	vld [tilespmem:s0+$0xFFFFFEA0];
	[tilespmem:v5+s3+$0x200] =	vst.idx.msk $0xffff, v10  }
0x14f: {  	v10 =	vld [tilespmem:s0+$0xFFFFFF20];
	[tilespmem:v0+s3+$0x200] =	vst.idx.msk $0xffff, v11  }
0x150: {  	[tilespmem:v6+s3+$0x200] =	vst.idx.msk $0xffff, v12;
	v12 =	vld [tilespmem:s0+$0xFFFFFFA0]  }
0x151: {  	[tilespmem:v8+s3+$0x400] =	vst.idx.msk $0xffff, v9;
	v11 =	vld [tilespmem:s0+$0xFFFFFE20]  }
0x152: {  	[tilespmem:v7+s3+$0x200] =	vst.idx.msk $0xffff, v13;
	v9 =	vld [tilespmem:s0+$0x1B0]  }
0x153: {  	v13 =	vld [tilespmem:s0+$0x20];
	[tilespmem:v1+s3+$0x400] =	vst.idx.msk $0xffff, v14  }
0x154: {  	v14 =	vld [tilespmem:s0+$0xA0];
	[tilespmem:v2+s3+$0x400] =	vst.idx.msk $0xffff, v10  }
0x155: {  	v10 =	vld [tilespmem:s0+$0x120];
	[tilespmem:v4+s3+$0x400] =	vst.idx.msk $0xffff, v12  }
0x156: {  	v12 =	vld [tilespmem:s0+$0xFFFFFEB0];
	[tilespmem:v0+s3+$0x400] =	vst.idx.msk $0xffff, v11  }
0x157: {  	[tilespmem:v8+s3+$0x600] =	vst.idx.msk $0xffff, v9;
	v11 =	vld [tilespmem:s0+$0xFFFFFE30]  }
0x158: {  	[tilespmem:v5+s3+$0x400] =	vst.idx.msk $0xffff, v13;
	v9 =	vld [tilespmem:s0+$0x1C0]  }
0x159: {  	v13 =	vld [tilespmem:s0+$0xFFFFFF30];
	[tilespmem:v6+s3+$0x400] =	vst.idx.msk $0xffff, v14  }
0x15a: {  	v14 =	vld [tilespmem:s0+$0xFFFFFFB0];
	[tilespmem:v7+s3+$0x400] =	vst.idx.msk $0xffff, v10  }
0x15b: {  	v10 =	vld [tilespmem:s0+$0x30];
	[tilespmem:v1+s3+$0x600] =	vst.idx.msk $0xffff, v12  }
0x15c: {  	v12 =	vld [tilespmem:s0+$0x130];
	[tilespmem:v0+s3+$0x600] =	vst.idx.msk $0xffff, v11  }
0x15d: {  	v11 =	vld [tilespmem:s0+$0xB0];
	[tilespmem:v8+s3+$0x800] =	vst.idx.msk $0xffff, v9  }
0x15e: {  	[tilespmem:v2+s3+$0x600] =	vst.idx.msk $0xffff, v13;
	v9 =	vld [tilespmem:s0+$0x1D0]  }
0x15f: {  	[tilespmem:v4+s3+$0x600] =	vst.idx.msk $0xffff, v14;
	v14 =	vld [tilespmem:s0+$0xFFFFFEC0]  }
0x160: {  	v13 =	vld [tilespmem:s0+$0xFFFFFE40];
	[tilespmem:v5+s3+$0x600] =	vst.idx.msk $0xffff, v10  }
0x161: {  	v10 =	vld [tilespmem:s0+$0xFFFFFF40];
	[tilespmem:v7+s3+$0x600] =	vst.idx.msk $0xffff, v12  }
0x162: {  	v12 =	vld [tilespmem:s0+$0x40];
	[tilespmem:v6+s3+$0x600] =	vst.idx.msk $0xffff, v11  }
0x163: {  	v11 =	vld [tilespmem:s0+$0xFFFFFFC0];
	[tilespmem:v8+s3+$0xA00] =	vst.idx.msk $0xffff, v9  }
0x164: {  	[tilespmem:v1+s3+$0x800] =	vst.idx.msk $0xffff, v14;
	v9 =	vld [tilespmem:s0+$0x1E0]  }
0x165: {  	v14 =	vld [tilespmem:s0+$0x140];
	[tilespmem:v0+s3+$0x800] =	vst.idx.msk $0xffff, v13  }
0x166: {  	v13 =	vld [tilespmem:s0+$0xC0];
	[tilespmem:v2+s3+$0x800] =	vst.idx.msk $0xffff, v10  }
0x167: {  	v10 =	vld [tilespmem:s0+$0xFFFFFE50];
	[tilespmem:v5+s3+$0x800] =	vst.idx.msk $0xffff, v12  }
0x168: {  	[tilespmem:v4+s3+$0x800] =	vst.idx.msk $0xffff, v11;
	v11 =	vld [tilespmem:s0+$0xFFFFFED0]  }
0x169: {  	v12 =	vld [tilespmem:s0+$0xFFFFFF50];
	[tilespmem:v8+s3+$0xC00] =	vst.idx.msk $0xffff, v9  }
0x16a: {  	[tilespmem:v7+s3+$0x800] =	vst.idx.msk $0xffff, v14;
	v9 =	vld [tilespmem:s0+$0x1F0]  }
0x16b: {  	v14 =	vld [tilespmem:s0+$0x50];
	[tilespmem:v6+s3+$0x800] =	vst.idx.msk $0xffff, v13  }
0x16c: {  	v13 =	vld [tilespmem:s0+$0xFFFFFFD0];
	[tilespmem:v0+s3+$0xA00] =	vst.idx.msk $0xffff, v10  }
0x16d: {  	v10 =	vld [tilespmem:s0+$0x150];
	[tilespmem:v1+s3+$0xA00] =	vst.idx.msk $0xffff, v11  }
0x16e: {  	[tilespmem:v2+s3+$0xA00] =	vst.idx.msk $0xffff, v12;
	v12 =	vld [tilespmem:s0+$0xFFFFFEE0]  }
0x16f: {  	[tilespmem:v8+s3+$0xE00] =	vst.idx.msk $0xffff, v9;
	v9 =	vld [tilespmem:s0+$0xD0]  }
0x170: {  	[tilespmem:v5+s3+$0xA00] =	vst.idx.msk $0xffff, v14;
	v11 =	vld [tilespmem:s0+$0xFFFFFE60]  }
0x171: {  	[tilespmem:v4+s3+$0xA00] =	vst.idx.msk $0xffff, v13;
	v13 =	vld [tilespmem:s0+$0xFFFFFF60]  }
0x172: {  	v14 =	vld [tilespmem:s0+$0xFFFFFFE0];
	[tilespmem:v7+s3+$0xA00] =	vst.idx.msk $0xffff, v10  }
0x173: {  	[tilespmem:v1+s3+$0xC00] =	vst.idx.msk $0xffff, v12;
	v12 =	vld [tilespmem:s0+$0x160]  }
0x174: {  	[tilespmem:v6+s3+$0xA00] =	vst.idx.msk $0xffff, v9;
	v9 =	vld [tilespmem:s0+$0x60]  }
0x175: {  	[tilespmem:v0+s3+$0xC00] =	vst.idx.msk $0xffff, v11;
	v15 =	vld [tilespmem:s0+$0xE0]  }
0x176: {  	v16 =	vld [tilespmem:s0+$0xFFFFFE70];
	[tilespmem:v2+s3+$0xC00] =	vst.idx.msk $0xffff, v13  }
0x177: {  	v13 =	vld [tilespmem:s0+$0xFFFFFEF0];
	[tilespmem:v4+s3+$0xC00] =	vst.idx.msk $0xffff, v14  }
0x178: {  	v11 =	vld [tilespmem:s0+$0xFFFFFF70];
	[tilespmem:v7+s3+$0xC00] =	vst.idx.msk $0xffff, v12  }
0x179: {  	v10 =	vld [tilespmem:s0+$0xFFFFFFF0];
	[tilespmem:v5+s3+$0xC00] =	vst.idx.msk $0xffff, v9  }
0x17a: {  	[tilespmem:v6+s3+$0xC00] =	vst.idx.msk $0xffff, v15;
	v9 =	vld [tilespmem:s0+$0x70]  }
0x17b: {  	[tilespmem:v0+s3+$0xE00] =	vst.idx.msk $0xffff, v16;
	v12 =	vld [tilespmem:s0+$0xF0]  }
0x17c: {  	s1 =	simm.s32 $0x0;
	[tilespmem:v1+s3+$0xE00] =	vst.idx.msk $0xffff, v13;
	v13 =	vld [tilespmem:s0+$0x170];
	s0 =	simm.s32 $0x600  }
.LBB2_7:
0x17d: {  	v14 =	vld [tilespmem:s0+$0x180];
	s1 =	sadd.s32 $0x8, s1;
	[tilespmem:v2+s3+$0xE00] =	vst.idx.msk $0xffff, v11  }
0x17e: {  	v11 =	vld [tilespmem:s0+$0xFFFFFE80];
	p2 =	slt.u32 s1, $0x18;
	[tilespmem:v4+s3+$0xE00] =	vst.idx.msk $0xffff, v10  }
0x17f: {  	v10 =	vld [tilespmem:s0+$0xFFFFFF00];
	[tilespmem:v5+s3+$0xE00] =	vst.idx.msk $0xffff, v9  }
0x180: {  	v9 =	vld [tilespmem:s0+$0xFFFFFF80];
	[tilespmem:v6+s3+$0xE00] =	vst.idx.msk $0xffff, v12  }
0x181: {  	v12 =	vld [tilespmem:s0+$0x0];
	[tilespmem:v7+s3+$0xE00] =	vst.idx.msk $0xffff, v13;
	s3 =	sadd.s32 $0x8, s3  }
0x182: {  	v13 =	vld [tilespmem:s0+$0x80];
	[tilespmem:v8+s3+$0x0] =	vst.idx.msk $0xffff, v14  }
0x183: {  	[tilespmem:v1+s3+$0x0] =	vst.idx.msk $0xffff, v11;
	v11 =	vld [tilespmem:s0+$0x190]  }
0x184: {  	[tilespmem:v2+s3+$0x0] =	vst.idx.msk $0xffff, v10;
	v10 =	vld [tilespmem:s0+$0x100]  }
0x185: {  	v14 =	vld [tilespmem:s0+$0xFFFFFE00];
	[tilespmem:v4+s3+$0x0] =	vst.idx.msk $0xffff, v9  }
0x186: {  	v9 =	vld [tilespmem:s0+$0xFFFFFE90];
	[tilespmem:v5+s3+$0x0] =	vst.idx.msk $0xffff, v12  }
0x187: {  	v12 =	vld [tilespmem:s0+$0xFFFFFF10];
	[tilespmem:v6+s3+$0x0] =	vst.idx.msk $0xffff, v13  }
0x188: {  	v13 =	vld [tilespmem:s0+$0xFFFFFF90];
	[tilespmem:v8+s3+$0x200] =	vst.idx.msk $0xffff, v11  }
0x189: {  	[tilespmem:v7+s3+$0x0] =	vst.idx.msk $0xffff, v10;
	v10 =	vld [tilespmem:s0+$0x1A0]  }
0x18a: {  	[tilespmem:v0+s3+$0x0] =	vst.idx.msk $0xffff, v14;
	v11 =	vld [tilespmem:s0+$0x10]  }
0x18b: {  	v14 =	vld [tilespmem:s0+$0xFFFFFE10];
	[tilespmem:v1+s3+$0x200] =	vst.idx.msk $0xffff, v9  }
0x18c: {  	[tilespmem:v2+s3+$0x200] =	vst.idx.msk $0xffff, v12;
	v9 =	vld [tilespmem:s0+$0x90]  }
0x18d: {  	[tilespmem:v4+s3+$0x200] =	vst.idx.msk $0xffff, v13;
	v12 =	vld [tilespmem:s0+$0x110]  }
0x18e: {  	v13 =	vld [tilespmem:s0+$0xFFFFFEA0];
	[tilespmem:v8+s3+$0x400] =	vst.idx.msk $0xffff, v10  }
0x18f: {  	[tilespmem:v5+s3+$0x200] =	vst.idx.msk $0xffff, v11;
	v10 =	vld [tilespmem:s0+$0x1B0]  }
0x190: {  	[tilespmem:v0+s3+$0x200] =	vst.idx.msk $0xffff, v14;
	v11 =	vld [tilespmem:s0+$0xFFFFFF20]  }
0x191: {  	v14 =	vld [tilespmem:s0+$0xFFFFFE20];
	[tilespmem:v6+s3+$0x200] =	vst.idx.msk $0xffff, v9  }
0x192: {  	v9 =	vld [tilespmem:s0+$0xFFFFFFA0];
	[tilespmem:v7+s3+$0x200] =	vst.idx.msk $0xffff, v12  }
0x193: {  	[tilespmem:v1+s3+$0x400] =	vst.idx.msk $0xffff, v13;
	v12 =	vld [tilespmem:s0+$0x20]  }
0x194: {  	v13 =	vld [tilespmem:s0+$0xA0];
	[tilespmem:v8+s3+$0x600] =	vst.idx.msk $0xffff, v10  }
0x195: {  	[tilespmem:v2+s3+$0x400] =	vst.idx.msk $0xffff, v11;
	v10 =	vld [tilespmem:s0+$0x1C0]  }
0x196: {  	[tilespmem:v0+s3+$0x400] =	vst.idx.msk $0xffff, v14;
	v11 =	vld [tilespmem:s0+$0x120]  }
0x197: {  	v14 =	vld [tilespmem:s0+$0xFFFFFE30];
	[tilespmem:v4+s3+$0x400] =	vst.idx.msk $0xffff, v9  }
0x198: {  	v9 =	vld [tilespmem:s0+$0xFFFFFEB0];
	[tilespmem:v5+s3+$0x400] =	vst.idx.msk $0xffff, v12  }
0x199: {  	v12 =	vld [tilespmem:s0+$0xFFFFFF30];
	[tilespmem:v6+s3+$0x400] =	vst.idx.msk $0xffff, v13  }
0x19a: {  	v13 =	vld [tilespmem:s0+$0xFFFFFFB0];
	[tilespmem:v8+s3+$0x800] =	vst.idx.msk $0xffff, v10  }
0x19b: {  	[tilespmem:v7+s3+$0x400] =	vst.idx.msk $0xffff, v11;
	v10 =	vld [tilespmem:s0+$0x1D0]  }
0x19c: {  	[tilespmem:v0+s3+$0x600] =	vst.idx.msk $0xffff, v14;
	v11 =	vld [tilespmem:s0+$0x30]  }
0x19d: {  	[tilespmem:v1+s3+$0x600] =	vst.idx.msk $0xffff, v9;
	v9 =	vld [tilespmem:s0+$0xB0]  }
0x19e: {  	[tilespmem:v2+s3+$0x600] =	vst.idx.msk $0xffff, v12;
	v12 =	vld [tilespmem:s0+$0x130]  }
0x19f: {  	v14 =	vld [tilespmem:s0+$0xFFFFFE40];
	[tilespmem:v4+s3+$0x600] =	vst.idx.msk $0xffff, v13  }
0x1a0: {  	v13 =	vld [tilespmem:s0+$0xFFFFFEC0];
	[tilespmem:v8+s3+$0xA00] =	vst.idx.msk $0xffff, v10  }
0x1a1: {  	[tilespmem:v5+s3+$0x600] =	vst.idx.msk $0xffff, v11;
	v10 =	vld [tilespmem:s0+$0x1E0]  }
0x1a2: {  	v11 =	vld [tilespmem:s0+$0xFFFFFF40];
	[tilespmem:v6+s3+$0x600] =	vst.idx.msk $0xffff, v9  }
0x1a3: {  	v9 =	vld [tilespmem:s0+$0xFFFFFFC0];
	[tilespmem:v7+s3+$0x600] =	vst.idx.msk $0xffff, v12  }
0x1a4: {  	[tilespmem:v0+s3+$0x800] =	vst.idx.msk $0xffff, v14;
	v12 =	vld [tilespmem:s0+$0x40]  }
0x1a5: {  	[tilespmem:v1+s3+$0x800] =	vst.idx.msk $0xffff, v13;
	v13 =	vld [tilespmem:s0+$0xC0]  }
0x1a6: {  	v14 =	vld [tilespmem:s0+$0x140];
	[tilespmem:v8+s3+$0xC00] =	vst.idx.msk $0xffff, v10  }
0x1a7: {  	[tilespmem:v2+s3+$0x800] =	vst.idx.msk $0xffff, v11;
	v10 =	vld [tilespmem:s0+$0x1F0]  }
0x1a8: {  	v11 =	vld [tilespmem:s0+$0xFFFFFE50];
	[tilespmem:v4+s3+$0x800] =	vst.idx.msk $0xffff, v9  }
0x1a9: {  	v9 =	vld [tilespmem:s0+$0xFFFFFED0];
	[tilespmem:v5+s3+$0x800] =	vst.idx.msk $0xffff, v12  }
0x1aa: {  	v12 =	vld [tilespmem:s0+$0xFFFFFF50];
	[tilespmem:v6+s3+$0x800] =	vst.idx.msk $0xffff, v13  }
0x1ab: {  	v13 =	vld [tilespmem:s0+$0xFFFFFFD0];
	[tilespmem:v7+s3+$0x800] =	vst.idx.msk $0xffff, v14  }
0x1ac: {  	v14 =	vld [tilespmem:s0+$0x50];
	[tilespmem:v8+s3+$0xE00] =	vst.idx.msk $0xffff, v10  }
0x1ad: {  	[tilespmem:v0+s3+$0xA00] =	vst.idx.msk $0xffff, v11;
	v10 =	vld [tilespmem:s0+$0xD0]  }
0x1ae: {  	[tilespmem:v1+s3+$0xA00] =	vst.idx.msk $0xffff, v9;
	v9 =	vld [tilespmem:s0+$0x150]  }
0x1af: {  	v11 =	vld [tilespmem:s0+$0xFFFFFE60];
	[tilespmem:v2+s3+$0xA00] =	vst.idx.msk $0xffff, v12  }
0x1b0: {  	v12 =	vld [tilespmem:s0+$0xFFFFFEE0];
	[tilespmem:v4+s3+$0xA00] =	vst.idx.msk $0xffff, v13  }
0x1b1: {  	v13 =	vld [tilespmem:s0+$0xFFFFFF60];
	[tilespmem:v5+s3+$0xA00] =	vst.idx.msk $0xffff, v14  }
0x1b2: {  	v14 =	vld [tilespmem:s0+$0xFFFFFFE0];
	[tilespmem:v6+s3+$0xA00] =	vst.idx.msk $0xffff, v10  }
0x1b3: {  	v10 =	vld [tilespmem:s0+$0x60];
	[tilespmem:v7+s3+$0xA00] =	vst.idx.msk $0xffff, v9  }
0x1b4: {  	[tilespmem:v0+s3+$0xC00] =	vst.idx.msk $0xffff, v11;
	v9 =	vld [tilespmem:s0+$0xE0]  }
0x1b5: {  	[tilespmem:v1+s3+$0xC00] =	vst.idx.msk $0xffff, v12;
	v12 =	vld [tilespmem:s0+$0x160]  }
0x1b6: {  	v15 =	vld [tilespmem:s0+$0xFFFFFE70];
	[tilespmem:v2+s3+$0xC00] =	vst.idx.msk $0xffff, v13  }
0x1b7: {  	v13 =	vld [tilespmem:s0+$0xFFFFFEF0];
	[tilespmem:v4+s3+$0xC00] =	vst.idx.msk $0xffff, v14  }
.Ltmp4:
0x1b8: {  	v11 =	vld [tilespmem:s0+$0xFFFFFF70];
	[tilespmem:v5+s3+$0xC00] =	vst.idx.msk $0xffff, v10;
	(pc) =	sbr.rel @p2 .LBB2_7-.Ltmp4, $4  }
0x1b9: {  	v10 =	vld [tilespmem:s0+$0xFFFFFFF0];
	[tilespmem:v6+s3+$0xC00] =	vst.idx.msk $0xffff, v9  }
0x1ba: {  	v9 =	vld [tilespmem:s0+$0x70];
	[tilespmem:v7+s3+$0xC00] =	vst.idx.msk $0xffff, v12  }
0x1bb: {  	[tilespmem:v0+s3+$0xE00] =	vst.idx.msk $0xffff, v15;
	v12 =	vld [tilespmem:s0+$0xF0]  }
0x1bc: {  	[tilespmem:v1+s3+$0xE00] =	vst.idx.msk $0xffff, v13;
	v13 =	vld [tilespmem:s0+$0x170];
	s0 =	sadd.s32 $0x400, s0  }
0x1bd: {  	_ =	sdelay $0x3  }
0x1be: {  	[tilespmem:v2+s3+$0xE00] =	vst.idx.msk $0xffff, v11  }
0x1bf: {  	s1 =	sshll.u32 s31, $0x6;
	[tilespmem:v4+s3+$0xE00] =	vst.idx.msk $0xffff, v10  }
0x1c0: {  	p2 =	seq.s32 s31, $0x78;
	s0 =	sadd.s32 s12, s1;
	[tilespmem:v5+s3+$0xE00] =	vst.idx.msk $0xffff, v9  }
0x1c1: {  	s15 =	simm.s32 @!p2 $0x7A1400;
	s16 =	simm.s32 @!p2 $0x0;
	s14 =	sshll.u32 @!p2 s0, $0x7;
	[tilespmem:v6+s3+$0xE00] =	vst.idx.msk $0xffff, v12  }
0x1c2: {  	s0 =	sshll.u32 s0, $0x9;
	s14 =	sadd.s32 @!p2 s14, s6;
	[tilespmem:v7+s3+$0xE00] =	vst.idx.msk $0xffff, v13;
	s3 =	simm.s32 @!p2 $0x400  }
0x1c3: {  	[tilespmem:s16], [sflag:$0x1] =	stream.strided.gather @!p2 [hbm4b:s14+s3], $0x1000, s15, s3, $0x38;
	[tilespmem:$0x4800] =	vst v63  }
0x1c4: {  	s0 =	sadd.s32 s4, s0  }
0x1c5: {  	[hbm4b:s0+s2] =	stream.linear.scatter [tilespmem:s22], [sflag:$0x3], $0x1000, $0x38;
	[tilespmem:$0x4800] =	vst v63  }
0x1c6: {  	_ =	swait.ge [sflag:s26], $0x1000  }
0x1c7: {  	[sflag:s26] =	ssyncset.done $0x0  }
0x1c8: {  	[sflag:s26] =	ssyncadd.s32 $0xFFFFF000  }
0x1c9: {  	_ =	swait.ge [sflag:s23], $0x1000  }
0x1ca: {  	[sflag:s23] =	ssyncset.done $0x0  }
0x1cb: {  	s16 =	simm.s32 $0x1200;
	[sflag:s23] =	ssyncadd.s32 $0xFFFFF000  }
0x1cc: {  	v9 =	vld [tilespmem:s16+$0x180]  }
0x1cd: {  	v10 =	vld [tilespmem:s16+$0xFFFFFE80]  }
0x1ce: {  	v11 =	vld [tilespmem:s16+$0xFFFFFF00]  }
0x1cf: {  	v12 =	vld [tilespmem:s16+$0xFFFFFF80]  }
0x1d0: {  	s3 =	simm.s32 $0x3000;
	v13 =	vld [tilespmem:s16+$0x0]  }
0x1d1: {  	v14 =	vld [tilespmem:s16+$0x80];
	[tilespmem:v8+s3+$0x0] =	vst.idx.msk $0xffff, v9  }
0x1d2: {  	[tilespmem:v1+s3+$0x0] =	vst.idx.msk $0xffff, v10;
	v10 =	vld [tilespmem:s16+$0x100]  }
0x1d3: {  	[tilespmem:v2+s3+$0x0] =	vst.idx.msk $0xffff, v11;
	v11 =	vld [tilespmem:s16+$0xFFFFFE00]  }
0x1d4: {  	[tilespmem:v4+s3+$0x0] =	vst.idx.msk $0xffff, v12;
	v9 =	vld [tilespmem:s16+$0x190]  }
0x1d5: {  	[tilespmem:v5+s3+$0x0] =	vst.idx.msk $0xffff, v13;
	v12 =	vld [tilespmem:s16+$0xFFFFFE90]  }
0x1d6: {  	[tilespmem:v6+s3+$0x0] =	vst.idx.msk $0xffff, v14;
	v13 =	vld [tilespmem:s16+$0xFFFFFF10]  }
0x1d7: {  	v14 =	vld [tilespmem:s16+$0xFFFFFF90];
	[tilespmem:v7+s3+$0x0] =	vst.idx.msk $0xffff, v10  }
0x1d8: {  	[tilespmem:v0+s3+$0x0] =	vst.idx.msk $0xffff, v11;
	v10 =	vld [tilespmem:s16+$0x10]  }
0x1d9: {  	[tilespmem:v8+s3+$0x200] =	vst.idx.msk $0xffff, v9;
	v11 =	vld [tilespmem:s16+$0xFFFFFE10]  }
0x1da: {  	[tilespmem:v1+s3+$0x200] =	vst.idx.msk $0xffff, v12;
	v12 =	vld [tilespmem:s16+$0x90]  }
0x1db: {  	[tilespmem:v2+s3+$0x200] =	vst.idx.msk $0xffff, v13;
	v9 =	vld [tilespmem:s16+$0x1A0]  }
0x1dc: {  	[tilespmem:v4+s3+$0x200] =	vst.idx.msk $0xffff, v14;
	v13 =	vld [tilespmem:s16+$0x110]  }
0x1dd: {  	v14 =	vld [tilespmem:s16+$0xFFFFFEA0];
	[tilespmem:v5+s3+$0x200] =	vst.idx.msk $0xffff, v10  }
0x1de: {  	v10 =	vld [tilespmem:s16+$0xFFFFFF20];
	[tilespmem:v0+s3+$0x200] =	vst.idx.msk $0xffff, v11  }
0x1df: {  	[tilespmem:v6+s3+$0x200] =	vst.idx.msk $0xffff, v12;
	v12 =	vld [tilespmem:s16+$0xFFFFFFA0]  }
0x1e0: {  	[tilespmem:v8+s3+$0x400] =	vst.idx.msk $0xffff, v9;
	v11 =	vld [tilespmem:s16+$0xFFFFFE20]  }
0x1e1: {  	[tilespmem:v7+s3+$0x200] =	vst.idx.msk $0xffff, v13;
	v9 =	vld [tilespmem:s16+$0x1B0]  }
0x1e2: {  	v13 =	vld [tilespmem:s16+$0x20];
	[tilespmem:v1+s3+$0x400] =	vst.idx.msk $0xffff, v14  }
0x1e3: {  	v14 =	vld [tilespmem:s16+$0xA0];
	[tilespmem:v2+s3+$0x400] =	vst.idx.msk $0xffff, v10  }
0x1e4: {  	v10 =	vld [tilespmem:s16+$0x120];
	[tilespmem:v4+s3+$0x400] =	vst.idx.msk $0xffff, v12  }
0x1e5: {  	v12 =	vld [tilespmem:s16+$0xFFFFFEB0];
	[tilespmem:v0+s3+$0x400] =	vst.idx.msk $0xffff, v11  }
0x1e6: {  	[tilespmem:v8+s3+$0x600] =	vst.idx.msk $0xffff, v9;
	v11 =	vld [tilespmem:s16+$0xFFFFFE30]  }
0x1e7: {  	[tilespmem:v5+s3+$0x400] =	vst.idx.msk $0xffff, v13;
	v9 =	vld [tilespmem:s16+$0x1C0]  }
0x1e8: {  	v13 =	vld [tilespmem:s16+$0xFFFFFF30];
	[tilespmem:v6+s3+$0x400] =	vst.idx.msk $0xffff, v14  }
0x1e9: {  	v14 =	vld [tilespmem:s16+$0xFFFFFFB0];
	[tilespmem:v7+s3+$0x400] =	vst.idx.msk $0xffff, v10  }
0x1ea: {  	v10 =	vld [tilespmem:s16+$0x30];
	[tilespmem:v1+s3+$0x600] =	vst.idx.msk $0xffff, v12  }
0x1eb: {  	v12 =	vld [tilespmem:s16+$0x130];
	[tilespmem:v0+s3+$0x600] =	vst.idx.msk $0xffff, v11  }
0x1ec: {  	v11 =	vld [tilespmem:s16+$0xB0];
	[tilespmem:v8+s3+$0x800] =	vst.idx.msk $0xffff, v9  }
0x1ed: {  	[tilespmem:v2+s3+$0x600] =	vst.idx.msk $0xffff, v13;
	v9 =	vld [tilespmem:s16+$0x1D0]  }
0x1ee: {  	[tilespmem:v4+s3+$0x600] =	vst.idx.msk $0xffff, v14;
	v14 =	vld [tilespmem:s16+$0xFFFFFEC0]  }
0x1ef: {  	v13 =	vld [tilespmem:s16+$0xFFFFFE40];
	[tilespmem:v5+s3+$0x600] =	vst.idx.msk $0xffff, v10  }
0x1f0: {  	v10 =	vld [tilespmem:s16+$0xFFFFFF40];
	[tilespmem:v7+s3+$0x600] =	vst.idx.msk $0xffff, v12  }
0x1f1: {  	v12 =	vld [tilespmem:s16+$0x40];
	[tilespmem:v6+s3+$0x600] =	vst.idx.msk $0xffff, v11  }
0x1f2: {  	v11 =	vld [tilespmem:s16+$0xFFFFFFC0];
	[tilespmem:v8+s3+$0xA00] =	vst.idx.msk $0xffff, v9  }
0x1f3: {  	[tilespmem:v1+s3+$0x800] =	vst.idx.msk $0xffff, v14;
	v9 =	vld [tilespmem:s16+$0x1E0]  }
0x1f4: {  	v14 =	vld [tilespmem:s16+$0x140];
	[tilespmem:v0+s3+$0x800] =	vst.idx.msk $0xffff, v13  }
0x1f5: {  	v13 =	vld [tilespmem:s16+$0xC0];
	[tilespmem:v2+s3+$0x800] =	vst.idx.msk $0xffff, v10  }
0x1f6: {  	v10 =	vld [tilespmem:s16+$0xFFFFFE50];
	[tilespmem:v5+s3+$0x800] =	vst.idx.msk $0xffff, v12  }
0x1f7: {  	[tilespmem:v4+s3+$0x800] =	vst.idx.msk $0xffff, v11;
	v11 =	vld [tilespmem:s16+$0xFFFFFED0]  }
0x1f8: {  	v12 =	vld [tilespmem:s16+$0xFFFFFF50];
	[tilespmem:v8+s3+$0xC00] =	vst.idx.msk $0xffff, v9  }
0x1f9: {  	[tilespmem:v7+s3+$0x800] =	vst.idx.msk $0xffff, v14;
	v9 =	vld [tilespmem:s16+$0x1F0]  }
0x1fa: {  	v14 =	vld [tilespmem:s16+$0x50];
	[tilespmem:v6+s3+$0x800] =	vst.idx.msk $0xffff, v13  }
0x1fb: {  	v13 =	vld [tilespmem:s16+$0xFFFFFFD0];
	[tilespmem:v0+s3+$0xA00] =	vst.idx.msk $0xffff, v10  }
0x1fc: {  	v10 =	vld [tilespmem:s16+$0x150];
	[tilespmem:v1+s3+$0xA00] =	vst.idx.msk $0xffff, v11  }
0x1fd: {  	[tilespmem:v2+s3+$0xA00] =	vst.idx.msk $0xffff, v12;
	v12 =	vld [tilespmem:s16+$0xFFFFFEE0]  }
0x1fe: {  	[tilespmem:v8+s3+$0xE00] =	vst.idx.msk $0xffff, v9;
	v9 =	vld [tilespmem:s16+$0xD0]  }
0x1ff: {  	[tilespmem:v5+s3+$0xA00] =	vst.idx.msk $0xffff, v14;
	v11 =	vld [tilespmem:s16+$0xFFFFFE60]  }
0x200: {  	v15 =	vld [tilespmem:s16+$0x60];
	[tilespmem:v4+s3+$0xA00] =	vst.idx.msk $0xffff, v13  }
0x201: {  	v13 =	vld [tilespmem:s16+$0xFFFFFF60];
	[tilespmem:v7+s3+$0xA00] =	vst.idx.msk $0xffff, v10  }
0x202: {  	v14 =	vld [tilespmem:s16+$0xFFFFFFE0];
	[tilespmem:v1+s3+$0xC00] =	vst.idx.msk $0xffff, v12  }
0x203: {  	v12 =	vld [tilespmem:s16+$0x160];
	[tilespmem:v6+s3+$0xA00] =	vst.idx.msk $0xffff, v9  }
0x204: {  	[tilespmem:v0+s3+$0xC00] =	vst.idx.msk $0xffff, v11;
	v11 =	vld [tilespmem:s16+$0xE0]  }
0x205: {  	[tilespmem:v5+s3+$0xC00] =	vst.idx.msk $0xffff, v15;
	v16 =	vld [tilespmem:s16+$0xFFFFFE70]  }
0x206: {  	[tilespmem:v2+s3+$0xC00] =	vst.idx.msk $0xffff, v13;
	v13 =	vld [tilespmem:s16+$0xFFFFFEF0]  }
0x207: {  	[tilespmem:v4+s3+$0xC00] =	vst.idx.msk $0xffff, v14;
	v9 =	vld [tilespmem:s16+$0xFFFFFF70]  }
0x208: {  	v10 =	vld [tilespmem:s16+$0xFFFFFFF0];
	[tilespmem:v7+s3+$0xC00] =	vst.idx.msk $0xffff, v12  }
0x209: {  	[tilespmem:v6+s3+$0xC00] =	vst.idx.msk $0xffff, v11;
	v11 =	vld [tilespmem:s16+$0x70]  }
0x20a: {  	[tilespmem:v0+s3+$0xE00] =	vst.idx.msk $0xffff, v16;
	v12 =	vld [tilespmem:s16+$0xF0]  }
0x20b: {  	s14 =	simm.s32 $0x1600;
	s0 =	simm.s32 $0x0;
	[tilespmem:v1+s3+$0xE00] =	vst.idx.msk $0xffff, v13;
	v13 =	vld [tilespmem:s16+$0x170]  }
.LBB2_9:
0x20c: {  	v14 =	vld [tilespmem:s14+$0x180];
	s0 =	sadd.s32 $0x8, s0;
	[tilespmem:v2+s3+$0xE00] =	vst.idx.msk $0xffff, v9  }
0x20d: {  	v9 =	vld [tilespmem:s14+$0xFFFFFE80];
	p3 =	slt.u32 s0, $0x18;
	[tilespmem:v4+s3+$0xE00] =	vst.idx.msk $0xffff, v10  }
0x20e: {  	v10 =	vld [tilespmem:s14+$0xFFFFFF00];
	[tilespmem:v5+s3+$0xE00] =	vst.idx.msk $0xffff, v11  }
0x20f: {  	v11 =	vld [tilespmem:s14+$0xFFFFFF80];
	[tilespmem:v6+s3+$0xE00] =	vst.idx.msk $0xffff, v12  }
0x210: {  	v12 =	vld [tilespmem:s14+$0x0];
	[tilespmem:v7+s3+$0xE00] =	vst.idx.msk $0xffff, v13;
	s3 =	sadd.s32 $0x8, s3  }
0x211: {  	v13 =	vld [tilespmem:s14+$0x80];
	[tilespmem:v8+s3+$0x0] =	vst.idx.msk $0xffff, v14  }
0x212: {  	[tilespmem:v1+s3+$0x0] =	vst.idx.msk $0xffff, v9;
	v9 =	vld [tilespmem:s14+$0x190]  }
0x213: {  	[tilespmem:v2+s3+$0x0] =	vst.idx.msk $0xffff, v10;
	v10 =	vld [tilespmem:s14+$0x100]  }
0x214: {  	v14 =	vld [tilespmem:s14+$0xFFFFFE00];
	[tilespmem:v4+s3+$0x0] =	vst.idx.msk $0xffff, v11  }
0x215: {  	v11 =	vld [tilespmem:s14+$0xFFFFFE90];
	[tilespmem:v5+s3+$0x0] =	vst.idx.msk $0xffff, v12  }
0x216: {  	v12 =	vld [tilespmem:s14+$0xFFFFFF10];
	[tilespmem:v6+s3+$0x0] =	vst.idx.msk $0xffff, v13  }
0x217: {  	v13 =	vld [tilespmem:s14+$0xFFFFFF90];
	[tilespmem:v8+s3+$0x200] =	vst.idx.msk $0xffff, v9  }
0x218: {  	[tilespmem:v7+s3+$0x0] =	vst.idx.msk $0xffff, v10;
	v9 =	vld [tilespmem:s14+$0x1A0]  }
0x219: {  	[tilespmem:v0+s3+$0x0] =	vst.idx.msk $0xffff, v14;
	v10 =	vld [tilespmem:s14+$0x10]  }
0x21a: {  	v14 =	vld [tilespmem:s14+$0xFFFFFE10];
	[tilespmem:v1+s3+$0x200] =	vst.idx.msk $0xffff, v11  }
0x21b: {  	[tilespmem:v2+s3+$0x200] =	vst.idx.msk $0xffff, v12;
	v11 =	vld [tilespmem:s14+$0x90]  }
0x21c: {  	[tilespmem:v4+s3+$0x200] =	vst.idx.msk $0xffff, v13;
	v12 =	vld [tilespmem:s14+$0x110]  }
0x21d: {  	v13 =	vld [tilespmem:s14+$0xFFFFFEA0];
	[tilespmem:v8+s3+$0x400] =	vst.idx.msk $0xffff, v9  }
0x21e: {  	[tilespmem:v5+s3+$0x200] =	vst.idx.msk $0xffff, v10;
	v9 =	vld [tilespmem:s14+$0x1B0]  }
0x21f: {  	[tilespmem:v0+s3+$0x200] =	vst.idx.msk $0xffff, v14;
	v10 =	vld [tilespmem:s14+$0xFFFFFF20]  }
0x220: {  	v14 =	vld [tilespmem:s14+$0xFFFFFE20];
	[tilespmem:v6+s3+$0x200] =	vst.idx.msk $0xffff, v11  }
0x221: {  	v11 =	vld [tilespmem:s14+$0xFFFFFFA0];
	[tilespmem:v7+s3+$0x200] =	vst.idx.msk $0xffff, v12  }
0x222: {  	[tilespmem:v1+s3+$0x400] =	vst.idx.msk $0xffff, v13;
	v12 =	vld [tilespmem:s14+$0x20]  }
0x223: {  	v13 =	vld [tilespmem:s14+$0xA0];
	[tilespmem:v8+s3+$0x600] =	vst.idx.msk $0xffff, v9  }
0x224: {  	[tilespmem:v2+s3+$0x400] =	vst.idx.msk $0xffff, v10;
	v9 =	vld [tilespmem:s14+$0x1C0]  }
0x225: {  	[tilespmem:v0+s3+$0x400] =	vst.idx.msk $0xffff, v14;
	v10 =	vld [tilespmem:s14+$0x120]  }
0x226: {  	v14 =	vld [tilespmem:s14+$0xFFFFFE30];
	[tilespmem:v4+s3+$0x400] =	vst.idx.msk $0xffff, v11  }
0x227: {  	v11 =	vld [tilespmem:s14+$0xFFFFFEB0];
	[tilespmem:v5+s3+$0x400] =	vst.idx.msk $0xffff, v12  }
0x228: {  	v12 =	vld [tilespmem:s14+$0xFFFFFF30];
	[tilespmem:v6+s3+$0x400] =	vst.idx.msk $0xffff, v13  }
0x229: {  	v13 =	vld [tilespmem:s14+$0xFFFFFFB0];
	[tilespmem:v8+s3+$0x800] =	vst.idx.msk $0xffff, v9  }
0x22a: {  	[tilespmem:v7+s3+$0x400] =	vst.idx.msk $0xffff, v10;
	v9 =	vld [tilespmem:s14+$0x1D0]  }
0x22b: {  	[tilespmem:v0+s3+$0x600] =	vst.idx.msk $0xffff, v14;
	v10 =	vld [tilespmem:s14+$0x30]  }
0x22c: {  	[tilespmem:v1+s3+$0x600] =	vst.idx.msk $0xffff, v11;
	v11 =	vld [tilespmem:s14+$0xB0]  }
0x22d: {  	[tilespmem:v2+s3+$0x600] =	vst.idx.msk $0xffff, v12;
	v12 =	vld [tilespmem:s14+$0x130]  }
0x22e: {  	v14 =	vld [tilespmem:s14+$0xFFFFFE40];
	[tilespmem:v4+s3+$0x600] =	vst.idx.msk $0xffff, v13  }
0x22f: {  	v13 =	vld [tilespmem:s14+$0xFFFFFEC0];
	[tilespmem:v8+s3+$0xA00] =	vst.idx.msk $0xffff, v9  }
0x230: {  	[tilespmem:v5+s3+$0x600] =	vst.idx.msk $0xffff, v10;
	v9 =	vld [tilespmem:s14+$0x1E0]  }
0x231: {  	v10 =	vld [tilespmem:s14+$0xFFFFFF40];
	[tilespmem:v6+s3+$0x600] =	vst.idx.msk $0xffff, v11  }
0x232: {  	v11 =	vld [tilespmem:s14+$0xFFFFFFC0];
	[tilespmem:v7+s3+$0x600] =	vst.idx.msk $0xffff, v12  }
0x233: {  	[tilespmem:v0+s3+$0x800] =	vst.idx.msk $0xffff, v14;
	v12 =	vld [tilespmem:s14+$0x40]  }
0x234: {  	[tilespmem:v1+s3+$0x800] =	vst.idx.msk $0xffff, v13;
	v13 =	vld [tilespmem:s14+$0xC0]  }
0x235: {  	v14 =	vld [tilespmem:s14+$0x140];
	[tilespmem:v8+s3+$0xC00] =	vst.idx.msk $0xffff, v9  }
0x236: {  	[tilespmem:v2+s3+$0x800] =	vst.idx.msk $0xffff, v10;
	v9 =	vld [tilespmem:s14+$0x1F0]  }
0x237: {  	v10 =	vld [tilespmem:s14+$0xFFFFFE50];
	[tilespmem:v4+s3+$0x800] =	vst.idx.msk $0xffff, v11  }
0x238: {  	v11 =	vld [tilespmem:s14+$0xFFFFFED0];
	[tilespmem:v5+s3+$0x800] =	vst.idx.msk $0xffff, v12  }
0x239: {  	v12 =	vld [tilespmem:s14+$0xFFFFFF50];
	[tilespmem:v6+s3+$0x800] =	vst.idx.msk $0xffff, v13  }
0x23a: {  	v13 =	vld [tilespmem:s14+$0xFFFFFFD0];
	[tilespmem:v7+s3+$0x800] =	vst.idx.msk $0xffff, v14  }
0x23b: {  	v14 =	vld [tilespmem:s14+$0x50];
	[tilespmem:v8+s3+$0xE00] =	vst.idx.msk $0xffff, v9  }
0x23c: {  	[tilespmem:v0+s3+$0xA00] =	vst.idx.msk $0xffff, v10;
	v9 =	vld [tilespmem:s14+$0xD0]  }
0x23d: {  	[tilespmem:v1+s3+$0xA00] =	vst.idx.msk $0xffff, v11;
	v10 =	vld [tilespmem:s14+$0x150]  }
0x23e: {  	v11 =	vld [tilespmem:s14+$0xFFFFFE60];
	[tilespmem:v2+s3+$0xA00] =	vst.idx.msk $0xffff, v12  }
0x23f: {  	v12 =	vld [tilespmem:s14+$0xFFFFFEE0];
	[tilespmem:v4+s3+$0xA00] =	vst.idx.msk $0xffff, v13  }
0x240: {  	v13 =	vld [tilespmem:s14+$0xFFFFFF60];
	[tilespmem:v5+s3+$0xA00] =	vst.idx.msk $0xffff, v14  }
0x241: {  	v14 =	vld [tilespmem:s14+$0xFFFFFFE0];
	[tilespmem:v6+s3+$0xA00] =	vst.idx.msk $0xffff, v9  }
0x242: {  	v15 =	vld [tilespmem:s14+$0x60];
	[tilespmem:v7+s3+$0xA00] =	vst.idx.msk $0xffff, v10  }
0x243: {  	[tilespmem:v0+s3+$0xC00] =	vst.idx.msk $0xffff, v11;
	v11 =	vld [tilespmem:s14+$0xE0]  }
0x244: {  	[tilespmem:v1+s3+$0xC00] =	vst.idx.msk $0xffff, v12;
	v12 =	vld [tilespmem:s14+$0x160]  }
0x245: {  	v16 =	vld [tilespmem:s14+$0xFFFFFE70];
	[tilespmem:v2+s3+$0xC00] =	vst.idx.msk $0xffff, v13  }
0x246: {  	v13 =	vld [tilespmem:s14+$0xFFFFFEF0];
	[tilespmem:v4+s3+$0xC00] =	vst.idx.msk $0xffff, v14  }
.Ltmp5:
0x247: {  	v9 =	vld [tilespmem:s14+$0xFFFFFF70];
	[tilespmem:v5+s3+$0xC00] =	vst.idx.msk $0xffff, v15;
	(pc) =	sbr.rel @p3 .LBB2_9-.Ltmp5, $4  }
0x248: {  	v10 =	vld [tilespmem:s14+$0xFFFFFFF0];
	[tilespmem:v6+s3+$0xC00] =	vst.idx.msk $0xffff, v11  }
0x249: {  	v11 =	vld [tilespmem:s14+$0x70];
	[tilespmem:v7+s3+$0xC00] =	vst.idx.msk $0xffff, v12  }
0x24a: {  	[tilespmem:v0+s3+$0xE00] =	vst.idx.msk $0xffff, v16;
	v12 =	vld [tilespmem:s14+$0xF0]  }
0x24b: {  	[tilespmem:v1+s3+$0xE00] =	vst.idx.msk $0xffff, v13;
	v13 =	vld [tilespmem:s14+$0x170];
	s14 =	sadd.s32 $0x400, s14  }
0x24c: {  	_ =	sdelay $0x3  }
0x24d: {  	[tilespmem:v2+s3+$0xE00] =	vst.idx.msk $0xffff, v9  }
0x24e: {  	[tilespmem:v4+s3+$0xE00] =	vst.idx.msk $0xffff, v10  }
0x24f: {  	s0 =	sadd.s32 s13, s1;
	[tilespmem:v5+s3+$0xE00] =	vst.idx.msk $0xffff, v11  }
0x250: {  	s14 =	simm.s32 @!p2 $0x7A1400;
	s15 =	simm.s32 @!p2 $0x1000;
	s1 =	sshll.u32 @!p2 s0, $0x7;
	[tilespmem:v6+s3+$0xE00] =	vst.idx.msk $0xffff, v12  }
0x251: {  	s31 =	sadd.s32 $0x1, s31;
	s1 =	sadd.s32 @!p2 s1, s6;
	[tilespmem:v7+s3+$0xE00] =	vst.idx.msk $0xffff, v13;
	s3 =	simm.s32 @!p2 $0x400  }
0x252: {  	[tilespmem:s15], [sflag:$0x2] =	stream.strided.gather @!p2 [hbm4b:s1+s3], $0x1000, s14, s3, $0x38;
	[tilespmem:$0x4800] =	vst v63  }
0x253: {  	p2 =	sne.s32 s31, $0x79  }
.Ltmp6:
0x254: {  	_ = 	snop;
	(pc) =	sbr.rel @p2 .LBB2_6-.Ltmp6, $4  }
0x255: {  	_ = 	snop  }
0x256: {  	s0 =	sshll.u32 s0, $0x9  }
0x257: {  	s0 =	sadd.s32 s4, s0  }
0x258: {  	[hbm4b:s0+s2] =	stream.linear.scatter [tilespmem:s24], [sflag:$0x4], $0x1000, $0x38;
	[tilespmem:$0x4800] =	vst v63  }
0x259: {  	_ =	swait.ge [sflag:s25], $0x1000  }
.Ltmp7:
0x25a: {  	[sflag:s25] =	ssyncset.done $0x0;
	(pc) =	sbr.rel @p1 .LBB2_15-.Ltmp7, $4  }
0x25b: {  	[sflag:s25] =	ssyncadd.s32 $0xFFFFF000  }
0x25c: {  	_ =	swait.ge [sflag:s26], $0x1000  }
0x25d: {  	[sflag:s26] =	ssyncset.done $0x0  }
0x25e: {  	[sflag:s26] =	ssyncadd.s32 $0xFFFFF000  }
0x25f: {  	s0 =	rddreg [dreg:$0x4]  }
0x260: {  	[tilespmem:s2], [sflag:$0x5] =	stream.strided.gather [hbm4b:s0+s18], $0x1000, s19, s18, $0x38;
	[tilespmem:$0x4800] =	vst v63  }
0x261: {  	_ =	swait.ge [sflag:s28], $0x1000  }
0x262: {  	[sflag:s28] =	ssyncset.done $0x0  }
0x263: {  	s3 =	simm.s32 $0x200;
	[sflag:s28] =	ssyncadd.s32 $0xFFFFF000  }
0x264: {  	v9 =	vld [tilespmem:s3+$0x180]  }
0x265: {  	v10 =	vld [tilespmem:s3+$0xFFFFFE80]  }
0x266: {  	v11 =	vld [tilespmem:s3+$0xFFFFFF00]  }
0x267: {  	v12 =	vld [tilespmem:s3+$0xFFFFFF80]  }
0x268: {  	s1 =	simm.s32 $0x2000;
	v13 =	vld [tilespmem:s3+$0x0]  }
0x269: {  	v14 =	vld [tilespmem:s3+$0x80];
	[tilespmem:v8+s1+$0x0] =	vst.idx.msk $0xffff, v9  }
0x26a: {  	[tilespmem:v1+s1+$0x0] =	vst.idx.msk $0xffff, v10;
	v10 =	vld [tilespmem:s3+$0x100]  }
0x26b: {  	[tilespmem:v2+s1+$0x0] =	vst.idx.msk $0xffff, v11;
	v11 =	vld [tilespmem:s3+$0xFFFFFE00]  }
0x26c: {  	[tilespmem:v4+s1+$0x0] =	vst.idx.msk $0xffff, v12;
	v9 =	vld [tilespmem:s3+$0x190]  }
0x26d: {  	[tilespmem:v5+s1+$0x0] =	vst.idx.msk $0xffff, v13;
	v12 =	vld [tilespmem:s3+$0xFFFFFE90]  }
0x26e: {  	[tilespmem:v6+s1+$0x0] =	vst.idx.msk $0xffff, v14;
	v13 =	vld [tilespmem:s3+$0xFFFFFF10]  }
0x26f: {  	v14 =	vld [tilespmem:s3+$0xFFFFFF90];
	[tilespmem:v7+s1+$0x0] =	vst.idx.msk $0xffff, v10  }
0x270: {  	[tilespmem:v0+s1+$0x0] =	vst.idx.msk $0xffff, v11;
	v10 =	vld [tilespmem:s3+$0x10]  }
0x271: {  	[tilespmem:v8+s1+$0x200] =	vst.idx.msk $0xffff, v9;
	v11 =	vld [tilespmem:s3+$0xFFFFFE10]  }
0x272: {  	[tilespmem:v1+s1+$0x200] =	vst.idx.msk $0xffff, v12;
	v12 =	vld [tilespmem:s3+$0x90]  }
0x273: {  	[tilespmem:v2+s1+$0x200] =	vst.idx.msk $0xffff, v13;
	v9 =	vld [tilespmem:s3+$0x1A0]  }
0x274: {  	[tilespmem:v4+s1+$0x200] =	vst.idx.msk $0xffff, v14;
	v13 =	vld [tilespmem:s3+$0x110]  }
0x275: {  	v14 =	vld [tilespmem:s3+$0xFFFFFEA0];
	[tilespmem:v5+s1+$0x200] =	vst.idx.msk $0xffff, v10  }
0x276: {  	v10 =	vld [tilespmem:s3+$0xFFFFFF20];
	[tilespmem:v0+s1+$0x200] =	vst.idx.msk $0xffff, v11  }
0x277: {  	[tilespmem:v6+s1+$0x200] =	vst.idx.msk $0xffff, v12;
	v12 =	vld [tilespmem:s3+$0xFFFFFFA0]  }
0x278: {  	[tilespmem:v8+s1+$0x400] =	vst.idx.msk $0xffff, v9;
	v11 =	vld [tilespmem:s3+$0xFFFFFE20]  }
0x279: {  	[tilespmem:v7+s1+$0x200] =	vst.idx.msk $0xffff, v13;
	v9 =	vld [tilespmem:s3+$0x1B0]  }
0x27a: {  	v13 =	vld [tilespmem:s3+$0x20];
	[tilespmem:v1+s1+$0x400] =	vst.idx.msk $0xffff, v14  }
0x27b: {  	v14 =	vld [tilespmem:s3+$0xA0];
	[tilespmem:v2+s1+$0x400] =	vst.idx.msk $0xffff, v10  }
0x27c: {  	v10 =	vld [tilespmem:s3+$0x120];
	[tilespmem:v4+s1+$0x400] =	vst.idx.msk $0xffff, v12  }
0x27d: {  	v12 =	vld [tilespmem:s3+$0xFFFFFEB0];
	[tilespmem:v0+s1+$0x400] =	vst.idx.msk $0xffff, v11  }
0x27e: {  	[tilespmem:v8+s1+$0x600] =	vst.idx.msk $0xffff, v9;
	v11 =	vld [tilespmem:s3+$0xFFFFFE30]  }
0x27f: {  	[tilespmem:v5+s1+$0x400] =	vst.idx.msk $0xffff, v13;
	v9 =	vld [tilespmem:s3+$0x1C0]  }
0x280: {  	v13 =	vld [tilespmem:s3+$0xFFFFFF30];
	[tilespmem:v6+s1+$0x400] =	vst.idx.msk $0xffff, v14  }
0x281: {  	v14 =	vld [tilespmem:s3+$0xFFFFFFB0];
	[tilespmem:v7+s1+$0x400] =	vst.idx.msk $0xffff, v10  }
0x282: {  	v10 =	vld [tilespmem:s3+$0x30];
	[tilespmem:v1+s1+$0x600] =	vst.idx.msk $0xffff, v12  }
0x283: {  	v12 =	vld [tilespmem:s3+$0x130];
	[tilespmem:v0+s1+$0x600] =	vst.idx.msk $0xffff, v11  }
0x284: {  	v11 =	vld [tilespmem:s3+$0xB0];
	[tilespmem:v8+s1+$0x800] =	vst.idx.msk $0xffff, v9  }
0x285: {  	[tilespmem:v2+s1+$0x600] =	vst.idx.msk $0xffff, v13;
	v9 =	vld [tilespmem:s3+$0x1D0]  }
0x286: {  	[tilespmem:v4+s1+$0x600] =	vst.idx.msk $0xffff, v14;
	v14 =	vld [tilespmem:s3+$0xFFFFFEC0]  }
0x287: {  	v13 =	vld [tilespmem:s3+$0xFFFFFE40];
	[tilespmem:v5+s1+$0x600] =	vst.idx.msk $0xffff, v10  }
0x288: {  	v10 =	vld [tilespmem:s3+$0xFFFFFF40];
	[tilespmem:v7+s1+$0x600] =	vst.idx.msk $0xffff, v12  }
0x289: {  	v12 =	vld [tilespmem:s3+$0x40];
	[tilespmem:v6+s1+$0x600] =	vst.idx.msk $0xffff, v11  }
0x28a: {  	v11 =	vld [tilespmem:s3+$0xFFFFFFC0];
	[tilespmem:v8+s1+$0xA00] =	vst.idx.msk $0xffff, v9  }
0x28b: {  	[tilespmem:v1+s1+$0x800] =	vst.idx.msk $0xffff, v14;
	v9 =	vld [tilespmem:s3+$0x1E0]  }
0x28c: {  	v14 =	vld [tilespmem:s3+$0x140];
	[tilespmem:v0+s1+$0x800] =	vst.idx.msk $0xffff, v13  }
0x28d: {  	v13 =	vld [tilespmem:s3+$0xC0];
	[tilespmem:v2+s1+$0x800] =	vst.idx.msk $0xffff, v10  }
0x28e: {  	v10 =	vld [tilespmem:s3+$0xFFFFFE50];
	[tilespmem:v5+s1+$0x800] =	vst.idx.msk $0xffff, v12  }
0x28f: {  	[tilespmem:v4+s1+$0x800] =	vst.idx.msk $0xffff, v11;
	v11 =	vld [tilespmem:s3+$0xFFFFFED0]  }
0x290: {  	v12 =	vld [tilespmem:s3+$0xFFFFFF50];
	[tilespmem:v8+s1+$0xC00] =	vst.idx.msk $0xffff, v9  }
0x291: {  	[tilespmem:v7+s1+$0x800] =	vst.idx.msk $0xffff, v14;
	v9 =	vld [tilespmem:s3+$0x1F0]  }
0x292: {  	v14 =	vld [tilespmem:s3+$0x50];
	[tilespmem:v6+s1+$0x800] =	vst.idx.msk $0xffff, v13  }
0x293: {  	v13 =	vld [tilespmem:s3+$0xFFFFFFD0];
	[tilespmem:v0+s1+$0xA00] =	vst.idx.msk $0xffff, v10  }
0x294: {  	v10 =	vld [tilespmem:s3+$0x150];
	[tilespmem:v1+s1+$0xA00] =	vst.idx.msk $0xffff, v11  }
0x295: {  	[tilespmem:v2+s1+$0xA00] =	vst.idx.msk $0xffff, v12;
	v12 =	vld [tilespmem:s3+$0xFFFFFEE0]  }
0x296: {  	[tilespmem:v8+s1+$0xE00] =	vst.idx.msk $0xffff, v9;
	v9 =	vld [tilespmem:s3+$0xD0]  }
0x297: {  	[tilespmem:v5+s1+$0xA00] =	vst.idx.msk $0xffff, v14;
	v11 =	vld [tilespmem:s3+$0xFFFFFE60]  }
0x298: {  	v15 =	vld [tilespmem:s3+$0x60];
	[tilespmem:v4+s1+$0xA00] =	vst.idx.msk $0xffff, v13  }
0x299: {  	v13 =	vld [tilespmem:s3+$0xFFFFFF60];
	[tilespmem:v7+s1+$0xA00] =	vst.idx.msk $0xffff, v10  }
0x29a: {  	v14 =	vld [tilespmem:s3+$0xFFFFFFE0];
	[tilespmem:v1+s1+$0xC00] =	vst.idx.msk $0xffff, v12  }
0x29b: {  	v12 =	vld [tilespmem:s3+$0x160];
	[tilespmem:v6+s1+$0xA00] =	vst.idx.msk $0xffff, v9  }
0x29c: {  	[tilespmem:v0+s1+$0xC00] =	vst.idx.msk $0xffff, v11;
	v11 =	vld [tilespmem:s3+$0xE0]  }
0x29d: {  	[tilespmem:v5+s1+$0xC00] =	vst.idx.msk $0xffff, v15;
	v16 =	vld [tilespmem:s3+$0xFFFFFE70]  }
0x29e: {  	[tilespmem:v2+s1+$0xC00] =	vst.idx.msk $0xffff, v13;
	v13 =	vld [tilespmem:s3+$0xFFFFFEF0]  }
0x29f: {  	[tilespmem:v4+s1+$0xC00] =	vst.idx.msk $0xffff, v14;
	v9 =	vld [tilespmem:s3+$0xFFFFFF70]  }
0x2a0: {  	v10 =	vld [tilespmem:s3+$0xFFFFFFF0];
	[tilespmem:v7+s1+$0xC00] =	vst.idx.msk $0xffff, v12  }
0x2a1: {  	[tilespmem:v6+s1+$0xC00] =	vst.idx.msk $0xffff, v11;
	v11 =	vld [tilespmem:s3+$0x70]  }
0x2a2: {  	[tilespmem:v0+s1+$0xE00] =	vst.idx.msk $0xffff, v16;
	v12 =	vld [tilespmem:s3+$0xF0]  }
0x2a3: {  	s0 =	simm.s32 $0x0;
	[tilespmem:v1+s1+$0xE00] =	vst.idx.msk $0xffff, v13;
	v13 =	vld [tilespmem:s3+$0x170];
	s3 =	simm.s32 $0x600  }
.LBB2_13:
0x2a4: {  	v14 =	vld [tilespmem:s3+$0x180];
	s0 =	sadd.s32 $0x8, s0;
	[tilespmem:v2+s1+$0xE00] =	vst.idx.msk $0xffff, v9  }
0x2a5: {  	v9 =	vld [tilespmem:s3+$0xFFFFFE80];
	p2 =	slt.u32 s0, $0x18;
	[tilespmem:v4+s1+$0xE00] =	vst.idx.msk $0xffff, v10  }
0x2a6: {  	v10 =	vld [tilespmem:s3+$0xFFFFFF00];
	[tilespmem:v5+s1+$0xE00] =	vst.idx.msk $0xffff, v11  }
0x2a7: {  	v11 =	vld [tilespmem:s3+$0xFFFFFF80];
	[tilespmem:v6+s1+$0xE00] =	vst.idx.msk $0xffff, v12  }
0x2a8: {  	v12 =	vld [tilespmem:s3+$0x0];
	[tilespmem:v7+s1+$0xE00] =	vst.idx.msk $0xffff, v13;
	s1 =	sadd.s32 $0x8, s1  }
0x2a9: {  	v13 =	vld [tilespmem:s3+$0x80];
	[tilespmem:v8+s1+$0x0] =	vst.idx.msk $0xffff, v14  }
0x2aa: {  	[tilespmem:v1+s1+$0x0] =	vst.idx.msk $0xffff, v9;
	v9 =	vld [tilespmem:s3+$0x190]  }
0x2ab: {  	[tilespmem:v2+s1+$0x0] =	vst.idx.msk $0xffff, v10;
	v10 =	vld [tilespmem:s3+$0x100]  }
0x2ac: {  	v14 =	vld [tilespmem:s3+$0xFFFFFE00];
	[tilespmem:v4+s1+$0x0] =	vst.idx.msk $0xffff, v11  }
0x2ad: {  	v11 =	vld [tilespmem:s3+$0xFFFFFE90];
	[tilespmem:v5+s1+$0x0] =	vst.idx.msk $0xffff, v12  }
0x2ae: {  	v12 =	vld [tilespmem:s3+$0xFFFFFF10];
	[tilespmem:v6+s1+$0x0] =	vst.idx.msk $0xffff, v13  }
0x2af: {  	v13 =	vld [tilespmem:s3+$0xFFFFFF90];
	[tilespmem:v8+s1+$0x200] =	vst.idx.msk $0xffff, v9  }
0x2b0: {  	[tilespmem:v7+s1+$0x0] =	vst.idx.msk $0xffff, v10;
	v9 =	vld [tilespmem:s3+$0x1A0]  }
0x2b1: {  	[tilespmem:v0+s1+$0x0] =	vst.idx.msk $0xffff, v14;
	v10 =	vld [tilespmem:s3+$0x10]  }
0x2b2: {  	v14 =	vld [tilespmem:s3+$0xFFFFFE10];
	[tilespmem:v1+s1+$0x200] =	vst.idx.msk $0xffff, v11  }
0x2b3: {  	[tilespmem:v2+s1+$0x200] =	vst.idx.msk $0xffff, v12;
	v11 =	vld [tilespmem:s3+$0x90]  }
0x2b4: {  	[tilespmem:v4+s1+$0x200] =	vst.idx.msk $0xffff, v13;
	v12 =	vld [tilespmem:s3+$0x110]  }
0x2b5: {  	v13 =	vld [tilespmem:s3+$0xFFFFFEA0];
	[tilespmem:v8+s1+$0x400] =	vst.idx.msk $0xffff, v9  }
0x2b6: {  	[tilespmem:v5+s1+$0x200] =	vst.idx.msk $0xffff, v10;
	v9 =	vld [tilespmem:s3+$0x1B0]  }
0x2b7: {  	[tilespmem:v0+s1+$0x200] =	vst.idx.msk $0xffff, v14;
	v10 =	vld [tilespmem:s3+$0xFFFFFF20]  }
0x2b8: {  	v14 =	vld [tilespmem:s3+$0xFFFFFE20];
	[tilespmem:v6+s1+$0x200] =	vst.idx.msk $0xffff, v11  }
0x2b9: {  	v11 =	vld [tilespmem:s3+$0xFFFFFFA0];
	[tilespmem:v7+s1+$0x200] =	vst.idx.msk $0xffff, v12  }
0x2ba: {  	[tilespmem:v1+s1+$0x400] =	vst.idx.msk $0xffff, v13;
	v12 =	vld [tilespmem:s3+$0x20]  }
0x2bb: {  	v13 =	vld [tilespmem:s3+$0xA0];
	[tilespmem:v8+s1+$0x600] =	vst.idx.msk $0xffff, v9  }
0x2bc: {  	[tilespmem:v2+s1+$0x400] =	vst.idx.msk $0xffff, v10;
	v9 =	vld [tilespmem:s3+$0x1C0]  }
0x2bd: {  	[tilespmem:v0+s1+$0x400] =	vst.idx.msk $0xffff, v14;
	v10 =	vld [tilespmem:s3+$0x120]  }
0x2be: {  	v14 =	vld [tilespmem:s3+$0xFFFFFE30];
	[tilespmem:v4+s1+$0x400] =	vst.idx.msk $0xffff, v11  }
0x2bf: {  	v11 =	vld [tilespmem:s3+$0xFFFFFEB0];
	[tilespmem:v5+s1+$0x400] =	vst.idx.msk $0xffff, v12  }
0x2c0: {  	v12 =	vld [tilespmem:s3+$0xFFFFFF30];
	[tilespmem:v6+s1+$0x400] =	vst.idx.msk $0xffff, v13  }
0x2c1: {  	v13 =	vld [tilespmem:s3+$0xFFFFFFB0];
	[tilespmem:v8+s1+$0x800] =	vst.idx.msk $0xffff, v9  }
0x2c2: {  	[tilespmem:v7+s1+$0x400] =	vst.idx.msk $0xffff, v10;
	v9 =	vld [tilespmem:s3+$0x1D0]  }
0x2c3: {  	[tilespmem:v0+s1+$0x600] =	vst.idx.msk $0xffff, v14;
	v10 =	vld [tilespmem:s3+$0x30]  }
0x2c4: {  	[tilespmem:v1+s1+$0x600] =	vst.idx.msk $0xffff, v11;
	v11 =	vld [tilespmem:s3+$0xB0]  }
0x2c5: {  	[tilespmem:v2+s1+$0x600] =	vst.idx.msk $0xffff, v12;
	v12 =	vld [tilespmem:s3+$0x130]  }
0x2c6: {  	v14 =	vld [tilespmem:s3+$0xFFFFFE40];
	[tilespmem:v4+s1+$0x600] =	vst.idx.msk $0xffff, v13  }
0x2c7: {  	v13 =	vld [tilespmem:s3+$0xFFFFFEC0];
	[tilespmem:v8+s1+$0xA00] =	vst.idx.msk $0xffff, v9  }
0x2c8: {  	[tilespmem:v5+s1+$0x600] =	vst.idx.msk $0xffff, v10;
	v9 =	vld [tilespmem:s3+$0x1E0]  }
0x2c9: {  	v10 =	vld [tilespmem:s3+$0xFFFFFF40];
	[tilespmem:v6+s1+$0x600] =	vst.idx.msk $0xffff, v11  }
0x2ca: {  	v11 =	vld [tilespmem:s3+$0xFFFFFFC0];
	[tilespmem:v7+s1+$0x600] =	vst.idx.msk $0xffff, v12  }
0x2cb: {  	[tilespmem:v0+s1+$0x800] =	vst.idx.msk $0xffff, v14;
	v12 =	vld [tilespmem:s3+$0x40]  }
0x2cc: {  	[tilespmem:v1+s1+$0x800] =	vst.idx.msk $0xffff, v13;
	v13 =	vld [tilespmem:s3+$0xC0]  }
0x2cd: {  	v14 =	vld [tilespmem:s3+$0x140];
	[tilespmem:v8+s1+$0xC00] =	vst.idx.msk $0xffff, v9  }
0x2ce: {  	[tilespmem:v2+s1+$0x800] =	vst.idx.msk $0xffff, v10;
	v9 =	vld [tilespmem:s3+$0x1F0]  }
0x2cf: {  	v10 =	vld [tilespmem:s3+$0xFFFFFE50];
	[tilespmem:v4+s1+$0x800] =	vst.idx.msk $0xffff, v11  }
0x2d0: {  	v11 =	vld [tilespmem:s3+$0xFFFFFED0];
	[tilespmem:v5+s1+$0x800] =	vst.idx.msk $0xffff, v12  }
0x2d1: {  	v12 =	vld [tilespmem:s3+$0xFFFFFF50];
	[tilespmem:v6+s1+$0x800] =	vst.idx.msk $0xffff, v13  }
0x2d2: {  	v13 =	vld [tilespmem:s3+$0xFFFFFFD0];
	[tilespmem:v7+s1+$0x800] =	vst.idx.msk $0xffff, v14  }
0x2d3: {  	v14 =	vld [tilespmem:s3+$0x50];
	[tilespmem:v8+s1+$0xE00] =	vst.idx.msk $0xffff, v9  }
0x2d4: {  	[tilespmem:v0+s1+$0xA00] =	vst.idx.msk $0xffff, v10;
	v9 =	vld [tilespmem:s3+$0xD0]  }
0x2d5: {  	[tilespmem:v1+s1+$0xA00] =	vst.idx.msk $0xffff, v11;
	v10 =	vld [tilespmem:s3+$0x150]  }
0x2d6: {  	v11 =	vld [tilespmem:s3+$0xFFFFFE60];
	[tilespmem:v2+s1+$0xA00] =	vst.idx.msk $0xffff, v12  }
0x2d7: {  	v12 =	vld [tilespmem:s3+$0xFFFFFEE0];
	[tilespmem:v4+s1+$0xA00] =	vst.idx.msk $0xffff, v13  }
0x2d8: {  	v13 =	vld [tilespmem:s3+$0xFFFFFF60];
	[tilespmem:v5+s1+$0xA00] =	vst.idx.msk $0xffff, v14  }
0x2d9: {  	v14 =	vld [tilespmem:s3+$0xFFFFFFE0];
	[tilespmem:v6+s1+$0xA00] =	vst.idx.msk $0xffff, v9  }
0x2da: {  	v15 =	vld [tilespmem:s3+$0x60];
	[tilespmem:v7+s1+$0xA00] =	vst.idx.msk $0xffff, v10  }
0x2db: {  	[tilespmem:v0+s1+$0xC00] =	vst.idx.msk $0xffff, v11;
	v11 =	vld [tilespmem:s3+$0xE0]  }
0x2dc: {  	[tilespmem:v1+s1+$0xC00] =	vst.idx.msk $0xffff, v12;
	v12 =	vld [tilespmem:s3+$0x160]  }
0x2dd: {  	v16 =	vld [tilespmem:s3+$0xFFFFFE70];
	[tilespmem:v2+s1+$0xC00] =	vst.idx.msk $0xffff, v13  }
0x2de: {  	v13 =	vld [tilespmem:s3+$0xFFFFFEF0];
	[tilespmem:v4+s1+$0xC00] =	vst.idx.msk $0xffff, v14  }
.Ltmp8:
0x2df: {  	v9 =	vld [tilespmem:s3+$0xFFFFFF70];
	[tilespmem:v5+s1+$0xC00] =	vst.idx.msk $0xffff, v15;
	(pc) =	sbr.rel @p2 .LBB2_13-.Ltmp8, $4  }
0x2e0: {  	v10 =	vld [tilespmem:s3+$0xFFFFFFF0];
	[tilespmem:v6+s1+$0xC00] =	vst.idx.msk $0xffff, v11  }
0x2e1: {  	v11 =	vld [tilespmem:s3+$0x70];
	[tilespmem:v7+s1+$0xC00] =	vst.idx.msk $0xffff, v12  }
0x2e2: {  	[tilespmem:v0+s1+$0xE00] =	vst.idx.msk $0xffff, v16;
	v12 =	vld [tilespmem:s3+$0xF0]  }
0x2e3: {  	[tilespmem:v1+s1+$0xE00] =	vst.idx.msk $0xffff, v13;
	v13 =	vld [tilespmem:s3+$0x170];
	s3 =	sadd.s32 $0x400, s3  }
0x2e4: {  	_ =	sdelay $0x3  }
0x2e5: {  	[tilespmem:v2+s1+$0xE00] =	vst.idx.msk $0xffff, v9  }
0x2e6: {  	[tilespmem:v4+s1+$0xE00] =	vst.idx.msk $0xffff, v10  }
0x2e7: {  	[tilespmem:v5+s1+$0xE00] =	vst.idx.msk $0xffff, v11  }
0x2e8: {  	[tilespmem:v6+s1+$0xE00] =	vst.idx.msk $0xffff, v12  }
0x2e9: {  	[tilespmem:v7+s1+$0xE00] =	vst.idx.msk $0xffff, v13  }
0x2ea: {  	s0 =	rddreg [dreg:$0x5]  }
0x2eb: {  	[hbm4b:s0+s2] =	stream.linear.scatter [tilespmem:s22], [sflag:$0x5], $0x1000, $0x38;
	[tilespmem:$0x4800] =	vst v63  }
0x2ec: {  	_ =	swait.ge [sflag:s28], $0x1000  }
0x2ed: {  	[sflag:s28] =	ssyncset.done $0x0  }
0x2ee: {  	[sflag:s28] =	ssyncadd.s32 $0xFFFFF000  }
.LBB2_15:
.Ltmp9:
0x2ef: {  	(pc) =	sbr.rel @p0 .LBB2_17-.Ltmp9, $1  }
0x2f0: {  	_ =	sdelay $0x3  }
0x2f1: {  	s0 =	rddreg [dreg:$0x1]  }
0x2f2: {  	[tilespmem:s29], [sflag:$0x5] =	stream.linear.gather [hbm4b:s0+s2], $0x800, $0x38;
	[tilespmem:$0x4800] =	vst v63  }
0x2f3: {  	_ =	swait.ge [sflag:s28], $0x800  }
0x2f4: {  	[sflag:s28] =	ssyncset.done $0x0  }
0x2f5: {  	[sflag:s28] =	ssyncadd.s32 $0xFFFFF800  }
0x2f6: {  	v9 =	vld.idx.msk [tilespmem:v3+s29+$0x0], $0xffff;
	_ =	sdelay $0x4  }
0x2f7: {  	[tilespmem:$0x3000] =	vst v9;
	v9 =	vld [tilespmem:$0x1FF80];
	_ =	sdelay $0x7  }
0x2f8: {  	v9 =	vld.idx.msk [tilespmem:v9+s29+$0x0], $0xffff;
	_ =	sdelay $0x4  }
0x2f9: {  	[tilespmem:$0x3010] =	vst v9;
	v9 =	vld [tilespmem:$0x1FF90];
	_ =	sdelay $0x7  }
0x2fa: {  	v9 =	vld.idx.msk [tilespmem:v9+s29+$0x0], $0xffff;
	_ =	sdelay $0x4  }
0x2fb: {  	[tilespmem:$0x3020] =	vst v9;
	v9 =	vld [tilespmem:$0x1FFA0];
	_ =	sdelay $0x7  }
0x2fc: {  	v9 =	vld.idx.msk [tilespmem:v9+s29+$0x0], $0xffff;
	_ =	sdelay $0x4  }
0x2fd: {  	[tilespmem:$0x3030] =	vst v9;
	v9 =	vld [tilespmem:$0x1FFB0];
	_ =	sdelay $0x7  }
0x2fe: {  	v9 =	vld.idx.msk [tilespmem:v9+s29+$0x0], $0xffff;
	_ =	sdelay $0x4  }
0x2ff: {  	[tilespmem:$0x3040] =	vst v9;
	v9 =	vld [tilespmem:$0x1FFC0];
	_ =	sdelay $0x7  }
0x300: {  	v9 =	vld.idx.msk [tilespmem:v9+s29+$0x0], $0xffff;
	_ =	sdelay $0x4  }
0x301: {  	[tilespmem:$0x3050] =	vst v9;
	v9 =	vld [tilespmem:$0x1FFD0];
	_ =	sdelay $0x7  }
0x302: {  	v9 =	vld.idx.msk [tilespmem:v9+s29+$0x0], $0xffff;
	_ =	sdelay $0x4  }
0x303: {  	[tilespmem:$0x3060] =	vst v9;
	v9 =	vld [tilespmem:$0x1FFE0];
	_ =	sdelay $0x7  }
0x304: {  	v9 =	vld.idx.msk [tilespmem:v9+s29+$0x0], $0xffff;
	_ =	sdelay $0x4  }
0x305: {  	[tilespmem:$0x3070] =	vst v9;
	v9 =	vld [tilespmem:$0x1FFF0];
	_ =	sdelay $0x7  }
0x306: {  	v9 =	vld.idx.msk [tilespmem:v9+s29+$0x0], $0xffff;
	_ =	sdelay $0x4  }
0x307: {  	[tilespmem:$0x3080] =	vst v9  }
0x308: {  	v9 =	vld.idx.msk [tilespmem:v17+s29+$0x0], $0xffff;
	_ =	sdelay $0x4  }
0x309: {  	[tilespmem:$0x3090] =	vst v9  }
0x30a: {  	v9 =	vld.idx.msk [tilespmem:v18+s29+$0x0], $0xffff;
	_ =	sdelay $0x4  }
0x30b: {  	[tilespmem:$0x30A0] =	vst v9  }
0x30c: {  	v9 =	vld.idx.msk [tilespmem:v19+s29+$0x0], $0xffff;
	_ =	sdelay $0x4  }
0x30d: {  	[tilespmem:$0x30B0] =	vst v9  }
0x30e: {  	v9 =	vld.idx.msk [tilespmem:v20+s29+$0x0], $0xffff;
	_ =	sdelay $0x4  }
0x30f: {  	[tilespmem:$0x30C0] =	vst v9  }
0x310: {  	v9 =	vld.idx.msk [tilespmem:v21+s29+$0x0], $0xffff;
	_ =	sdelay $0x4  }
0x311: {  	[tilespmem:$0x30D0] =	vst v9  }
0x312: {  	v9 =	vld.idx.msk [tilespmem:v22+s29+$0x0], $0xffff;
	_ =	sdelay $0x4  }
0x313: {  	[tilespmem:$0x30E0] =	vst v9  }
0x314: {  	v9 =	vld.idx.msk [tilespmem:v23+s29+$0x0], $0xffff;
	_ =	sdelay $0x4  }
0x315: {  	[tilespmem:$0x30F0] =	vst v9  }
0x316: {  	v9 =	vld.idx.msk [tilespmem:v24+s29+$0x0], $0xffff;
	_ =	sdelay $0x4  }
0x317: {  	[tilespmem:$0x3100] =	vst v9  }
0x318: {  	v9 =	vld.idx.msk [tilespmem:v25+s29+$0x0], $0xffff;
	_ =	sdelay $0x4  }
0x319: {  	[tilespmem:$0x3110] =	vst v9  }
0x31a: {  	v9 =	vld.idx.msk [tilespmem:v26+s29+$0x0], $0xffff;
	_ =	sdelay $0x4  }
0x31b: {  	[tilespmem:$0x3120] =	vst v9  }
0x31c: {  	v9 =	vld.idx.msk [tilespmem:v27+s29+$0x0], $0xffff;
	_ =	sdelay $0x4  }
0x31d: {  	[tilespmem:$0x3130] =	vst v9  }
0x31e: {  	v9 =	vld.idx.msk [tilespmem:v28+s29+$0x0], $0xffff;
	_ =	sdelay $0x4  }
0x31f: {  	[tilespmem:$0x3140] =	vst v9  }
0x320: {  	v9 =	vld.idx.msk [tilespmem:v29+s29+$0x0], $0xffff;
	_ =	sdelay $0x4  }
0x321: {  	[tilespmem:$0x3150] =	vst v9  }
0x322: {  	v9 =	vld.idx.msk [tilespmem:v30+s29+$0x0], $0xffff;
	_ =	sdelay $0x4  }
0x323: {  	[tilespmem:$0x3160] =	vst v9  }
0x324: {  	v9 =	vld.idx.msk [tilespmem:v31+s29+$0x0], $0xffff;
	_ =	sdelay $0x4  }
0x325: {  	[tilespmem:$0x3170] =	vst v9  }
0x326: {  	v9 =	vld.idx.msk [tilespmem:v32+s29+$0x0], $0xffff;
	_ =	sdelay $0x4  }
0x327: {  	[tilespmem:$0x3180] =	vst v9  }
0x328: {  	v9 =	vld.idx.msk [tilespmem:v33+s29+$0x0], $0xffff;
	_ =	sdelay $0x4  }
0x329: {  	[tilespmem:$0x3190] =	vst v9  }
0x32a: {  	v9 =	vld.idx.msk [tilespmem:v34+s29+$0x0], $0xffff;
	_ =	sdelay $0x4  }
0x32b: {  	[tilespmem:$0x31A0] =	vst v9  }
0x32c: {  	v9 =	vld.idx.msk [tilespmem:v35+s29+$0x0], $0xffff;
	_ =	sdelay $0x4  }
0x32d: {  	[tilespmem:$0x31B0] =	vst v9  }
0x32e: {  	v9 =	vld.idx.msk [tilespmem:v36+s29+$0x0], $0xffff;
	_ =	sdelay $0x4  }
0x32f: {  	[tilespmem:$0x31C0] =	vst v9  }
0x330: {  	v9 =	vld.idx.msk [tilespmem:v37+s29+$0x0], $0xffff;
	_ =	sdelay $0x4  }
0x331: {  	[tilespmem:$0x31D0] =	vst v9  }
0x332: {  	v9 =	vld.idx.msk [tilespmem:v38+s29+$0x0], $0xffff;
	_ =	sdelay $0x4  }
0x333: {  	[tilespmem:$0x31E0] =	vst v9  }
0x334: {  	v9 =	vld.idx.msk [tilespmem:v39+s29+$0x0], $0xffff;
	_ =	sdelay $0x4  }
0x335: {  	[tilespmem:$0x31F0] =	vst v9  }
0x336: {  	v9 =	vld.idx.msk [tilespmem:v40+s29+$0x0], $0xffff;
	_ =	sdelay $0x4  }
0x337: {  	[tilespmem:$0x3200] =	vst v9  }
0x338: {  	v9 =	vld.idx.msk [tilespmem:v41+s29+$0x0], $0xffff;
	_ =	sdelay $0x4  }
0x339: {  	[tilespmem:$0x3210] =	vst v9  }
0x33a: {  	v9 =	vld.idx.msk [tilespmem:v42+s29+$0x0], $0xffff;
	_ =	sdelay $0x4  }
0x33b: {  	[tilespmem:$0x3220] =	vst v9  }
0x33c: {  	v9 =	vld.idx.msk [tilespmem:v43+s29+$0x0], $0xffff;
	_ =	sdelay $0x4  }
0x33d: {  	[tilespmem:$0x3230] =	vst v9  }
0x33e: {  	v9 =	vld.idx.msk [tilespmem:v44+s29+$0x0], $0xffff;
	_ =	sdelay $0x4  }
0x33f: {  	[tilespmem:$0x3240] =	vst v9  }
0x340: {  	v9 =	vld.idx.msk [tilespmem:v45+s29+$0x0], $0xffff;
	_ =	sdelay $0x4  }
0x341: {  	[tilespmem:$0x3250] =	vst v9  }
0x342: {  	v9 =	vld.idx.msk [tilespmem:v46+s29+$0x0], $0xffff;
	_ =	sdelay $0x4  }
0x343: {  	[tilespmem:$0x3260] =	vst v9  }
0x344: {  	v9 =	vld.idx.msk [tilespmem:v47+s29+$0x0], $0xffff;
	_ =	sdelay $0x4  }
0x345: {  	[tilespmem:$0x3270] =	vst v9  }
0x346: {  	v9 =	vld.idx.msk [tilespmem:v48+s29+$0x0], $0xffff;
	_ =	sdelay $0x4  }
0x347: {  	[tilespmem:$0x3280] =	vst v9  }
0x348: {  	v9 =	vld.idx.msk [tilespmem:v49+s29+$0x0], $0xffff;
	_ =	sdelay $0x4  }
0x349: {  	[tilespmem:$0x3290] =	vst v9  }
0x34a: {  	v9 =	vld.idx.msk [tilespmem:v50+s29+$0x0], $0xffff;
	_ =	sdelay $0x4  }
0x34b: {  	[tilespmem:$0x32A0] =	vst v9  }
0x34c: {  	v9 =	vld.idx.msk [tilespmem:v51+s29+$0x0], $0xffff;
	_ =	sdelay $0x4  }
0x34d: {  	[tilespmem:$0x32B0] =	vst v9  }
0x34e: {  	v9 =	vld.idx.msk [tilespmem:v52+s29+$0x0], $0xffff;
	_ =	sdelay $0x4  }
0x34f: {  	[tilespmem:$0x32C0] =	vst v9  }
0x350: {  	v9 =	vld.idx.msk [tilespmem:v53+s29+$0x0], $0xffff;
	_ =	sdelay $0x4  }
0x351: {  	[tilespmem:$0x32D0] =	vst v9  }
0x352: {  	v9 =	vld.idx.msk [tilespmem:v54+s29+$0x0], $0xffff;
	_ =	sdelay $0x4  }
0x353: {  	[tilespmem:$0x32E0] =	vst v9  }
0x354: {  	v9 =	vld.idx.msk [tilespmem:v55+s29+$0x0], $0xffff;
	_ =	sdelay $0x4  }
0x355: {  	[tilespmem:$0x32F0] =	vst v9  }
0x356: {  	v9 =	vld.idx.msk [tilespmem:v56+s29+$0x0], $0xffff;
	_ =	sdelay $0x4  }
0x357: {  	[tilespmem:$0x3300] =	vst v9  }
0x358: {  	v9 =	vld.idx.msk [tilespmem:v57+s29+$0x0], $0xffff;
	_ =	sdelay $0x4  }
0x359: {  	[tilespmem:$0x3310] =	vst v9  }
0x35a: {  	v9 =	vld.idx.msk [tilespmem:v58+s29+$0x0], $0xffff;
	_ =	sdelay $0x4  }
0x35b: {  	[tilespmem:$0x3320] =	vst v9  }
0x35c: {  	v9 =	vld.idx.msk [tilespmem:v59+s29+$0x0], $0xffff;
	_ =	sdelay $0x4  }
0x35d: {  	[tilespmem:$0x3330] =	vst v9  }
0x35e: {  	v9 =	vld.idx.msk [tilespmem:v60+s29+$0x0], $0xffff;
	_ =	sdelay $0x4  }
0x35f: {  	[tilespmem:$0x3340] =	vst v9  }
0x360: {  	v9 =	vld.idx.msk [tilespmem:v61+s29+$0x0], $0xffff;
	_ =	sdelay $0x4  }
0x361: {  	[tilespmem:$0x3350] =	vst v9  }
0x362: {  	v9 =	vld.idx.msk [tilespmem:v62+s29+$0x0], $0xffff;
	_ =	sdelay $0x4  }
0x363: {  	[tilespmem:$0x3360] =	vst v9  }
0x364: {  	v9 =	vld.idx.msk [tilespmem:v63+s29+$0x0], $0xffff  }
0x365: {  	v10 =	vor.u32 $0x1C, v3;
	_ =	sdelay $0x3  }
0x366: {  	[tilespmem:$0x3370] =	vst v9  }
0x367: {  	v9 =	vld.idx.msk [tilespmem:v10+s29+$0x0], $0xffff  }
0x368: {  	v10 =	vor.u32 $0x41C, v3;
	_ =	sdelay $0x3  }
0x369: {  	[tilespmem:$0x3380] =	vst v9  }
0x36a: {  	v9 =	vld.idx.msk [tilespmem:v10+s29+$0x0], $0xffff  }
0x36b: {  	v10 =	vor.u32 $0x1D, v3;
	_ =	sdelay $0x3  }
0x36c: {  	[tilespmem:$0x3390] =	vst v9  }
0x36d: {  	v9 =	vld.idx.msk [tilespmem:v10+s29+$0x0], $0xffff  }
0x36e: {  	v10 =	vor.u32 $0x41D, v3;
	_ =	sdelay $0x3  }
0x36f: {  	[tilespmem:$0x33A0] =	vst v9  }
0x370: {  	v9 =	vld.idx.msk [tilespmem:v10+s29+$0x0], $0xffff  }
0x371: {  	v10 =	vor.u32 $0x1E, v3;
	_ =	sdelay $0x3  }
0x372: {  	[tilespmem:$0x33B0] =	vst v9  }
0x373: {  	v9 =	vld.idx.msk [tilespmem:v10+s29+$0x0], $0xffff  }
0x374: {  	v10 =	vor.u32 $0x41E, v3;
	_ =	sdelay $0x3  }
0x375: {  	[tilespmem:$0x33C0] =	vst v9  }
0x376: {  	v9 =	vld.idx.msk [tilespmem:v10+s29+$0x0], $0xffff  }
0x377: {  	v10 =	vor.u32 $0x1F, v3;
	_ =	sdelay $0x3  }
0x378: {  	[tilespmem:$0x33D0] =	vst v9  }
0x379: {  	v9 =	vld.idx.msk [tilespmem:v10+s29+$0x0], $0xffff  }
0x37a: {  	v10 =	vor.u32 $0x41F, v3;
	_ =	sdelay $0x3  }
0x37b: {  	[tilespmem:$0x33E0] =	vst v9  }
0x37c: {  	v9 =	vld.idx.msk [tilespmem:v10+s29+$0x0], $0xffff  }
0x37d: {  	v10 =	vor.u32 $0x20, v3;
	_ =	sdelay $0x3  }
0x37e: {  	[tilespmem:$0x33F0] =	vst v9  }
0x37f: {  	v9 =	vld.idx.msk [tilespmem:v10+s29+$0x0], $0xffff  }
0x380: {  	v10 =	vor.u32 $0x420, v3;
	_ =	sdelay $0x3  }
0x381: {  	[tilespmem:$0x3400] =	vst v9  }
0x382: {  	v9 =	vld.idx.msk [tilespmem:v10+s29+$0x0], $0xffff  }
0x383: {  	v10 =	vor.u32 $0x21, v3;
	_ =	sdelay $0x3  }
0x384: {  	[tilespmem:$0x3410] =	vst v9  }
0x385: {  	v9 =	vld.idx.msk [tilespmem:v10+s29+$0x0], $0xffff  }
0x386: {  	v10 =	vor.u32 $0x421, v3;
	_ =	sdelay $0x3  }
0x387: {  	[tilespmem:$0x3420] =	vst v9  }
0x388: {  	v9 =	vld.idx.msk [tilespmem:v10+s29+$0x0], $0xffff  }
0x389: {  	v10 =	vor.u32 $0x22, v3;
	_ =	sdelay $0x3  }
0x38a: {  	[tilespmem:$0x3430] =	vst v9  }
0x38b: {  	v9 =	vld.idx.msk [tilespmem:v10+s29+$0x0], $0xffff  }
0x38c: {  	v10 =	vor.u32 $0x422, v3;
	_ =	sdelay $0x3  }
0x38d: {  	[tilespmem:$0x3440] =	vst v9  }
0x38e: {  	v9 =	vld.idx.msk [tilespmem:v10+s29+$0x0], $0xffff  }
0x38f: {  	v10 =	vor.u32 $0x23, v3;
	_ =	sdelay $0x3  }
0x390: {  	[tilespmem:$0x3450] =	vst v9  }
0x391: {  	v9 =	vld.idx.msk [tilespmem:v10+s29+$0x0], $0xffff  }
0x392: {  	v10 =	vor.u32 $0x423, v3;
	_ =	sdelay $0x3  }
0x393: {  	[tilespmem:$0x3460] =	vst v9  }
0x394: {  	v9 =	vld.idx.msk [tilespmem:v10+s29+$0x0], $0xffff  }
0x395: {  	v10 =	vor.u32 $0x24, v3;
	_ =	sdelay $0x3  }
0x396: {  	[tilespmem:$0x3470] =	vst v9  }
0x397: {  	v9 =	vld.idx.msk [tilespmem:v10+s29+$0x0], $0xffff  }
0x398: {  	v10 =	vor.u32 $0x424, v3;
	_ =	sdelay $0x3  }
0x399: {  	[tilespmem:$0x3480] =	vst v9  }
0x39a: {  	v9 =	vld.idx.msk [tilespmem:v10+s29+$0x0], $0xffff  }
0x39b: {  	v10 =	vor.u32 $0x25, v3;
	_ =	sdelay $0x3  }
0x39c: {  	[tilespmem:$0x3490] =	vst v9  }
0x39d: {  	v9 =	vld.idx.msk [tilespmem:v10+s29+$0x0], $0xffff  }
0x39e: {  	v10 =	vor.u32 $0x425, v3;
	_ =	sdelay $0x3  }
0x39f: {  	[tilespmem:$0x34A0] =	vst v9  }
0x3a0: {  	v9 =	vld.idx.msk [tilespmem:v10+s29+$0x0], $0xffff  }
0x3a1: {  	v10 =	vor.u32 $0x26, v3;
	_ =	sdelay $0x3  }
0x3a2: {  	[tilespmem:$0x34B0] =	vst v9  }
0x3a3: {  	v9 =	vld.idx.msk [tilespmem:v10+s29+$0x0], $0xffff  }
0x3a4: {  	v10 =	vor.u32 $0x426, v3;
	_ =	sdelay $0x3  }
0x3a5: {  	[tilespmem:$0x34C0] =	vst v9  }
0x3a6: {  	v9 =	vld.idx.msk [tilespmem:v10+s29+$0x0], $0xffff  }
0x3a7: {  	v10 =	vor.u32 $0x27, v3;
	_ =	sdelay $0x3  }
0x3a8: {  	[tilespmem:$0x34D0] =	vst v9  }
0x3a9: {  	v9 =	vld.idx.msk [tilespmem:v10+s29+$0x0], $0xffff  }
0x3aa: {  	v10 =	vor.u32 $0x427, v3;
	_ =	sdelay $0x3  }
0x3ab: {  	[tilespmem:$0x34E0] =	vst v9  }
0x3ac: {  	v9 =	vld.idx.msk [tilespmem:v10+s29+$0x0], $0xffff  }
0x3ad: {  	v10 =	vor.u32 $0x28, v3;
	_ =	sdelay $0x3  }
0x3ae: {  	[tilespmem:$0x34F0] =	vst v9  }
0x3af: {  	v9 =	vld.idx.msk [tilespmem:v10+s29+$0x0], $0xffff  }
0x3b0: {  	v10 =	vor.u32 $0x428, v3;
	_ =	sdelay $0x3  }
0x3b1: {  	[tilespmem:$0x3500] =	vst v9  }
0x3b2: {  	v9 =	vld.idx.msk [tilespmem:v10+s29+$0x0], $0xffff  }
0x3b3: {  	v10 =	vor.u32 $0x29, v3;
	_ =	sdelay $0x3  }
0x3b4: {  	[tilespmem:$0x3510] =	vst v9  }
0x3b5: {  	v9 =	vld.idx.msk [tilespmem:v10+s29+$0x0], $0xffff  }
0x3b6: {  	v10 =	vor.u32 $0x429, v3;
	_ =	sdelay $0x3  }
0x3b7: {  	[tilespmem:$0x3520] =	vst v9  }
0x3b8: {  	v9 =	vld.idx.msk [tilespmem:v10+s29+$0x0], $0xffff  }
0x3b9: {  	v10 =	vor.u32 $0x2A, v3;
	_ =	sdelay $0x3  }
0x3ba: {  	[tilespmem:$0x3530] =	vst v9  }
0x3bb: {  	v9 =	vld.idx.msk [tilespmem:v10+s29+$0x0], $0xffff  }
0x3bc: {  	v10 =	vor.u32 $0x42A, v3;
	_ =	sdelay $0x3  }
0x3bd: {  	[tilespmem:$0x3540] =	vst v9  }
0x3be: {  	v9 =	vld.idx.msk [tilespmem:v10+s29+$0x0], $0xffff  }
0x3bf: {  	v10 =	vor.u32 $0x2B, v3;
	_ =	sdelay $0x3  }
0x3c0: {  	[tilespmem:$0x3550] =	vst v9  }
0x3c1: {  	v9 =	vld.idx.msk [tilespmem:v10+s29+$0x0], $0xffff  }
0x3c2: {  	v10 =	vor.u32 $0x42B, v3;
	_ =	sdelay $0x3  }
0x3c3: {  	[tilespmem:$0x3560] =	vst v9  }
0x3c4: {  	v9 =	vld.idx.msk [tilespmem:v10+s29+$0x0], $0xffff  }
0x3c5: {  	v10 =	vor.u32 $0x2C, v3;
	_ =	sdelay $0x3  }
0x3c6: {  	[tilespmem:$0x3570] =	vst v9  }
0x3c7: {  	v9 =	vld.idx.msk [tilespmem:v10+s29+$0x0], $0xffff  }
0x3c8: {  	v10 =	vor.u32 $0x42C, v3;
	_ =	sdelay $0x3  }
0x3c9: {  	[tilespmem:$0x3580] =	vst v9  }
0x3ca: {  	v9 =	vld.idx.msk [tilespmem:v10+s29+$0x0], $0xffff  }
0x3cb: {  	v10 =	vor.u32 $0x2D, v3;
	_ =	sdelay $0x3  }
0x3cc: {  	[tilespmem:$0x3590] =	vst v9  }
0x3cd: {  	v9 =	vld.idx.msk [tilespmem:v10+s29+$0x0], $0xffff  }
0x3ce: {  	v10 =	vor.u32 $0x42D, v3;
	_ =	sdelay $0x3  }
0x3cf: {  	[tilespmem:$0x35A0] =	vst v9  }
0x3d0: {  	v9 =	vld.idx.msk [tilespmem:v10+s29+$0x0], $0xffff  }
0x3d1: {  	v10 =	vor.u32 $0x2E, v3;
	_ =	sdelay $0x3  }
0x3d2: {  	[tilespmem:$0x35B0] =	vst v9  }
0x3d3: {  	v9 =	vld.idx.msk [tilespmem:v10+s29+$0x0], $0xffff  }
0x3d4: {  	v10 =	vor.u32 $0x42E, v3;
	_ =	sdelay $0x3  }
0x3d5: {  	[tilespmem:$0x35C0] =	vst v9  }
0x3d6: {  	v9 =	vld.idx.msk [tilespmem:v10+s29+$0x0], $0xffff  }
0x3d7: {  	v10 =	vor.u32 $0x2F, v3;
	_ =	sdelay $0x3  }
0x3d8: {  	[tilespmem:$0x35D0] =	vst v9  }
0x3d9: {  	v9 =	vld.idx.msk [tilespmem:v10+s29+$0x0], $0xffff  }
0x3da: {  	v10 =	vor.u32 $0x42F, v3;
	_ =	sdelay $0x3  }
0x3db: {  	[tilespmem:$0x35E0] =	vst v9  }
0x3dc: {  	v9 =	vld.idx.msk [tilespmem:v10+s29+$0x0], $0xffff  }
0x3dd: {  	v10 =	vor.u32 $0x30, v3;
	_ =	sdelay $0x3  }
0x3de: {  	[tilespmem:$0x35F0] =	vst v9  }
0x3df: {  	v9 =	vld.idx.msk [tilespmem:v10+s29+$0x0], $0xffff  }
0x3e0: {  	v10 =	vor.u32 $0x430, v3;
	_ =	sdelay $0x3  }
0x3e1: {  	[tilespmem:$0x3600] =	vst v9  }
0x3e2: {  	v9 =	vld.idx.msk [tilespmem:v10+s29+$0x0], $0xffff  }
0x3e3: {  	v10 =	vor.u32 $0x31, v3;
	_ =	sdelay $0x3  }
0x3e4: {  	[tilespmem:$0x3610] =	vst v9  }
0x3e5: {  	v9 =	vld.idx.msk [tilespmem:v10+s29+$0x0], $0xffff  }
0x3e6: {  	v10 =	vor.u32 $0x431, v3;
	_ =	sdelay $0x3  }
0x3e7: {  	[tilespmem:$0x3620] =	vst v9  }
0x3e8: {  	v9 =	vld.idx.msk [tilespmem:v10+s29+$0x0], $0xffff  }
0x3e9: {  	v10 =	vor.u32 $0x32, v3;
	_ =	sdelay $0x3  }
0x3ea: {  	[tilespmem:$0x3630] =	vst v9  }
0x3eb: {  	v9 =	vld.idx.msk [tilespmem:v10+s29+$0x0], $0xffff  }
0x3ec: {  	v10 =	vor.u32 $0x432, v3;
	_ =	sdelay $0x3  }
0x3ed: {  	[tilespmem:$0x3640] =	vst v9  }
0x3ee: {  	v9 =	vld.idx.msk [tilespmem:v10+s29+$0x0], $0xffff  }
0x3ef: {  	v10 =	vor.u32 $0x33, v3;
	_ =	sdelay $0x3  }
0x3f0: {  	[tilespmem:$0x3650] =	vst v9  }
0x3f1: {  	v9 =	vld.idx.msk [tilespmem:v10+s29+$0x0], $0xffff  }
0x3f2: {  	v10 =	vor.u32 $0x433, v3;
	_ =	sdelay $0x3  }
0x3f3: {  	[tilespmem:$0x3660] =	vst v9  }
0x3f4: {  	v9 =	vld.idx.msk [tilespmem:v10+s29+$0x0], $0xffff  }
0x3f5: {  	v10 =	vor.u32 $0x34, v3;
	_ =	sdelay $0x3  }
0x3f6: {  	[tilespmem:$0x3670] =	vst v9  }
0x3f7: {  	v9 =	vld.idx.msk [tilespmem:v10+s29+$0x0], $0xffff  }
0x3f8: {  	v10 =	vor.u32 $0x434, v3;
	_ =	sdelay $0x3  }
0x3f9: {  	[tilespmem:$0x3680] =	vst v9  }
0x3fa: {  	v9 =	vld.idx.msk [tilespmem:v10+s29+$0x0], $0xffff  }
0x3fb: {  	v10 =	vor.u32 $0x35, v3;
	_ =	sdelay $0x3  }
0x3fc: {  	[tilespmem:$0x3690] =	vst v9  }
0x3fd: {  	v9 =	vld.idx.msk [tilespmem:v10+s29+$0x0], $0xffff  }
0x3fe: {  	v10 =	vor.u32 $0x435, v3;
	_ =	sdelay $0x3  }
0x3ff: {  	[tilespmem:$0x36A0] =	vst v9  }
0x400: {  	v9 =	vld.idx.msk [tilespmem:v10+s29+$0x0], $0xffff  }
0x401: {  	v10 =	vor.u32 $0x36, v3;
	_ =	sdelay $0x3  }
0x402: {  	[tilespmem:$0x36B0] =	vst v9  }
0x403: {  	v9 =	vld.idx.msk [tilespmem:v10+s29+$0x0], $0xffff  }
0x404: {  	v10 =	vor.u32 $0x436, v3;
	_ =	sdelay $0x3  }
0x405: {  	[tilespmem:$0x36C0] =	vst v9  }
0x406: {  	v9 =	vld.idx.msk [tilespmem:v10+s29+$0x0], $0xffff  }
0x407: {  	v10 =	vor.u32 $0x37, v3;
	_ =	sdelay $0x3  }
0x408: {  	[tilespmem:$0x36D0] =	vst v9  }
0x409: {  	v9 =	vld.idx.msk [tilespmem:v10+s29+$0x0], $0xffff  }
0x40a: {  	v10 =	vor.u32 $0x437, v3;
	_ =	sdelay $0x3  }
0x40b: {  	[tilespmem:$0x36E0] =	vst v9  }
0x40c: {  	v9 =	vld.idx.msk [tilespmem:v10+s29+$0x0], $0xffff  }
0x40d: {  	v10 =	vor.u32 $0x38, v3;
	_ =	sdelay $0x3  }
0x40e: {  	[tilespmem:$0x36F0] =	vst v9  }
0x40f: {  	v9 =	vld.idx.msk [tilespmem:v10+s29+$0x0], $0xffff  }
0x410: {  	v10 =	vor.u32 $0x438, v3;
	_ =	sdelay $0x3  }
0x411: {  	[tilespmem:$0x3700] =	vst v9  }
0x412: {  	v9 =	vld.idx.msk [tilespmem:v10+s29+$0x0], $0xffff  }
0x413: {  	v10 =	vor.u32 $0x39, v3;
	_ =	sdelay $0x3  }
0x414: {  	[tilespmem:$0x3710] =	vst v9  }
0x415: {  	v9 =	vld.idx.msk [tilespmem:v10+s29+$0x0], $0xffff  }
0x416: {  	v10 =	vor.u32 $0x439, v3;
	_ =	sdelay $0x3  }
0x417: {  	[tilespmem:$0x3720] =	vst v9  }
0x418: {  	v9 =	vld.idx.msk [tilespmem:v10+s29+$0x0], $0xffff  }
0x419: {  	v10 =	vor.u32 $0x3A, v3;
	_ =	sdelay $0x3  }
0x41a: {  	[tilespmem:$0x3730] =	vst v9  }
0x41b: {  	v9 =	vld.idx.msk [tilespmem:v10+s29+$0x0], $0xffff  }
0x41c: {  	v10 =	vor.u32 $0x43A, v3;
	_ =	sdelay $0x3  }
0x41d: {  	[tilespmem:$0x3740] =	vst v9  }
0x41e: {  	v9 =	vld.idx.msk [tilespmem:v10+s29+$0x0], $0xffff  }
0x41f: {  	v10 =	vor.u32 $0x3B, v3;
	_ =	sdelay $0x3  }
0x420: {  	[tilespmem:$0x3750] =	vst v9  }
0x421: {  	v9 =	vld.idx.msk [tilespmem:v10+s29+$0x0], $0xffff  }
0x422: {  	v10 =	vor.u32 $0x43B, v3;
	_ =	sdelay $0x3  }
0x423: {  	[tilespmem:$0x3760] =	vst v9  }
0x424: {  	v9 =	vld.idx.msk [tilespmem:v10+s29+$0x0], $0xffff  }
0x425: {  	v10 =	vor.u32 $0x3C, v3;
	_ =	sdelay $0x3  }
0x426: {  	[tilespmem:$0x3770] =	vst v9  }
0x427: {  	v9 =	vld.idx.msk [tilespmem:v10+s29+$0x0], $0xffff  }
0x428: {  	v10 =	vor.u32 $0x43C, v3;
	_ =	sdelay $0x3  }
0x429: {  	[tilespmem:$0x3780] =	vst v9  }
0x42a: {  	v9 =	vld.idx.msk [tilespmem:v10+s29+$0x0], $0xffff  }
0x42b: {  	v10 =	vor.u32 $0x3D, v3;
	_ =	sdelay $0x3  }
0x42c: {  	[tilespmem:$0x3790] =	vst v9  }
0x42d: {  	v9 =	vld.idx.msk [tilespmem:v10+s29+$0x0], $0xffff  }
0x42e: {  	v10 =	vor.u32 $0x43D, v3;
	_ =	sdelay $0x3  }
0x42f: {  	[tilespmem:$0x37A0] =	vst v9  }
0x430: {  	v9 =	vld.idx.msk [tilespmem:v10+s29+$0x0], $0xffff  }
0x431: {  	v10 =	vor.u32 $0x3E, v3;
	_ =	sdelay $0x3  }
0x432: {  	[tilespmem:$0x37B0] =	vst v9  }
0x433: {  	v9 =	vld.idx.msk [tilespmem:v10+s29+$0x0], $0xffff  }
0x434: {  	v10 =	vor.u32 $0x43E, v3;
	_ =	sdelay $0x3  }
0x435: {  	[tilespmem:$0x37C0] =	vst v9  }
0x436: {  	v9 =	vld.idx.msk [tilespmem:v10+s29+$0x0], $0xffff  }
0x437: {  	v10 =	vor.u32 $0x3F, v3;
	_ =	sdelay $0x3  }
0x438: {  	[tilespmem:$0x37D0] =	vst v9  }
0x439: {  	v9 =	vld.idx.msk [tilespmem:v10+s29+$0x0], $0xffff  }
0x43a: {  	v10 =	vor.u32 $0x43F, v3;
	_ =	sdelay $0x3  }
0x43b: {  	[tilespmem:$0x37E0] =	vst v9  }
0x43c: {  	v9 =	vld.idx.msk [tilespmem:v10+s29+$0x0], $0xffff;
	_ =	sdelay $0x4  }
.Ltmp10:
0x43d: {  	s31 =	rddreg [dreg:$0x6];
	[tilespmem:$0x37F0] =	vst v9;
	(pc) =	sbr.rel .LBB2_17-.Ltmp10, $4  }
0x43e: {  	[hbm4b:s31+s2] =	stream.linear.scatter [tilespmem:s24], [sflag:$0x5], $0x800, $0x38;
	[tilespmem:$0x4800] =	vst v63  }
0x43f: {  	_ =	swait.ge [sflag:s28], $0x800  }
0x440: {  	[sflag:s28] =	ssyncset.done $0x0  }
0x441: {  	[sflag:s28] =	ssyncadd.s32 $0xFFFFF800  }
.LBB2_18:
0x442: {  	_ =	sfence.sel $0x180000  }
0x443: {  	[bflag:$0x0] =	sbarrier.arrive $0xFFFF  }
0x444: {  	_ =	strace $0x90000047  }
0x445: {  	s0 =	stileid.u32;
	[bflag:$0x2] =	sbarrier.arrive $0xFFFF  }
0x446: {  	p0 =	sne.s32 s0, $0x0;
	s0 =	rddreg [dreg:$0x3]  }
0x447: {  	s0 =	sadd.s32 @!p0 $0x100000, s0  }
0x448: {  	[sflag:s0] =	ssyncadd.tile.s32 @!p0 $0x1;
	_ =	shalt  }
.Lfunc_end2:
_tile_overlayer_lowered:
.L_overlay_start_2:
0x449: {  	(tag) =	ssettag $0x2  }
0x44a: {  	s0 =	rddreg [dreg:$0x0];
	s2 =	stileid.u32  }
0x44b: {  	s1 =	rddreg [dreg:$0x1];
	p0 =	sne.s32 s2, $0x0  }
0x44c: {  	s3 =	rddreg [dreg:$0x2];
	[bflag:$0x3] =	sbarrier.arrive $0xFFFF;
	s2 =	simm.s32 @!p0 $0x1C05  }
0x44d: {  	[timem:s3], [sflag:s2] =	dma.local @!p0 [hbm:s0], s1  }
0x44e: {  	s0 =	simm.s32 @!p0 $0x5  }
0x44f: {  	_ =	swait.ge @!p0 [sflag:s0], s1  }
0x450: {  	s1 =	ssub.s32 @!p0 $0x0, s1;
	[sflag:s0] =	ssyncset.done @!p0 $0x0  }
0x451: {  	[sflag:s0] =	ssyncadd.s32 @!p0 s1  }
0x452: {  	[bflag:$0x3] =	sbarrier.arrive $0xFFFF  }
0x453: {  	_ =	shalt  }

// kernel: kernel.7.cloned.1.call-start
scs
__scs_entry_jumppad:
0x0: {  	(pc) =	sbr.rel $0x88, $3  }
0x1: {  	(tag) =	ssettag $0x0;
	lr =	simm.s32 $0x1  }
0x2: {  	[smem:$0x3F9F] =	sst lr;
	_ =	strace $0xD0000000  }
0x3: {  	_ = 	snop  }
0x4: {  	_ = 	snop  }
0x5: {  	_ = 	snop  }
0x6: {  	_ = 	snop  }
0x7: {  	_ = 	snop  }
__scs_overlays_trampoline_lowered:
0x8: {  	[smem:$0x3FAE] =	sst s0  }
0x9: {  	[smem:$0x3FAF] =	sst s1  }
0xa: {  	[smem:$0x3FB0] =	sst s2  }
0xb: {  	[smem:$0x3FB1] =	sst s3  }
0xc: {  	[smem:$0x3FB2] =	sst s4  }
0xd: {  	[smem:$0x3FB3] =	sst s5  }
0xe: {  	[smem:$0x3FB4] =	sst s6  }
0xf: {  	[smem:$0x3FB5] =	sst s7  }
0x10: {  	[smem:$0x3FB6] =	sst s8  }
0x11: {  	[smem:$0x3FB7] =	sst s9;
	s0 =	simm.s32 @!p0 $0x0  }
0x12: {  	s1 =	sld [smem:$0x3F9D];
	s0 =	simm.s32 @p0 $0x1  }
0x13: {  	[smem:$0x3FB8] =	sst s0;
	s0 =	simm.s32 @!p1 $0x0  }
0x14: {  	s2 =	sld [smem:$0x3F9C];
	s0 =	simm.s32 @p1 $0x1  }
0x15: {  	[smem:$0x3FB9] =	sst s0;
	s0 =	simm.s32 @!p2 $0x0  }
0x16: {  	s3 =	sld [smem:$0x3FDB];
	s0 =	simm.s32 @p2 $0x1  }
0x17: {  	s4 =	simm.s32 $0x1BF5;
	[smem:$0x3FBB] =	sst s0  }
0x18: {  	s0 =	sld [smem:$0x3F9E];
	_ =	swait.ge [sflag:s4], $0x0  }
0x19: {  	s7 =	sld [smem:$0x3F9F]  }
0x1a: {  	s8 =	sadd.s32 $0xFFFFE003, lr  }
0x1b: {  	s9 =	sadd.s32 $0xFFFFFEF7, lr;
	s5 =	simm.s32 $0xFFFFFFFF;
	p2 =	slt.u32 s8, $0xFFFFF086  }
0x1c: {  	p1 =	slt.u32 s9, $0xF7A;
	s5 =	simm.s32 @!p2 $0x0  }
0x1d: {  	s5 =	simm.s32 @p1 $0x1;
	p0 =	seq.s32 s7, s2  }
0x1e: {  	s7 =	smul.u32 @!p0 $0xF7A, s2;
	p2 =	seq.s32 @!p0 s5, $0x0  }
0x1f: {  	s9 =	smul.u32 $0xF7A, s1;
	s8 =	simm.s32 @!p0 $0x1BF5;
	p2 =	por !p2, p0  }
0x20: {  	[sflag:s8] =	ssyncset.s32 @!p0 $0xFFFFF086;
	s6 =	sadd.s32 @!p0 s3, s7;
	s7 =	simm.s32 @!p0 $0x108  }
0x21: {  	s3 =	sadd.s32 s3, s9;
	s6 =	sadd.s32 @!p0 $0x88, s6;
	s7 =	simm.s32 @p2 $0x1082  }
0x22: {  	[simem:s7], [sflag:s8] =	dma.local @!p0 [hbm:s6], $0xF7A  }
0x23: {  	s9 =	sor.u32 $0xD0000000, s2;
	s6 =	simm.s32 $0x108;
	_ =	swait.ge @!p0 [sflag:s8], $0x0  }
0x24: {  	s3 =	sadd.s32 $0x88, s3;
	s6 =	simm.s32 @!p1 $0x1082;
	[sflag:s4] =	ssyncset.s32 $0xFFFFF086  }
0x25: {  	[simem:s6], [sflag:s4] =	dma.local [hbm:s3], $0xF7A  }
0x26: {  	[smem:$0x3F9F] =	sst s1;
	(tag) =	ssettag s2;
	_ =	strace s9  }
0x27: {  	s1 =	sld [smem:$0x3FAF]  }
0x28: {  	s2 =	sld [smem:$0x3FB0]  }
0x29: {  	s4 =	sld [smem:$0x3FB2]  }
0x2a: {  	p0 =	seq.s32 s5, $0x0;
	s5 =	sld [smem:$0x3FB3]  }
0x2b: {  	s6 =	sld [smem:$0x3FB4]  }
0x2c: {  	s7 =	sld [smem:$0x3FB5]  }
0x2d: {  	s3 =	simm.s32 $0x108;
	s8 =	sld [smem:$0x3FB6]  }
0x2e: {  	s3 =	simm.s32 @!p0 $0x1082;
	s9 =	sld [smem:$0x3FB7]  }
0x2f: {  	lr =	sadd.s32 s0, s3;
	s0 =	sld [smem:$0x3FAE]  }
0x30: {  	s3 =	sld [smem:$0x3FB1]  }
0x31: {  	[smem:$0x3FBA] =	sst s10  }
0x32: {  	s10 =	sld [smem:$0x3FB8];
	_ =	sdelay $0x3  }
0x33: {  	p0 =	seq.s32 s10, $0x1;
	s10 =	sld [smem:$0x3FBA];
	_ =	sdelay $0x3  }
0x34: {  	[smem:$0x3FBA] =	sst s10  }
0x35: {  	s10 =	sld [smem:$0x3FB9];
	_ =	sdelay $0x3  }
0x36: {  	p1 =	seq.s32 s10, $0x1;
	s10 =	sld [smem:$0x3FBA];
	_ =	sdelay $0x3  }
0x37: {  	[smem:$0x3FBA] =	sst s10  }
0x38: {  	s10 =	sld [smem:$0x3FBB]  }
0x39: {  	_ = 	snop;
	(pc) =	sbr.ind lr, $3  }
0x3a: {  	_ = 	snop  }
0x3b: {  	_ = 	snop  }
0x3c: {  	p2 =	seq.s32 s10, $0x1;
	s10 =	sld [smem:$0x3FBA]  }
0x3d: {  	_ =	shalt  }
0x3e: {  	_ =	shalt  }
0x3f: {  	_ =	shalt  }
0x40: {  	_ =	shalt  }
0x41: {  	_ =	shalt  }
0x42: {  	_ =	shalt  }
0x43: {  	_ =	shalt  }
0x44: {  	_ =	shalt  }
0x45: {  	_ =	shalt  }
0x46: {  	_ =	shalt  }
0x47: {  	_ =	shalt  }
0x48: {  	_ =	shalt  }
0x49: {  	_ =	shalt  }
0x4a: {  	_ =	shalt  }
0x4b: {  	_ =	shalt  }
0x4c: {  	_ =	shalt  }
0x4d: {  	_ =	shalt  }
0x4e: {  	_ =	shalt  }
0x4f: {  	_ =	shalt  }
0x50: {  	_ =	shalt  }
0x51: {  	_ =	shalt  }
0x52: {  	_ =	shalt  }
0x53: {  	_ =	shalt  }
0x54: {  	_ =	shalt  }
0x55: {  	_ =	shalt  }
0x56: {  	_ =	shalt  }
0x57: {  	_ =	shalt  }
0x58: {  	_ =	shalt  }
0x59: {  	_ =	shalt  }
0x5a: {  	_ =	shalt  }
0x5b: {  	_ =	shalt  }
0x5c: {  	_ =	shalt  }
0x5d: {  	_ =	shalt  }
0x5e: {  	_ =	shalt  }
0x5f: {  	_ =	shalt  }
0x60: {  	_ =	shalt  }
0x61: {  	_ =	shalt  }
0x62: {  	_ =	shalt  }
0x63: {  	_ =	shalt  }
0x64: {  	_ =	shalt  }
0x65: {  	_ =	shalt  }
0x66: {  	_ =	shalt  }
0x67: {  	_ =	shalt  }
0x68: {  	_ =	shalt  }
0x69: {  	_ =	shalt  }
0x6a: {  	_ =	shalt  }
0x6b: {  	_ =	shalt  }
0x6c: {  	_ =	shalt  }
0x6d: {  	_ =	shalt  }
0x6e: {  	_ =	shalt  }
0x6f: {  	_ =	shalt  }
0x70: {  	_ =	shalt  }
0x71: {  	_ =	shalt  }
0x72: {  	_ =	shalt  }
0x73: {  	_ =	shalt  }
0x74: {  	_ =	shalt  }
0x75: {  	_ =	shalt  }
0x76: {  	_ =	shalt  }
0x77: {  	_ =	shalt  }
0x78: {  	_ =	shalt  }
0x79: {  	_ =	shalt  }
0x7a: {  	_ =	shalt  }
0x7b: {  	_ =	shalt  }
0x7c: {  	_ =	shalt  }
0x7d: {  	_ =	shalt  }
0x7e: {  	_ =	shalt  }
0x7f: {  	_ =	shalt  }
0x80: {  	_ =	shalt  }
0x81: {  	_ =	shalt  }
0x82: {  	_ =	shalt  }
0x83: {  	_ =	shalt  }
0x84: {  	_ =	shalt  }
0x85: {  	_ =	shalt  }
0x86: {  	_ =	shalt  }
0x87: {  	_ =	shalt  }
.Lfunc_end0:
.L_simem_size_0:
called_computation.2_lowered:
.L_overlay_start_0:
0x88: {  	s2 =	sld [smem:$0x3FD9]  }
0x89: {  	s3 =	sld [smem:$0x3FFE];
	_ =	sdelay $0x1  }
0x8a: {  	s1 =	srdreg.scid  }
0x8b: {  	s0 =	sand.u32 $0x1, s1  }
0x8c: {  	s17 =	sshll.u32 s0, $0xA;
	s2 =	sadd.s32 s3, s2  }
0x8d: {  	s2 =	sadd.s32 s2, s17  }
0x8e: {  	[smem:$0x3FC6] =	sst s2  }
0x8f: {  	_ = 	snop  }
0x90: {  	s2 =	sld [smem:$0x3FD0];
	(tm) =	ssettm $0x1  }
0x91: {  	s18 =	sld [smem:$0x3FFB];
	_ =	sdelay $0x3  }
0x92: {  	_ =	strace s18  }
0x93: {  	s3 =	sld [smem:$0x3FFC];
	_ =	sdelay $0x3  }
0x94: {  	_ =	strace s3  }
0x95: {  	s3 =	sld [smem:$0x3FFD];
	_ =	sdelay $0x3  }
0x96: {  	_ =	strace s3  }
0x97: {  	_ =	strace $0x8FFFFFFF  }
0x98: {  	s19 =	sld [smem:$0x3FDB];
	_ =	sdelay $0x1  }
0x99: {  	s4 =	simm.s32 $_scs_section_size  }
0x9a: {  	s5 =	simm.s32 $_size__tile_overlayer_lowered;
	s6 =	simm.s32 $_tile_overlayer_lowered  }
0x9b: {  	s22 =	simm.s32 $0x1BFF;
	s21 =	sshll.u32 s6, $0x1;
	s3 =	sadd.s32 s4, s19  }
0x9c: {  	s7 =	simm.s32 $0x0;
	s20 =	sshll.u32 s5, $0x1;
	s5 =	sadd.s32 s21, s3  }
0x9d: {  	[timem:s7], [sflag:s22] =	dma.local [hbm:s5], s20  }
0x9e: {  	_ =	swait.ge [sflag:s22], s20  }
0x9f: {  	s4 =	ssub.s32 $0x0, s20;
	[sflag:s22] =	ssyncset.done $0x0  }
0xa0: {  	[sflag:s22] =	ssyncadd.s32 s4;
	_ =	sdelay $0x1  }
0xa1: {  	s23 =	simm.s32 $0x1B8B  }
0xa2: {  	_ =	swait.ge [sflag:s23], $0x1  }
0xa3: {  	[sflag:s23] =	ssyncset.done $0x0  }
0xa4: {  	s25 =	simm.s32 $0x1B8E;
	s24 =	sld [smem:$0x3FFE];
	[sflag:s23] =	ssyncadd.s32 $0xFFFFFFFF  }
0xa5: {  	s26 =	simm.s32 $execute0_lowered;
	[smem:$0x3FD2] =	sst s25  }
0xa6: {  	s5 =	sshll.u32 s26, $0x1;
	_ =	strace $0x80000049;
	[dreg:$0x1] =	wrdreg $0xFFFFFFFF  }
0xa7: {  	s28 =	simm.s32 $_size_execute0_lowered;
	s3 =	sadd.s32 s3, s5;
	[dreg:$0x0] =	wrdreg $0x0  }
0xa8: {  	s5 =	sshll.u32 s28, $0x1;
	[dreg:$0x2] =	wrdreg s3  }
0xa9: {  	[dreg:$0x3] =	wrdreg s5  }
0xaa: {  	[dreg:$0x4] =	wrdreg $0xC0  }
0xab: {  	_ =	task [dreg:s7], $0x5FFFF  }
0xac: {  	[dreg:$0x1] =	wrdreg $0xFFFFFFFF  }
0xad: {  	[dreg:$0x0] =	wrdreg $0x60  }
0xae: {  	[dreg:$0x2] =	wrdreg s24  }
0xaf: {  	[dreg:$0x3] =	wrdreg s2  }
0xb0: {  	[dreg:$0x4] =	wrdreg $0x9  }
0xb1: {  	_ =	task.clear_ibuf [dreg:s7], $0x5FFFF;
	_ =	strace $0x90000049  }
0xb2: {  	s29 =	simm.s32 $0x9;
	_ =	strace $0x8000004B  }
0xb3: {  	_ =	swait.ge [sflag:s29], $0x1  }
0xb4: {  	[sflag:s29] =	ssyncadd.s32 $0xFFFFFFFF  }
0xb5: {  	_ =	strace $0x9000004B  }
0xb6: {  	_ =	sfence  }
0xb7: {  	s30 =	sld [smem:$0x0];
	_ =	sdelay $0x2  }
0xb8: {  	s31 =	sshll.u32 s1, $0xD;
	s1 =	sshrl.u32 s1, $0x2  }
0xb9: {  	s3 =	sand.u32 $0x4000, s31;
	s1 =	sadd.s32 s1, s30  }
0xba: {  	s0 =	sor.u32 s3, s0;
	s1 =	sshll.u32 s1, $0x11  }
0xbb: {  	s0 =	sor.u32 s1, s0  }
0xbc: {  	s0 =	sadd.s32 $0x8F2B, s0  }
0xbd: {  	[sflag:s0] =	ssyncadd.remote.s32 $0x1  }
0xbe: {  	_ =	sfence.sel $0xFFFF  }
0xbf: {  	[dreg:$0x0] =	wrdreg $0xFFFFFFFF;
	(pc) =	sbr.abs _section_cstart, $3  }
0xc0: {  	[dreg:$0x1] =	wrdreg $0xFFFFFFFF  }
0xc1: {  	_ =	task.clear_ibuf [dreg:s7], $0x2FFFF;
	_ =	strace $0x9FFFFFFF  }
0xc2: {  	(tm) =	ssettm $0x7FFFFFFF  }
0xc3: {  	_ =	shalt  }
tec
execute0_lowered:
.L_overlay_start_1:
0x0: {  	(tag) =	ssettag $0x1  }
0x1: {  	s0 =	srdreg.scid;
	s2 =	stileid.u32  }
0x2: {  	s0 =	sand.u32 $0x1, s0;
	s3 =	sshll.u32 s2, $0x1  }
0x3: {  	s4 =	rddreg [dreg:$0x0];
	s3 =	sor.u32 s0, s3  }
0x4: {  	s2 =	simm.s32 $0x0;
	[dreg:$0x10] =	wrdreg s0;
	s30 =	smul.u32 $0x6400, s3  }
0x5: {  	[smem:$0x7FF] =	sst s2;
	s3 =	smul.u32 $0x19000, s3  }
0x6: {  	s1 =	rddreg [dreg:$0x1];
	s29 =	sadd.s32 $0x3D1800, s4;
	_ =	strace $0x8000004A  }
0x7: {  	s5 =	sshrl.u32 s30, $0x3;
	s6 =	sadd.s32 $0x640, s30;
	s3 =	sadd.s32 s1, s3  }
0x8: {  	s17 =	sadd.s32 $0xC80, s30;
	s19 =	sadd.s32 $0x12C0, s30;
	s0 =	sadd.s32 $0x1F40, s30  }
0x9: {  	s5 =	sadd.s32 s29, s5;
	s7 =	sshrl.u32 s6, $0x3;
	[dreg:$0x5] =	wrdreg s3  }
0xa: {  	s18 =	sshrl.u32 s17, $0x3;
	[dreg:$0x3] =	wrdreg s5;
	s16 =	sadd.s32 s29, s7  }
0xb: {  	s6 =	sshll.u32 s6, $0x2;
	s3 =	sadd.s32 s29, s18;
	[dreg:$0x4] =	wrdreg s16  }
0xc: {  	s21 =	sshrl.u32 s19, $0x3;
	s20 =	sadd.s32 s1, s6;
	[dreg:$0x6] =	wrdreg s3  }
0xd: {  	s26 =	sshll.u32 s19, $0x2;
	s22 =	sadd.s32 s29, s21;
	[dreg:$0x7] =	wrdreg s20  }
0xe: {  	s9 =	sshrl.u32 s0, $0x3;
	s8 =	sadd.s32 s1, s26;
	[dreg:$0x8] =	wrdreg s22  }
0xf: {  	s24 =	sadd.s32 $0x1900, s30;
	s10 =	sadd.s32 s29, s9;
	[dreg:$0xb] =	wrdreg s8  }
0x10: {  	s13 =	sadd.s32 $0x2580, s30;
	s5 =	sshll.u32 s17, $0x2;
	[dreg:$0xc] =	wrdreg s10  }
0x11: {  	s25 =	sshrl.u32 s24, $0x3;
	s23 =	sadd.s32 s1, s5;
	s15 =	rddreg [dreg:$0x3]  }
0x12: {  	s14 =	sshll.u32 s0, $0x2;
	s3 =	sadd.s32 s29, s25;
	[dreg:$0x9] =	wrdreg s23  }
0x13: {  	s5 =	sshll.u32 s24, $0x2;
	s16 =	sadd.s32 s1, s14;
	[dreg:$0xa] =	wrdreg s3  }
0x14: {  	s12 =	sshrl.u32 s13, $0x3;
	s11 =	sadd.s32 s1, s5;
	[dreg:$0xf] =	wrdreg s16  }
0x15: {  	[tilespmem:s2], [sflag:$0x5] =	stream.linear.gather [hbm4b:s15+s2], $0x640, $0x38;
	[tilespmem:$0x19C80] =	vst v63  }
0x16: {  	s3 =	sadd.s32 s29, s12;
	[dreg:$0xd] =	wrdreg s11  }
0x17: {  	[dreg:$0xe] =	wrdreg s3;
	s3 =	simm.s32 $0x5  }
0x18: {  	_ =	swait.ge [sflag:s3], $0x640  }
0x19: {  	s4 =	sadd.s32 $0xE00, s4;
	[sflag:s3] =	ssyncset.done $0x0  }
0x1a: {  	s6 =	simm.s32 $0xC80;
	s5 =	simm.s32 $0x640;
	[sflag:s3] =	ssyncadd.s32 $0xFFFFF9C0  }
0x1b: {  	[tilespmem:s6], [sflag:$0x1] =	stream.indirect.gather [hbm4b:s4+s5], $0x20, s2, s5, $0xb8;
	[tilespmem:$0x19C80] =	vst v63  }
0x1c: {  	s17 =	rddreg [dreg:$0x4]  }
0x1d: {  	[tilespmem:s5], [sflag:$0x5] =	stream.linear.gather [hbm4b:s17+s2], $0x640, $0x38;
	[tilespmem:$0x19C80] =	vst v63  }
0x1e: {  	_ =	swait.ge [sflag:s3], $0x640  }
0x1f: {  	[sflag:s3] =	ssyncset.done $0x0  }
0x20: {  	s7 =	simm.s32 $0xD480;
	s8 =	simm.s32 $0x1;
	[sflag:s3] =	ssyncadd.s32 $0xFFFFF9C0  }
0x21: {  	[tilespmem:s7], [sflag:$0x2] =	stream.indirect.gather [hbm4b:s4+s5], $0x20, s5, s5, $0xb8;
	[tilespmem:$0x19C80] =	vst v63  }
0x22: {  	_ =	swait.ge [sflag:s8], $0xC800  }
0x23: {  	[sflag:s8] =	ssyncset.done $0x0  }
0x24: {  	s9 =	simm.s32 $0x3;
	s10 =	rddreg [dreg:$0x5];
	[sflag:s8] =	ssyncadd.s32 $0xFFFF3800  }
0x25: {  	[hbm4b:s10+s2] =	stream.linear.scatter [tilespmem:s6], [sflag:$0x3], $0xC800, $0x38;
	[tilespmem:$0x19C80] =	vst v63  }
0x26: {  	_ =	swait.ge [sflag:s9], $0xC800  }
0x27: {  	[sflag:s9] =	ssyncset.done $0x0  }
0x28: {  	s18 =	rddreg [dreg:$0x6];
	[sflag:s9] =	ssyncadd.s32 $0xFFFF3800  }
0x29: {  	[tilespmem:s2], [sflag:$0x5] =	stream.linear.gather [hbm4b:s18+s2], $0x640, $0x38;
	[tilespmem:$0x19C80] =	vst v63  }
0x2a: {  	_ =	swait.ge [sflag:s3], $0x640  }
0x2b: {  	[sflag:s3] =	ssyncset.done $0x0  }
0x2c: {  	s10 =	simm.s32 $0x2;
	[sflag:s3] =	ssyncadd.s32 $0xFFFFF9C0  }
0x2d: {  	[tilespmem:s6], [sflag:$0x1] =	stream.indirect.gather [hbm4b:s4+s5], $0x20, s2, s5, $0xb8;
	[tilespmem:$0x19C80] =	vst v63  }
0x2e: {  	_ =	swait.ge [sflag:s10], $0xC800  }
0x2f: {  	[sflag:s10] =	ssyncset.done $0x0  }
0x30: {  	s11 =	simm.s32 $0x4;
	s12 =	rddreg [dreg:$0x7];
	[sflag:s10] =	ssyncadd.s32 $0xFFFF3800  }
0x31: {  	[hbm4b:s12+s2] =	stream.linear.scatter [tilespmem:s7], [sflag:$0x4], $0xC800, $0x38;
	[tilespmem:$0x19C80] =	vst v63  }
0x32: {  	_ =	swait.ge [sflag:s11], $0xC800  }
0x33: {  	[sflag:s11] =	ssyncset.done $0x0  }
0x34: {  	s19 =	rddreg [dreg:$0x8];
	[sflag:s11] =	ssyncadd.s32 $0xFFFF3800  }
0x35: {  	[tilespmem:s5], [sflag:$0x5] =	stream.linear.gather [hbm4b:s19+s2], $0x640, $0x38;
	[tilespmem:$0x19C80] =	vst v63  }
0x36: {  	_ =	swait.ge [sflag:s3], $0x640  }
0x37: {  	[sflag:s3] =	ssyncset.done $0x0  }
0x38: {  	[sflag:s3] =	ssyncadd.s32 $0xFFFFF9C0  }
0x39: {  	[tilespmem:s7], [sflag:$0x2] =	stream.indirect.gather [hbm4b:s4+s5], $0x20, s5, s5, $0xb8;
	[tilespmem:$0x19C80] =	vst v63  }
0x3a: {  	_ =	swait.ge [sflag:s8], $0xC800  }
0x3b: {  	[sflag:s8] =	ssyncset.done $0x0  }
0x3c: {  	s20 =	rddreg [dreg:$0x9];
	[sflag:s8] =	ssyncadd.s32 $0xFFFF3800  }
0x3d: {  	[hbm4b:s20+s2] =	stream.linear.scatter [tilespmem:s6], [sflag:$0x3], $0xC800, $0x38;
	[tilespmem:$0x19C80] =	vst v63  }
0x3e: {  	_ =	swait.ge [sflag:s9], $0xC800  }
0x3f: {  	[sflag:s9] =	ssyncset.done $0x0  }
0x40: {  	s21 =	rddreg [dreg:$0xa];
	[sflag:s9] =	ssyncadd.s32 $0xFFFF3800  }
0x41: {  	[tilespmem:s2], [sflag:$0x5] =	stream.linear.gather [hbm4b:s21+s2], $0x640, $0x38;
	[tilespmem:$0x19C80] =	vst v63  }
0x42: {  	_ =	swait.ge [sflag:s3], $0x640  }
0x43: {  	[sflag:s3] =	ssyncset.done $0x0  }
0x44: {  	[sflag:s3] =	ssyncadd.s32 $0xFFFFF9C0  }
0x45: {  	[tilespmem:s6], [sflag:$0x1] =	stream.indirect.gather [hbm4b:s4+s5], $0x20, s2, s5, $0xb8;
	[tilespmem:$0x19C80] =	vst v63  }
0x46: {  	_ =	swait.ge [sflag:s10], $0xC800  }
0x47: {  	[sflag:s10] =	ssyncset.done $0x0  }
0x48: {  	s22 =	rddreg [dreg:$0xb];
	[sflag:s10] =	ssyncadd.s32 $0xFFFF3800  }
0x49: {  	[hbm4b:s22+s2] =	stream.linear.scatter [tilespmem:s7], [sflag:$0x4], $0xC800, $0x38;
	[tilespmem:$0x19C80] =	vst v63  }
0x4a: {  	_ =	swait.ge [sflag:s11], $0xC800  }
0x4b: {  	[sflag:s11] =	ssyncset.done $0x0  }
0x4c: {  	s23 =	rddreg [dreg:$0xc];
	[sflag:s11] =	ssyncadd.s32 $0xFFFF3800  }
0x4d: {  	[tilespmem:s5], [sflag:$0x5] =	stream.linear.gather [hbm4b:s23+s2], $0x640, $0x38;
	[tilespmem:$0x19C80] =	vst v63  }
0x4e: {  	_ =	swait.ge [sflag:s3], $0x640  }
0x4f: {  	[sflag:s3] =	ssyncset.done $0x0  }
0x50: {  	[sflag:s3] =	ssyncadd.s32 $0xFFFFF9C0  }
0x51: {  	[tilespmem:s7], [sflag:$0x2] =	stream.indirect.gather [hbm4b:s4+s5], $0x20, s5, s5, $0xb8;
	[tilespmem:$0x19C80] =	vst v63  }
0x52: {  	_ =	swait.ge [sflag:s8], $0xC800  }
0x53: {  	[sflag:s8] =	ssyncset.done $0x0  }
0x54: {  	s24 =	rddreg [dreg:$0xd];
	[sflag:s8] =	ssyncadd.s32 $0xFFFF3800  }
0x55: {  	[hbm4b:s24+s2] =	stream.linear.scatter [tilespmem:s6], [sflag:$0x3], $0xC800, $0x38;
	[tilespmem:$0x19C80] =	vst v63  }
0x56: {  	_ =	swait.ge [sflag:s9], $0xC800  }
0x57: {  	[sflag:s9] =	ssyncset.done $0x0  }
0x58: {  	s25 =	rddreg [dreg:$0xe];
	[sflag:s9] =	ssyncadd.s32 $0xFFFF3800  }
0x59: {  	[tilespmem:s2], [sflag:$0x5] =	stream.linear.gather [hbm4b:s25+s2], $0x640, $0x38;
	[tilespmem:$0x19C80] =	vst v63  }
0x5a: {  	_ =	swait.ge [sflag:s3], $0x640  }
0x5b: {  	[sflag:s3] =	ssyncset.done $0x0  }
0x5c: {  	[sflag:s3] =	ssyncadd.s32 $0xFFFFF9C0  }
0x5d: {  	[tilespmem:s6], [sflag:$0x1] =	stream.indirect.gather [hbm4b:s4+s5], $0x20, s2, s5, $0xb8;
	[tilespmem:$0x19C80] =	vst v63  }
0x5e: {  	_ =	swait.ge [sflag:s10], $0xC800  }
0x5f: {  	[sflag:s10] =	ssyncset.done $0x0  }
0x60: {  	s26 =	rddreg [dreg:$0xf];
	[sflag:s10] =	ssyncadd.s32 $0xFFFF3800  }
0x61: {  	[hbm4b:s26+s2] =	stream.linear.scatter [tilespmem:s7], [sflag:$0x4], $0xC800, $0x38;
	[tilespmem:$0x19C80] =	vst v63  }
0x62: {  	s15 =	sadd.s32 $0x2BC0, s30;
	_ =	swait.ge [sflag:s11], $0xC800  }
0x63: {  	s0 =	sshrl.u32 s15, $0x3;
	[sflag:s11] =	ssyncset.done $0x0  }
0x64: {  	s12 =	sadd.s32 s29, s0;
	[sflag:s11] =	ssyncadd.s32 $0xFFFF3800  }
0x65: {  	[tilespmem:s5], [sflag:$0x5] =	stream.linear.gather [hbm4b:s12+s2], $0x640, $0x38;
	[tilespmem:$0x19C80] =	vst v63  }
0x66: {  	_ =	swait.ge [sflag:s3], $0x640  }
0x67: {  	[sflag:s3] =	ssyncset.done $0x0  }
0x68: {  	[sflag:s3] =	ssyncadd.s32 $0xFFFFF9C0  }
0x69: {  	[tilespmem:s7], [sflag:$0x2] =	stream.indirect.gather [hbm4b:s4+s5], $0x20, s5, s5, $0xb8;
	[tilespmem:$0x19C80] =	vst v63  }
0x6a: {  	_ =	swait.ge [sflag:s8], $0xC800  }
0x6b: {  	s13 =	sshll.u32 s13, $0x2;
	[sflag:s8] =	ssyncset.done $0x0  }
0x6c: {  	s13 =	sadd.s32 s1, s13;
	[sflag:s8] =	ssyncadd.s32 $0xFFFF3800  }
0x6d: {  	[hbm4b:s13+s2] =	stream.linear.scatter [tilespmem:s6], [sflag:$0x3], $0xC800, $0x38;
	[tilespmem:$0x19C80] =	vst v63  }
0x6e: {  	s17 =	sadd.s32 $0x3200, s30;
	_ =	swait.ge [sflag:s9], $0xC800  }
0x6f: {  	s14 =	sshrl.u32 s17, $0x3;
	[sflag:s9] =	ssyncset.done $0x0  }
0x70: {  	s14 =	sadd.s32 s29, s14;
	[sflag:s9] =	ssyncadd.s32 $0xFFFF3800  }
0x71: {  	[tilespmem:s2], [sflag:$0x5] =	stream.linear.gather [hbm4b:s14+s2], $0x640, $0x38;
	[tilespmem:$0x19C80] =	vst v63  }
0x72: {  	_ =	swait.ge [sflag:s3], $0x640  }
0x73: {  	[sflag:s3] =	ssyncset.done $0x0  }
0x74: {  	[sflag:s3] =	ssyncadd.s32 $0xFFFFF9C0  }
0x75: {  	[tilespmem:s6], [sflag:$0x1] =	stream.indirect.gather [hbm4b:s4+s5], $0x20, s2, s5, $0xb8;
	[tilespmem:$0x19C80] =	vst v63  }
0x76: {  	_ =	swait.ge [sflag:s10], $0xC800  }
0x77: {  	s15 =	sshll.u32 s15, $0x2;
	[sflag:s10] =	ssyncset.done $0x0  }
0x78: {  	s15 =	sadd.s32 s1, s15;
	[sflag:s10] =	ssyncadd.s32 $0xFFFF3800  }
0x79: {  	[hbm4b:s15+s2] =	stream.linear.scatter [tilespmem:s7], [sflag:$0x4], $0xC800, $0x38;
	[tilespmem:$0x19C80] =	vst v63  }
0x7a: {  	s19 =	sadd.s32 $0x3840, s30;
	_ =	swait.ge [sflag:s11], $0xC800  }
0x7b: {  	s16 =	sshrl.u32 s19, $0x3;
	[sflag:s11] =	ssyncset.done $0x0  }
0x7c: {  	s16 =	sadd.s32 s29, s16;
	[sflag:s11] =	ssyncadd.s32 $0xFFFF3800  }
0x7d: {  	[tilespmem:s5], [sflag:$0x5] =	stream.linear.gather [hbm4b:s16+s2], $0x640, $0x38;
	[tilespmem:$0x19C80] =	vst v63  }
0x7e: {  	_ =	swait.ge [sflag:s3], $0x640  }
0x7f: {  	[sflag:s3] =	ssyncset.done $0x0  }
0x80: {  	[sflag:s3] =	ssyncadd.s32 $0xFFFFF9C0  }
0x81: {  	[tilespmem:s7], [sflag:$0x2] =	stream.indirect.gather [hbm4b:s4+s5], $0x20, s5, s5, $0xb8;
	[tilespmem:$0x19C80] =	vst v63  }
0x82: {  	_ =	swait.ge [sflag:s8], $0xC800  }
0x83: {  	s17 =	sshll.u32 s17, $0x2;
	[sflag:s8] =	ssyncset.done $0x0  }
0x84: {  	s17 =	sadd.s32 s1, s17;
	[sflag:s8] =	ssyncadd.s32 $0xFFFF3800  }
0x85: {  	[hbm4b:s17+s2] =	stream.linear.scatter [tilespmem:s6], [sflag:$0x3], $0xC800, $0x38;
	[tilespmem:$0x19C80] =	vst v63  }
0x86: {  	s21 =	sadd.s32 $0x3E80, s30;
	_ =	swait.ge [sflag:s9], $0xC800  }
0x87: {  	s18 =	sshrl.u32 s21, $0x3;
	[sflag:s9] =	ssyncset.done $0x0  }
0x88: {  	s18 =	sadd.s32 s29, s18;
	[sflag:s9] =	ssyncadd.s32 $0xFFFF3800  }
0x89: {  	[tilespmem:s2], [sflag:$0x5] =	stream.linear.gather [hbm4b:s18+s2], $0x640, $0x38;
	[tilespmem:$0x19C80] =	vst v63  }
0x8a: {  	_ =	swait.ge [sflag:s3], $0x640  }
0x8b: {  	[sflag:s3] =	ssyncset.done $0x0  }
0x8c: {  	[sflag:s3] =	ssyncadd.s32 $0xFFFFF9C0  }
0x8d: {  	[tilespmem:s6], [sflag:$0x1] =	stream.indirect.gather [hbm4b:s4+s5], $0x20, s2, s5, $0xb8;
	[tilespmem:$0x19C80] =	vst v63  }
0x8e: {  	_ =	swait.ge [sflag:s10], $0xC800  }
0x8f: {  	s19 =	sshll.u32 s19, $0x2;
	[sflag:s10] =	ssyncset.done $0x0  }
0x90: {  	s19 =	sadd.s32 s1, s19;
	[sflag:s10] =	ssyncadd.s32 $0xFFFF3800  }
0x91: {  	[hbm4b:s19+s2] =	stream.linear.scatter [tilespmem:s7], [sflag:$0x4], $0xC800, $0x38;
	[tilespmem:$0x19C80] =	vst v63  }
0x92: {  	s23 =	sadd.s32 $0x44C0, s30;
	_ =	swait.ge [sflag:s11], $0xC800  }
0x93: {  	s20 =	sshrl.u32 s23, $0x3;
	[sflag:s11] =	ssyncset.done $0x0  }
0x94: {  	s20 =	sadd.s32 s29, s20;
	[sflag:s11] =	ssyncadd.s32 $0xFFFF3800  }
0x95: {  	[tilespmem:s5], [sflag:$0x5] =	stream.linear.gather [hbm4b:s20+s2], $0x640, $0x38;
	[tilespmem:$0x19C80] =	vst v63  }
0x96: {  	_ =	swait.ge [sflag:s3], $0x640  }
0x97: {  	[sflag:s3] =	ssyncset.done $0x0  }
0x98: {  	[sflag:s3] =	ssyncadd.s32 $0xFFFFF9C0  }
0x99: {  	[tilespmem:s7], [sflag:$0x2] =	stream.indirect.gather [hbm4b:s4+s5], $0x20, s5, s5, $0xb8;
	[tilespmem:$0x19C80] =	vst v63  }
0x9a: {  	_ =	swait.ge [sflag:s8], $0xC800  }
0x9b: {  	s21 =	sshll.u32 s21, $0x2;
	[sflag:s8] =	ssyncset.done $0x0  }
0x9c: {  	s21 =	sadd.s32 s1, s21;
	[sflag:s8] =	ssyncadd.s32 $0xFFFF3800  }
0x9d: {  	[hbm4b:s21+s2] =	stream.linear.scatter [tilespmem:s6], [sflag:$0x3], $0xC800, $0x38;
	[tilespmem:$0x19C80] =	vst v63  }
0x9e: {  	s25 =	sadd.s32 $0x4B00, s30;
	_ =	swait.ge [sflag:s9], $0xC800  }
0x9f: {  	s22 =	sshrl.u32 s25, $0x3;
	[sflag:s9] =	ssyncset.done $0x0  }
0xa0: {  	s22 =	sadd.s32 s29, s22;
	[sflag:s9] =	ssyncadd.s32 $0xFFFF3800  }
0xa1: {  	[tilespmem:s2], [sflag:$0x5] =	stream.linear.gather [hbm4b:s22+s2], $0x640, $0x38;
	[tilespmem:$0x19C80] =	vst v63  }
0xa2: {  	_ =	swait.ge [sflag:s3], $0x640  }
0xa3: {  	[sflag:s3] =	ssyncset.done $0x0  }
0xa4: {  	[sflag:s3] =	ssyncadd.s32 $0xFFFFF9C0  }
0xa5: {  	[tilespmem:s6], [sflag:$0x1] =	stream.indirect.gather [hbm4b:s4+s5], $0x20, s2, s5, $0xb8;
	[tilespmem:$0x19C80] =	vst v63  }
0xa6: {  	_ =	swait.ge [sflag:s10], $0xC800  }
0xa7: {  	s23 =	sshll.u32 s23, $0x2;
	[sflag:s10] =	ssyncset.done $0x0  }
0xa8: {  	s23 =	sadd.s32 s1, s23;
	[sflag:s10] =	ssyncadd.s32 $0xFFFF3800  }
0xa9: {  	[hbm4b:s23+s2] =	stream.linear.scatter [tilespmem:s7], [sflag:$0x4], $0xC800, $0x38;
	[tilespmem:$0x19C80] =	vst v63  }
0xaa: {  	s28 =	sadd.s32 $0x5140, s30;
	_ =	swait.ge [sflag:s11], $0xC800  }
0xab: {  	s24 =	sshrl.u32 s28, $0x3;
	[sflag:s11] =	ssyncset.done $0x0  }
0xac: {  	s24 =	sadd.s32 s29, s24;
	[sflag:s11] =	ssyncadd.s32 $0xFFFF3800  }
0xad: {  	[tilespmem:s5], [sflag:$0x5] =	stream.linear.gather [hbm4b:s24+s2], $0x640, $0x38;
	[tilespmem:$0x19C80] =	vst v63  }
0xae: {  	_ =	swait.ge [sflag:s3], $0x640  }
0xaf: {  	[sflag:s3] =	ssyncset.done $0x0  }
0xb0: {  	[sflag:s3] =	ssyncadd.s32 $0xFFFFF9C0  }
0xb1: {  	[tilespmem:s7], [sflag:$0x2] =	stream.indirect.gather [hbm4b:s4+s5], $0x20, s5, s5, $0xb8;
	[tilespmem:$0x19C80] =	vst v63  }
0xb2: {  	_ =	swait.ge [sflag:s8], $0xC800  }
0xb3: {  	s25 =	sshll.u32 s25, $0x2;
	[sflag:s8] =	ssyncset.done $0x0  }
0xb4: {  	s25 =	sadd.s32 s1, s25;
	[sflag:s8] =	ssyncadd.s32 $0xFFFF3800  }
0xb5: {  	[hbm4b:s25+s2] =	stream.linear.scatter [tilespmem:s6], [sflag:$0x3], $0xC800, $0x38;
	[tilespmem:$0x19C80] =	vst v63  }
0xb6: {  	s31 =	sadd.s32 $0x5780, s30;
	_ =	swait.ge [sflag:s9], $0xC800  }
0xb7: {  	s26 =	sshrl.u32 s31, $0x3;
	[sflag:s9] =	ssyncset.done $0x0  }
0xb8: {  	s26 =	sadd.s32 s29, s26;
	[sflag:s9] =	ssyncadd.s32 $0xFFFF3800  }
0xb9: {  	[tilespmem:s2], [sflag:$0x5] =	stream.linear.gather [hbm4b:s26+s2], $0x640, $0x38;
	[tilespmem:$0x19C80] =	vst v63  }
0xba: {  	_ =	swait.ge [sflag:s3], $0x640  }
0xbb: {  	[sflag:s3] =	ssyncset.done $0x0  }
0xbc: {  	[sflag:s3] =	ssyncadd.s32 $0xFFFFF9C0  }
0xbd: {  	[tilespmem:s6], [sflag:$0x1] =	stream.indirect.gather [hbm4b:s4+s5], $0x20, s2, s5, $0xb8;
	[tilespmem:$0x19C80] =	vst v63  }
0xbe: {  	_ =	swait.ge [sflag:s10], $0xC800  }
0xbf: {  	s28 =	sshll.u32 s28, $0x2;
	[sflag:s10] =	ssyncset.done $0x0  }
0xc0: {  	s28 =	sadd.s32 s1, s28;
	[sflag:s10] =	ssyncadd.s32 $0xFFFF3800  }
0xc1: {  	[hbm4b:s28+s2] =	stream.linear.scatter [tilespmem:s7], [sflag:$0x4], $0xC800, $0x38;
	[tilespmem:$0x19C80] =	vst v63  }
0xc2: {  	s0 =	sadd.s32 $0x5DC0, s30;
	_ =	swait.ge [sflag:s11], $0xC800  }
0xc3: {  	s30 =	sshrl.u32 s0, $0x3;
	[sflag:s11] =	ssyncset.done $0x0  }
0xc4: {  	s29 =	sadd.s32 s29, s30;
	[sflag:s11] =	ssyncadd.s32 $0xFFFF3800  }
0xc5: {  	[tilespmem:s5], [sflag:$0x5] =	stream.linear.gather [hbm4b:s29+s2], $0x640, $0x38;
	[tilespmem:$0x19C80] =	vst v63  }
0xc6: {  	_ =	swait.ge [sflag:s3], $0x640  }
0xc7: {  	[sflag:s3] =	ssyncset.done $0x0  }
0xc8: {  	[sflag:s3] =	ssyncadd.s32 $0xFFFFF9C0  }
0xc9: {  	[tilespmem:s7], [sflag:$0x2] =	stream.indirect.gather [hbm4b:s4+s5], $0x20, s5, s5, $0xb8;
	[tilespmem:$0x19C80] =	vst v63  }
0xca: {  	_ =	swait.ge [sflag:s8], $0xC800  }
0xcb: {  	s30 =	sshll.u32 s31, $0x2;
	[sflag:s8] =	ssyncset.done $0x0  }
0xcc: {  	s30 =	sadd.s32 s1, s30;
	[sflag:s8] =	ssyncadd.s32 $0xFFFF3800  }
0xcd: {  	[hbm4b:s30+s2] =	stream.linear.scatter [tilespmem:s6], [sflag:$0x3], $0xC800, $0x38;
	[tilespmem:$0x19C80] =	vst v63  }
0xce: {  	s0 =	sshll.u32 s0, $0x2;
	_ =	swait.ge [sflag:s10], $0xC800  }
0xcf: {  	s31 =	sadd.s32 s1, s0;
	[sflag:s10] =	ssyncset.done $0x0;
	s1 =	rddreg [dreg:$0x10]  }
0xd0: {  	s0 =	ssub.s32 $0x2, s1;
	[sflag:s10] =	ssyncadd.s32 $0xFFFF3800  }
0xd1: {  	[hbm4b:s31+s2] =	stream.linear.scatter [tilespmem:s7], [sflag:$0x4], $0xC800, $0x38;
	[tilespmem:$0x19C80] =	vst v63  }
0xd2: {  	s1 =	sshrl.u32 s0, $0x1  }
0xd3: {  	s0 =	ssub.s32 s0, s1  }
0xd4: {  	s0 =	smax.u32 s0, $0x1  }
0xd5: {  	p0 =	sne.s32 s0, $0x1  }
.Ltmp0:
0xd6: {  	_ =	swait.ge [sflag:s9], $0xC800;
	(pc) =	sbr.rel @!p0 .LBB2_2-.Ltmp0, $4  }
0xd7: {  	[sflag:s9] =	ssyncset.done $0x0  }
0xd8: {  	[sflag:s9] =	ssyncadd.s32 $0xFFFF3800  }
0xd9: {  	_ =	swait.ge [sflag:s11], $0xC800  }
0xda: {  	s1 =	sadd.s32 $0xFFFFFFFF, s0;
	[sflag:s11] =	ssyncset.done $0x0  }
.LBB2_1:
0xdb: {  	s0 =	rddreg [dreg:$0x3];
	[sflag:s11] =	ssyncadd.s32 $0xFFFF3800  }
0xdc: {  	[tilespmem:s2], [sflag:$0x5] =	stream.linear.gather [hbm4b:s0+s2], $0x640, $0x38;
	[tilespmem:$0x19C80] =	vst v63  }
0xdd: {  	_ =	swait.ge [sflag:s3], $0x640  }
0xde: {  	[sflag:s3] =	ssyncset.done $0x0  }
0xdf: {  	[sflag:s3] =	ssyncadd.s32 $0xFFFFF9C0  }
0xe0: {  	[tilespmem:s6], [sflag:$0x1] =	stream.indirect.gather [hbm4b:s4+s5], $0x20, s2, s5, $0xb8;
	[tilespmem:$0x19C80] =	vst v63  }
0xe1: {  	s0 =	rddreg [dreg:$0x4]  }
0xe2: {  	[tilespmem:s5], [sflag:$0x5] =	stream.linear.gather [hbm4b:s0+s2], $0x640, $0x38;
	[tilespmem:$0x19C80] =	vst v63  }
0xe3: {  	_ =	swait.ge [sflag:s3], $0x640  }
0xe4: {  	[sflag:s3] =	ssyncset.done $0x0  }
0xe5: {  	[sflag:s3] =	ssyncadd.s32 $0xFFFFF9C0  }
0xe6: {  	[tilespmem:s7], [sflag:$0x2] =	stream.indirect.gather [hbm4b:s4+s5], $0x20, s5, s5, $0xb8;
	[tilespmem:$0x19C80] =	vst v63  }
0xe7: {  	_ =	swait.ge [sflag:s8], $0xC800  }
0xe8: {  	[sflag:s8] =	ssyncset.done $0x0  }
0xe9: {  	s0 =	rddreg [dreg:$0x5];
	[sflag:s8] =	ssyncadd.s32 $0xFFFF3800  }
0xea: {  	[hbm4b:s0+s2] =	stream.linear.scatter [tilespmem:s6], [sflag:$0x3], $0xC800, $0x38;
	[tilespmem:$0x19C80] =	vst v63  }
0xeb: {  	_ =	swait.ge [sflag:s9], $0xC800  }
0xec: {  	[sflag:s9] =	ssyncset.done $0x0  }
0xed: {  	s0 =	rddreg [dreg:$0x6];
	[sflag:s9] =	ssyncadd.s32 $0xFFFF3800  }
0xee: {  	[tilespmem:s2], [sflag:$0x5] =	stream.linear.gather [hbm4b:s0+s2], $0x640, $0x38;
	[tilespmem:$0x19C80] =	vst v63  }
0xef: {  	_ =	swait.ge [sflag:s3], $0x640  }
0xf0: {  	[sflag:s3] =	ssyncset.done $0x0  }
0xf1: {  	[sflag:s3] =	ssyncadd.s32 $0xFFFFF9C0  }
0xf2: {  	[tilespmem:s6], [sflag:$0x1] =	stream.indirect.gather [hbm4b:s4+s5], $0x20, s2, s5, $0xb8;
	[tilespmem:$0x19C80] =	vst v63  }
0xf3: {  	_ =	swait.ge [sflag:s10], $0xC800  }
0xf4: {  	[sflag:s10] =	ssyncset.done $0x0  }
0xf5: {  	s0 =	rddreg [dreg:$0x7];
	[sflag:s10] =	ssyncadd.s32 $0xFFFF3800  }
0xf6: {  	[hbm4b:s0+s2] =	stream.linear.scatter [tilespmem:s7], [sflag:$0x4], $0xC800, $0x38;
	[tilespmem:$0x19C80] =	vst v63  }
0xf7: {  	_ =	swait.ge [sflag:s11], $0xC800  }
0xf8: {  	[sflag:s11] =	ssyncset.done $0x0  }
0xf9: {  	s0 =	rddreg [dreg:$0x8];
	[sflag:s11] =	ssyncadd.s32 $0xFFFF3800  }
0xfa: {  	[tilespmem:s5], [sflag:$0x5] =	stream.linear.gather [hbm4b:s0+s2], $0x640, $0x38;
	[tilespmem:$0x19C80] =	vst v63  }
0xfb: {  	_ =	swait.ge [sflag:s3], $0x640  }
0xfc: {  	[sflag:s3] =	ssyncset.done $0x0  }
0xfd: {  	[sflag:s3] =	ssyncadd.s32 $0xFFFFF9C0  }
0xfe: {  	[tilespmem:s7], [sflag:$0x2] =	stream.indirect.gather [hbm4b:s4+s5], $0x20, s5, s5, $0xb8;
	[tilespmem:$0x19C80] =	vst v63  }
0xff: {  	_ =	swait.ge [sflag:s8], $0xC800  }
0x100: {  	[sflag:s8] =	ssyncset.done $0x0  }
0x101: {  	s0 =	rddreg [dreg:$0x9];
	[sflag:s8] =	ssyncadd.s32 $0xFFFF3800  }
0x102: {  	[hbm4b:s0+s2] =	stream.linear.scatter [tilespmem:s6], [sflag:$0x3], $0xC800, $0x38;
	[tilespmem:$0x19C80] =	vst v63  }
0x103: {  	_ =	swait.ge [sflag:s9], $0xC800  }
0x104: {  	[sflag:s9] =	ssyncset.done $0x0  }
0x105: {  	s0 =	rddreg [dreg:$0xa];
	[sflag:s9] =	ssyncadd.s32 $0xFFFF3800  }
0x106: {  	[tilespmem:s2], [sflag:$0x5] =	stream.linear.gather [hbm4b:s0+s2], $0x640, $0x38;
	[tilespmem:$0x19C80] =	vst v63  }
0x107: {  	_ =	swait.ge [sflag:s3], $0x640  }
0x108: {  	[sflag:s3] =	ssyncset.done $0x0  }
0x109: {  	[sflag:s3] =	ssyncadd.s32 $0xFFFFF9C0  }
0x10a: {  	[tilespmem:s6], [sflag:$0x1] =	stream.indirect.gather [hbm4b:s4+s5], $0x20, s2, s5, $0xb8;
	[tilespmem:$0x19C80] =	vst v63  }
0x10b: {  	_ =	swait.ge [sflag:s10], $0xC800  }
0x10c: {  	[sflag:s10] =	ssyncset.done $0x0  }
0x10d: {  	s0 =	rddreg [dreg:$0xb];
	[sflag:s10] =	ssyncadd.s32 $0xFFFF3800  }
0x10e: {  	[hbm4b:s0+s2] =	stream.linear.scatter [tilespmem:s7], [sflag:$0x4], $0xC800, $0x38;
	[tilespmem:$0x19C80] =	vst v63  }
0x10f: {  	_ =	swait.ge [sflag:s11], $0xC800  }
0x110: {  	[sflag:s11] =	ssyncset.done $0x0  }
0x111: {  	s0 =	rddreg [dreg:$0xc];
	[sflag:s11] =	ssyncadd.s32 $0xFFFF3800  }
0x112: {  	[tilespmem:s5], [sflag:$0x5] =	stream.linear.gather [hbm4b:s0+s2], $0x640, $0x38;
	[tilespmem:$0x19C80] =	vst v63  }
0x113: {  	_ =	swait.ge [sflag:s3], $0x640  }
0x114: {  	[sflag:s3] =	ssyncset.done $0x0  }
0x115: {  	[sflag:s3] =	ssyncadd.s32 $0xFFFFF9C0  }
0x116: {  	[tilespmem:s7], [sflag:$0x2] =	stream.indirect.gather [hbm4b:s4+s5], $0x20, s5, s5, $0xb8;
	[tilespmem:$0x19C80] =	vst v63  }
0x117: {  	_ =	swait.ge [sflag:s8], $0xC800  }
0x118: {  	[sflag:s8] =	ssyncset.done $0x0  }
0x119: {  	s0 =	rddreg [dreg:$0xd];
	[sflag:s8] =	ssyncadd.s32 $0xFFFF3800  }
0x11a: {  	[hbm4b:s0+s2] =	stream.linear.scatter [tilespmem:s6], [sflag:$0x3], $0xC800, $0x38;
	[tilespmem:$0x19C80] =	vst v63  }
0x11b: {  	_ =	swait.ge [sflag:s9], $0xC800  }
0x11c: {  	[sflag:s9] =	ssyncset.done $0x0  }
0x11d: {  	s0 =	rddreg [dreg:$0xe];
	[sflag:s9] =	ssyncadd.s32 $0xFFFF3800  }
0x11e: {  	[tilespmem:s2], [sflag:$0x5] =	stream.linear.gather [hbm4b:s0+s2], $0x640, $0x38;
	[tilespmem:$0x19C80] =	vst v63  }
0x11f: {  	_ =	swait.ge [sflag:s3], $0x640  }
0x120: {  	[sflag:s3] =	ssyncset.done $0x0  }
0x121: {  	[sflag:s3] =	ssyncadd.s32 $0xFFFFF9C0  }
0x122: {  	[tilespmem:s6], [sflag:$0x1] =	stream.indirect.gather [hbm4b:s4+s5], $0x20, s2, s5, $0xb8;
	[tilespmem:$0x19C80] =	vst v63  }
0x123: {  	_ =	swait.ge [sflag:s10], $0xC800  }
0x124: {  	[sflag:s10] =	ssyncset.done $0x0  }
0x125: {  	s0 =	rddreg [dreg:$0xf];
	[sflag:s10] =	ssyncadd.s32 $0xFFFF3800  }
0x126: {  	[hbm4b:s0+s2] =	stream.linear.scatter [tilespmem:s7], [sflag:$0x4], $0xC800, $0x38;
	[tilespmem:$0x19C80] =	vst v63  }
0x127: {  	_ =	swait.ge [sflag:s11], $0xC800  }
0x128: {  	[sflag:s11] =	ssyncset.done $0x0  }
0x129: {  	[sflag:s11] =	ssyncadd.s32 $0xFFFF3800  }
0x12a: {  	[tilespmem:s5], [sflag:$0x5] =	stream.linear.gather [hbm4b:s12+s2], $0x640, $0x38;
	[tilespmem:$0x19C80] =	vst v63  }
0x12b: {  	_ =	swait.ge [sflag:s3], $0x640  }
0x12c: {  	[sflag:s3] =	ssyncset.done $0x0  }
0x12d: {  	[sflag:s3] =	ssyncadd.s32 $0xFFFFF9C0  }
0x12e: {  	[tilespmem:s7], [sflag:$0x2] =	stream.indirect.gather [hbm4b:s4+s5], $0x20, s5, s5, $0xb8;
	[tilespmem:$0x19C80] =	vst v63  }
0x12f: {  	_ =	swait.ge [sflag:s8], $0xC800  }
0x130: {  	[sflag:s8] =	ssyncset.done $0x0  }
0x131: {  	[sflag:s8] =	ssyncadd.s32 $0xFFFF3800  }
0x132: {  	[hbm4b:s13+s2] =	stream.linear.scatter [tilespmem:s6], [sflag:$0x3], $0xC800, $0x38;
	[tilespmem:$0x19C80] =	vst v63  }
0x133: {  	_ =	swait.ge [sflag:s9], $0xC800  }
0x134: {  	[sflag:s9] =	ssyncset.done $0x0  }
0x135: {  	[sflag:s9] =	ssyncadd.s32 $0xFFFF3800  }
0x136: {  	[tilespmem:s2], [sflag:$0x5] =	stream.linear.gather [hbm4b:s14+s2], $0x640, $0x38;
	[tilespmem:$0x19C80] =	vst v63  }
0x137: {  	_ =	swait.ge [sflag:s3], $0x640  }
0x138: {  	[sflag:s3] =	ssyncset.done $0x0  }
0x139: {  	[sflag:s3] =	ssyncadd.s32 $0xFFFFF9C0  }
0x13a: {  	[tilespmem:s6], [sflag:$0x1] =	stream.indirect.gather [hbm4b:s4+s5], $0x20, s2, s5, $0xb8;
	[tilespmem:$0x19C80] =	vst v63  }
0x13b: {  	_ =	swait.ge [sflag:s10], $0xC800  }
0x13c: {  	[sflag:s10] =	ssyncset.done $0x0  }
0x13d: {  	[sflag:s10] =	ssyncadd.s32 $0xFFFF3800  }
0x13e: {  	[hbm4b:s15+s2] =	stream.linear.scatter [tilespmem:s7], [sflag:$0x4], $0xC800, $0x38;
	[tilespmem:$0x19C80] =	vst v63  }
0x13f: {  	_ =	swait.ge [sflag:s11], $0xC800  }
0x140: {  	[sflag:s11] =	ssyncset.done $0x0  }
0x141: {  	[sflag:s11] =	ssyncadd.s32 $0xFFFF3800  }
0x142: {  	[tilespmem:s5], [sflag:$0x5] =	stream.linear.gather [hbm4b:s16+s2], $0x640, $0x38;
	[tilespmem:$0x19C80] =	vst v63  }
0x143: {  	_ =	swait.ge [sflag:s3], $0x640  }
0x144: {  	[sflag:s3] =	ssyncset.done $0x0  }
0x145: {  	[sflag:s3] =	ssyncadd.s32 $0xFFFFF9C0  }
0x146: {  	[tilespmem:s7], [sflag:$0x2] =	stream.indirect.gather [hbm4b:s4+s5], $0x20, s5, s5, $0xb8;
	[tilespmem:$0x19C80] =	vst v63  }
0x147: {  	_ =	swait.ge [sflag:s8], $0xC800  }
0x148: {  	[sflag:s8] =	ssyncset.done $0x0  }
0x149: {  	[sflag:s8] =	ssyncadd.s32 $0xFFFF3800  }
0x14a: {  	[hbm4b:s17+s2] =	stream.linear.scatter [tilespmem:s6], [sflag:$0x3], $0xC800, $0x38;
	[tilespmem:$0x19C80] =	vst v63  }
0x14b: {  	_ =	swait.ge [sflag:s9], $0xC800  }
0x14c: {  	[sflag:s9] =	ssyncset.done $0x0  }
0x14d: {  	[sflag:s9] =	ssyncadd.s32 $0xFFFF3800  }
0x14e: {  	[tilespmem:s2], [sflag:$0x5] =	stream.linear.gather [hbm4b:s18+s2], $0x640, $0x38;
	[tilespmem:$0x19C80] =	vst v63  }
0x14f: {  	_ =	swait.ge [sflag:s3], $0x640  }
0x150: {  	[sflag:s3] =	ssyncset.done $0x0  }
0x151: {  	[sflag:s3] =	ssyncadd.s32 $0xFFFFF9C0  }
0x152: {  	[tilespmem:s6], [sflag:$0x1] =	stream.indirect.gather [hbm4b:s4+s5], $0x20, s2, s5, $0xb8;
	[tilespmem:$0x19C80] =	vst v63  }
0x153: {  	_ =	swait.ge [sflag:s10], $0xC800  }
0x154: {  	[sflag:s10] =	ssyncset.done $0x0  }
0x155: {  	[sflag:s10] =	ssyncadd.s32 $0xFFFF3800  }
0x156: {  	[hbm4b:s19+s2] =	stream.linear.scatter [tilespmem:s7], [sflag:$0x4], $0xC800, $0x38;
	[tilespmem:$0x19C80] =	vst v63  }
0x157: {  	_ =	swait.ge [sflag:s11], $0xC800  }
0x158: {  	[sflag:s11] =	ssyncset.done $0x0  }
0x159: {  	[sflag:s11] =	ssyncadd.s32 $0xFFFF3800  }
0x15a: {  	[tilespmem:s5], [sflag:$0x5] =	stream.linear.gather [hbm4b:s20+s2], $0x640, $0x38;
	[tilespmem:$0x19C80] =	vst v63  }
0x15b: {  	_ =	swait.ge [sflag:s3], $0x640  }
0x15c: {  	[sflag:s3] =	ssyncset.done $0x0  }
0x15d: {  	[sflag:s3] =	ssyncadd.s32 $0xFFFFF9C0  }
0x15e: {  	[tilespmem:s7], [sflag:$0x2] =	stream.indirect.gather [hbm4b:s4+s5], $0x20, s5, s5, $0xb8;
	[tilespmem:$0x19C80] =	vst v63  }
0x15f: {  	_ =	swait.ge [sflag:s8], $0xC800  }
0x160: {  	[sflag:s8] =	ssyncset.done $0x0  }
0x161: {  	[sflag:s8] =	ssyncadd.s32 $0xFFFF3800  }
0x162: {  	[hbm4b:s21+s2] =	stream.linear.scatter [tilespmem:s6], [sflag:$0x3], $0xC800, $0x38;
	[tilespmem:$0x19C80] =	vst v63  }
0x163: {  	_ =	swait.ge [sflag:s9], $0xC800  }
0x164: {  	[sflag:s9] =	ssyncset.done $0x0  }
0x165: {  	[sflag:s9] =	ssyncadd.s32 $0xFFFF3800  }
0x166: {  	[tilespmem:s2], [sflag:$0x5] =	stream.linear.gather [hbm4b:s22+s2], $0x640, $0x38;
	[tilespmem:$0x19C80] =	vst v63  }
0x167: {  	_ =	swait.ge [sflag:s3], $0x640  }
0x168: {  	[sflag:s3] =	ssyncset.done $0x0  }
0x169: {  	[sflag:s3] =	ssyncadd.s32 $0xFFFFF9C0  }
0x16a: {  	[tilespmem:s6], [sflag:$0x1] =	stream.indirect.gather [hbm4b:s4+s5], $0x20, s2, s5, $0xb8;
	[tilespmem:$0x19C80] =	vst v63  }
0x16b: {  	_ =	swait.ge [sflag:s10], $0xC800  }
0x16c: {  	[sflag:s10] =	ssyncset.done $0x0  }
0x16d: {  	[sflag:s10] =	ssyncadd.s32 $0xFFFF3800  }
0x16e: {  	[hbm4b:s23+s2] =	stream.linear.scatter [tilespmem:s7], [sflag:$0x4], $0xC800, $0x38;
	[tilespmem:$0x19C80] =	vst v63  }
0x16f: {  	_ =	swait.ge [sflag:s11], $0xC800  }
0x170: {  	[sflag:s11] =	ssyncset.done $0x0  }
0x171: {  	[sflag:s11] =	ssyncadd.s32 $0xFFFF3800  }
0x172: {  	[tilespmem:s5], [sflag:$0x5] =	stream.linear.gather [hbm4b:s24+s2], $0x640, $0x38;
	[tilespmem:$0x19C80] =	vst v63  }
0x173: {  	_ =	swait.ge [sflag:s3], $0x640  }
0x174: {  	[sflag:s3] =	ssyncset.done $0x0  }
0x175: {  	[sflag:s3] =	ssyncadd.s32 $0xFFFFF9C0  }
0x176: {  	[tilespmem:s7], [sflag:$0x2] =	stream.indirect.gather [hbm4b:s4+s5], $0x20, s5, s5, $0xb8;
	[tilespmem:$0x19C80] =	vst v63  }
0x177: {  	_ =	swait.ge [sflag:s8], $0xC800  }
0x178: {  	[sflag:s8] =	ssyncset.done $0x0  }
0x179: {  	[sflag:s8] =	ssyncadd.s32 $0xFFFF3800  }
0x17a: {  	[hbm4b:s25+s2] =	stream.linear.scatter [tilespmem:s6], [sflag:$0x3], $0xC800, $0x38;
	[tilespmem:$0x19C80] =	vst v63  }
0x17b: {  	_ =	swait.ge [sflag:s9], $0xC800  }
0x17c: {  	[sflag:s9] =	ssyncset.done $0x0  }
0x17d: {  	[sflag:s9] =	ssyncadd.s32 $0xFFFF3800  }
0x17e: {  	[tilespmem:s2], [sflag:$0x5] =	stream.linear.gather [hbm4b:s26+s2], $0x640, $0x38;
	[tilespmem:$0x19C80] =	vst v63  }
0x17f: {  	_ =	swait.ge [sflag:s3], $0x640  }
0x180: {  	[sflag:s3] =	ssyncset.done $0x0  }
0x181: {  	[sflag:s3] =	ssyncadd.s32 $0xFFFFF9C0  }
0x182: {  	[tilespmem:s6], [sflag:$0x1] =	stream.indirect.gather [hbm4b:s4+s5], $0x20, s2, s5, $0xb8;
	[tilespmem:$0x19C80] =	vst v63  }
0x183: {  	_ =	swait.ge [sflag:s10], $0xC800  }
0x184: {  	[sflag:s10] =	ssyncset.done $0x0  }
0x185: {  	[sflag:s10] =	ssyncadd.s32 $0xFFFF3800  }
0x186: {  	[hbm4b:s28+s2] =	stream.linear.scatter [tilespmem:s7], [sflag:$0x4], $0xC800, $0x38;
	[tilespmem:$0x19C80] =	vst v63  }
0x187: {  	_ =	swait.ge [sflag:s11], $0xC800  }
0x188: {  	[sflag:s11] =	ssyncset.done $0x0  }
0x189: {  	[sflag:s11] =	ssyncadd.s32 $0xFFFF3800  }
0x18a: {  	[tilespmem:s5], [sflag:$0x5] =	stream.linear.gather [hbm4b:s29+s2], $0x640, $0x38;
	[tilespmem:$0x19C80] =	vst v63  }
0x18b: {  	_ =	swait.ge [sflag:s3], $0x640  }
0x18c: {  	[sflag:s3] =	ssyncset.done $0x0  }
0x18d: {  	[sflag:s3] =	ssyncadd.s32 $0xFFFFF9C0  }
0x18e: {  	[tilespmem:s7], [sflag:$0x2] =	stream.indirect.gather [hbm4b:s4+s5], $0x20, s5, s5, $0xb8;
	[tilespmem:$0x19C80] =	vst v63  }
0x18f: {  	_ =	swait.ge [sflag:s8], $0xC800  }
0x190: {  	[sflag:s8] =	ssyncset.done $0x0  }
0x191: {  	[sflag:s8] =	ssyncadd.s32 $0xFFFF3800  }
0x192: {  	[hbm4b:s30+s2] =	stream.linear.scatter [tilespmem:s6], [sflag:$0x3], $0xC800, $0x38;
	[tilespmem:$0x19C80] =	vst v63  }
0x193: {  	_ =	swait.ge [sflag:s10], $0xC800  }
0x194: {  	[sflag:s10] =	ssyncset.done $0x0  }
0x195: {  	p0 =	sne.s32 s1, $0x1;
	[sflag:s10] =	ssyncadd.s32 $0xFFFF3800  }
0x196: {  	[hbm4b:s31+s2] =	stream.linear.scatter [tilespmem:s7], [sflag:$0x4], $0xC800, $0x38;
	[tilespmem:$0x19C80] =	vst v63  }
.Ltmp1:
0x197: {  	_ =	swait.ge [sflag:s9], $0xC800;
	(pc) =	sbr.rel @p0 .LBB2_1-.Ltmp1, $4  }
0x198: {  	[sflag:s9] =	ssyncset.done $0x0  }
0x199: {  	[sflag:s9] =	ssyncadd.s32 $0xFFFF3800  }
0x19a: {  	_ =	swait.ge [sflag:s11], $0xC800  }
0x19b: {  	s1 =	sadd.s32 $0xFFFFFFFF, s1;
	[sflag:s11] =	ssyncset.done $0x0  }
.LBB2_2:
0x19c: {  	[sflag:s11] =	ssyncadd.s32 $0xFFFF3800  }
0x19d: {  	_ =	sfence.sel $0x180000  }
0x19e: {  	[bflag:$0x0] =	sbarrier.arrive $0xFFFF  }
0x19f: {  	_ =	strace $0x9000004A  }
0x1a0: {  	s0 =	stileid.u32;
	[bflag:$0x2] =	sbarrier.arrive $0xFFFF  }
0x1a1: {  	p0 =	sne.s32 s0, $0x0;
	s0 =	rddreg [dreg:$0x2]  }
0x1a2: {  	s0 =	sadd.s32 @!p0 $0x100000, s0  }
0x1a3: {  	[sflag:s0] =	ssyncadd.tile.s32 @!p0 $0x1;
	_ =	shalt  }
.Lfunc_end2:
_tile_overlayer_lowered:
.L_overlay_start_2:
0x1a4: {  	(tag) =	ssettag $0x2  }
0x1a5: {  	s0 =	rddreg [dreg:$0x0];
	s2 =	stileid.u32  }
0x1a6: {  	s1 =	rddreg [dreg:$0x1];
	p0 =	sne.s32 s2, $0x0  }
0x1a7: {  	s3 =	rddreg [dreg:$0x2];
	[bflag:$0x3] =	sbarrier.arrive $0xFFFF;
	s2 =	simm.s32 @!p0 $0x1C05  }
0x1a8: {  	[timem:s3], [sflag:s2] =	dma.local @!p0 [hbm:s0], s1  }
0x1a9: {  	s0 =	simm.s32 @!p0 $0x5  }
0x1aa: {  	_ =	swait.ge @!p0 [sflag:s0], s1  }
0x1ab: {  	s1 =	ssub.s32 @!p0 $0x0, s1;
	[sflag:s0] =	ssyncset.done @!p0 $0x0  }
0x1ac: {  	[sflag:s0] =	ssyncadd.s32 @!p0 s1  }
0x1ad: {  	[bflag:$0x3] =	sbarrier.arrive $0xFFFF  }
0x1ae: {  	_ =	shalt  }

// kernel: sparse-core-data-format-call.cloned.1.call-start
scs
called_computation_lowered:
.L_overlay_start_0:
0x0: {  	s2 =	sld [smem:$0x3FD9]  }
0x1: {  	s3 =	sld [smem:$0x3FFE];
	_ =	sdelay $0x1  }
0x2: {  	s1 =	srdreg.scid  }
0x3: {  	s0 =	sand.u32 $0x1, s1  }
0x4: {  	s18 =	sshll.u32 s0, $0xA;
	s2 =	sadd.s32 s3, s2  }
0x5: {  	s2 =	sadd.s32 s2, s18  }
0x6: {  	[smem:$0x3FC6] =	sst s2  }
0x7: {  	_ = 	snop  }
0x8: {  	s2 =	sld [smem:$0x3FD0];
	(tm) =	ssettm $0x1  }
0x9: {  	s19 =	sld [smem:$0x3FFB];
	_ =	sdelay $0x3  }
0xa: {  	_ =	strace s19  }
0xb: {  	s3 =	sld [smem:$0x3FFC];
	_ =	sdelay $0x3  }
0xc: {  	_ =	strace s3  }
0xd: {  	s3 =	sld [smem:$0x3FFD];
	_ =	sdelay $0x3  }
0xe: {  	_ =	strace s3  }
0xf: {  	_ =	strace $0x8FFFFFFF  }
0x10: {  	s20 =	sld [smem:$0x3FDB];
	_ =	sdelay $0x1  }
0x11: {  	s4 =	simm.s32 $_scs_section_size  }
0x12: {  	s5 =	simm.s32 $_size__tile_overlayer_lowered;
	s6 =	simm.s32 $_tile_overlayer_lowered  }
0x13: {  	s23 =	simm.s32 $0x1BFF;
	s22 =	sshll.u32 s6, $0x1;
	s3 =	sadd.s32 s4, s20  }
0x14: {  	s7 =	simm.s32 $0x0;
	s21 =	sshll.u32 s5, $0x1;
	s5 =	sadd.s32 s22, s3  }
0x15: {  	[timem:s7], [sflag:s23] =	dma.local [hbm:s5], s21  }
0x16: {  	_ =	swait.ge [sflag:s23], s21  }
0x17: {  	s4 =	ssub.s32 $0x0, s21;
	[sflag:s23] =	ssyncset.done $0x0  }
0x18: {  	[sflag:s23] =	ssyncadd.s32 s4;
	_ =	sdelay $0x1  }
0x19: {  	s24 =	simm.s32 $0x1B8B  }
0x1a: {  	_ =	swait.ge [sflag:s24], $0x1  }
0x1b: {  	[sflag:s24] =	ssyncset.done $0x0  }
0x1c: {  	s26 =	simm.s32 $0x1B8E;
	s25 =	sld [smem:$0x3FFE];
	[sflag:s24] =	ssyncadd.s32 $0xFFFFFFFF  }
0x1d: {  	s27 =	simm.s32 $execute0_lowered;
	[smem:$0x3FD2] =	sst s26  }
0x1e: {  	s5 =	sshll.u32 s27, $0x1;
	_ =	strace $0x8000004C;
	[dreg:$0x1] =	wrdreg $0xFFFFFFFF  }
0x1f: {  	s28 =	simm.s32 $_size_execute0_lowered;
	s3 =	sadd.s32 s3, s5;
	[dreg:$0x0] =	wrdreg $0x0  }
0x20: {  	s5 =	sshll.u32 s28, $0x1;
	[dreg:$0x2] =	wrdreg s3  }
0x21: {  	[dreg:$0x3] =	wrdreg s5  }
0x22: {  	[dreg:$0x4] =	wrdreg $0xC0  }
0x23: {  	_ =	task [dreg:s7], $0x5FFFF  }
0x24: {  	[dreg:$0x1] =	wrdreg $0xFFFFFFFF  }
0x25: {  	[dreg:$0x0] =	wrdreg $0x60  }
0x26: {  	[dreg:$0x2] =	wrdreg s25  }
0x27: {  	[dreg:$0x3] =	wrdreg s2  }
0x28: {  	[dreg:$0x4] =	wrdreg $0x9  }
0x29: {  	_ =	task.clear_ibuf [dreg:s7], $0x5FFFF;
	_ =	strace $0x9000004C  }
0x2a: {  	s29 =	simm.s32 $0x9;
	_ =	strace $0x8000004E  }
0x2b: {  	_ =	swait.ge [sflag:s29], $0x1  }
0x2c: {  	[sflag:s29] =	ssyncadd.s32 $0xFFFFFFFF  }
0x2d: {  	_ =	strace $0x9000004E  }
0x2e: {  	_ =	sfence  }
0x2f: {  	s30 =	sld [smem:$0x0];
	_ =	sdelay $0x2  }
0x30: {  	s31 =	sshll.u32 s1, $0xD;
	s1 =	sshrl.u32 s1, $0x2  }
0x31: {  	s3 =	sand.u32 $0x4000, s31;
	s1 =	sadd.s32 s1, s30  }
0x32: {  	s0 =	sor.u32 s3, s0;
	s1 =	sshll.u32 s1, $0x11  }
0x33: {  	s0 =	sor.u32 s1, s0  }
0x34: {  	s0 =	sadd.s32 $0x8F2B, s0  }
0x35: {  	[sflag:s0] =	ssyncadd.remote.s32 $0x1  }
0x36: {  	_ =	sfence.sel $0xFFFF  }
0x37: {  	[dreg:$0x0] =	wrdreg $0xFFFFFFFF;
	(pc) =	sbr.abs _section_cstart, $3  }
0x38: {  	[dreg:$0x1] =	wrdreg $0xFFFFFFFF  }
0x39: {  	_ =	task.clear_ibuf [dreg:s7], $0x2FFFF;
	_ =	strace $0x9FFFFFFF  }
0x3a: {  	(tm) =	ssettm $0x7FFFFFFF  }
0x3b: {  	_ =	shalt  }
tec
execute0_lowered:
.L_overlay_start_1:
0x0: {  	(tag) =	ssettag $0x1  }
0x1: {  	s0 =	srdreg.scid  }
0x2: {  	s1 =	sshll.u32 s0, $0x4  }
0x3: {  	s0 =	stileid.u32;
	s1 =	sand.u32 $0x10, s1  }
0x4: {  	s7 =	rddreg [dreg:$0x0];
	s1 =	sor.u32 s0, s1  }
0x5: {  	s4 =	simm.s32 $0x1;
	s8 =	simm.s32 $0x2;
	s2 =	sshll.u32 s1, $0x7  }
0x6: {  	s13 =	simm.s32 $0x0;
	s9 =	simm.s32 $0x20000;
	s1 =	ssub.s32 $0x4000, s2  }
0x7: {  	s14 =	simm.s32 $0x0;
	s11 =	simm.s32 $0x0;
	s3 =	sand.u32 $0xF80, s1  }
0x8: {  	s12 =	simm.s32 $0x0;
	s5 =	sshrl.u32 s1, $0xC;
	p0 =	sne.s32 s3, $0x0  }
.Ltmp0:
0x9: {  	s1 =	rddreg [dreg:$0x2];
	s4 =	simm.s32 @!p0 $0x0;
	(pc) =	sbr.rel .LBB1_1-.Ltmp0, $4  }
0xa: {  	s6 =	sadd.s32 $0xE00, s7;
	s3 =	rddreg [dreg:$0x1];
	s5 =	sadd.s32 s4, s5  }
0xb: {  	_ =	strace $0x8000004D;
	s4 =	simm.s32 $0x1;
	s5 =	smul.u32 $0x19, s5  }
0xc: {  	s7 =	sadd.s32 $0x40E00, s7;
	s10 =	smov.u32 s2;
	[sflag:s4] =	ssyncpa.u1 $0x0  }
0xd: {  	p0 =	por $0x0, $0x0;
	[sflag:s8] =	ssyncpa.u1 $0x0;
	s8 =	sadd.s32 $0x1, s5  }
.LBB1_7:
0xe: {  	s15 =	sadd.s32 $0x1000, s10  }
0xf: {  	s13 =	sadd.s32 $0x2, s11;
	s17 =	smov.u32 s11;
	p2 =	sgt.s32 s15, $0x3FFF  }
0x10: {  	s17 =	smov.u32 @p2 s13  }
0x11: {  	s15 =	smov.u32 @p2 s2;
	p2 =	sgt.s32 s17, $0x31  }
0x12: {  	s17 =	simm.s32 @p2 $0x0;
	p2 =	sne.s32 s12, s8  }
.Ltmp1:
0x13: {  	p1 =	slt.u32 s12, $0x2;
	(pc) =	sbr.rel @!p2 .LBB1_8-.Ltmp1, $4  }
0x14: {  	s16 =	simm.s32 @!p1 $0x2  }
0x15: {  	s14 =	smov.u32 s11;
	p0 =	por !p0, !p0;
	_ =	swait.ge @!p1 [sflag:s16], $0x2000  }
0x16: {  	s13 =	smov.u32 s10;
	[sflag:s16] =	ssyncset.done @!p1 $0x0;
	s10 =	smov.u32 s15  }
0x17: {  	s12 =	sadd.s32 $0x1, s12;
	[sflag:s16] =	ssyncadd.s32 @!p1 $0xFFFFE000;
	s11 =	smov.u32 s17  }
.LBB1_1:
0x18: {  	p1 =	sge.u32 s12, s5  }
0x19: {  	s15 =	sxor.u32 @!p1 $0xFFFFFFFF, s12;
	s16 =	sshll.u32 @!p1 s11, $0x12  }
0x1a: {  	s17 =	sshll.u32 @!p1 s10, $0x4;
	s19 =	simm.s32 @!p1 $0x20;
	s20 =	simm.s32 @!p1 $0x80  }
0x1b: {  	s15 =	sshll.u32 @!p1 s15, $0xD;
	s17 =	sand.u32 @!p1 $0x3FFF0, s17;
	s18 =	sadd.s32 @!p1 s6, s16  }
0x1c: {  	s16 =	sadd.s32 @!p1 s16, s7;
	s15 =	sand.u32 @!p1 $0x2000, s15;
	s18 =	sadd.s32 @!p1 s17, s18  }
0x1d: {  	[tilespmem:s15], [sflag:$0x1] =	stream.strided.gather @!p1 [hbm4b:s18+s19], $0x1000, s20, s19, $0x38;
	[tilespmem:$0x8080] =	vst v63  }
0x1e: {  	s31 =	sadd.s32 $0xFFFFFFFF, s12;
	s16 =	sadd.s32 @!p1 s17, s16;
	s15 =	sor.u32 @!p1 $0x1000, s15  }
0x1f: {  	[tilespmem:s15], [sflag:$0x1] =	stream.strided.gather @!p1 [hbm4b:s16+s19], $0x1000, s20, s19, $0x38;
	[tilespmem:$0x8080] =	vst v63  }
0x20: {  	p1 =	sge.u32 s31, s5  }
.Ltmp2:
0x21: {  	_ = 	snop;
	(pc) =	sbr.rel @p1 .LBB1_7-.Ltmp2, $1  }
0x22: {  	_ =	sdelay $0x3  }
0x23: {  	s15 =	simm.s32 $0x1;
	s17 =	sand.u32 $0x1, s12  }
0x24: {  	_ =	swait.ge [sflag:s4], $0x2000;
	s15 =	simm.s32 @!p0 $0x0;
	s17 =	smul.u32 $0x8100, s17  }
0x25: {  	p2 =	por $0x1, $0x1;
	[sflag:s4] =	ssyncset.done $0x0;
	s16 =	smul.u32 $0x8100, s15  }
0x26: {  	s18 =	sshll.u32 s15, $0xF;
	[sflag:s4] =	ssyncadd.s32 $0xFFFFE000;
	s30 =	sshrl.u32 s17, $0x2  }
0x27: {  	s31 =	sshrl.u32 s18, $0x2;
	s18 =	simm.s32 $0x0;
	s16 =	sshrl.u32 s16, $0x2  }
0x28: {  	s15 =	sor.u32 $0x4000, s30;
	s17 =	sadd.s32 $0x10, s31;
	s16 =	sor.u32 $0x4000, s16  }
.LBB1_3:
0x29: {  	s19 =	sshll.u32 s18, $0xC  }
0x2a: {  	s19 =	sand.u32 $0x3FFFF000, s19  }
0x2b: {  	s20 =	sadd.s32 s19, s17  }
0x2c: {  	s31 =	smul.u32 $0x4080, s18;
	v1 =	vld [tilespmem:s20+$0x0]  }
0x2d: {  	v0 =	vld [tilespmem:s20+$0xFFFFFFF0]  }
0x2e: {  	s18 =	sshra.s32 s31, $0x2  }
0x2f: {  	s18 =	sadd.s32 s18, s16  }
0x30: {  	s21 =	sadd.s32 $0x0, s18  }
0x31: {  	p1 =	por p2, p2;
	s19 =	simm.s32 $0x4;
	s20 =	sadd.s32 $0x20, s20;
	[tilespmem:s21+$0x810 ss:$0x81] =	vst.msk $0xffff, v1  }
.LBB1_4:
0x32: {  	v1 =	vld [tilespmem:s20+$0x0];
	p2 =	sne.s32 s19, $0x1FC;
	[tilespmem:s21+$0x0 ss:$0x81] =	vst.msk $0xffff, v0;
	s21 =	smov.u32 s19;
	s19 =	sadd.s32 $0x4, s19  }
.Ltmp3:
0x33: {  	v0 =	vld [tilespmem:s20+$0xFFFFFFF0];
	(pc) =	sbr.rel @p2 .LBB1_4-.Ltmp3, $4  }
0x34: {  	_ = 	snop  }
0x35: {  	s21 =	sshra.s32 s21, $0x2  }
0x36: {  	s21 =	sadd.s32 s21, s18  }
0x37: {  	s20 =	sadd.s32 $0x20, s20;
	[tilespmem:s21+$0x810 ss:$0x81] =	vst.msk $0xffff, v1  }
.Ltmp4:
0x38: {  	(pc) =	sbr.rel @p1 .LBB1_3-.Ltmp4, $2  }
0x39: {  	_ =	sdelay $0x2  }
0x3a: {  	[tilespmem:s21+$0x0 ss:$0x81] =	vst.msk $0xffff, v0;
	s18 =	simm.s32 $0x1;
	p2 =	por $0x0, $0x0  }
0x3b: {  	s16 =	sshll.u32 s13, $0x3;
	s17 =	sand.u32 $0x78, s13;
	s14 =	sshll.u32 s14, $0x10  }
.Ltmp5:
0x3c: {  	s30 =	sand.u32 $0xF800, s13;
	s16 =	sand.u32 $0x3C00, s16;
	(pc) =	sbr.rel .LBB1_7-.Ltmp5, $4  }
0x3d: {  	s31 =	sand.u32 $0x7, s13;
	s14 =	sadd.s32 s3, s14;
	s16 =	sor.u32 s17, s16  }
0x3e: {  	s13 =	sshll.u32 s31, $0x12;
	s14 =	sadd.s32 s30, s14;
	s16 =	sshrl.u32 s16, $0x3  }
0x3f: {  	s13 =	sor.u32 $0x400, s13;
	s14 =	sadd.s32 s16, s14  }
0x40: {  	[hbm4b:s14+s13] =	stream.strided.scatter [tilespmem:s15], [sflag:$0x2], $0x2000, s9, s13, $0x20;
	[tilespmem:$0x8080] =	vst v63  }
.LBB1_8:
0x41: {  	_ =	sfence.sel $0x180000  }
0x42: {  	s2 =	simm.s32 $0x1;
	[bflag:$0x0] =	sbarrier.arrive $0xFFFF  }
0x43: {  	s31 =	simm.s32 $0x2;
	[sflag:s2] =	ssyncpa.u1 $0x1  }
0x44: {  	[sflag:s31] =	ssyncpa.u1 $0x1  }
0x45: {  	p0 =	sne.s32 s0, $0x0;
	_ =	strace $0x9000004D  }
0x46: {  	s0 =	sadd.s32 @!p0 $0x100000, s1;
	[bflag:$0x2] =	sbarrier.arrive $0xFFFF  }
0x47: {  	[sflag:s0] =	ssyncadd.tile.s32 @!p0 $0x1;
	_ =	shalt  }
.Lfunc_end1:
_tile_overlayer_lowered:
.L_overlay_start_2:
0x48: {  	(tag) =	ssettag $0x2  }
0x49: {  	s0 =	rddreg [dreg:$0x0];
	s2 =	stileid.u32  }
0x4a: {  	s1 =	rddreg [dreg:$0x1];
	p0 =	sne.s32 s2, $0x0  }
0x4b: {  	s3 =	rddreg [dreg:$0x2];
	[bflag:$0x3] =	sbarrier.arrive $0xFFFF;
	s2 =	simm.s32 @!p0 $0x1C01  }
0x4c: {  	[timem:s3], [sflag:s2] =	dma.local @!p0 [hbm:s0], s1  }
0x4d: {  	s0 =	simm.s32 @!p0 $0x1  }
0x4e: {  	_ =	swait.ge @!p0 [sflag:s0], s1  }
0x4f: {  	s1 =	ssub.s32 @!p0 $0x0, s1;
	[sflag:s0] =	ssyncset.done @!p0 $0x0  }
0x50: {  	[sflag:s0] =	ssyncadd.s32 @!p0 s1  }
0x51: {  	[bflag:$0x3] =	sbarrier.arrive $0xFFFF  }
0x52: {  	_ =	shalt  }

</sc_bundles>
